<compile_context>
chip_gen: v7x
topology: tpu7x:2x2x1
jax: 0.10.2.dev20260603
libtpu: 0.0.44.dev20260713+nightly
codegen_flags: <defaults>
</compile_context>

<pallas_src>
import functools

import jax
import jax.numpy as jnp
from jax import lax
from jax.experimental import pallas as pl
from jax.experimental.pallas import tpu as pltpu
from jax.experimental.pallas import tpu_sc as plsc

N = 50000
PERIODS = 12
HIDDEN = 64
PRED = 12

NSUB = 16
BATCH = 128
LANES = 16

SUP = 25
NSLAB = 5
SLAB_E = 400
GTILE_E = SUP * NSLAB * SLAB_E

NROWS_PER_SUB = 3200
N_PAD = NSUB * NROWS_PER_SUB
R_SC = N_PAD // 2
T_ROWS = 26624
DUMMY = R_SC
OUT_PER_SUB = R_SC // NSUB

_mesh = plsc.VectorSubcoreMesh(core_axis_name="c", subcore_axis_name="s")
_sc_params = pltpu.CompilerParams(use_tc_tiling_on_sc=False)


def _rsqrt16(v):
    i = lax.bitcast_convert_type(v, jnp.int32)
    seed = jnp.int32(0x5F3759DF) - lax.shift_right_logical(i, 1)
    r = lax.bitcast_convert_type(seed, jnp.float32)
    for _ in range(3):
        r = r * (1.5 - 0.5 * v * r * r)
    return r


def _scale_and_scatter(q, buf, dvb, cidx, wv, t_sh):
    def _scale_grp(m, carry):
        sc = wv[q, pl.ds(m * 16, 16)] * dvb[pl.ds(m * 16, 16)]
        for i in range(16):
            buf[m * 16 + i, :] = buf[m * 16 + i, :] * sc[i]
        return carry

    lax.fori_loop(0, SLAB_E // 16, _scale_grp, 0)
    pltpu.sync_copy(buf, t_sh.at[cidx.at[q]], add=True)


@functools.partial(
    pl.kernel,
    mesh=_mesh,
    compiler_params=_sc_params,
    out_type=(
        jax.ShapeDtypeStruct((2, R_SC, LANES), jnp.float32),
        jax.ShapeDtypeStruct((N_PAD,), jnp.float32),
    ),
    scratch_types=[
        pltpu.VMEM((NSLAB, SLAB_E), jnp.int32),
        pltpu.VMEM((NSLAB, SLAB_E), jnp.int32),
        pltpu.VMEM((NSLAB, SLAB_E), jnp.float32),
        pltpu.VMEM((SLAB_E, LANES), jnp.float32),
        pltpu.VMEM((SLAB_E, LANES), jnp.float32),
        pltpu.VMEM((SLAB_E,), jnp.float32),
        pltpu.VMEM((SLAB_E,), jnp.float32),
        pltpu.VMEM((BATCH, LANES), jnp.float32),
        pltpu.VMEM((NROWS_PER_SUB,), jnp.float32),
        pltpu.VMEM_SHARED((T_ROWS, LANES), jnp.float32),
        pltpu.VMEM_SHARED((N_PAD,), jnp.float32),
        pltpu.SemaphoreType.DMA,
        pltpu.SemaphoreType.DMA,
    ],
)
def _sc_kernel(row_hbm, col_hbm, w_hbm, x_hbm, t_out, dv_out,
               ridx, cidx, wv, rows_a, rows_b, dv_a, dv_b, zblk, dbuf,
               t_sh, deg_sh, sem_a, sem_b):
    c = lax.axis_index("c")
    s = lax.axis_index("s")
    base = c * R_SC

    for i in range(BATCH):
        zblk[i, :] = jnp.zeros((LANES,), jnp.float32)

    def _zero_t(j, carry):
        pltpu.sync_copy(
            zblk, t_sh.at[pl.ds(s * (T_ROWS // NSUB) + j * BATCH, BATCH), :]
        )
        return carry

    lax.fori_loop(0, T_ROWS // NSUB // BATCH, _zero_t, 0)

    def _zero_d(k, carry):
        dbuf[pl.ds(k * 16, 16)] = jnp.zeros((16,), jnp.float32)
        return carry

    lax.fori_loop(0, NROWS_PER_SUB // 16, _zero_d, 0)
    pltpu.sync_copy(dbuf, deg_sh.at[pl.ds(s * NROWS_PER_SUB, NROWS_PER_SUB)])
    plsc.subcore_barrier()

    def _deg_super(u, carry):
        pltpu.sync_copy(col_hbm.at[s, pl.ds(u * NSLAB, NSLAB)], cidx)
        pltpu.sync_copy(w_hbm.at[s, pl.ds(u * NSLAB, NSLAB)], wv)

        def _deg_slab(q, carry2):
            pltpu.sync_copy(wv.at[q], deg_sh.at[cidx.at[q]], add=True)
            return carry2

        lax.fori_loop(0, NSLAB, _deg_slab, 0)
        return carry

    lax.fori_loop(0, SUP, _deg_super, 0)
    plsc.subcore_barrier()

    pltpu.sync_copy(deg_sh.at[pl.ds(s * NROWS_PER_SUB, NROWS_PER_SUB)], dbuf)

    def _rs(k, carry):
        v = dbuf[pl.ds(k * 16, 16)] + 1.0
        dbuf[pl.ds(k * 16, 16)] = _rsqrt16(v)
        return carry

    lax.fori_loop(0, NROWS_PER_SUB // 16, _rs, 0)
    pltpu.sync_copy(dbuf, deg_sh.at[pl.ds(s * NROWS_PER_SUB, NROWS_PER_SUB)])
    pltpu.sync_copy(dbuf, dv_out.at[pl.ds(s * NROWS_PER_SUB, NROWS_PER_SUB)])
    plsc.subcore_barrier()

    def _super(u, carry):
        pltpu.sync_copy(row_hbm.at[s, pl.ds(u * NSLAB, NSLAB)], ridx)
        pltpu.sync_copy(col_hbm.at[s, pl.ds(u * NSLAB, NSLAB)], cidx)
        pltpu.sync_copy(w_hbm.at[s, pl.ds(u * NSLAB, NSLAB)], wv)

        def _mask(m, carry2):
            q = m // (SLAB_E // 16)
            o = (m % (SLAB_E // 16)) * 16
            v = cidx[q, pl.ds(o, 16)]
            local = v - base
            ok = (local >= 0) & (local < R_SC)
            cidx[q, pl.ds(o, 16)] = jnp.where(ok, local, DUMMY)
            return carry2

        lax.fori_loop(0, NSLAB * (SLAB_E // 16), _mask, 0)

        def _fire(q, rows, dvv, sem):
            pltpu.async_copy(x_hbm.at[ridx.at[q]], rows, sem)
            pltpu.async_copy(dv_out.at[ridx.at[q]], dvv, sem)

        def _wait(q, rows, dvv, sem):
            pltpu.make_async_copy(x_hbm.at[ridx.at[q]], rows, sem).wait()
            pltpu.make_async_copy(dv_out.at[ridx.at[q]], dvv, sem).wait()

        _fire(0, rows_a, dv_a, sem_a)

        def _pair(jj, carry2):
            q0 = jj * 2
            _fire(q0 + 1, rows_b, dv_b, sem_b)
            _wait(q0, rows_a, dv_a, sem_a)
            _scale_and_scatter(q0, rows_a, dv_a, cidx, wv, t_sh)
            _fire(q0 + 2, rows_a, dv_a, sem_a)
            _wait(q0 + 1, rows_b, dv_b, sem_b)
            _scale_and_scatter(q0 + 1, rows_b, dv_b, cidx, wv, t_sh)
            return carry2

        lax.fori_loop(0, (NSLAB - 1) // 2, _pair, 0)

        qt = NSLAB - 1
        _wait(qt, rows_a, dv_a, sem_a)
        _scale_and_scatter(qt, rows_a, dv_a, cidx, wv, t_sh)
        return carry

    lax.fori_loop(0, SUP, _super, 0)
    plsc.subcore_barrier()

    pltpu.sync_copy(
        t_sh.at[pl.ds(s * OUT_PER_SUB, OUT_PER_SUB), :],
        t_out.at[c, pl.ds(s * OUT_PER_SUB, OUT_PER_SUB), :],
    )


def _dense_body(t, x, dv, wz, lz, bz, lzb, wh, lh, bh, lhb, ow, ob,
                out_ref, h0_ref):
    hp = lax.Precision.HIGHEST
    az = jnp.dot(wz[...], lz[:HIDDEN, :], preferred_element_type=jnp.float32,
                 precision=hp)
    ah = jnp.dot(wh[...], lh[:HIDDEN, :], preferred_element_type=jnp.float32,
                 precision=hp)
    bz2 = jnp.dot(bz[...], lz[:HIDDEN, :], preferred_element_type=jnp.float32,
                  precision=hp) + lzb[...]
    bh2 = jnp.dot(bh[...], lh[:HIDDEN, :], preferred_element_type=jnp.float32,
                  precision=hp) + lhb[...]
    dvv = dv[...]
    s12 = dvv * t[0, :, :PERIODS] + (dvv * dvv) * x[...]
    z = jax.nn.sigmoid(
        jnp.dot(s12, az, preferred_element_type=jnp.float32, precision=hp)
        + bz2
    )
    ht = jnp.tanh(
        jnp.dot(s12, ah, preferred_element_type=jnp.float32, precision=hp)
        + bh2
    )
    h0 = (1.0 - z) * ht
    h0_ref[...] = h0
    out_ref[...] = (
        jnp.dot(jax.nn.relu(h0), ow[...], preferred_element_type=jnp.float32,
                precision=hp)
        + ob[...]
    )


def kernel(x, edge_index, edge_weight, W_z, b_z, lz_W, lz_b, W_r, b_r, lr_W,
           lr_b, W_h, b_h, lh_W, lh_b, out_W, out_b):
    rowp = edge_index[0].reshape(NSUB, SUP * NSLAB, SLAB_E)
    colp = edge_index[1].reshape(NSUB, SUP * NSLAB, SLAB_E)
    wp = edge_weight.reshape(NSUB, SUP * NSLAB, SLAB_E)
    x_pad = jnp.zeros((N_PAD, LANES), jnp.float32).at[:N, :PERIODS].set(x)

    t_p, dv_flat = _sc_kernel(rowp, colp, wp, x_pad)
    dv2 = dv_flat.reshape(N_PAD, 1)

    blk = NROWS_PER_SUB
    nblk_half = R_SC // blk
    grid4 = (N + blk - 1) // blk
    out, h0 = pl.pallas_call(
        _dense_body,
        grid=(grid4,),
        in_specs=[
            pl.BlockSpec((1, blk, LANES),
                         lambda i: (i // nblk_half, i % nblk_half, 0)),
            pl.BlockSpec((blk, PERIODS), lambda i: (i, 0)),
            pl.BlockSpec((blk, 1), lambda i: (i, 0)),
            pl.BlockSpec((PERIODS, HIDDEN), lambda i: (0, 0)),
            pl.BlockSpec((2 * HIDDEN, HIDDEN), lambda i: (0, 0)),
            pl.BlockSpec((1, HIDDEN), lambda i: (0, 0)),
            pl.BlockSpec((1, HIDDEN), lambda i: (0, 0)),
            pl.BlockSpec((PERIODS, HIDDEN), lambda i: (0, 0)),
            pl.BlockSpec((2 * HIDDEN, HIDDEN), lambda i: (0, 0)),
            pl.BlockSpec((1, HIDDEN), lambda i: (0, 0)),
            pl.BlockSpec((1, HIDDEN), lambda i: (0, 0)),
            pl.BlockSpec((HIDDEN, PRED), lambda i: (0, 0)),
            pl.BlockSpec((1, PRED), lambda i: (0, 0)),
        ],
        out_specs=[
            pl.BlockSpec((blk, PRED), lambda i: (i, 0)),
            pl.BlockSpec((blk, HIDDEN), lambda i: (i, 0)),
        ],
        out_shape=[
            jax.ShapeDtypeStruct((N, PRED), jnp.float32),
            jax.ShapeDtypeStruct((N, HIDDEN), jnp.float32),
        ],
    )(t_p, x, dv2, W_z, lz_W, b_z.reshape(1, HIDDEN), lz_b.reshape(1, HIDDEN),
      W_h, lh_W, b_h.reshape(1, HIDDEN), lh_b.reshape(1, HIDDEN), out_W,
      out_b.reshape(1, PRED))
    return (out, h0)

# --- scband reference (transcript-rebuilt; emitter-appended) ---
"""Pipeline reference for scband-rnn-2044404433542 (READ-ONLY COPY).

The authoritative reference and input builder live on the scoring server;
editing this copy changes nothing except your own understanding.
"""

import jax, jax.numpy as jnp
import numpy as np

N = 50000
E = 800000
PERIODS = 12
HIDDEN = 64
PRED = 12


def _lin_init(k, fan_in, shape):
    return jax.random.uniform(k, shape, jnp.float32, -1.0, 1.0) / np.sqrt(fan_in)


def setup_inputs(seed: int = 0) -> dict:
    key = jax.random.key(seed)
    ks = jax.random.split(key, 12)
    inp = {}
    inp["x"] = jax.random.normal(ks[0], (N, PERIODS), jnp.float32)
    inp["edge_index"] = jax.random.randint(ks[1], (2, E), 0, N, dtype=jnp.int32)
    inp["edge_weight"] = jax.random.uniform(ks[2], (E,), jnp.float32)
    # TGCN parameters: three GCNConv gates (z, r, h) + gate linears + output head
    inp["W_z"] = _lin_init(ks[3], PERIODS, (PERIODS, HIDDEN)); inp["b_z"] = jnp.zeros((HIDDEN,), jnp.float32)
    inp["lz_W"] = _lin_init(ks[4], 2 * HIDDEN, (2 * HIDDEN, HIDDEN)); inp["lz_b"] = jnp.ones((HIDDEN,), jnp.float32)
    inp["W_r"] = _lin_init(ks[5], PERIODS, (PERIODS, HIDDEN)); inp["b_r"] = jnp.zeros((HIDDEN,), jnp.float32)
    inp["lr_W"] = _lin_init(ks[6], 2 * HIDDEN, (2 * HIDDEN, HIDDEN)); inp["lr_b"] = jnp.ones((HIDDEN,), jnp.float32)
    inp["W_h"] = _lin_init(ks[7], PERIODS, (PERIODS, HIDDEN)); inp["b_h"] = jnp.zeros((HIDDEN,), jnp.float32)
    inp["lh_W"] = _lin_init(ks[8], 2 * HIDDEN, (2 * HIDDEN, HIDDEN)); inp["lh_b"] = jnp.zeros((HIDDEN,), jnp.float32)
    inp["out_W"] = _lin_init(ks[9], HIDDEN, (HIDDEN, PRED)); inp["out_b"] = jnp.zeros((PRED,), jnp.float32)
    return inp


def _gcn_conv(x, edge_index, edge_weight, W, b):
    # GCNConv with symmetric normalization and added self-loops (PyG gcn_norm)
    n = x.shape[0]
    xw = x @ W
    row = edge_index[0]
    col = edge_index[1]
    loop = jnp.arange(n, dtype=edge_index.dtype)
    row = jnp.concatenate([row, loop])
    col = jnp.concatenate([col, loop])
    w = jnp.concatenate([edge_weight, jnp.ones((n,), x.dtype)])
    deg = jnp.zeros((n,), x.dtype).at[col].add(w)
    dinv = jnp.where(deg > 0, 1.0 / jnp.sqrt(deg), 0.0)
    norm = dinv[row] * w * dinv[col]
    msg = jnp.take(xw, row, axis=0) * norm[:, None]
    out = jnp.zeros_like(xw).at[col].add(msg)
    return out + b


def reference(x, edge_index, edge_weight, W_z, b_z, lz_W, lz_b, W_r, b_r, lr_W, lr_b, W_h, b_h, lh_W, lh_b, out_W, out_b):
    # TGCN cell (h=None -> zeros hidden state), then ReLU + Linear head
    H = jnp.zeros((x.shape[0], HIDDEN), x.dtype)
    Z = jax.nn.sigmoid(jnp.concatenate([_gcn_conv(x, edge_index, edge_weight, W_z, b_z), H], axis=1) @ lz_W + lz_b)
    R = jax.nn.sigmoid(jnp.concatenate([_gcn_conv(x, edge_index, edge_weight, W_r, b_r), H], axis=1) @ lr_W + lr_b)
    H_tilde = jnp.tanh(jnp.concatenate([_gcn_conv(x, edge_index, edge_weight, W_h, b_h), H * R], axis=1) @ lh_W + lh_b)
    h0 = Z * H + (1.0 - Z) * H_tilde
    out = jax.nn.relu(h0) @ out_W + out_b
    return (out, h0)

if __name__ == "__main__":
    import jax
    _d = setup_inputs()
    print(jax.jit(kernel)(*tuple(_d.values())))

</pallas_src>

<mosaic_0001>
#map = affine_map<(d0, d1) -> (0, 0, 0)>
#map1 = affine_map<(d0, d1) -> (0, 0)>
#map2 = affine_map<(d0, d1) -> (0)>
module attributes {stable_mosaic.version = 14 : i64} {
  func.func @_sc_kernel(%arg0: i32, %arg1: i32, %arg2: memref<16x125x400xi32, #tpu.memory_space<hbm>>, %arg3: memref<16x125x400xi32, #tpu.memory_space<hbm>>, %arg4: memref<16x125x400xf32, #tpu.memory_space<hbm>>, %arg5: memref<51200x16xf32, #tpu.memory_space<hbm>>, %arg6: memref<2x25600x16xf32, #tpu.memory_space<hbm>>, %arg7: memref<51200xf32, #tpu.memory_space<hbm>>, %arg8: memref<5x400xi32, #tpu.memory_space<vmem>>, %arg9: memref<5x400xi32, #tpu.memory_space<vmem>>, %arg10: memref<5x400xf32, #tpu.memory_space<vmem>>, %arg11: memref<400x16xf32, #tpu.memory_space<vmem>>, %arg12: memref<400x16xf32, #tpu.memory_space<vmem>>, %arg13: memref<400xf32, #tpu.memory_space<vmem>>, %arg14: memref<400xf32, #tpu.memory_space<vmem>>, %arg15: memref<128x16xf32, #tpu.memory_space<vmem>>, %arg16: memref<3200xf32, #tpu.memory_space<vmem>>, %arg17: memref<26624x16xf32, #tpu.memory_space<vmem_shared>>, %arg18: memref<51200xf32, #tpu.memory_space<vmem_shared>>, %arg19: memref<!tpu.dma_semaphore, #tpu.memory_space<semaphore_mem>>, %arg20: memref<!tpu.dma_semaphore, #tpu.memory_space<semaphore_mem>>) attributes {dimension_semantics = [#tpu.dimension_semantics<core_parallel>, #tpu.dimension_semantics<subcore_parallel>], iteration_bounds = array<i64: 2, 16>, scalar_prefetch = 0 : i64, scratch_operands = 13 : i64, tpu.core_type = #tpu.core_type<sc_vector_subcore>, window_params = [{transform_indices = #map}, {transform_indices = #map}, {transform_indices = #map}, {transform_indices = #map1}, {transform_indices = #map}, {transform_indices = #map2}]} {
    %mul3A = arith.constant 25600 : i32
    %mul3A_0 = arith.muli %arg0, %mul3A : i32
    %broadcast_in_dim3A = arith.constant 0.000000e+00 : f32
    %broadcast_in_dim3A_1 = vector.broadcast %broadcast_in_dim3A : f32 to vector<16xf32>
    %swap3A = arith.constant 0 : i32
    %swap3A_2 = arith.index_cast %swap3A : i32 to index
    %swap3A_3 = arith.constant 0 : index
    %swap3A_4 = tpu.vector_load %arg15[%swap3A_2, %swap3A_3] {strides = array<i32>} : memref<128x16xf32, #tpu.memory_space<vmem>>, vector<1x16xf32>,
    %swap3A_5 = vector.shape_cast %swap3A_4 : vector<1x16xf32> to vector<16xf32>
    %swap3A_6 = vector.shape_cast %broadcast_in_dim3A_1 : vector<16xf32> to vector<1x16xf32>
    tpu.vector_store %arg15[%swap3A_2, %swap3A_3], %swap3A_6 {strides = array<i32>} : memref<128x16xf32, #tpu.memory_space<vmem>>, vector<1x16xf32>,
    %broadcast_in_dim3A_7 = arith.constant 0.000000e+00 : f32
    %broadcast_in_dim3A_8 = vector.broadcast %broadcast_in_dim3A_7 : f32 to vector<16xf32>
    %swap3A_9 = arith.constant 1 : i32
    %swap3A_10 = arith.index_cast %swap3A_9 : i32 to index
    %swap3A_11 = arith.constant 0 : index
    %swap3A_12 = tpu.vector_load %arg15[%swap3A_10, %swap3A_11] {strides = array<i32>} : memref<128x16xf32, #tpu.memory_space<vmem>>, vector<1x16xf32>,
    %swap3A_13 = vector.shape_cast %swap3A_12 : vector<1x16xf32> to vector<16xf32>
    %swap3A_14 = vector.shape_cast %broadcast_in_dim3A_8 : vector<16xf32> to vector<1x16xf32>
    tpu.vector_store %arg15[%swap3A_10, %swap3A_11], %swap3A_14 {strides = array<i32>} : memref<128x16xf32, #tpu.memory_space<vmem>>, vector<1x16xf32>,
    %broadcast_in_dim3A_15 = arith.constant 0.000000e+00 : f32
    %broadcast_in_dim3A_16 = vector.broadcast %broadcast_in_dim3A_15 : f32 to vector<16xf32>
    %swap3A_17 = arith.constant 2 : i32
    %swap3A_18 = arith.index_cast %swap3A_17 : i32 to index
    %swap3A_19 = arith.constant 0 : index
    %swap3A_20 = tpu.vector_load %arg15[%swap3A_18, %swap3A_19] {strides = array<i32>} : memref<128x16xf32, #tpu.memory_space<vmem>>, vector<1x16xf32>,
    %swap3A_21 = vector.shape_cast %swap3A_20 : vector<1x16xf32> to vector<16xf32>
    %swap3A_22 = vector.shape_cast %broadcast_in_dim3A_16 : vector<16xf32> to vector<1x16xf32>
    tpu.vector_store %arg15[%swap3A_18, %swap3A_19], %swap3A_22 {strides = array<i32>} : memref<128x16xf32, #tpu.memory_space<vmem>>, vector<1x16xf32>,
    %broadcast_in_dim3A_23 = arith.constant 0.000000e+00 : f32
    %broadcast_in_dim3A_24 = vector.broadcast %broadcast_in_dim3A_23 : f32 to vector<16xf32>
    %swap3A_25 = arith.constant 3 : i32
    %swap3A_26 = arith.index_cast %swap3A_25 : i32 to index
    %swap3A_27 = arith.constant 0 : index
    %swap3A_28 = tpu.vector_load %arg15[%swap3A_26, %swap3A_27] {strides = array<i32>} : memref<128x16xf32, #tpu.memory_space<vmem>>, vector<1x16xf32>,
    %swap3A_29 = vector.shape_cast %swap3A_28 : vector<1x16xf32> to vector<16xf32>
    %swap3A_30 = vector.shape_cast %broadcast_in_dim3A_24 : vector<16xf32> to vector<1x16xf32>
    tpu.vector_store %arg15[%swap3A_26, %swap3A_27], %swap3A_30 {strides = array<i32>} : memref<128x16xf32, #tpu.memory_space<vmem>>, vector<1x16xf32>,
    %broadcast_in_dim3A_31 = arith.constant 0.000000e+00 : f32
    %broadcast_in_dim3A_32 = vector.broadcast %broadcast_in_dim3A_31 : f32 to vector<16xf32>
    %swap3A_33 = arith.constant 4 : i32
    %swap3A_34 = arith.index_cast %swap3A_33 : i32 to index
    %swap3A_35 = arith.constant 0 : index
    %swap3A_36 = tpu.vector_load %arg15[%swap3A_34, %swap3A_35] {strides = array<i32>} : memref<128x16xf32, #tpu.memory_space<vmem>>, vector<1x16xf32>,
    %swap3A_37 = vector.shape_cast %swap3A_36 : vector<1x16xf32> to vector<16xf32>
    %swap3A_38 = vector.shape_cast %broadcast_in_dim3A_32 : vector<16xf32> to vector<1x16xf32>
    tpu.vector_store %arg15[%swap3A_34, %swap3A_35], %swap3A_38 {strides = array<i32>} : memref<128x16xf32, #tpu.memory_space<vmem>>, vector<1x16xf32>,
    %broadcast_in_dim3A_39 = arith.constant 0.000000e+00 : f32
    %broadcast_in_dim3A_40 = vector.broadcast %broadcast_in_dim3A_39 : f32 to vector<16xf32>
    %swap3A_41 = arith.constant 5 : i32
    %swap3A_42 = arith.index_cast %swap3A_41 : i32 to index
    %swap3A_43 = arith.constant 0 : index
    %swap3A_44 = tpu.vector_load %arg15[%swap3A_42, %swap3A_43] {strides = array<i32>} : memref<128x16xf32, #tpu.memory_space<vmem>>, vector<1x16xf32>,
    %swap3A_45 = vector.shape_cast %swap3A_44 : vector<1x16xf32> to vector<16xf32>
    %swap3A_46 = vector.shape_cast %broadcast_in_dim3A_40 : vector<16xf32> to vector<1x16xf32>
    tpu.vector_store %arg15[%swap3A_42, %swap3A_43], %swap3A_46 {strides = array<i32>} : memref<128x16xf32, #tpu.memory_space<vmem>>, vector<1x16xf32>,
    %broadcast_in_dim3A_47 = arith.constant 0.000000e+00 : f32
    %broadcast_in_dim3A_48 = vector.broadcast %broadcast_in_dim3A_47 : f32 to vector<16xf32>
    %swap3A_49 = arith.constant 6 : i32
    %swap3A_50 = arith.index_cast %swap3A_49 : i32 to index
    %swap3A_51 = arith.constant 0 : index
    %swap3A_52 = tpu.vector_load %arg15[%swap3A_50, %swap3A_51] {strides = array<i32>} : memref<128x16xf32, #tpu.memory_space<vmem>>, vector<1x16xf32>,
    %swap3A_53 = vector.shape_cast %swap3A_52 : vector<1x16xf32> to vector<16xf32>
    %swap3A_54 = vector.shape_cast %broadcast_in_dim3A_48 : vector<16xf32> to vector<1x16xf32>
    tpu.vector_store %arg15[%swap3A_50, %swap3A_51], %swap3A_54 {strides = array<i32>} : memref<128x16xf32, #tpu.memory_space<vmem>>, vector<1x16xf32>,
    %broadcast_in_dim3A_55 = arith.constant 0.000000e+00 : f32
    %broadcast_in_dim3A_56 = vector.broadcast %broadcast_in_dim3A_55 : f32 to vector<16xf32>
    %swap3A_57 = arith.constant 7 : i32
    %swap3A_58 = arith.index_cast %swap3A_57 : i32 to index
    %swap3A_59 = arith.constant 0 : index
    %swap3A_60 = tpu.vector_load %arg15[%swap3A_58, %swap3A_59] {strides = array<i32>} : memref<128x16xf32, #tpu.memory_space<vmem>>, vector<1x16xf32>,
    %swap3A_61 = vector.shape_cast %swap3A_60 : vector<1x16xf32> to vector<16xf32>
    %swap3A_62 = vector.shape_cast %broadcast_in_dim3A_56 : vector<16xf32> to vector<1x16xf32>
    tpu.vector_store %arg15[%swap3A_58, %swap3A_59], %swap3A_62 {strides = array<i32>} : memref<128x16xf32, #tpu.memory_space<vmem>>, vector<1x16xf32>,
    %broadcast_in_dim3A_63 = arith.constant 0.000000e+00 : f32
    %broadcast_in_dim3A_64 = vector.broadcast %broadcast_in_dim3A_63 : f32 to vector<16xf32>
    %swap3A_65 = arith.constant 8 : i32
    %swap3A_66 = arith.index_cast %swap3A_65 : i32 to index
    %swap3A_67 = arith.constant 0 : index
    %swap3A_68 = tpu.vector_load %arg15[%swap3A_66, %swap3A_67] {strides = array<i32>} : memref<128x16xf32, #tpu.memory_space<vmem>>, vector<1x16xf32>,
    %swap3A_69 = vector.shape_cast %swap3A_68 : vector<1x16xf32> to vector<16xf32>
    %swap3A_70 = vector.shape_cast %broadcast_in_dim3A_64 : vector<16xf32> to vector<1x16xf32>
    tpu.vector_store %arg15[%swap3A_66, %swap3A_67], %swap3A_70 {strides = array<i32>} : memref<128x16xf32, #tpu.memory_space<vmem>>, vector<1x16xf32>,
    %broadcast_in_dim3A_71 = arith.constant 0.000000e+00 : f32
    %broadcast_in_dim3A_72 = vector.broadcast %broadcast_in_dim3A_71 : f32 to vector<16xf32>
    %swap3A_73 = arith.constant 9 : i32
    %swap3A_74 = arith.index_cast %swap3A_73 : i32 to index
    %swap3A_75 = arith.constant 0 : index
    %swap3A_76 = tpu.vector_load %arg15[%swap3A_74, %swap3A_75] {strides = array<i32>} : memref<128x16xf32, #tpu.memory_space<vmem>>, vector<1x16xf32>,
    %swap3A_77 = vector.shape_cast %swap3A_76 : vector<1x16xf32> to vector<16xf32>
    %swap3A_78 = vector.shape_cast %broadcast_in_dim3A_72 : vector<16xf32> to vector<1x16xf32>
    tpu.vector_store %arg15[%swap3A_74, %swap3A_75], %swap3A_78 {strides = array<i32>} : memref<128x16xf32, #tpu.memory_space<vmem>>, vector<1x16xf32>,
    %broadcast_in_dim3A_79 = arith.constant 0.000000e+00 : f32
    %broadcast_in_dim3A_80 = vector.broadcast %broadcast_in_dim3A_79 : f32 to vector<16xf32>
    %swap3A_81 = arith.constant 10 : i32
    %swap3A_82 = arith.index_cast %swap3A_81 : i32 to index
    %swap3A_83 = arith.constant 0 : index
    %swap3A_84 = tpu.vector_load %arg15[%swap3A_82, %swap3A_83] {strides = array<i32>} : memref<128x16xf32, #tpu.memory_space<vmem>>, vector<1x16xf32>,
    %swap3A_85 = vector.shape_cast %swap3A_84 : vector<1x16xf32> to vector<16xf32>
    %swap3A_86 = vector.shape_cast %broadcast_in_dim3A_80 : vector<16xf32> to vector<1x16xf32>
    tpu.vector_store %arg15[%swap3A_82, %swap3A_83], %swap3A_86 {strides = array<i32>} : memref<128x16xf32, #tpu.memory_space<vmem>>, vector<1x16xf32>,
    %broadcast_in_dim3A_87 = arith.constant 0.000000e+00 : f32
    %broadcast_in_dim3A_88 = vector.broadcast %broadcast_in_dim3A_87 : f32 to vector<16xf32>
    %swap3A_89 = arith.constant 11 : i32
    %swap3A_90 = arith.index_cast %swap3A_89 : i32 to index
    %swap3A_91 = arith.constant 0 : index
    %swap3A_92 = tpu.vector_load %arg15[%swap3A_90, %swap3A_91] {strides = array<i32>} : memref<128x16xf32, #tpu.memory_space<vmem>>, vector<1x16xf32>,
    %swap3A_93 = vector.shape_cast %swap3A_92 : vector<1x16xf32> to vector<16xf32>
    %swap3A_94 = vector.shape_cast %broadcast_in_dim3A_88 : vector<16xf32> to vector<1x16xf32>
    tpu.vector_store %arg15[%swap3A_90, %swap3A_91], %swap3A_94 {strides = array<i32>} : memref<128x16xf32, #tpu.memory_space<vmem>>, vector<1x16xf32>,
    %broadcast_in_dim3A_95 = arith.constant 0.000000e+00 : f32
    %broadcast_in_dim3A_96 = vector.broadcast %broadcast_in_dim3A_95 : f32 to vector<16xf32>
    %swap3A_97 = arith.constant 12 : i32
    %swap3A_98 = arith.index_cast %swap3A_97 : i32 to index
    %swap3A_99 = arith.constant 0 : index
    %swap3A_100 = tpu.vector_load %arg15[%swap3A_98, %swap3A_99] {strides = array<i32>} : memref<128x16xf32, #tpu.memory_space<vmem>>, vector<1x16xf32>,
    %swap3A_101 = vector.shape_cast %swap3A_100 : vector<1x16xf32> to vector<16xf32>
    %swap3A_102 = vector.shape_cast %broadcast_in_dim3A_96 : vector<16xf32> to vector<1x16xf32>
    tpu.vector_store %arg15[%swap3A_98, %swap3A_99], %swap3A_102 {strides = array<i32>} : memref<128x16xf32, #tpu.memory_space<vmem>>, vector<1x16xf32>,
    %broadcast_in_dim3A_103 = arith.constant 0.000000e+00 : f32
    %broadcast_in_dim3A_104 = vector.broadcast %broadcast_in_dim3A_103 : f32 to vector<16xf32>
    %swap3A_105 = arith.constant 13 : i32
    %swap3A_106 = arith.index_cast %swap3A_105 : i32 to index
    %swap3A_107 = arith.constant 0 : index
    %swap3A_108 = tpu.vector_load %arg15[%swap3A_106, %swap3A_107] {strides = array<i32>} : memref<128x16xf32, #tpu.memory_space<vmem>>, vector<1x16xf32>,
    %swap3A_109 = vector.shape_cast %swap3A_108 : vector<1x16xf32> to vector<16xf32>
    %swap3A_110 = vector.shape_cast %broadcast_in_dim3A_104 : vector<16xf32> to vector<1x16xf32>
    tpu.vector_store %arg15[%swap3A_106, %swap3A_107], %swap3A_110 {strides = array<i32>} : memref<128x16xf32, #tpu.memory_space<vmem>>, vector<1x16xf32>,
    %broadcast_in_dim3A_111 = arith.constant 0.000000e+00 : f32
    %broadcast_in_dim3A_112 = vector.broadcast %broadcast_in_dim3A_111 : f32 to vector<16xf32>
    %swap3A_113 = arith.constant 14 : i32
    %swap3A_114 = arith.index_cast %swap3A_113 : i32 to index
    %swap3A_115 = arith.constant 0 : index
    %swap3A_116 = tpu.vector_load %arg15[%swap3A_114, %swap3A_115] {strides = array<i32>} : memref<128x16xf32, #tpu.memory_space<vmem>>, vector<1x16xf32>,
    %swap3A_117 = vector.shape_cast %swap3A_116 : vector<1x16xf32> to vector<16xf32>
    %swap3A_118 = vector.shape_cast %broadcast_in_dim3A_112 : vector<16xf32> to vector<1x16xf32>
    tpu.vector_store %arg15[%swap3A_114, %swap3A_115], %swap3A_118 {strides = array<i32>} : memref<128x16xf32, #tpu.memory_space<vmem>>, vector<1x16xf32>,
    %broadcast_in_dim3A_119 = arith.constant 0.000000e+00 : f32
    %broadcast_in_dim3A_120 = vector.broadcast %broadcast_in_dim3A_119 : f32 to vector<16xf32>
    %swap3A_121 = arith.constant 15 : i32
    %swap3A_122 = arith.index_cast %swap3A_121 : i32 to index
    %swap3A_123 = arith.constant 0 : index
    %swap3A_124 = tpu.vector_load %arg15[%swap3A_122, %swap3A_123] {strides = array<i32>} : memref<128x16xf32, #tpu.memory_space<vmem>>, vector<1x16xf32>,
    %swap3A_125 = vector.shape_cast %swap3A_124 : vector<1x16xf32> to vector<16xf32>
    %swap3A_126 = vector.shape_cast %broadcast_in_dim3A_120 : vector<16xf32> to vector<1x16xf32>
    tpu.vector_store %arg15[%swap3A_122, %swap3A_123], %swap3A_126 {strides = array<i32>} : memref<128x16xf32, #tpu.memory_space<vmem>>, vector<1x16xf32>,
    %broadcast_in_dim3A_127 = arith.constant 0.000000e+00 : f32
    %broadcast_in_dim3A_128 = vector.broadcast %broadcast_in_dim3A_127 : f32 to vector<16xf32>
    %swap3A_129 = arith.constant 16 : i32
    %swap3A_130 = arith.index_cast %swap3A_129 : i32 to index
    %swap3A_131 = arith.constant 0 : index
    %swap3A_132 = tpu.vector_load %arg15[%swap3A_130, %swap3A_131] {strides = array<i32>} : memref<128x16xf32, #tpu.memory_space<vmem>>, vector<1x16xf32>,
    %swap3A_133 = vector.shape_cast %swap3A_132 : vector<1x16xf32> to vector<16xf32>
    %swap3A_134 = vector.shape_cast %broadcast_in_dim3A_128 : vector<16xf32> to vector<1x16xf32>
    tpu.vector_store %arg15[%swap3A_130, %swap3A_131], %swap3A_134 {strides = array<i32>} : memref<128x16xf32, #tpu.memory_space<vmem>>, vector<1x16xf32>,
    %broadcast_in_dim3A_135 = arith.constant 0.000000e+00 : f32
    %broadcast_in_dim3A_136 = vector.broadcast %broadcast_in_dim3A_135 : f32 to vector<16xf32>
    %swap3A_137 = arith.constant 17 : i32
    %swap3A_138 = arith.index_cast %swap3A_137 : i32 to index
    %swap3A_139 = arith.constant 0 : index
    %swap3A_140 = tpu.vector_load %arg15[%swap3A_138, %swap3A_139] {strides = array<i32>} : memref<128x16xf32, #tpu.memory_space<vmem>>, vector<1x16xf32>,
    %swap3A_141 = vector.shape_cast %swap3A_140 : vector<1x16xf32> to vector<16xf32>
    %swap3A_142 = vector.shape_cast %broadcast_in_dim3A_136 : vector<16xf32> to vector<1x16xf32>
    tpu.vector_store %arg15[%swap3A_138, %swap3A_139], %swap3A_142 {strides = array<i32>} : memref<128x16xf32, #tpu.memory_space<vmem>>, vector<1x16xf32>,
    %broadcast_in_dim3A_143 = arith.constant 0.000000e+00 : f32
    %broadcast_in_dim3A_144 = vector.broadcast %broadcast_in_dim3A_143 : f32 to vector<16xf32>
    %swap3A_145 = arith.constant 18 : i32
    %swap3A_146 = arith.index_cast %swap3A_145 : i32 to index
    %swap3A_147 = arith.constant 0 : index
    %swap3A_148 = tpu.vector_load %arg15[%swap3A_146, %swap3A_147] {strides = array<i32>} : memref<128x16xf32, #tpu.memory_space<vmem>>, vector<1x16xf32>,
    %swap3A_149 = vector.shape_cast %swap3A_148 : vector<1x16xf32> to vector<16xf32>
    %swap3A_150 = vector.shape_cast %broadcast_in_dim3A_144 : vector<16xf32> to vector<1x16xf32>
    tpu.vector_store %arg15[%swap3A_146, %swap3A_147], %swap3A_150 {strides = array<i32>} : memref<128x16xf32, #tpu.memory_space<vmem>>, vector<1x16xf32>,
    %broadcast_in_dim3A_151 = arith.constant 0.000000e+00 : f32
    %broadcast_in_dim3A_152 = vector.broadcast %broadcast_in_dim3A_151 : f32 to vector<16xf32>
    %swap3A_153 = arith.constant 19 : i32
    %swap3A_154 = arith.index_cast %swap3A_153 : i32 to index
    %swap3A_155 = arith.constant 0 : index
    %swap3A_156 = tpu.vector_load %arg15[%swap3A_154, %swap3A_155] {strides = array<i32>} : memref<128x16xf32, #tpu.memory_space<vmem>>, vector<1x16xf32>,
    %swap3A_157 = vector.shape_cast %swap3A_156 : vector<1x16xf32> to vector<16xf32>
    %swap3A_158 = vector.shape_cast %broadcast_in_dim3A_152 : vector<16xf32> to vector<1x16xf32>
    tpu.vector_store %arg15[%swap3A_154, %swap3A_155], %swap3A_158 {strides = array<i32>} : memref<128x16xf32, #tpu.memory_space<vmem>>, vector<1x16xf32>,
    %broadcast_in_dim3A_159 = arith.constant 0.000000e+00 : f32
    %broadcast_in_dim3A_160 = vector.broadcast %broadcast_in_dim3A_159 : f32 to vector<16xf32>
    %swap3A_161 = arith.constant 20 : i32
    %swap3A_162 = arith.index_cast %swap3A_161 : i32 to index
    %swap3A_163 = arith.constant 0 : index
    %swap3A_164 = tpu.vector_load %arg15[%swap3A_162, %swap3A_163] {strides = array<i32>} : memref<128x16xf32, #tpu.memory_space<vmem>>, vector<1x16xf32>,
    %swap3A_165 = vector.shape_cast %swap3A_164 : vector<1x16xf32> to vector<16xf32>
    %swap3A_166 = vector.shape_cast %broadcast_in_dim3A_160 : vector<16xf32> to vector<1x16xf32>
    tpu.vector_store %arg15[%swap3A_162, %swap3A_163], %swap3A_166 {strides = array<i32>} : memref<128x16xf32, #tpu.memory_space<vmem>>, vector<1x16xf32>,
    %broadcast_in_dim3A_167 = arith.constant 0.000000e+00 : f32
    %broadcast_in_dim3A_168 = vector.broadcast %broadcast_in_dim3A_167 : f32 to vector<16xf32>
    %swap3A_169 = arith.constant 21 : i32
    %swap3A_170 = arith.index_cast %swap3A_169 : i32 to index
    %swap3A_171 = arith.constant 0 : index
    %swap3A_172 = tpu.vector_load %arg15[%swap3A_170, %swap3A_171] {strides = array<i32>} : memref<128x16xf32, #tpu.memory_space<vmem>>, vector<1x16xf32>,
    %swap3A_173 = vector.shape_cast %swap3A_172 : vector<1x16xf32> to vector<16xf32>
    %swap3A_174 = vector.shape_cast %broadcast_in_dim3A_168 : vector<16xf32> to vector<1x16xf32>
    tpu.vector_store %arg15[%swap3A_170, %swap3A_171], %swap3A_174 {strides = array<i32>} : memref<128x16xf32, #tpu.memory_space<vmem>>, vector<1x16xf32>,
    %broadcast_in_dim3A_175 = arith.constant 0.000000e+00 : f32
    %broadcast_in_dim3A_176 = vector.broadcast %broadcast_in_dim3A_175 : f32 to vector<16xf32>
    %swap3A_177 = arith.constant 22 : i32
    %swap3A_178 = arith.index_cast %swap3A_177 : i32 to index
    %swap3A_179 = arith.constant 0 : index
    %swap3A_180 = tpu.vector_load %arg15[%swap3A_178, %swap3A_179] {strides = array<i32>} : memref<128x16xf32, #tpu.memory_space<vmem>>, vector<1x16xf32>,
    %swap3A_181 = vector.shape_cast %swap3A_180 : vector<1x16xf32> to vector<16xf32>
    %swap3A_182 = vector.shape_cast %broadcast_in_dim3A_176 : vector<16xf32> to vector<1x16xf32>
    tpu.vector_store %arg15[%swap3A_178, %swap3A_179], %swap3A_182 {strides = array<i32>} : memref<128x16xf32, #tpu.memory_space<vmem>>, vector<1x16xf32>,
    %broadcast_in_dim3A_183 = arith.constant 0.000000e+00 : f32
    %broadcast_in_dim3A_184 = vector.broadcast %broadcast_in_dim3A_183 : f32 to vector<16xf32>
    %swap3A_185 = arith.constant 23 : i32
    %swap3A_186 = arith.index_cast %swap3A_185 : i32 to index
    %swap3A_187 = arith.constant 0 : index
    %swap3A_188 = tpu.vector_load %arg15[%swap3A_186, %swap3A_187] {strides = array<i32>} : memref<128x16xf32, #tpu.memory_space<vmem>>, vector<1x16xf32>,
    %swap3A_189 = vector.shape_cast %swap3A_188 : vector<1x16xf32> to vector<16xf32>
    %swap3A_190 = vector.shape_cast %broadcast_in_dim3A_184 : vector<16xf32> to vector<1x16xf32>
    tpu.vector_store %arg15[%swap3A_186, %swap3A_187], %swap3A_190 {strides = array<i32>} : memref<128x16xf32, #tpu.memory_space<vmem>>, vector<1x16xf32>,
    %broadcast_in_dim3A_191 = arith.constant 0.000000e+00 : f32
    %broadcast_in_dim3A_192 = vector.broadcast %broadcast_in_dim3A_191 : f32 to vector<16xf32>
    %swap3A_193 = arith.constant 24 : i32
    %swap3A_194 = arith.index_cast %swap3A_193 : i32 to index
    %swap3A_195 = arith.constant 0 : index
    %swap3A_196 = tpu.vector_load %arg15[%swap3A_194, %swap3A_195] {strides = array<i32>} : memref<128x16xf32, #tpu.memory_space<vmem>>, vector<1x16xf32>,
    %swap3A_197 = vector.shape_cast %swap3A_196 : vector<1x16xf32> to vector<16xf32>
    %swap3A_198 = vector.shape_cast %broadcast_in_dim3A_192 : vector<16xf32> to vector<1x16xf32>
    tpu.vector_store %arg15[%swap3A_194, %swap3A_195], %swap3A_198 {strides = array<i32>} : memref<128x16xf32, #tpu.memory_space<vmem>>, vector<1x16xf32>,
    %broadcast_in_dim3A_199 = arith.constant 0.000000e+00 : f32
    %broadcast_in_dim3A_200 = vector.broadcast %broadcast_in_dim3A_199 : f32 to vector<16xf32>
    %swap3A_201 = arith.constant 25 : i32
    %swap3A_202 = arith.index_cast %swap3A_201 : i32 to index
    %swap3A_203 = arith.constant 0 : index
    %swap3A_204 = tpu.vector_load %arg15[%swap3A_202, %swap3A_203] {strides = array<i32>} : memref<128x16xf32, #tpu.memory_space<vmem>>, vector<1x16xf32>,
    %swap3A_205 = vector.shape_cast %swap3A_204 : vector<1x16xf32> to vector<16xf32>
    %swap3A_206 = vector.shape_cast %broadcast_in_dim3A_200 : vector<16xf32> to vector<1x16xf32>
    tpu.vector_store %arg15[%swap3A_202, %swap3A_203], %swap3A_206 {strides = array<i32>} : memref<128x16xf32, #tpu.memory_space<vmem>>, vector<1x16xf32>,
    %broadcast_in_dim3A_207 = arith.constant 0.000000e+00 : f32
    %broadcast_in_dim3A_208 = vector.broadcast %broadcast_in_dim3A_207 : f32 to vector<16xf32>
    %swap3A_209 = arith.constant 26 : i32
    %swap3A_210 = arith.index_cast %swap3A_209 : i32 to index
    %swap3A_211 = arith.constant 0 : index
    %swap3A_212 = tpu.vector_load %arg15[%swap3A_210, %swap3A_211] {strides = array<i32>} : memref<128x16xf32, #tpu.memory_space<vmem>>, vector<1x16xf32>,
    %swap3A_213 = vector.shape_cast %swap3A_212 : vector<1x16xf32> to vector<16xf32>
    %swap3A_214 = vector.shape_cast %broadcast_in_dim3A_208 : vector<16xf32> to vector<1x16xf32>
    tpu.vector_store %arg15[%swap3A_210, %swap3A_211], %swap3A_214 {strides = array<i32>} : memref<128x16xf32, #tpu.memory_space<vmem>>, vector<1x16xf32>,
    %broadcast_in_dim3A_215 = arith.constant 0.000000e+00 : f32
    %broadcast_in_dim3A_216 = vector.broadcast %broadcast_in_dim3A_215 : f32 to vector<16xf32>
    %swap3A_217 = arith.constant 27 : i32
    %swap3A_218 = arith.index_cast %swap3A_217 : i32 to index
    %swap3A_219 = arith.constant 0 : index
    %swap3A_220 = tpu.vector_load %arg15[%swap3A_218, %swap3A_219] {strides = array<i32>} : memref<128x16xf32, #tpu.memory_space<vmem>>, vector<1x16xf32>,
    %swap3A_221 = vector.shape_cast %swap3A_220 : vector<1x16xf32> to vector<16xf32>
    %swap3A_222 = vector.shape_cast %broadcast_in_dim3A_216 : vector<16xf32> to vector<1x16xf32>
    tpu.vector_store %arg15[%swap3A_218, %swap3A_219], %swap3A_222 {strides = array<i32>} : memref<128x16xf32, #tpu.memory_space<vmem>>, vector<1x16xf32>,
    %broadcast_in_dim3A_223 = arith.constant 0.000000e+00 : f32
    %broadcast_in_dim3A_224 = vector.broadcast %broadcast_in_dim3A_223 : f32 to vector<16xf32>
    %swap3A_225 = arith.constant 28 : i32
    %swap3A_226 = arith.index_cast %swap3A_225 : i32 to index
    %swap3A_227 = arith.constant 0 : index
    %swap3A_228 = tpu.vector_load %arg15[%swap3A_226, %swap3A_227] {strides = array<i32>} : memref<128x16xf32, #tpu.memory_space<vmem>>, vector<1x16xf32>,
    %swap3A_229 = vector.shape_cast %swap3A_228 : vector<1x16xf32> to vector<16xf32>
    %swap3A_230 = vector.shape_cast %broadcast_in_dim3A_224 : vector<16xf32> to vector<1x16xf32>
    tpu.vector_store %arg15[%swap3A_226, %swap3A_227], %swap3A_230 {strides = array<i32>} : memref<128x16xf32, #tpu.memory_space<vmem>>, vector<1x16xf32>,
    %broadcast_in_dim3A_231 = arith.constant 0.000000e+00 : f32
    %broadcast_in_dim3A_232 = vector.broadcast %broadcast_in_dim3A_231 : f32 to vector<16xf32>
    %swap3A_233 = arith.constant 29 : i32
    %swap3A_234 = arith.index_cast %swap3A_233 : i32 to index
    %swap3A_235 = arith.constant 0 : index
    %swap3A_236 = tpu.vector_load %arg15[%swap3A_234, %swap3A_235] {strides = array<i32>} : memref<128x16xf32, #tpu.memory_space<vmem>>, vector<1x16xf32>,
    %swap3A_237 = vector.shape_cast %swap3A_236 : vector<1x16xf32> to vector<16xf32>
    %swap3A_238 = vector.shape_cast %broadcast_in_dim3A_232 : vector<16xf32> to vector<1x16xf32>
    tpu.vector_store %arg15[%swap3A_234, %swap3A_235], %swap3A_238 {strides = array<i32>} : memref<128x16xf32, #tpu.memory_space<vmem>>, vector<1x16xf32>,
    %broadcast_in_dim3A_239 = arith.constant 0.000000e+00 : f32
    %broadcast_in_dim3A_240 = vector.broadcast %broadcast_in_dim3A_239 : f32 to vector<16xf32>
    %swap3A_241 = arith.constant 30 : i32
    %swap3A_242 = arith.index_cast %swap3A_241 : i32 to index
    %swap3A_243 = arith.constant 0 : index
    %swap3A_244 = tpu.vector_load %arg15[%swap3A_242, %swap3A_243] {strides = array<i32>} : memref<128x16xf32, #tpu.memory_space<vmem>>, vector<1x16xf32>,
    %swap3A_245 = vector.shape_cast %swap3A_244 : vector<1x16xf32> to vector<16xf32>
    %swap3A_246 = vector.shape_cast %broadcast_in_dim3A_240 : vector<16xf32> to vector<1x16xf32>
    tpu.vector_store %arg15[%swap3A_242, %swap3A_243], %swap3A_246 {strides = array<i32>} : memref<128x16xf32, #tpu.memory_space<vmem>>, vector<1x16xf32>,
    %broadcast_in_dim3A_247 = arith.constant 0.000000e+00 : f32
    %broadcast_in_dim3A_248 = vector.broadcast %broadcast_in_dim3A_247 : f32 to vector<16xf32>
    %swap3A_249 = arith.constant 31 : i32
    %swap3A_250 = arith.index_cast %swap3A_249 : i32 to index
    %swap3A_251 = arith.constant 0 : index
    %swap3A_252 = tpu.vector_load %arg15[%swap3A_250, %swap3A_251] {strides = array<i32>} : memref<128x16xf32, #tpu.memory_space<vmem>>, vector<1x16xf32>,
    %swap3A_253 = vector.shape_cast %swap3A_252 : vector<1x16xf32> to vector<16xf32>
    %swap3A_254 = vector.shape_cast %broadcast_in_dim3A_248 : vector<16xf32> to vector<1x16xf32>
    tpu.vector_store %arg15[%swap3A_250, %swap3A_251], %swap3A_254 {strides = array<i32>} : memref<128x16xf32, #tpu.memory_space<vmem>>, vector<1x16xf32>,
    %broadcast_in_dim3A_255 = arith.constant 0.000000e+00 : f32
    %broadcast_in_dim3A_256 = vector.broadcast %broadcast_in_dim3A_255 : f32 to vector<16xf32>
    %swap3A_257 = arith.constant 32 : i32
    %swap3A_258 = arith.index_cast %swap3A_257 : i32 to index
    %swap3A_259 = arith.constant 0 : index
    %swap3A_260 = tpu.vector_load %arg15[%swap3A_258, %swap3A_259] {strides = array<i32>} : memref<128x16xf32, #tpu.memory_space<vmem>>, vector<1x16xf32>,
    %swap3A_261 = vector.shape_cast %swap3A_260 : vector<1x16xf32> to vector<16xf32>
    %swap3A_262 = vector.shape_cast %broadcast_in_dim3A_256 : vector<16xf32> to vector<1x16xf32>
    tpu.vector_store %arg15[%swap3A_258, %swap3A_259], %swap3A_262 {strides = array<i32>} : memref<128x16xf32, #tpu.memory_space<vmem>>, vector<1x16xf32>,
    %broadcast_in_dim3A_263 = arith.constant 0.000000e+00 : f32
    %broadcast_in_dim3A_264 = vector.broadcast %broadcast_in_dim3A_263 : f32 to vector<16xf32>
    %swap3A_265 = arith.constant 33 : i32
    %swap3A_266 = arith.index_cast %swap3A_265 : i32 to index
    %swap3A_267 = arith.constant 0 : index
    %swap3A_268 = tpu.vector_load %arg15[%swap3A_266, %swap3A_267] {strides = array<i32>} : memref<128x16xf32, #tpu.memory_space<vmem>>, vector<1x16xf32>,
    %swap3A_269 = vector.shape_cast %swap3A_268 : vector<1x16xf32> to vector<16xf32>
    %swap3A_270 = vector.shape_cast %broadcast_in_dim3A_264 : vector<16xf32> to vector<1x16xf32>
    tpu.vector_store %arg15[%swap3A_266, %swap3A_267], %swap3A_270 {strides = array<i32>} : memref<128x16xf32, #tpu.memory_space<vmem>>, vector<1x16xf32>,
    %broadcast_in_dim3A_271 = arith.constant 0.000000e+00 : f32
    %broadcast_in_dim3A_272 = vector.broadcast %broadcast_in_dim3A_271 : f32 to vector<16xf32>
    %swap3A_273 = arith.constant 34 : i32
    %swap3A_274 = arith.index_cast %swap3A_273 : i32 to index
    %swap3A_275 = arith.constant 0 : index
    %swap3A_276 = tpu.vector_load %arg15[%swap3A_274, %swap3A_275] {strides = array<i32>} : memref<128x16xf32, #tpu.memory_space<vmem>>, vector<1x16xf32>,
    %swap3A_277 = vector.shape_cast %swap3A_276 : vector<1x16xf32> to vector<16xf32>
    %swap3A_278 = vector.shape_cast %broadcast_in_dim3A_272 : vector<16xf32> to vector<1x16xf32>
    tpu.vector_store %arg15[%swap3A_274, %swap3A_275], %swap3A_278 {strides = array<i32>} : memref<128x16xf32, #tpu.memory_space<vmem>>, vector<1x16xf32>,
    %broadcast_in_dim3A_279 = arith.constant 0.000000e+00 : f32
    %broadcast_in_dim3A_280 = vector.broadcast %broadcast_in_dim3A_279 : f32 to vector<16xf32>
    %swap3A_281 = arith.constant 35 : i32
    %swap3A_282 = arith.index_cast %swap3A_281 : i32 to index
    %swap3A_283 = arith.constant 0 : index
    %swap3A_284 = tpu.vector_load %arg15[%swap3A_282, %swap3A_283] {strides = array<i32>} : memref<128x16xf32, #tpu.memory_space<vmem>>, vector<1x16xf32>,
    %swap3A_285 = vector.shape_cast %swap3A_284 : vector<1x16xf32> to vector<16xf32>
    %swap3A_286 = vector.shape_cast %broadcast_in_dim3A_280 : vector<16xf32> to vector<1x16xf32>
    tpu.vector_store %arg15[%swap3A_282, %swap3A_283], %swap3A_286 {strides = array<i32>} : memref<128x16xf32, #tpu.memory_space<vmem>>, vector<1x16xf32>,
    %broadcast_in_dim3A_287 = arith.constant 0.000000e+00 : f32
    %broadcast_in_dim3A_288 = vector.broadcast %broadcast_in_dim3A_287 : f32 to vector<16xf32>
    %swap3A_289 = arith.constant 36 : i32
    %swap3A_290 = arith.index_cast %swap3A_289 : i32 to index
    %swap3A_291 = arith.constant 0 : index
    %swap3A_292 = tpu.vector_load %arg15[%swap3A_290, %swap3A_291] {strides = array<i32>} : memref<128x16xf32, #tpu.memory_space<vmem>>, vector<1x16xf32>,
    %swap3A_293 = vector.shape_cast %swap3A_292 : vector<1x16xf32> to vector<16xf32>
    %swap3A_294 = vector.shape_cast %broadcast_in_dim3A_288 : vector<16xf32> to vector<1x16xf32>
    tpu.vector_store %arg15[%swap3A_290, %swap3A_291], %swap3A_294 {strides = array<i32>} : memref<128x16xf32, #tpu.memory_space<vmem>>, vector<1x16xf32>,
    %broadcast_in_dim3A_295 = arith.constant 0.000000e+00 : f32
    %broadcast_in_dim3A_296 = vector.broadcast %broadcast_in_dim3A_295 : f32 to vector<16xf32>
    %swap3A_297 = arith.constant 37 : i32
    %swap3A_298 = arith.index_cast %swap3A_297 : i32 to index
    %swap3A_299 = arith.constant 0 : index
    %swap3A_300 = tpu.vector_load %arg15[%swap3A_298, %swap3A_299] {strides = array<i32>} : memref<128x16xf32, #tpu.memory_space<vmem>>, vector<1x16xf32>,
    %swap3A_301 = vector.shape_cast %swap3A_300 : vector<1x16xf32> to vector<16xf32>
    %swap3A_302 = vector.shape_cast %broadcast_in_dim3A_296 : vector<16xf32> to vector<1x16xf32>
    tpu.vector_store %arg15[%swap3A_298, %swap3A_299], %swap3A_302 {strides = array<i32>} : memref<128x16xf32, #tpu.memory_space<vmem>>, vector<1x16xf32>,
    %broadcast_in_dim3A_303 = arith.constant 0.000000e+00 : f32
    %broadcast_in_dim3A_304 = vector.broadcast %broadcast_in_dim3A_303 : f32 to vector<16xf32>
    %swap3A_305 = arith.constant 38 : i32
    %swap3A_306 = arith.index_cast %swap3A_305 : i32 to index
    %swap3A_307 = arith.constant 0 : index
    %swap3A_308 = tpu.vector_load %arg15[%swap3A_306, %swap3A_307] {strides = array<i32>} : memref<128x16xf32, #tpu.memory_space<vmem>>, vector<1x16xf32>,
    %swap3A_309 = vector.shape_cast %swap3A_308 : vector<1x16xf32> to vector<16xf32>
    %swap3A_310 = vector.shape_cast %broadcast_in_dim3A_304 : vector<16xf32> to vector<1x16xf32>
    tpu.vector_store %arg15[%swap3A_306, %swap3A_307], %swap3A_310 {strides = array<i32>} : memref<128x16xf32, #tpu.memory_space<vmem>>, vector<1x16xf32>,
    %broadcast_in_dim3A_311 = arith.constant 0.000000e+00 : f32
    %broadcast_in_dim3A_312 = vector.broadcast %broadcast_in_dim3A_311 : f32 to vector<16xf32>
    %swap3A_313 = arith.constant 39 : i32
    %swap3A_314 = arith.index_cast %swap3A_313 : i32 to index
    %swap3A_315 = arith.constant 0 : index
    %swap3A_316 = tpu.vector_load %arg15[%swap3A_314, %swap3A_315] {strides = array<i32>} : memref<128x16xf32, #tpu.memory_space<vmem>>, vector<1x16xf32>,
    %swap3A_317 = vector.shape_cast %swap3A_316 : vector<1x16xf32> to vector<16xf32>
    %swap3A_318 = vector.shape_cast %broadcast_in_dim3A_312 : vector<16xf32> to vector<1x16xf32>
    tpu.vector_store %arg15[%swap3A_314, %swap3A_315], %swap3A_318 {strides = array<i32>} : memref<128x16xf32, #tpu.memory_space<vmem>>, vector<1x16xf32>,
    %broadcast_in_dim3A_319 = arith.constant 0.000000e+00 : f32
    %broadcast_in_dim3A_320 = vector.broadcast %broadcast_in_dim3A_319 : f32 to vector<16xf32>
    %swap3A_321 = arith.constant 40 : i32
    %swap3A_322 = arith.index_cast %swap3A_321 : i32 to index
    %swap3A_323 = arith.constant 0 : index
    %swap3A_324 = tpu.vector_load %arg15[%swap3A_322, %swap3A_323] {strides = array<i32>} : memref<128x16xf32, #tpu.memory_space<vmem>>, vector<1x16xf32>,
    %swap3A_325 = vector.shape_cast %swap3A_324 : vector<1x16xf32> to vector<16xf32>
    %swap3A_326 = vector.shape_cast %broadcast_in_dim3A_320 : vector<16xf32> to vector<1x16xf32>
    tpu.vector_store %arg15[%swap3A_322, %swap3A_323], %swap3A_326 {strides = array<i32>} : memref<128x16xf32, #tpu.memory_space<vmem>>, vector<1x16xf32>,
    %broadcast_in_dim3A_327 = arith.constant 0.000000e+00 : f32
    %broadcast_in_dim3A_328 = vector.broadcast %broadcast_in_dim3A_327 : f32 to vector<16xf32>
    %swap3A_329 = arith.constant 41 : i32
    %swap3A_330 = arith.index_cast %swap3A_329 : i32 to index
    %swap3A_331 = arith.constant 0 : index
    %swap3A_332 = tpu.vector_load %arg15[%swap3A_330, %swap3A_331] {strides = array<i32>} : memref<128x16xf32, #tpu.memory_space<vmem>>, vector<1x16xf32>,
    %swap3A_333 = vector.shape_cast %swap3A_332 : vector<1x16xf32> to vector<16xf32>
    %swap3A_334 = vector.shape_cast %broadcast_in_dim3A_328 : vector<16xf32> to vector<1x16xf32>
    tpu.vector_store %arg15[%swap3A_330, %swap3A_331], %swap3A_334 {strides = array<i32>} : memref<128x16xf32, #tpu.memory_space<vmem>>, vector<1x16xf32>,
    %broadcast_in_dim3A_335 = arith.constant 0.000000e+00 : f32
    %broadcast_in_dim3A_336 = vector.broadcast %broadcast_in_dim3A_335 : f32 to vector<16xf32>
    %swap3A_337 = arith.constant 42 : i32
    %swap3A_338 = arith.index_cast %swap3A_337 : i32 to index
    %swap3A_339 = arith.constant 0 : index
    %swap3A_340 = tpu.vector_load %arg15[%swap3A_338, %swap3A_339] {strides = array<i32>} : memref<128x16xf32, #tpu.memory_space<vmem>>, vector<1x16xf32>,
    %swap3A_341 = vector.shape_cast %swap3A_340 : vector<1x16xf32> to vector<16xf32>
    %swap3A_342 = vector.shape_cast %broadcast_in_dim3A_336 : vector<16xf32> to vector<1x16xf32>
    tpu.vector_store %arg15[%swap3A_338, %swap3A_339], %swap3A_342 {strides = array<i32>} : memref<128x16xf32, #tpu.memory_space<vmem>>, vector<1x16xf32>,
    %broadcast_in_dim3A_343 = arith.constant 0.000000e+00 : f32
    %broadcast_in_dim3A_344 = vector.broadcast %broadcast_in_dim3A_343 : f32 to vector<16xf32>
    %swap3A_345 = arith.constant 43 : i32
    %swap3A_346 = arith.index_cast %swap3A_345 : i32 to index
    %swap3A_347 = arith.constant 0 : index
    %swap3A_348 = tpu.vector_load %arg15[%swap3A_346, %swap3A_347] {strides = array<i32>} : memref<128x16xf32, #tpu.memory_space<vmem>>, vector<1x16xf32>,
    %swap3A_349 = vector.shape_cast %swap3A_348 : vector<1x16xf32> to vector<16xf32>
    %swap3A_350 = vector.shape_cast %broadcast_in_dim3A_344 : vector<16xf32> to vector<1x16xf32>
    tpu.vector_store %arg15[%swap3A_346, %swap3A_347], %swap3A_350 {strides = array<i32>} : memref<128x16xf32, #tpu.memory_space<vmem>>, vector<1x16xf32>,
    %broadcast_in_dim3A_351 = arith.constant 0.000000e+00 : f32
    %broadcast_in_dim3A_352 = vector.broadcast %broadcast_in_dim3A_351 : f32 to vector<16xf32>
    %swap3A_353 = arith.constant 44 : i32
    %swap3A_354 = arith.index_cast %swap3A_353 : i32 to index
    %swap3A_355 = arith.constant 0 : index
    %swap3A_356 = tpu.vector_load %arg15[%swap3A_354, %swap3A_355] {strides = array<i32>} : memref<128x16xf32, #tpu.memory_space<vmem>>, vector<1x16xf32>,
    %swap3A_357 = vector.shape_cast %swap3A_356 : vector<1x16xf32> to vector<16xf32>
    %swap3A_358 = vector.shape_cast %broadcast_in_dim3A_352 : vector<16xf32> to vector<1x16xf32>
    tpu.vector_store %arg15[%swap3A_354, %swap3A_355], %swap3A_358 {strides = array<i32>} : memref<128x16xf32, #tpu.memory_space<vmem>>, vector<1x16xf32>,
    %broadcast_in_dim3A_359 = arith.constant 0.000000e+00 : f32
    %broadcast_in_dim3A_360 = vector.broadcast %broadcast_in_dim3A_359 : f32 to vector<16xf32>
    %swap3A_361 = arith.constant 45 : i32
    %swap3A_362 = arith.index_cast %swap3A_361 : i32 to index
    %swap3A_363 = arith.constant 0 : index
    %swap3A_364 = tpu.vector_load %arg15[%swap3A_362, %swap3A_363] {strides = array<i32>} : memref<128x16xf32, #tpu.memory_space<vmem>>, vector<1x16xf32>,
    %swap3A_365 = vector.shape_cast %swap3A_364 : vector<1x16xf32> to vector<16xf32>
    %swap3A_366 = vector.shape_cast %broadcast_in_dim3A_360 : vector<16xf32> to vector<1x16xf32>
    tpu.vector_store %arg15[%swap3A_362, %swap3A_363], %swap3A_366 {strides = array<i32>} : memref<128x16xf32, #tpu.memory_space<vmem>>, vector<1x16xf32>,
    %broadcast_in_dim3A_367 = arith.constant 0.000000e+00 : f32
    %broadcast_in_dim3A_368 = vector.broadcast %broadcast_in_dim3A_367 : f32 to vector<16xf32>
    %swap3A_369 = arith.constant 46 : i32
    %swap3A_370 = arith.index_cast %swap3A_369 : i32 to index
    %swap3A_371 = arith.constant 0 : index
    %swap3A_372 = tpu.vector_load %arg15[%swap3A_370, %swap3A_371] {strides = array<i32>} : memref<128x16xf32, #tpu.memory_space<vmem>>, vector<1x16xf32>,
    %swap3A_373 = vector.shape_cast %swap3A_372 : vector<1x16xf32> to vector<16xf32>
    %swap3A_374 = vector.shape_cast %broadcast_in_dim3A_368 : vector<16xf32> to vector<1x16xf32>
    tpu.vector_store %arg15[%swap3A_370, %swap3A_371], %swap3A_374 {strides = array<i32>} : memref<128x16xf32, #tpu.memory_space<vmem>>, vector<1x16xf32>,
    %broadcast_in_dim3A_375 = arith.constant 0.000000e+00 : f32
    %broadcast_in_dim3A_376 = vector.broadcast %broadcast_in_dim3A_375 : f32 to vector<16xf32>
    %swap3A_377 = arith.constant 47 : i32
    %swap3A_378 = arith.index_cast %swap3A_377 : i32 to index
    %swap3A_379 = arith.constant 0 : index
    %swap3A_380 = tpu.vector_load %arg15[%swap3A_378, %swap3A_379] {strides = array<i32>} : memref<128x16xf32, #tpu.memory_space<vmem>>, vector<1x16xf32>,
    %swap3A_381 = vector.shape_cast %swap3A_380 : vector<1x16xf32> to vector<16xf32>
    %swap3A_382 = vector.shape_cast %broadcast_in_dim3A_376 : vector<16xf32> to vector<1x16xf32>
    tpu.vector_store %arg15[%swap3A_378, %swap3A_379], %swap3A_382 {strides = array<i32>} : memref<128x16xf32, #tpu.memory_space<vmem>>, vector<1x16xf32>,
    %broadcast_in_dim3A_383 = arith.constant 0.000000e+00 : f32
    %broadcast_in_dim3A_384 = vector.broadcast %broadcast_in_dim3A_383 : f32 to vector<16xf32>
    %swap3A_385 = arith.constant 48 : i32
    %swap3A_386 = arith.index_cast %swap3A_385 : i32 to index
    %swap3A_387 = arith.constant 0 : index
    %swap3A_388 = tpu.vector_load %arg15[%swap3A_386, %swap3A_387] {strides = array<i32>} : memref<128x16xf32, #tpu.memory_space<vmem>>, vector<1x16xf32>,
    %swap3A_389 = vector.shape_cast %swap3A_388 : vector<1x16xf32> to vector<16xf32>
    %swap3A_390 = vector.shape_cast %broadcast_in_dim3A_384 : vector<16xf32> to vector<1x16xf32>
    tpu.vector_store %arg15[%swap3A_386, %swap3A_387], %swap3A_390 {strides = array<i32>} : memref<128x16xf32, #tpu.memory_space<vmem>>, vector<1x16xf32>,
    %broadcast_in_dim3A_391 = arith.constant 0.000000e+00 : f32
    %broadcast_in_dim3A_392 = vector.broadcast %broadcast_in_dim3A_391 : f32 to vector<16xf32>
    %swap3A_393 = arith.constant 49 : i32
    %swap3A_394 = arith.index_cast %swap3A_393 : i32 to index
    %swap3A_395 = arith.constant 0 : index
    %swap3A_396 = tpu.vector_load %arg15[%swap3A_394, %swap3A_395] {strides = array<i32>} : memref<128x16xf32, #tpu.memory_space<vmem>>, vector<1x16xf32>,
    %swap3A_397 = vector.shape_cast %swap3A_396 : vector<1x16xf32> to vector<16xf32>
    %swap3A_398 = vector.shape_cast %broadcast_in_dim3A_392 : vector<16xf32> to vector<1x16xf32>
    tpu.vector_store %arg15[%swap3A_394, %swap3A_395], %swap3A_398 {strides = array<i32>} : memref<128x16xf32, #tpu.memory_space<vmem>>, vector<1x16xf32>,
    %broadcast_in_dim3A_399 = arith.constant 0.000000e+00 : f32
    %broadcast_in_dim3A_400 = vector.broadcast %broadcast_in_dim3A_399 : f32 to vector<16xf32>
    %swap3A_401 = arith.constant 50 : i32
    %swap3A_402 = arith.index_cast %swap3A_401 : i32 to index
    %swap3A_403 = arith.constant 0 : index
    %swap3A_404 = tpu.vector_load %arg15[%swap3A_402, %swap3A_403] {strides = array<i32>} : memref<128x16xf32, #tpu.memory_space<vmem>>, vector<1x16xf32>,
    %swap3A_405 = vector.shape_cast %swap3A_404 : vector<1x16xf32> to vector<16xf32>
    %swap3A_406 = vector.shape_cast %broadcast_in_dim3A_400 : vector<16xf32> to vector<1x16xf32>
    tpu.vector_store %arg15[%swap3A_402, %swap3A_403], %swap3A_406 {strides = array<i32>} : memref<128x16xf32, #tpu.memory_space<vmem>>, vector<1x16xf32>,
    %broadcast_in_dim3A_407 = arith.constant 0.000000e+00 : f32
    %broadcast_in_dim3A_408 = vector.broadcast %broadcast_in_dim3A_407 : f32 to vector<16xf32>
    %swap3A_409 = arith.constant 51 : i32
    %swap3A_410 = arith.index_cast %swap3A_409 : i32 to index
    %swap3A_411 = arith.constant 0 : index
    %swap3A_412 = tpu.vector_load %arg15[%swap3A_410, %swap3A_411] {strides = array<i32>} : memref<128x16xf32, #tpu.memory_space<vmem>>, vector<1x16xf32>,
    %swap3A_413 = vector.shape_cast %swap3A_412 : vector<1x16xf32> to vector<16xf32>
    %swap3A_414 = vector.shape_cast %broadcast_in_dim3A_408 : vector<16xf32> to vector<1x16xf32>
    tpu.vector_store %arg15[%swap3A_410, %swap3A_411], %swap3A_414 {strides = array<i32>} : memref<128x16xf32, #tpu.memory_space<vmem>>, vector<1x16xf32>,
    %broadcast_in_dim3A_415 = arith.constant 0.000000e+00 : f32
    %broadcast_in_dim3A_416 = vector.broadcast %broadcast_in_dim3A_415 : f32 to vector<16xf32>
    %swap3A_417 = arith.constant 52 : i32
    %swap3A_418 = arith.index_cast %swap3A_417 : i32 to index
    %swap3A_419 = arith.constant 0 : index
    %swap3A_420 = tpu.vector_load %arg15[%swap3A_418, %swap3A_419] {strides = array<i32>} : memref<128x16xf32, #tpu.memory_space<vmem>>, vector<1x16xf32>,
    %swap3A_421 = vector.shape_cast %swap3A_420 : vector<1x16xf32> to vector<16xf32>
    %swap3A_422 = vector.shape_cast %broadcast_in_dim3A_416 : vector<16xf32> to vector<1x16xf32>
    tpu.vector_store %arg15[%swap3A_418, %swap3A_419], %swap3A_422 {strides = array<i32>} : memref<128x16xf32, #tpu.memory_space<vmem>>, vector<1x16xf32>,
    %broadcast_in_dim3A_423 = arith.constant 0.000000e+00 : f32
    %broadcast_in_dim3A_424 = vector.broadcast %broadcast_in_dim3A_423 : f32 to vector<16xf32>
    %swap3A_425 = arith.constant 53 : i32
    %swap3A_426 = arith.index_cast %swap3A_425 : i32 to index
    %swap3A_427 = arith.constant 0 : index
    %swap3A_428 = tpu.vector_load %arg15[%swap3A_426, %swap3A_427] {strides = array<i32>} : memref<128x16xf32, #tpu.memory_space<vmem>>, vector<1x16xf32>,
    %swap3A_429 = vector.shape_cast %swap3A_428 : vector<1x16xf32> to vector<16xf32>
    %swap3A_430 = vector.shape_cast %broadcast_in_dim3A_424 : vector<16xf32> to vector<1x16xf32>
    tpu.vector_store %arg15[%swap3A_426, %swap3A_427], %swap3A_430 {strides = array<i32>} : memref<128x16xf32, #tpu.memory_space<vmem>>, vector<1x16xf32>,
    %broadcast_in_dim3A_431 = arith.constant 0.000000e+00 : f32
    %broadcast_in_dim3A_432 = vector.broadcast %broadcast_in_dim3A_431 : f32 to vector<16xf32>
    %swap3A_433 = arith.constant 54 : i32
    %swap3A_434 = arith.index_cast %swap3A_433 : i32 to index
    %swap3A_435 = arith.constant 0 : index
    %swap3A_436 = tpu.vector_load %arg15[%swap3A_434, %swap3A_435] {strides = array<i32>} : memref<128x16xf32, #tpu.memory_space<vmem>>, vector<1x16xf32>,
    %swap3A_437 = vector.shape_cast %swap3A_436 : vector<1x16xf32> to vector<16xf32>
    %swap3A_438 = vector.shape_cast %broadcast_in_dim3A_432 : vector<16xf32> to vector<1x16xf32>
    tpu.vector_store %arg15[%swap3A_434, %swap3A_435], %swap3A_438 {strides = array<i32>} : memref<128x16xf32, #tpu.memory_space<vmem>>, vector<1x16xf32>,
    %broadcast_in_dim3A_439 = arith.constant 0.000000e+00 : f32
    %broadcast_in_dim3A_440 = vector.broadcast %broadcast_in_dim3A_439 : f32 to vector<16xf32>
    %swap3A_441 = arith.constant 55 : i32
    %swap3A_442 = arith.index_cast %swap3A_441 : i32 to index
    %swap3A_443 = arith.constant 0 : index
    %swap3A_444 = tpu.vector_load %arg15[%swap3A_442, %swap3A_443] {strides = array<i32>} : memref<128x16xf32, #tpu.memory_space<vmem>>, vector<1x16xf32>,
    %swap3A_445 = vector.shape_cast %swap3A_444 : vector<1x16xf32> to vector<16xf32>
    %swap3A_446 = vector.shape_cast %broadcast_in_dim3A_440 : vector<16xf32> to vector<1x16xf32>
    tpu.vector_store %arg15[%swap3A_442, %swap3A_443], %swap3A_446 {strides = array<i32>} : memref<128x16xf32, #tpu.memory_space<vmem>>, vector<1x16xf32>,
    %broadcast_in_dim3A_447 = arith.constant 0.000000e+00 : f32
    %broadcast_in_dim3A_448 = vector.broadcast %broadcast_in_dim3A_447 : f32 to vector<16xf32>
    %swap3A_449 = arith.constant 56 : i32
    %swap3A_450 = arith.index_cast %swap3A_449 : i32 to index
    %swap3A_451 = arith.constant 0 : index
    %swap3A_452 = tpu.vector_load %arg15[%swap3A_450, %swap3A_451] {strides = array<i32>} : memref<128x16xf32, #tpu.memory_space<vmem>>, vector<1x16xf32>,
    %swap3A_453 = vector.shape_cast %swap3A_452 : vector<1x16xf32> to vector<16xf32>
    %swap3A_454 = vector.shape_cast %broadcast_in_dim3A_448 : vector<16xf32> to vector<1x16xf32>
    tpu.vector_store %arg15[%swap3A_450, %swap3A_451], %swap3A_454 {strides = array<i32>} : memref<128x16xf32, #tpu.memory_space<vmem>>, vector<1x16xf32>,
    %broadcast_in_dim3A_455 = arith.constant 0.000000e+00 : f32
    %broadcast_in_dim3A_456 = vector.broadcast %broadcast_in_dim3A_455 : f32 to vector<16xf32>
    %swap3A_457 = arith.constant 57 : i32
    %swap3A_458 = arith.index_cast %swap3A_457 : i32 to index
    %swap3A_459 = arith.constant 0 : index
    %swap3A_460 = tpu.vector_load %arg15[%swap3A_458, %swap3A_459] {strides = array<i32>} : memref<128x16xf32, #tpu.memory_space<vmem>>, vector<1x16xf32>,
    %swap3A_461 = vector.shape_cast %swap3A_460 : vector<1x16xf32> to vector<16xf32>
    %swap3A_462 = vector.shape_cast %broadcast_in_dim3A_456 : vector<16xf32> to vector<1x16xf32>
    tpu.vector_store %arg15[%swap3A_458, %swap3A_459], %swap3A_462 {strides = array<i32>} : memref<128x16xf32, #tpu.memory_space<vmem>>, vector<1x16xf32>,
    %broadcast_in_dim3A_463 = arith.constant 0.000000e+00 : f32
    %broadcast_in_dim3A_464 = vector.broadcast %broadcast_in_dim3A_463 : f32 to vector<16xf32>
    %swap3A_465 = arith.constant 58 : i32
    %swap3A_466 = arith.index_cast %swap3A_465 : i32 to index
    %swap3A_467 = arith.constant 0 : index
    %swap3A_468 = tpu.vector_load %arg15[%swap3A_466, %swap3A_467] {strides = array<i32>} : memref<128x16xf32, #tpu.memory_space<vmem>>, vector<1x16xf32>,
    %swap3A_469 = vector.shape_cast %swap3A_468 : vector<1x16xf32> to vector<16xf32>
    %swap3A_470 = vector.shape_cast %broadcast_in_dim3A_464 : vector<16xf32> to vector<1x16xf32>
    tpu.vector_store %arg15[%swap3A_466, %swap3A_467], %swap3A_470 {strides = array<i32>} : memref<128x16xf32, #tpu.memory_space<vmem>>, vector<1x16xf32>,
    %broadcast_in_dim3A_471 = arith.constant 0.000000e+00 : f32
    %broadcast_in_dim3A_472 = vector.broadcast %broadcast_in_dim3A_471 : f32 to vector<16xf32>
    %swap3A_473 = arith.constant 59 : i32
    %swap3A_474 = arith.index_cast %swap3A_473 : i32 to index
    %swap3A_475 = arith.constant 0 : index
    %swap3A_476 = tpu.vector_load %arg15[%swap3A_474, %swap3A_475] {strides = array<i32>} : memref<128x16xf32, #tpu.memory_space<vmem>>, vector<1x16xf32>,
    %swap3A_477 = vector.shape_cast %swap3A_476 : vector<1x16xf32> to vector<16xf32>
    %swap3A_478 = vector.shape_cast %broadcast_in_dim3A_472 : vector<16xf32> to vector<1x16xf32>
    tpu.vector_store %arg15[%swap3A_474, %swap3A_475], %swap3A_478 {strides = array<i32>} : memref<128x16xf32, #tpu.memory_space<vmem>>, vector<1x16xf32>,
    %broadcast_in_dim3A_479 = arith.constant 0.000000e+00 : f32
    %broadcast_in_dim3A_480 = vector.broadcast %broadcast_in_dim3A_479 : f32 to vector<16xf32>
    %swap3A_481 = arith.constant 60 : i32
    %swap3A_482 = arith.index_cast %swap3A_481 : i32 to index
    %swap3A_483 = arith.constant 0 : index
    %swap3A_484 = tpu.vector_load %arg15[%swap3A_482, %swap3A_483] {strides = array<i32>} : memref<128x16xf32, #tpu.memory_space<vmem>>, vector<1x16xf32>,
    %swap3A_485 = vector.shape_cast %swap3A_484 : vector<1x16xf32> to vector<16xf32>
    %swap3A_486 = vector.shape_cast %broadcast_in_dim3A_480 : vector<16xf32> to vector<1x16xf32>
    tpu.vector_store %arg15[%swap3A_482, %swap3A_483], %swap3A_486 {strides = array<i32>} : memref<128x16xf32, #tpu.memory_space<vmem>>, vector<1x16xf32>,
    %broadcast_in_dim3A_487 = arith.constant 0.000000e+00 : f32
    %broadcast_in_dim3A_488 = vector.broadcast %broadcast_in_dim3A_487 : f32 to vector<16xf32>
    %swap3A_489 = arith.constant 61 : i32
    %swap3A_490 = arith.index_cast %swap3A_489 : i32 to index
    %swap3A_491 = arith.constant 0 : index
    %swap3A_492 = tpu.vector_load %arg15[%swap3A_490, %swap3A_491] {strides = array<i32>} : memref<128x16xf32, #tpu.memory_space<vmem>>, vector<1x16xf32>,
    %swap3A_493 = vector.shape_cast %swap3A_492 : vector<1x16xf32> to vector<16xf32>
    %swap3A_494 = vector.shape_cast %broadcast_in_dim3A_488 : vector<16xf32> to vector<1x16xf32>
    tpu.vector_store %arg15[%swap3A_490, %swap3A_491], %swap3A_494 {strides = array<i32>} : memref<128x16xf32, #tpu.memory_space<vmem>>, vector<1x16xf32>,
    %broadcast_in_dim3A_495 = arith.constant 0.000000e+00 : f32
    %broadcast_in_dim3A_496 = vector.broadcast %broadcast_in_dim3A_495 : f32 to vector<16xf32>
    %swap3A_497 = arith.constant 62 : i32
    %swap3A_498 = arith.index_cast %swap3A_497 : i32 to index
    %swap3A_499 = arith.constant 0 : index
    %swap3A_500 = tpu.vector_load %arg15[%swap3A_498, %swap3A_499] {strides = array<i32>} : memref<128x16xf32, #tpu.memory_space<vmem>>, vector<1x16xf32>,
    %swap3A_501 = vector.shape_cast %swap3A_500 : vector<1x16xf32> to vector<16xf32>
    %swap3A_502 = vector.shape_cast %broadcast_in_dim3A_496 : vector<16xf32> to vector<1x16xf32>
    tpu.vector_store %arg15[%swap3A_498, %swap3A_499], %swap3A_502 {strides = array<i32>} : memref<128x16xf32, #tpu.memory_space<vmem>>, vector<1x16xf32>,
    %broadcast_in_dim3A_503 = arith.constant 0.000000e+00 : f32
    %broadcast_in_dim3A_504 = vector.broadcast %broadcast_in_dim3A_503 : f32 to vector<16xf32>
    %swap3A_505 = arith.constant 63 : i32
    %swap3A_506 = arith.index_cast %swap3A_505 : i32 to index
    %swap3A_507 = arith.constant 0 : index
    %swap3A_508 = tpu.vector_load %arg15[%swap3A_506, %swap3A_507] {strides = array<i32>} : memref<128x16xf32, #tpu.memory_space<vmem>>, vector<1x16xf32>,
    %swap3A_509 = vector.shape_cast %swap3A_508 : vector<1x16xf32> to vector<16xf32>
    %swap3A_510 = vector.shape_cast %broadcast_in_dim3A_504 : vector<16xf32> to vector<1x16xf32>
    tpu.vector_store %arg15[%swap3A_506, %swap3A_507], %swap3A_510 {strides = array<i32>} : memref<128x16xf32, #tpu.memory_space<vmem>>, vector<1x16xf32>,
    %broadcast_in_dim3A_511 = arith.constant 0.000000e+00 : f32
    %broadcast_in_dim3A_512 = vector.broadcast %broadcast_in_dim3A_511 : f32 to vector<16xf32>
    %swap3A_513 = arith.constant 64 : i32
    %swap3A_514 = arith.index_cast %swap3A_513 : i32 to index
    %swap3A_515 = arith.constant 0 : index
    %swap3A_516 = tpu.vector_load %arg15[%swap3A_514, %swap3A_515] {strides = array<i32>} : memref<128x16xf32, #tpu.memory_space<vmem>>, vector<1x16xf32>,
    %swap3A_517 = vector.shape_cast %swap3A_516 : vector<1x16xf32> to vector<16xf32>
    %swap3A_518 = vector.shape_cast %broadcast_in_dim3A_512 : vector<16xf32> to vector<1x16xf32>
    tpu.vector_store %arg15[%swap3A_514, %swap3A_515], %swap3A_518 {strides = array<i32>} : memref<128x16xf32, #tpu.memory_space<vmem>>, vector<1x16xf32>,
    %broadcast_in_dim3A_519 = arith.constant 0.000000e+00 : f32
    %broadcast_in_dim3A_520 = vector.broadcast %broadcast_in_dim3A_519 : f32 to vector<16xf32>
    %swap3A_521 = arith.constant 65 : i32
    %swap3A_522 = arith.index_cast %swap3A_521 : i32 to index
    %swap3A_523 = arith.constant 0 : index
    %swap3A_524 = tpu.vector_load %arg15[%swap3A_522, %swap3A_523] {strides = array<i32>} : memref<128x16xf32, #tpu.memory_space<vmem>>, vector<1x16xf32>,
    %swap3A_525 = vector.shape_cast %swap3A_524 : vector<1x16xf32> to vector<16xf32>
    %swap3A_526 = vector.shape_cast %broadcast_in_dim3A_520 : vector<16xf32> to vector<1x16xf32>
    tpu.vector_store %arg15[%swap3A_522, %swap3A_523], %swap3A_526 {strides = array<i32>} : memref<128x16xf32, #tpu.memory_space<vmem>>, vector<1x16xf32>,
    %broadcast_in_dim3A_527 = arith.constant 0.000000e+00 : f32
    %broadcast_in_dim3A_528 = vector.broadcast %broadcast_in_dim3A_527 : f32 to vector<16xf32>
    %swap3A_529 = arith.constant 66 : i32
    %swap3A_530 = arith.index_cast %swap3A_529 : i32 to index
    %swap3A_531 = arith.constant 0 : index
    %swap3A_532 = tpu.vector_load %arg15[%swap3A_530, %swap3A_531] {strides = array<i32>} : memref<128x16xf32, #tpu.memory_space<vmem>>, vector<1x16xf32>,
    %swap3A_533 = vector.shape_cast %swap3A_532 : vector<1x16xf32> to vector<16xf32>
    %swap3A_534 = vector.shape_cast %broadcast_in_dim3A_528 : vector<16xf32> to vector<1x16xf32>
    tpu.vector_store %arg15[%swap3A_530, %swap3A_531], %swap3A_534 {strides = array<i32>} : memref<128x16xf32, #tpu.memory_space<vmem>>, vector<1x16xf32>,
    %broadcast_in_dim3A_535 = arith.constant 0.000000e+00 : f32
    %broadcast_in_dim3A_536 = vector.broadcast %broadcast_in_dim3A_535 : f32 to vector<16xf32>
    %swap3A_537 = arith.constant 67 : i32
    %swap3A_538 = arith.index_cast %swap3A_537 : i32 to index
    %swap3A_539 = arith.constant 0 : index
    %swap3A_540 = tpu.vector_load %arg15[%swap3A_538, %swap3A_539] {strides = array<i32>} : memref<128x16xf32, #tpu.memory_space<vmem>>, vector<1x16xf32>,
    %swap3A_541 = vector.shape_cast %swap3A_540 : vector<1x16xf32> to vector<16xf32>
    %swap3A_542 = vector.shape_cast %broadcast_in_dim3A_536 : vector<16xf32> to vector<1x16xf32>
    tpu.vector_store %arg15[%swap3A_538, %swap3A_539], %swap3A_542 {strides = array<i32>} : memref<128x16xf32, #tpu.memory_space<vmem>>, vector<1x16xf32>,
    %broadcast_in_dim3A_543 = arith.constant 0.000000e+00 : f32
    %broadcast_in_dim3A_544 = vector.broadcast %broadcast_in_dim3A_543 : f32 to vector<16xf32>
    %swap3A_545 = arith.constant 68 : i32
    %swap3A_546 = arith.index_cast %swap3A_545 : i32 to index
    %swap3A_547 = arith.constant 0 : index
    %swap3A_548 = tpu.vector_load %arg15[%swap3A_546, %swap3A_547] {strides = array<i32>} : memref<128x16xf32, #tpu.memory_space<vmem>>, vector<1x16xf32>,
    %swap3A_549 = vector.shape_cast %swap3A_548 : vector<1x16xf32> to vector<16xf32>
    %swap3A_550 = vector.shape_cast %broadcast_in_dim3A_544 : vector<16xf32> to vector<1x16xf32>
    tpu.vector_store %arg15[%swap3A_546, %swap3A_547], %swap3A_550 {strides = array<i32>} : memref<128x16xf32, #tpu.memory_space<vmem>>, vector<1x16xf32>,
    %broadcast_in_dim3A_551 = arith.constant 0.000000e+00 : f32
    %broadcast_in_dim3A_552 = vector.broadcast %broadcast_in_dim3A_551 : f32 to vector<16xf32>
    %swap3A_553 = arith.constant 69 : i32
    %swap3A_554 = arith.index_cast %swap3A_553 : i32 to index
    %swap3A_555 = arith.constant 0 : index
    %swap3A_556 = tpu.vector_load %arg15[%swap3A_554, %swap3A_555] {strides = array<i32>} : memref<128x16xf32, #tpu.memory_space<vmem>>, vector<1x16xf32>,
    %swap3A_557 = vector.shape_cast %swap3A_556 : vector<1x16xf32> to vector<16xf32>
    %swap3A_558 = vector.shape_cast %broadcast_in_dim3A_552 : vector<16xf32> to vector<1x16xf32>
    tpu.vector_store %arg15[%swap3A_554, %swap3A_555], %swap3A_558 {strides = array<i32>} : memref<128x16xf32, #tpu.memory_space<vmem>>, vector<1x16xf32>,
    %broadcast_in_dim3A_559 = arith.constant 0.000000e+00 : f32
    %broadcast_in_dim3A_560 = vector.broadcast %broadcast_in_dim3A_559 : f32 to vector<16xf32>
    %swap3A_561 = arith.constant 70 : i32
    %swap3A_562 = arith.index_cast %swap3A_561 : i32 to index
    %swap3A_563 = arith.constant 0 : index
    %swap3A_564 = tpu.vector_load %arg15[%swap3A_562, %swap3A_563] {strides = array<i32>} : memref<128x16xf32, #tpu.memory_space<vmem>>, vector<1x16xf32>,
    %swap3A_565 = vector.shape_cast %swap3A_564 : vector<1x16xf32> to vector<16xf32>
    %swap3A_566 = vector.shape_cast %broadcast_in_dim3A_560 : vector<16xf32> to vector<1x16xf32>
    tpu.vector_store %arg15[%swap3A_562, %swap3A_563], %swap3A_566 {strides = array<i32>} : memref<128x16xf32, #tpu.memory_space<vmem>>, vector<1x16xf32>,
    %broadcast_in_dim3A_567 = arith.constant 0.000000e+00 : f32
    %broadcast_in_dim3A_568 = vector.broadcast %broadcast_in_dim3A_567 : f32 to vector<16xf32>
    %swap3A_569 = arith.constant 71 : i32
    %swap3A_570 = arith.index_cast %swap3A_569 : i32 to index
    %swap3A_571 = arith.constant 0 : index
    %swap3A_572 = tpu.vector_load %arg15[%swap3A_570, %swap3A_571] {strides = array<i32>} : memref<128x16xf32, #tpu.memory_space<vmem>>, vector<1x16xf32>,
    %swap3A_573 = vector.shape_cast %swap3A_572 : vector<1x16xf32> to vector<16xf32>
    %swap3A_574 = vector.shape_cast %broadcast_in_dim3A_568 : vector<16xf32> to vector<1x16xf32>
    tpu.vector_store %arg15[%swap3A_570, %swap3A_571], %swap3A_574 {strides = array<i32>} : memref<128x16xf32, #tpu.memory_space<vmem>>, vector<1x16xf32>,
    %broadcast_in_dim3A_575 = arith.constant 0.000000e+00 : f32
    %broadcast_in_dim3A_576 = vector.broadcast %broadcast_in_dim3A_575 : f32 to vector<16xf32>
    %swap3A_577 = arith.constant 72 : i32
    %swap3A_578 = arith.index_cast %swap3A_577 : i32 to index
    %swap3A_579 = arith.constant 0 : index
    %swap3A_580 = tpu.vector_load %arg15[%swap3A_578, %swap3A_579] {strides = array<i32>} : memref<128x16xf32, #tpu.memory_space<vmem>>, vector<1x16xf32>,
    %swap3A_581 = vector.shape_cast %swap3A_580 : vector<1x16xf32> to vector<16xf32>
    %swap3A_582 = vector.shape_cast %broadcast_in_dim3A_576 : vector<16xf32> to vector<1x16xf32>
    tpu.vector_store %arg15[%swap3A_578, %swap3A_579], %swap3A_582 {strides = array<i32>} : memref<128x16xf32, #tpu.memory_space<vmem>>, vector<1x16xf32>,
    %broadcast_in_dim3A_583 = arith.constant 0.000000e+00 : f32
    %broadcast_in_dim3A_584 = vector.broadcast %broadcast_in_dim3A_583 : f32 to vector<16xf32>
    %swap3A_585 = arith.constant 73 : i32
    %swap3A_586 = arith.index_cast %swap3A_585 : i32 to index
    %swap3A_587 = arith.constant 0 : index
    %swap3A_588 = tpu.vector_load %arg15[%swap3A_586, %swap3A_587] {strides = array<i32>} : memref<128x16xf32, #tpu.memory_space<vmem>>, vector<1x16xf32>,
    %swap3A_589 = vector.shape_cast %swap3A_588 : vector<1x16xf32> to vector<16xf32>
    %swap3A_590 = vector.shape_cast %broadcast_in_dim3A_584 : vector<16xf32> to vector<1x16xf32>
    tpu.vector_store %arg15[%swap3A_586, %swap3A_587], %swap3A_590 {strides = array<i32>} : memref<128x16xf32, #tpu.memory_space<vmem>>, vector<1x16xf32>,
    %broadcast_in_dim3A_591 = arith.constant 0.000000e+00 : f32
    %broadcast_in_dim3A_592 = vector.broadcast %broadcast_in_dim3A_591 : f32 to vector<16xf32>
    %swap3A_593 = arith.constant 74 : i32
    %swap3A_594 = arith.index_cast %swap3A_593 : i32 to index
    %swap3A_595 = arith.constant 0 : index
    %swap3A_596 = tpu.vector_load %arg15[%swap3A_594, %swap3A_595] {strides = array<i32>} : memref<128x16xf32, #tpu.memory_space<vmem>>, vector<1x16xf32>,
    %swap3A_597 = vector.shape_cast %swap3A_596 : vector<1x16xf32> to vector<16xf32>
    %swap3A_598 = vector.shape_cast %broadcast_in_dim3A_592 : vector<16xf32> to vector<1x16xf32>
    tpu.vector_store %arg15[%swap3A_594, %swap3A_595], %swap3A_598 {strides = array<i32>} : memref<128x16xf32, #tpu.memory_space<vmem>>, vector<1x16xf32>,
    %broadcast_in_dim3A_599 = arith.constant 0.000000e+00 : f32
    %broadcast_in_dim3A_600 = vector.broadcast %broadcast_in_dim3A_599 : f32 to vector<16xf32>
    %swap3A_601 = arith.constant 75 : i32
    %swap3A_602 = arith.index_cast %swap3A_601 : i32 to index
    %swap3A_603 = arith.constant 0 : index
    %swap3A_604 = tpu.vector_load %arg15[%swap3A_602, %swap3A_603] {strides = array<i32>} : memref<128x16xf32, #tpu.memory_space<vmem>>, vector<1x16xf32>,
    %swap3A_605 = vector.shape_cast %swap3A_604 : vector<1x16xf32> to vector<16xf32>
    %swap3A_606 = vector.shape_cast %broadcast_in_dim3A_600 : vector<16xf32> to vector<1x16xf32>
    tpu.vector_store %arg15[%swap3A_602, %swap3A_603], %swap3A_606 {strides = array<i32>} : memref<128x16xf32, #tpu.memory_space<vmem>>, vector<1x16xf32>,
    %broadcast_in_dim3A_607 = arith.constant 0.000000e+00 : f32
    %broadcast_in_dim3A_608 = vector.broadcast %broadcast_in_dim3A_607 : f32 to vector<16xf32>
    %swap3A_609 = arith.constant 76 : i32
    %swap3A_610 = arith.index_cast %swap3A_609 : i32 to index
    %swap3A_611 = arith.constant 0 : index
    %swap3A_612 = tpu.vector_load %arg15[%swap3A_610, %swap3A_611] {strides = array<i32>} : memref<128x16xf32, #tpu.memory_space<vmem>>, vector<1x16xf32>,
    %swap3A_613 = vector.shape_cast %swap3A_612 : vector<1x16xf32> to vector<16xf32>
    %swap3A_614 = vector.shape_cast %broadcast_in_dim3A_608 : vector<16xf32> to vector<1x16xf32>
    tpu.vector_store %arg15[%swap3A_610, %swap3A_611], %swap3A_614 {strides = array<i32>} : memref<128x16xf32, #tpu.memory_space<vmem>>, vector<1x16xf32>,
    %broadcast_in_dim3A_615 = arith.constant 0.000000e+00 : f32
    %broadcast_in_dim3A_616 = vector.broadcast %broadcast_in_dim3A_615 : f32 to vector<16xf32>
    %swap3A_617 = arith.constant 77 : i32
    %swap3A_618 = arith.index_cast %swap3A_617 : i32 to index
    %swap3A_619 = arith.constant 0 : index
    %swap3A_620 = tpu.vector_load %arg15[%swap3A_618, %swap3A_619] {strides = array<i32>} : memref<128x16xf32, #tpu.memory_space<vmem>>, vector<1x16xf32>,
    %swap3A_621 = vector.shape_cast %swap3A_620 : vector<1x16xf32> to vector<16xf32>
    %swap3A_622 = vector.shape_cast %broadcast_in_dim3A_616 : vector<16xf32> to vector<1x16xf32>
    tpu.vector_store %arg15[%swap3A_618, %swap3A_619], %swap3A_622 {strides = array<i32>} : memref<128x16xf32, #tpu.memory_space<vmem>>, vector<1x16xf32>,
    %broadcast_in_dim3A_623 = arith.constant 0.000000e+00 : f32
    %broadcast_in_dim3A_624 = vector.broadcast %broadcast_in_dim3A_623 : f32 to vector<16xf32>
    %swap3A_625 = arith.constant 78 : i32
    %swap3A_626 = arith.index_cast %swap3A_625 : i32 to index
    %swap3A_627 = arith.constant 0 : index
    %swap3A_628 = tpu.vector_load %arg15[%swap3A_626, %swap3A_627] {strides = array<i32>} : memref<128x16xf32, #tpu.memory_space<vmem>>, vector<1x16xf32>,
    %swap3A_629 = vector.shape_cast %swap3A_628 : vector<1x16xf32> to vector<16xf32>
    %swap3A_630 = vector.shape_cast %broadcast_in_dim3A_624 : vector<16xf32> to vector<1x16xf32>
    tpu.vector_store %arg15[%swap3A_626, %swap3A_627], %swap3A_630 {strides = array<i32>} : memref<128x16xf32, #tpu.memory_space<vmem>>, vector<1x16xf32>,
    %broadcast_in_dim3A_631 = arith.constant 0.000000e+00 : f32
    %broadcast_in_dim3A_632 = vector.broadcast %broadcast_in_dim3A_631 : f32 to vector<16xf32>
    %swap3A_633 = arith.constant 79 : i32
    %swap3A_634 = arith.index_cast %swap3A_633 : i32 to index
    %swap3A_635 = arith.constant 0 : index
    %swap3A_636 = tpu.vector_load %arg15[%swap3A_634, %swap3A_635] {strides = array<i32>} : memref<128x16xf32, #tpu.memory_space<vmem>>, vector<1x16xf32>,
    %swap3A_637 = vector.shape_cast %swap3A_636 : vector<1x16xf32> to vector<16xf32>
    %swap3A_638 = vector.shape_cast %broadcast_in_dim3A_632 : vector<16xf32> to vector<1x16xf32>
    tpu.vector_store %arg15[%swap3A_634, %swap3A_635], %swap3A_638 {strides = array<i32>} : memref<128x16xf32, #tpu.memory_space<vmem>>, vector<1x16xf32>,
    %broadcast_in_dim3A_639 = arith.constant 0.000000e+00 : f32
    %broadcast_in_dim3A_640 = vector.broadcast %broadcast_in_dim3A_639 : f32 to vector<16xf32>
    %swap3A_641 = arith.constant 80 : i32
    %swap3A_642 = arith.index_cast %swap3A_641 : i32 to index
    %swap3A_643 = arith.constant 0 : index
    %swap3A_644 = tpu.vector_load %arg15[%swap3A_642, %swap3A_643] {strides = array<i32>} : memref<128x16xf32, #tpu.memory_space<vmem>>, vector<1x16xf32>,
    %swap3A_645 = vector.shape_cast %swap3A_644 : vector<1x16xf32> to vector<16xf32>
    %swap3A_646 = vector.shape_cast %broadcast_in_dim3A_640 : vector<16xf32> to vector<1x16xf32>
    tpu.vector_store %arg15[%swap3A_642, %swap3A_643], %swap3A_646 {strides = array<i32>} : memref<128x16xf32, #tpu.memory_space<vmem>>, vector<1x16xf32>,
    %broadcast_in_dim3A_647 = arith.constant 0.000000e+00 : f32
    %broadcast_in_dim3A_648 = vector.broadcast %broadcast_in_dim3A_647 : f32 to vector<16xf32>
    %swap3A_649 = arith.constant 81 : i32
    %swap3A_650 = arith.index_cast %swap3A_649 : i32 to index
    %swap3A_651 = arith.constant 0 : index
    %swap3A_652 = tpu.vector_load %arg15[%swap3A_650, %swap3A_651] {strides = array<i32>} : memref<128x16xf32, #tpu.memory_space<vmem>>, vector<1x16xf32>,
    %swap3A_653 = vector.shape_cast %swap3A_652 : vector<1x16xf32> to vector<16xf32>
    %swap3A_654 = vector.shape_cast %broadcast_in_dim3A_648 : vector<16xf32> to vector<1x16xf32>
    tpu.vector_store %arg15[%swap3A_650, %swap3A_651], %swap3A_654 {strides = array<i32>} : memref<128x16xf32, #tpu.memory_space<vmem>>, vector<1x16xf32>,
    %broadcast_in_dim3A_655 = arith.constant 0.000000e+00 : f32
    %broadcast_in_dim3A_656 = vector.broadcast %broadcast_in_dim3A_655 : f32 to vector<16xf32>
    %swap3A_657 = arith.constant 82 : i32
    %swap3A_658 = arith.index_cast %swap3A_657 : i32 to index
    %swap3A_659 = arith.constant 0 : index
    %swap3A_660 = tpu.vector_load %arg15[%swap3A_658, %swap3A_659] {strides = array<i32>} : memref<128x16xf32, #tpu.memory_space<vmem>>, vector<1x16xf32>,
    %swap3A_661 = vector.shape_cast %swap3A_660 : vector<1x16xf32> to vector<16xf32>
    %swap3A_662 = vector.shape_cast %broadcast_in_dim3A_656 : vector<16xf32> to vector<1x16xf32>
    tpu.vector_store %arg15[%swap3A_658, %swap3A_659], %swap3A_662 {strides = array<i32>} : memref<128x16xf32, #tpu.memory_space<vmem>>, vector<1x16xf32>,
    %broadcast_in_dim3A_663 = arith.constant 0.000000e+00 : f32
    %broadcast_in_dim3A_664 = vector.broadcast %broadcast_in_dim3A_663 : f32 to vector<16xf32>
    %swap3A_665 = arith.constant 83 : i32
    %swap3A_666 = arith.index_cast %swap3A_665 : i32 to index
    %swap3A_667 = arith.constant 0 : index
    %swap3A_668 = tpu.vector_load %arg15[%swap3A_666, %swap3A_667] {strides = array<i32>} : memref<128x16xf32, #tpu.memory_space<vmem>>, vector<1x16xf32>,
    %swap3A_669 = vector.shape_cast %swap3A_668 : vector<1x16xf32> to vector<16xf32>
    %swap3A_670 = vector.shape_cast %broadcast_in_dim3A_664 : vector<16xf32> to vector<1x16xf32>
    tpu.vector_store %arg15[%swap3A_666, %swap3A_667], %swap3A_670 {strides = array<i32>} : memref<128x16xf32, #tpu.memory_space<vmem>>, vector<1x16xf32>,
    %broadcast_in_dim3A_671 = arith.constant 0.000000e+00 : f32
    %broadcast_in_dim3A_672 = vector.broadcast %broadcast_in_dim3A_671 : f32 to vector<16xf32>
    %swap3A_673 = arith.constant 84 : i32
    %swap3A_674 = arith.index_cast %swap3A_673 : i32 to index
    %swap3A_675 = arith.constant 0 : index
    %swap3A_676 = tpu.vector_load %arg15[%swap3A_674, %swap3A_675] {strides = array<i32>} : memref<128x16xf32, #tpu.memory_space<vmem>>, vector<1x16xf32>,
    %swap3A_677 = vector.shape_cast %swap3A_676 : vector<1x16xf32> to vector<16xf32>
    %swap3A_678 = vector.shape_cast %broadcast_in_dim3A_672 : vector<16xf32> to vector<1x16xf32>
    tpu.vector_store %arg15[%swap3A_674, %swap3A_675], %swap3A_678 {strides = array<i32>} : memref<128x16xf32, #tpu.memory_space<vmem>>, vector<1x16xf32>,
    %broadcast_in_dim3A_679 = arith.constant 0.000000e+00 : f32
    %broadcast_in_dim3A_680 = vector.broadcast %broadcast_in_dim3A_679 : f32 to vector<16xf32>
    %swap3A_681 = arith.constant 85 : i32
    %swap3A_682 = arith.index_cast %swap3A_681 : i32 to index
    %swap3A_683 = arith.constant 0 : index
    %swap3A_684 = tpu.vector_load %arg15[%swap3A_682, %swap3A_683] {strides = array<i32>} : memref<128x16xf32, #tpu.memory_space<vmem>>, vector<1x16xf32>,
    %swap3A_685 = vector.shape_cast %swap3A_684 : vector<1x16xf32> to vector<16xf32>
    %swap3A_686 = vector.shape_cast %broadcast_in_dim3A_680 : vector<16xf32> to vector<1x16xf32>
    tpu.vector_store %arg15[%swap3A_682, %swap3A_683], %swap3A_686 {strides = array<i32>} : memref<128x16xf32, #tpu.memory_space<vmem>>, vector<1x16xf32>,
    %broadcast_in_dim3A_687 = arith.constant 0.000000e+00 : f32
    %broadcast_in_dim3A_688 = vector.broadcast %broadcast_in_dim3A_687 : f32 to vector<16xf32>
    %swap3A_689 = arith.constant 86 : i32
    %swap3A_690 = arith.index_cast %swap3A_689 : i32 to index
    %swap3A_691 = arith.constant 0 : index
    %swap3A_692 = tpu.vector_load %arg15[%swap3A_690, %swap3A_691] {strides = array<i32>} : memref<128x16xf32, #tpu.memory_space<vmem>>, vector<1x16xf32>,
    %swap3A_693 = vector.shape_cast %swap3A_692 : vector<1x16xf32> to vector<16xf32>
    %swap3A_694 = vector.shape_cast %broadcast_in_dim3A_688 : vector<16xf32> to vector<1x16xf32>
    tpu.vector_store %arg15[%swap3A_690, %swap3A_691], %swap3A_694 {strides = array<i32>} : memref<128x16xf32, #tpu.memory_space<vmem>>, vector<1x16xf32>,
    %broadcast_in_dim3A_695 = arith.constant 0.000000e+00 : f32
    %broadcast_in_dim3A_696 = vector.broadcast %broadcast_in_dim3A_695 : f32 to vector<16xf32>
    %swap3A_697 = arith.constant 87 : i32
    %swap3A_698 = arith.index_cast %swap3A_697 : i32 to index
    %swap3A_699 = arith.constant 0 : index
    %swap3A_700 = tpu.vector_load %arg15[%swap3A_698, %swap3A_699] {strides = array<i32>} : memref<128x16xf32, #tpu.memory_space<vmem>>, vector<1x16xf32>,
    %swap3A_701 = vector.shape_cast %swap3A_700 : vector<1x16xf32> to vector<16xf32>
    %swap3A_702 = vector.shape_cast %broadcast_in_dim3A_696 : vector<16xf32> to vector<1x16xf32>
    tpu.vector_store %arg15[%swap3A_698, %swap3A_699], %swap3A_702 {strides = array<i32>} : memref<128x16xf32, #tpu.memory_space<vmem>>, vector<1x16xf32>,
    %broadcast_in_dim3A_703 = arith.constant 0.000000e+00 : f32
    %broadcast_in_dim3A_704 = vector.broadcast %broadcast_in_dim3A_703 : f32 to vector<16xf32>
    %swap3A_705 = arith.constant 88 : i32
    %swap3A_706 = arith.index_cast %swap3A_705 : i32 to index
    %swap3A_707 = arith.constant 0 : index
    %swap3A_708 = tpu.vector_load %arg15[%swap3A_706, %swap3A_707] {strides = array<i32>} : memref<128x16xf32, #tpu.memory_space<vmem>>, vector<1x16xf32>,
    %swap3A_709 = vector.shape_cast %swap3A_708 : vector<1x16xf32> to vector<16xf32>
    %swap3A_710 = vector.shape_cast %broadcast_in_dim3A_704 : vector<16xf32> to vector<1x16xf32>
    tpu.vector_store %arg15[%swap3A_706, %swap3A_707], %swap3A_710 {strides = array<i32>} : memref<128x16xf32, #tpu.memory_space<vmem>>, vector<1x16xf32>,
    %broadcast_in_dim3A_711 = arith.constant 0.000000e+00 : f32
    %broadcast_in_dim3A_712 = vector.broadcast %broadcast_in_dim3A_711 : f32 to vector<16xf32>
    %swap3A_713 = arith.constant 89 : i32
    %swap3A_714 = arith.index_cast %swap3A_713 : i32 to index
    %swap3A_715 = arith.constant 0 : index
    %swap3A_716 = tpu.vector_load %arg15[%swap3A_714, %swap3A_715] {strides = array<i32>} : memref<128x16xf32, #tpu.memory_space<vmem>>, vector<1x16xf32>,
    %swap3A_717 = vector.shape_cast %swap3A_716 : vector<1x16xf32> to vector<16xf32>
    %swap3A_718 = vector.shape_cast %broadcast_in_dim3A_712 : vector<16xf32> to vector<1x16xf32>
    tpu.vector_store %arg15[%swap3A_714, %swap3A_715], %swap3A_718 {strides = array<i32>} : memref<128x16xf32, #tpu.memory_space<vmem>>, vector<1x16xf32>,
    %broadcast_in_dim3A_719 = arith.constant 0.000000e+00 : f32
    %broadcast_in_dim3A_720 = vector.broadcast %broadcast_in_dim3A_719 : f32 to vector<16xf32>
    %swap3A_721 = arith.constant 90 : i32
    %swap3A_722 = arith.index_cast %swap3A_721 : i32 to index
    %swap3A_723 = arith.constant 0 : index
    %swap3A_724 = tpu.vector_load %arg15[%swap3A_722, %swap3A_723] {strides = array<i32>} : memref<128x16xf32, #tpu.memory_space<vmem>>, vector<1x16xf32>,
    %swap3A_725 = vector.shape_cast %swap3A_724 : vector<1x16xf32> to vector<16xf32>
    %swap3A_726 = vector.shape_cast %broadcast_in_dim3A_720 : vector<16xf32> to vector<1x16xf32>
    tpu.vector_store %arg15[%swap3A_722, %swap3A_723], %swap3A_726 {strides = array<i32>} : memref<128x16xf32, #tpu.memory_space<vmem>>, vector<1x16xf32>,
    %broadcast_in_dim3A_727 = arith.constant 0.000000e+00 : f32
    %broadcast_in_dim3A_728 = vector.broadcast %broadcast_in_dim3A_727 : f32 to vector<16xf32>
    %swap3A_729 = arith.constant 91 : i32
    %swap3A_730 = arith.index_cast %swap3A_729 : i32 to index
    %swap3A_731 = arith.constant 0 : index
    %swap3A_732 = tpu.vector_load %arg15[%swap3A_730, %swap3A_731] {strides = array<i32>} : memref<128x16xf32, #tpu.memory_space<vmem>>, vector<1x16xf32>,
    %swap3A_733 = vector.shape_cast %swap3A_732 : vector<1x16xf32> to vector<16xf32>
    %swap3A_734 = vector.shape_cast %broadcast_in_dim3A_728 : vector<16xf32> to vector<1x16xf32>
    tpu.vector_store %arg15[%swap3A_730, %swap3A_731], %swap3A_734 {strides = array<i32>} : memref<128x16xf32, #tpu.memory_space<vmem>>, vector<1x16xf32>,
    %broadcast_in_dim3A_735 = arith.constant 0.000000e+00 : f32
    %broadcast_in_dim3A_736 = vector.broadcast %broadcast_in_dim3A_735 : f32 to vector<16xf32>
    %swap3A_737 = arith.constant 92 : i32
    %swap3A_738 = arith.index_cast %swap3A_737 : i32 to index
    %swap3A_739 = arith.constant 0 : index
    %swap3A_740 = tpu.vector_load %arg15[%swap3A_738, %swap3A_739] {strides = array<i32>} : memref<128x16xf32, #tpu.memory_space<vmem>>, vector<1x16xf32>,
    %swap3A_741 = vector.shape_cast %swap3A_740 : vector<1x16xf32> to vector<16xf32>
    %swap3A_742 = vector.shape_cast %broadcast_in_dim3A_736 : vector<16xf32> to vector<1x16xf32>
    tpu.vector_store %arg15[%swap3A_738, %swap3A_739], %swap3A_742 {strides = array<i32>} : memref<128x16xf32, #tpu.memory_space<vmem>>, vector<1x16xf32>,
    %broadcast_in_dim3A_743 = arith.constant 0.000000e+00 : f32
    %broadcast_in_dim3A_744 = vector.broadcast %broadcast_in_dim3A_743 : f32 to vector<16xf32>
    %swap3A_745 = arith.constant 93 : i32
    %swap3A_746 = arith.index_cast %swap3A_745 : i32 to index
    %swap3A_747 = arith.constant 0 : index
    %swap3A_748 = tpu.vector_load %arg15[%swap3A_746, %swap3A_747] {strides = array<i32>} : memref<128x16xf32, #tpu.memory_space<vmem>>, vector<1x16xf32>,
    %swap3A_749 = vector.shape_cast %swap3A_748 : vector<1x16xf32> to vector<16xf32>
    %swap3A_750 = vector.shape_cast %broadcast_in_dim3A_744 : vector<16xf32> to vector<1x16xf32>
    tpu.vector_store %arg15[%swap3A_746, %swap3A_747], %swap3A_750 {strides = array<i32>} : memref<128x16xf32, #tpu.memory_space<vmem>>, vector<1x16xf32>,
    %broadcast_in_dim3A_751 = arith.constant 0.000000e+00 : f32
    %broadcast_in_dim3A_752 = vector.broadcast %broadcast_in_dim3A_751 : f32 to vector<16xf32>
    %swap3A_753 = arith.constant 94 : i32
    %swap3A_754 = arith.index_cast %swap3A_753 : i32 to index
    %swap3A_755 = arith.constant 0 : index
    %swap3A_756 = tpu.vector_load %arg15[%swap3A_754, %swap3A_755] {strides = array<i32>} : memref<128x16xf32, #tpu.memory_space<vmem>>, vector<1x16xf32>,
    %swap3A_757 = vector.shape_cast %swap3A_756 : vector<1x16xf32> to vector<16xf32>
    %swap3A_758 = vector.shape_cast %broadcast_in_dim3A_752 : vector<16xf32> to vector<1x16xf32>
    tpu.vector_store %arg15[%swap3A_754, %swap3A_755], %swap3A_758 {strides = array<i32>} : memref<128x16xf32, #tpu.memory_space<vmem>>, vector<1x16xf32>,
    %broadcast_in_dim3A_759 = arith.constant 0.000000e+00 : f32
    %broadcast_in_dim3A_760 = vector.broadcast %broadcast_in_dim3A_759 : f32 to vector<16xf32>
    %swap3A_761 = arith.constant 95 : i32
    %swap3A_762 = arith.index_cast %swap3A_761 : i32 to index
    %swap3A_763 = arith.constant 0 : index
    %swap3A_764 = tpu.vector_load %arg15[%swap3A_762, %swap3A_763] {strides = array<i32>} : memref<128x16xf32, #tpu.memory_space<vmem>>, vector<1x16xf32>,
    %swap3A_765 = vector.shape_cast %swap3A_764 : vector<1x16xf32> to vector<16xf32>
    %swap3A_766 = vector.shape_cast %broadcast_in_dim3A_760 : vector<16xf32> to vector<1x16xf32>
    tpu.vector_store %arg15[%swap3A_762, %swap3A_763], %swap3A_766 {strides = array<i32>} : memref<128x16xf32, #tpu.memory_space<vmem>>, vector<1x16xf32>,
    %broadcast_in_dim3A_767 = arith.constant 0.000000e+00 : f32
    %broadcast_in_dim3A_768 = vector.broadcast %broadcast_in_dim3A_767 : f32 to vector<16xf32>
    %swap3A_769 = arith.constant 96 : i32
    %swap3A_770 = arith.index_cast %swap3A_769 : i32 to index
    %swap3A_771 = arith.constant 0 : index
    %swap3A_772 = tpu.vector_load %arg15[%swap3A_770, %swap3A_771] {strides = array<i32>} : memref<128x16xf32, #tpu.memory_space<vmem>>, vector<1x16xf32>,
    %swap3A_773 = vector.shape_cast %swap3A_772 : vector<1x16xf32> to vector<16xf32>
    %swap3A_774 = vector.shape_cast %broadcast_in_dim3A_768 : vector<16xf32> to vector<1x16xf32>
    tpu.vector_store %arg15[%swap3A_770, %swap3A_771], %swap3A_774 {strides = array<i32>} : memref<128x16xf32, #tpu.memory_space<vmem>>, vector<1x16xf32>,
    %broadcast_in_dim3A_775 = arith.constant 0.000000e+00 : f32
    %broadcast_in_dim3A_776 = vector.broadcast %broadcast_in_dim3A_775 : f32 to vector<16xf32>
    %swap3A_777 = arith.constant 97 : i32
    %swap3A_778 = arith.index_cast %swap3A_777 : i32 to index
    %swap3A_779 = arith.constant 0 : index
    %swap3A_780 = tpu.vector_load %arg15[%swap3A_778, %swap3A_779] {strides = array<i32>} : memref<128x16xf32, #tpu.memory_space<vmem>>, vector<1x16xf32>,
    %swap3A_781 = vector.shape_cast %swap3A_780 : vector<1x16xf32> to vector<16xf32>
    %swap3A_782 = vector.shape_cast %broadcast_in_dim3A_776 : vector<16xf32> to vector<1x16xf32>
    tpu.vector_store %arg15[%swap3A_778, %swap3A_779], %swap3A_782 {strides = array<i32>} : memref<128x16xf32, #tpu.memory_space<vmem>>, vector<1x16xf32>,
    %broadcast_in_dim3A_783 = arith.constant 0.000000e+00 : f32
    %broadcast_in_dim3A_784 = vector.broadcast %broadcast_in_dim3A_783 : f32 to vector<16xf32>
    %swap3A_785 = arith.constant 98 : i32
    %swap3A_786 = arith.index_cast %swap3A_785 : i32 to index
    %swap3A_787 = arith.constant 0 : index
    %swap3A_788 = tpu.vector_load %arg15[%swap3A_786, %swap3A_787] {strides = array<i32>} : memref<128x16xf32, #tpu.memory_space<vmem>>, vector<1x16xf32>,
    %swap3A_789 = vector.shape_cast %swap3A_788 : vector<1x16xf32> to vector<16xf32>
    %swap3A_790 = vector.shape_cast %broadcast_in_dim3A_784 : vector<16xf32> to vector<1x16xf32>
    tpu.vector_store %arg15[%swap3A_786, %swap3A_787], %swap3A_790 {strides = array<i32>} : memref<128x16xf32, #tpu.memory_space<vmem>>, vector<1x16xf32>,
    %broadcast_in_dim3A_791 = arith.constant 0.000000e+00 : f32
    %broadcast_in_dim3A_792 = vector.broadcast %broadcast_in_dim3A_791 : f32 to vector<16xf32>
    %swap3A_793 = arith.constant 99 : i32
    %swap3A_794 = arith.index_cast %swap3A_793 : i32 to index
    %swap3A_795 = arith.constant 0 : index
    %swap3A_796 = tpu.vector_load %arg15[%swap3A_794, %swap3A_795] {strides = array<i32>} : memref<128x16xf32, #tpu.memory_space<vmem>>, vector<1x16xf32>,
    %swap3A_797 = vector.shape_cast %swap3A_796 : vector<1x16xf32> to vector<16xf32>
    %swap3A_798 = vector.shape_cast %broadcast_in_dim3A_792 : vector<16xf32> to vector<1x16xf32>
    tpu.vector_store %arg15[%swap3A_794, %swap3A_795], %swap3A_798 {strides = array<i32>} : memref<128x16xf32, #tpu.memory_space<vmem>>, vector<1x16xf32>,
    %broadcast_in_dim3A_799 = arith.constant 0.000000e+00 : f32
    %broadcast_in_dim3A_800 = vector.broadcast %broadcast_in_dim3A_799 : f32 to vector<16xf32>
    %swap3A_801 = arith.constant 100 : i32
    %swap3A_802 = arith.index_cast %swap3A_801 : i32 to index
    %swap3A_803 = arith.constant 0 : index
    %swap3A_804 = tpu.vector_load %arg15[%swap3A_802, %swap3A_803] {strides = array<i32>} : memref<128x16xf32, #tpu.memory_space<vmem>>, vector<1x16xf32>,
    %swap3A_805 = vector.shape_cast %swap3A_804 : vector<1x16xf32> to vector<16xf32>
    %swap3A_806 = vector.shape_cast %broadcast_in_dim3A_800 : vector<16xf32> to vector<1x16xf32>
    tpu.vector_store %arg15[%swap3A_802, %swap3A_803], %swap3A_806 {strides = array<i32>} : memref<128x16xf32, #tpu.memory_space<vmem>>, vector<1x16xf32>,
    %broadcast_in_dim3A_807 = arith.constant 0.000000e+00 : f32
    %broadcast_in_dim3A_808 = vector.broadcast %broadcast_in_dim3A_807 : f32 to vector<16xf32>
    %swap3A_809 = arith.constant 101 : i32
    %swap3A_810 = arith.index_cast %swap3A_809 : i32 to index
    %swap3A_811 = arith.constant 0 : index
    %swap3A_812 = tpu.vector_load %arg15[%swap3A_810, %swap3A_811] {strides = array<i32>} : memref<128x16xf32, #tpu.memory_space<vmem>>, vector<1x16xf32>,
    %swap3A_813 = vector.shape_cast %swap3A_812 : vector<1x16xf32> to vector<16xf32>
    %swap3A_814 = vector.shape_cast %broadcast_in_dim3A_808 : vector<16xf32> to vector<1x16xf32>
    tpu.vector_store %arg15[%swap3A_810, %swap3A_811], %swap3A_814 {strides = array<i32>} : memref<128x16xf32, #tpu.memory_space<vmem>>, vector<1x16xf32>,
    %broadcast_in_dim3A_815 = arith.constant 0.000000e+00 : f32
    %broadcast_in_dim3A_816 = vector.broadcast %broadcast_in_dim3A_815 : f32 to vector<16xf32>
    %swap3A_817 = arith.constant 102 : i32
    %swap3A_818 = arith.index_cast %swap3A_817 : i32 to index
    %swap3A_819 = arith.constant 0 : index
    %swap3A_820 = tpu.vector_load %arg15[%swap3A_818, %swap3A_819] {strides = array<i32>} : memref<128x16xf32, #tpu.memory_space<vmem>>, vector<1x16xf32>,
    %swap3A_821 = vector.shape_cast %swap3A_820 : vector<1x16xf32> to vector<16xf32>
    %swap3A_822 = vector.shape_cast %broadcast_in_dim3A_816 : vector<16xf32> to vector<1x16xf32>
    tpu.vector_store %arg15[%swap3A_818, %swap3A_819], %swap3A_822 {strides = array<i32>} : memref<128x16xf32, #tpu.memory_space<vmem>>, vector<1x16xf32>,
    %broadcast_in_dim3A_823 = arith.constant 0.000000e+00 : f32
    %broadcast_in_dim3A_824 = vector.broadcast %broadcast_in_dim3A_823 : f32 to vector<16xf32>
    %swap3A_825 = arith.constant 103 : i32
    %swap3A_826 = arith.index_cast %swap3A_825 : i32 to index
    %swap3A_827 = arith.constant 0 : index
    %swap3A_828 = tpu.vector_load %arg15[%swap3A_826, %swap3A_827] {strides = array<i32>} : memref<128x16xf32, #tpu.memory_space<vmem>>, vector<1x16xf32>,
    %swap3A_829 = vector.shape_cast %swap3A_828 : vector<1x16xf32> to vector<16xf32>
    %swap3A_830 = vector.shape_cast %broadcast_in_dim3A_824 : vector<16xf32> to vector<1x16xf32>
    tpu.vector_store %arg15[%swap3A_826, %swap3A_827], %swap3A_830 {strides = array<i32>} : memref<128x16xf32, #tpu.memory_space<vmem>>, vector<1x16xf32>,
    %broadcast_in_dim3A_831 = arith.constant 0.000000e+00 : f32
    %broadcast_in_dim3A_832 = vector.broadcast %broadcast_in_dim3A_831 : f32 to vector<16xf32>
    %swap3A_833 = arith.constant 104 : i32
    %swap3A_834 = arith.index_cast %swap3A_833 : i32 to index
    %swap3A_835 = arith.constant 0 : index
    %swap3A_836 = tpu.vector_load %arg15[%swap3A_834, %swap3A_835] {strides = array<i32>} : memref<128x16xf32, #tpu.memory_space<vmem>>, vector<1x16xf32>,
    %swap3A_837 = vector.shape_cast %swap3A_836 : vector<1x16xf32> to vector<16xf32>
    %swap3A_838 = vector.shape_cast %broadcast_in_dim3A_832 : vector<16xf32> to vector<1x16xf32>
    tpu.vector_store %arg15[%swap3A_834, %swap3A_835], %swap3A_838 {strides = array<i32>} : memref<128x16xf32, #tpu.memory_space<vmem>>, vector<1x16xf32>,
    %broadcast_in_dim3A_839 = arith.constant 0.000000e+00 : f32
    %broadcast_in_dim3A_840 = vector.broadcast %broadcast_in_dim3A_839 : f32 to vector<16xf32>
    %swap3A_841 = arith.constant 105 : i32
    %swap3A_842 = arith.index_cast %swap3A_841 : i32 to index
    %swap3A_843 = arith.constant 0 : index
    %swap3A_844 = tpu.vector_load %arg15[%swap3A_842, %swap3A_843] {strides = array<i32>} : memref<128x16xf32, #tpu.memory_space<vmem>>, vector<1x16xf32>,
    %swap3A_845 = vector.shape_cast %swap3A_844 : vector<1x16xf32> to vector<16xf32>
    %swap3A_846 = vector.shape_cast %broadcast_in_dim3A_840 : vector<16xf32> to vector<1x16xf32>
    tpu.vector_store %arg15[%swap3A_842, %swap3A_843], %swap3A_846 {strides = array<i32>} : memref<128x16xf32, #tpu.memory_space<vmem>>, vector<1x16xf32>,
    %broadcast_in_dim3A_847 = arith.constant 0.000000e+00 : f32
    %broadcast_in_dim3A_848 = vector.broadcast %broadcast_in_dim3A_847 : f32 to vector<16xf32>
    %swap3A_849 = arith.constant 106 : i32
    %swap3A_850 = arith.index_cast %swap3A_849 : i32 to index
    %swap3A_851 = arith.constant 0 : index
    %swap3A_852 = tpu.vector_load %arg15[%swap3A_850, %swap3A_851] {strides = array<i32>} : memref<128x16xf32, #tpu.memory_space<vmem>>, vector<1x16xf32>,
    %swap3A_853 = vector.shape_cast %swap3A_852 : vector<1x16xf32> to vector<16xf32>
    %swap3A_854 = vector.shape_cast %broadcast_in_dim3A_848 : vector<16xf32> to vector<1x16xf32>
    tpu.vector_store %arg15[%swap3A_850, %swap3A_851], %swap3A_854 {strides = array<i32>} : memref<128x16xf32, #tpu.memory_space<vmem>>, vector<1x16xf32>,
    %broadcast_in_dim3A_855 = arith.constant 0.000000e+00 : f32
    %broadcast_in_dim3A_856 = vector.broadcast %broadcast_in_dim3A_855 : f32 to vector<16xf32>
    %swap3A_857 = arith.constant 107 : i32
    %swap3A_858 = arith.index_cast %swap3A_857 : i32 to index
    %swap3A_859 = arith.constant 0 : index
    %swap3A_860 = tpu.vector_load %arg15[%swap3A_858, %swap3A_859] {strides = array<i32>} : memref<128x16xf32, #tpu.memory_space<vmem>>, vector<1x16xf32>,
    %swap3A_861 = vector.shape_cast %swap3A_860 : vector<1x16xf32> to vector<16xf32>
    %swap3A_862 = vector.shape_cast %broadcast_in_dim3A_856 : vector<16xf32> to vector<1x16xf32>
    tpu.vector_store %arg15[%swap3A_858, %swap3A_859], %swap3A_862 {strides = array<i32>} : memref<128x16xf32, #tpu.memory_space<vmem>>, vector<1x16xf32>,
    %broadcast_in_dim3A_863 = arith.constant 0.000000e+00 : f32
    %broadcast_in_dim3A_864 = vector.broadcast %broadcast_in_dim3A_863 : f32 to vector<16xf32>
    %swap3A_865 = arith.constant 108 : i32
    %swap3A_866 = arith.index_cast %swap3A_865 : i32 to index
    %swap3A_867 = arith.constant 0 : index
    %swap3A_868 = tpu.vector_load %arg15[%swap3A_866, %swap3A_867] {strides = array<i32>} : memref<128x16xf32, #tpu.memory_space<vmem>>, vector<1x16xf32>,
    %swap3A_869 = vector.shape_cast %swap3A_868 : vector<1x16xf32> to vector<16xf32>
    %swap3A_870 = vector.shape_cast %broadcast_in_dim3A_864 : vector<16xf32> to vector<1x16xf32>
    tpu.vector_store %arg15[%swap3A_866, %swap3A_867], %swap3A_870 {strides = array<i32>} : memref<128x16xf32, #tpu.memory_space<vmem>>, vector<1x16xf32>,
    %broadcast_in_dim3A_871 = arith.constant 0.000000e+00 : f32
    %broadcast_in_dim3A_872 = vector.broadcast %broadcast_in_dim3A_871 : f32 to vector<16xf32>
    %swap3A_873 = arith.constant 109 : i32
    %swap3A_874 = arith.index_cast %swap3A_873 : i32 to index
    %swap3A_875 = arith.constant 0 : index
    %swap3A_876 = tpu.vector_load %arg15[%swap3A_874, %swap3A_875] {strides = array<i32>} : memref<128x16xf32, #tpu.memory_space<vmem>>, vector<1x16xf32>,
    %swap3A_877 = vector.shape_cast %swap3A_876 : vector<1x16xf32> to vector<16xf32>
    %swap3A_878 = vector.shape_cast %broadcast_in_dim3A_872 : vector<16xf32> to vector<1x16xf32>
    tpu.vector_store %arg15[%swap3A_874, %swap3A_875], %swap3A_878 {strides = array<i32>} : memref<128x16xf32, #tpu.memory_space<vmem>>, vector<1x16xf32>,
    %broadcast_in_dim3A_879 = arith.constant 0.000000e+00 : f32
    %broadcast_in_dim3A_880 = vector.broadcast %broadcast_in_dim3A_879 : f32 to vector<16xf32>
    %swap3A_881 = arith.constant 110 : i32
    %swap3A_882 = arith.index_cast %swap3A_881 : i32 to index
    %swap3A_883 = arith.constant 0 : index
    %swap3A_884 = tpu.vector_load %arg15[%swap3A_882, %swap3A_883] {strides = array<i32>} : memref<128x16xf32, #tpu.memory_space<vmem>>, vector<1x16xf32>,
    %swap3A_885 = vector.shape_cast %swap3A_884 : vector<1x16xf32> to vector<16xf32>
    %swap3A_886 = vector.shape_cast %broadcast_in_dim3A_880 : vector<16xf32> to vector<1x16xf32>
    tpu.vector_store %arg15[%swap3A_882, %swap3A_883], %swap3A_886 {strides = array<i32>} : memref<128x16xf32, #tpu.memory_space<vmem>>, vector<1x16xf32>,
    %broadcast_in_dim3A_887 = arith.constant 0.000000e+00 : f32
    %broadcast_in_dim3A_888 = vector.broadcast %broadcast_in_dim3A_887 : f32 to vector<16xf32>
    %swap3A_889 = arith.constant 111 : i32
    %swap3A_890 = arith.index_cast %swap3A_889 : i32 to index
    %swap3A_891 = arith.constant 0 : index
    %swap3A_892 = tpu.vector_load %arg15[%swap3A_890, %swap3A_891] {strides = array<i32>} : memref<128x16xf32, #tpu.memory_space<vmem>>, vector<1x16xf32>,
    %swap3A_893 = vector.shape_cast %swap3A_892 : vector<1x16xf32> to vector<16xf32>
    %swap3A_894 = vector.shape_cast %broadcast_in_dim3A_888 : vector<16xf32> to vector<1x16xf32>
    tpu.vector_store %arg15[%swap3A_890, %swap3A_891], %swap3A_894 {strides = array<i32>} : memref<128x16xf32, #tpu.memory_space<vmem>>, vector<1x16xf32>,
    %broadcast_in_dim3A_895 = arith.constant 0.000000e+00 : f32
    %broadcast_in_dim3A_896 = vector.broadcast %broadcast_in_dim3A_895 : f32 to vector<16xf32>
    %swap3A_897 = arith.constant 112 : i32
    %swap3A_898 = arith.index_cast %swap3A_897 : i32 to index
    %swap3A_899 = arith.constant 0 : index
    %swap3A_900 = tpu.vector_load %arg15[%swap3A_898, %swap3A_899] {strides = array<i32>} : memref<128x16xf32, #tpu.memory_space<vmem>>, vector<1x16xf32>,
    %swap3A_901 = vector.shape_cast %swap3A_900 : vector<1x16xf32> to vector<16xf32>
    %swap3A_902 = vector.shape_cast %broadcast_in_dim3A_896 : vector<16xf32> to vector<1x16xf32>
    tpu.vector_store %arg15[%swap3A_898, %swap3A_899], %swap3A_902 {strides = array<i32>} : memref<128x16xf32, #tpu.memory_space<vmem>>, vector<1x16xf32>,
    %broadcast_in_dim3A_903 = arith.constant 0.000000e+00 : f32
    %broadcast_in_dim3A_904 = vector.broadcast %broadcast_in_dim3A_903 : f32 to vector<16xf32>
    %swap3A_905 = arith.constant 113 : i32
    %swap3A_906 = arith.index_cast %swap3A_905 : i32 to index
    %swap3A_907 = arith.constant 0 : index
    %swap3A_908 = tpu.vector_load %arg15[%swap3A_906, %swap3A_907] {strides = array<i32>} : memref<128x16xf32, #tpu.memory_space<vmem>>, vector<1x16xf32>,
    %swap3A_909 = vector.shape_cast %swap3A_908 : vector<1x16xf32> to vector<16xf32>
    %swap3A_910 = vector.shape_cast %broadcast_in_dim3A_904 : vector<16xf32> to vector<1x16xf32>
    tpu.vector_store %arg15[%swap3A_906, %swap3A_907], %swap3A_910 {strides = array<i32>} : memref<128x16xf32, #tpu.memory_space<vmem>>, vector<1x16xf32>,
    %broadcast_in_dim3A_911 = arith.constant 0.000000e+00 : f32
    %broadcast_in_dim3A_912 = vector.broadcast %broadcast_in_dim3A_911 : f32 to vector<16xf32>
    %swap3A_913 = arith.constant 114 : i32
    %swap3A_914 = arith.index_cast %swap3A_913 : i32 to index
    %swap3A_915 = arith.constant 0 : index
    %swap3A_916 = tpu.vector_load %arg15[%swap3A_914, %swap3A_915] {strides = array<i32>} : memref<128x16xf32, #tpu.memory_space<vmem>>, vector<1x16xf32>,
    %swap3A_917 = vector.shape_cast %swap3A_916 : vector<1x16xf32> to vector<16xf32>
    %swap3A_918 = vector.shape_cast %broadcast_in_dim3A_912 : vector<16xf32> to vector<1x16xf32>
    tpu.vector_store %arg15[%swap3A_914, %swap3A_915], %swap3A_918 {strides = array<i32>} : memref<128x16xf32, #tpu.memory_space<vmem>>, vector<1x16xf32>,
    %broadcast_in_dim3A_919 = arith.constant 0.000000e+00 : f32
    %broadcast_in_dim3A_920 = vector.broadcast %broadcast_in_dim3A_919 : f32 to vector<16xf32>
    %swap3A_921 = arith.constant 115 : i32
    %swap3A_922 = arith.index_cast %swap3A_921 : i32 to index
    %swap3A_923 = arith.constant 0 : index
    %swap3A_924 = tpu.vector_load %arg15[%swap3A_922, %swap3A_923] {strides = array<i32>} : memref<128x16xf32, #tpu.memory_space<vmem>>, vector<1x16xf32>,
    %swap3A_925 = vector.shape_cast %swap3A_924 : vector<1x16xf32> to vector<16xf32>
    %swap3A_926 = vector.shape_cast %broadcast_in_dim3A_920 : vector<16xf32> to vector<1x16xf32>
    tpu.vector_store %arg15[%swap3A_922, %swap3A_923], %swap3A_926 {strides = array<i32>} : memref<128x16xf32, #tpu.memory_space<vmem>>, vector<1x16xf32>,
    %broadcast_in_dim3A_927 = arith.constant 0.000000e+00 : f32
    %broadcast_in_dim3A_928 = vector.broadcast %broadcast_in_dim3A_927 : f32 to vector<16xf32>
    %swap3A_929 = arith.constant 116 : i32
    %swap3A_930 = arith.index_cast %swap3A_929 : i32 to index
    %swap3A_931 = arith.constant 0 : index
    %swap3A_932 = tpu.vector_load %arg15[%swap3A_930, %swap3A_931] {strides = array<i32>} : memref<128x16xf32, #tpu.memory_space<vmem>>, vector<1x16xf32>,
    %swap3A_933 = vector.shape_cast %swap3A_932 : vector<1x16xf32> to vector<16xf32>
    %swap3A_934 = vector.shape_cast %broadcast_in_dim3A_928 : vector<16xf32> to vector<1x16xf32>
    tpu.vector_store %arg15[%swap3A_930, %swap3A_931], %swap3A_934 {strides = array<i32>} : memref<128x16xf32, #tpu.memory_space<vmem>>, vector<1x16xf32>,
    %broadcast_in_dim3A_935 = arith.constant 0.000000e+00 : f32
    %broadcast_in_dim3A_936 = vector.broadcast %broadcast_in_dim3A_935 : f32 to vector<16xf32>
    %swap3A_937 = arith.constant 117 : i32
    %swap3A_938 = arith.index_cast %swap3A_937 : i32 to index
    %swap3A_939 = arith.constant 0 : index
    %swap3A_940 = tpu.vector_load %arg15[%swap3A_938, %swap3A_939] {strides = array<i32>} : memref<128x16xf32, #tpu.memory_space<vmem>>, vector<1x16xf32>,
    %swap3A_941 = vector.shape_cast %swap3A_940 : vector<1x16xf32> to vector<16xf32>
    %swap3A_942 = vector.shape_cast %broadcast_in_dim3A_936 : vector<16xf32> to vector<1x16xf32>
    tpu.vector_store %arg15[%swap3A_938, %swap3A_939], %swap3A_942 {strides = array<i32>} : memref<128x16xf32, #tpu.memory_space<vmem>>, vector<1x16xf32>,
    %broadcast_in_dim3A_943 = arith.constant 0.000000e+00 : f32
    %broadcast_in_dim3A_944 = vector.broadcast %broadcast_in_dim3A_943 : f32 to vector<16xf32>
    %swap3A_945 = arith.constant 118 : i32
    %swap3A_946 = arith.index_cast %swap3A_945 : i32 to index
    %swap3A_947 = arith.constant 0 : index
    %swap3A_948 = tpu.vector_load %arg15[%swap3A_946, %swap3A_947] {strides = array<i32>} : memref<128x16xf32, #tpu.memory_space<vmem>>, vector<1x16xf32>,
    %swap3A_949 = vector.shape_cast %swap3A_948 : vector<1x16xf32> to vector<16xf32>
    %swap3A_950 = vector.shape_cast %broadcast_in_dim3A_944 : vector<16xf32> to vector<1x16xf32>
    tpu.vector_store %arg15[%swap3A_946, %swap3A_947], %swap3A_950 {strides = array<i32>} : memref<128x16xf32, #tpu.memory_space<vmem>>, vector<1x16xf32>,
    %broadcast_in_dim3A_951 = arith.constant 0.000000e+00 : f32
    %broadcast_in_dim3A_952 = vector.broadcast %broadcast_in_dim3A_951 : f32 to vector<16xf32>
    %swap3A_953 = arith.constant 119 : i32
    %swap3A_954 = arith.index_cast %swap3A_953 : i32 to index
    %swap3A_955 = arith.constant 0 : index
    %swap3A_956 = tpu.vector_load %arg15[%swap3A_954, %swap3A_955] {strides = array<i32>} : memref<128x16xf32, #tpu.memory_space<vmem>>, vector<1x16xf32>,
    %swap3A_957 = vector.shape_cast %swap3A_956 : vector<1x16xf32> to vector<16xf32>
    %swap3A_958 = vector.shape_cast %broadcast_in_dim3A_952 : vector<16xf32> to vector<1x16xf32>
    tpu.vector_store %arg15[%swap3A_954, %swap3A_955], %swap3A_958 {strides = array<i32>} : memref<128x16xf32, #tpu.memory_space<vmem>>, vector<1x16xf32>,
    %broadcast_in_dim3A_959 = arith.constant 0.000000e+00 : f32
    %broadcast_in_dim3A_960 = vector.broadcast %broadcast_in_dim3A_959 : f32 to vector<16xf32>
    %swap3A_961 = arith.constant 120 : i32
    %swap3A_962 = arith.index_cast %swap3A_961 : i32 to index
    %swap3A_963 = arith.constant 0 : index
    %swap3A_964 = tpu.vector_load %arg15[%swap3A_962, %swap3A_963] {strides = array<i32>} : memref<128x16xf32, #tpu.memory_space<vmem>>, vector<1x16xf32>,
    %swap3A_965 = vector.shape_cast %swap3A_964 : vector<1x16xf32> to vector<16xf32>
    %swap3A_966 = vector.shape_cast %broadcast_in_dim3A_960 : vector<16xf32> to vector<1x16xf32>
    tpu.vector_store %arg15[%swap3A_962, %swap3A_963], %swap3A_966 {strides = array<i32>} : memref<128x16xf32, #tpu.memory_space<vmem>>, vector<1x16xf32>,
    %broadcast_in_dim3A_967 = arith.constant 0.000000e+00 : f32
    %broadcast_in_dim3A_968 = vector.broadcast %broadcast_in_dim3A_967 : f32 to vector<16xf32>
    %swap3A_969 = arith.constant 121 : i32
    %swap3A_970 = arith.index_cast %swap3A_969 : i32 to index
    %swap3A_971 = arith.constant 0 : index
    %swap3A_972 = tpu.vector_load %arg15[%swap3A_970, %swap3A_971] {strides = array<i32>} : memref<128x16xf32, #tpu.memory_space<vmem>>, vector<1x16xf32>,
    %swap3A_973 = vector.shape_cast %swap3A_972 : vector<1x16xf32> to vector<16xf32>
    %swap3A_974 = vector.shape_cast %broadcast_in_dim3A_968 : vector<16xf32> to vector<1x16xf32>
    tpu.vector_store %arg15[%swap3A_970, %swap3A_971], %swap3A_974 {strides = array<i32>} : memref<128x16xf32, #tpu.memory_space<vmem>>, vector<1x16xf32>,
    %broadcast_in_dim3A_975 = arith.constant 0.000000e+00 : f32
    %broadcast_in_dim3A_976 = vector.broadcast %broadcast_in_dim3A_975 : f32 to vector<16xf32>
    %swap3A_977 = arith.constant 122 : i32
    %swap3A_978 = arith.index_cast %swap3A_977 : i32 to index
    %swap3A_979 = arith.constant 0 : index
    %swap3A_980 = tpu.vector_load %arg15[%swap3A_978, %swap3A_979] {strides = array<i32>} : memref<128x16xf32, #tpu.memory_space<vmem>>, vector<1x16xf32>,
    %swap3A_981 = vector.shape_cast %swap3A_980 : vector<1x16xf32> to vector<16xf32>
    %swap3A_982 = vector.shape_cast %broadcast_in_dim3A_976 : vector<16xf32> to vector<1x16xf32>
    tpu.vector_store %arg15[%swap3A_978, %swap3A_979], %swap3A_982 {strides = array<i32>} : memref<128x16xf32, #tpu.memory_space<vmem>>, vector<1x16xf32>,
    %broadcast_in_dim3A_983 = arith.constant 0.000000e+00 : f32
    %broadcast_in_dim3A_984 = vector.broadcast %broadcast_in_dim3A_983 : f32 to vector<16xf32>
    %swap3A_985 = arith.constant 123 : i32
    %swap3A_986 = arith.index_cast %swap3A_985 : i32 to index
    %swap3A_987 = arith.constant 0 : index
    %swap3A_988 = tpu.vector_load %arg15[%swap3A_986, %swap3A_987] {strides = array<i32>} : memref<128x16xf32, #tpu.memory_space<vmem>>, vector<1x16xf32>,
    %swap3A_989 = vector.shape_cast %swap3A_988 : vector<1x16xf32> to vector<16xf32>
    %swap3A_990 = vector.shape_cast %broadcast_in_dim3A_984 : vector<16xf32> to vector<1x16xf32>
    tpu.vector_store %arg15[%swap3A_986, %swap3A_987], %swap3A_990 {strides = array<i32>} : memref<128x16xf32, #tpu.memory_space<vmem>>, vector<1x16xf32>,
    %broadcast_in_dim3A_991 = arith.constant 0.000000e+00 : f32
    %broadcast_in_dim3A_992 = vector.broadcast %broadcast_in_dim3A_991 : f32 to vector<16xf32>
    %swap3A_993 = arith.constant 124 : i32
    %swap3A_994 = arith.index_cast %swap3A_993 : i32 to index
    %swap3A_995 = arith.constant 0 : index
    %swap3A_996 = tpu.vector_load %arg15[%swap3A_994, %swap3A_995] {strides = array<i32>} : memref<128x16xf32, #tpu.memory_space<vmem>>, vector<1x16xf32>,
    %swap3A_997 = vector.shape_cast %swap3A_996 : vector<1x16xf32> to vector<16xf32>
    %swap3A_998 = vector.shape_cast %broadcast_in_dim3A_992 : vector<16xf32> to vector<1x16xf32>
    tpu.vector_store %arg15[%swap3A_994, %swap3A_995], %swap3A_998 {strides = array<i32>} : memref<128x16xf32, #tpu.memory_space<vmem>>, vector<1x16xf32>,
    %broadcast_in_dim3A_999 = arith.constant 0.000000e+00 : f32
    %broadcast_in_dim3A_1000 = vector.broadcast %broadcast_in_dim3A_999 : f32 to vector<16xf32>
    %swap3A_1001 = arith.constant 125 : i32
    %swap3A_1002 = arith.index_cast %swap3A_1001 : i32 to index
    %swap3A_1003 = arith.constant 0 : index
    %swap3A_1004 = tpu.vector_load %arg15[%swap3A_1002, %swap3A_1003] {strides = array<i32>} : memref<128x16xf32, #tpu.memory_space<vmem>>, vector<1x16xf32>,
    %swap3A_1005 = vector.shape_cast %swap3A_1004 : vector<1x16xf32> to vector<16xf32>
    %swap3A_1006 = vector.shape_cast %broadcast_in_dim3A_1000 : vector<16xf32> to vector<1x16xf32>
    tpu.vector_store %arg15[%swap3A_1002, %swap3A_1003], %swap3A_1006 {strides = array<i32>} : memref<128x16xf32, #tpu.memory_space<vmem>>, vector<1x16xf32>,
    %broadcast_in_dim3A_1007 = arith.constant 0.000000e+00 : f32
    %broadcast_in_dim3A_1008 = vector.broadcast %broadcast_in_dim3A_1007 : f32 to vector<16xf32>
    %swap3A_1009 = arith.constant 126 : i32
    %swap3A_1010 = arith.index_cast %swap3A_1009 : i32 to index
    %swap3A_1011 = arith.constant 0 : index
    %swap3A_1012 = tpu.vector_load %arg15[%swap3A_1010, %swap3A_1011] {strides = array<i32>} : memref<128x16xf32, #tpu.memory_space<vmem>>, vector<1x16xf32>,
    %swap3A_1013 = vector.shape_cast %swap3A_1012 : vector<1x16xf32> to vector<16xf32>
    %swap3A_1014 = vector.shape_cast %broadcast_in_dim3A_1008 : vector<16xf32> to vector<1x16xf32>
    tpu.vector_store %arg15[%swap3A_1010, %swap3A_1011], %swap3A_1014 {strides = array<i32>} : memref<128x16xf32, #tpu.memory_space<vmem>>, vector<1x16xf32>,
    %broadcast_in_dim3A_1015 = arith.constant 0.000000e+00 : f32
    %broadcast_in_dim3A_1016 = vector.broadcast %broadcast_in_dim3A_1015 : f32 to vector<16xf32>
    %swap3A_1017 = arith.constant 127 : i32
    %swap3A_1018 = arith.index_cast %swap3A_1017 : i32 to index
    %swap3A_1019 = arith.constant 0 : index
    %swap3A_1020 = tpu.vector_load %arg15[%swap3A_1018, %swap3A_1019] {strides = array<i32>} : memref<128x16xf32, #tpu.memory_space<vmem>>, vector<1x16xf32>,
    %swap3A_1021 = vector.shape_cast %swap3A_1020 : vector<1x16xf32> to vector<16xf32>
    %swap3A_1022 = vector.shape_cast %broadcast_in_dim3A_1016 : vector<16xf32> to vector<1x16xf32>
    tpu.vector_store %arg15[%swap3A_1018, %swap3A_1019], %swap3A_1022 {strides = array<i32>} : memref<128x16xf32, #tpu.memory_space<vmem>>, vector<1x16xf32>,
    %scan3A = arith.constant 0 : i32
    %scan3A_1023 = arith.constant 0 : i32
    %scan3A_1024 = arith.constant 13 : i32
    %scan3A_1025 = arith.addi %scan3A_1023, %scan3A_1024 : i32
    %scan3A_1026 = arith.constant 1 : i32
    scf.for %scan3A_1067 = %scan3A_1023 to %scan3A_1025 step %scan3A_1026  : i32 {
      %mul3A_1068 = arith.constant 1664 : i32
      %mul3A_1069 = arith.muli %arg1, %mul3A_1068 : i32
      %mul3A_1070 = arith.constant 128 : i32
      %mul3A_1071 = arith.muli %scan3A_1067, %mul3A_1070 : i32
      %add3A = arith.addi %mul3A_1069, %mul3A_1071 : i32
      "tpu.region"() ({
        %run_scoped3A = tpu.sem_alloc : memref<!tpu.dma_semaphore, #tpu.memory_space<semaphore_mem>>
        %dma_start3A = arith.constant 0 : i32
        %dma_start3A_1072 = tpu.memref_slice %arg17[%add3A, %dma_start3A] : memref<26624x16xf32, #tpu.memory_space<vmem_shared>> -> memref<128x16xf32, #tpu.memory_space<vmem_shared>>
        %dma_start3A_1073 = arith.constant 0 : i32
        %dma_start3A_1074 = tpu.memref_slice %arg17[%add3A, %dma_start3A_1073] : memref<26624x16xf32, #tpu.memory_space<vmem_shared>> -> memref<128x16xf32, #tpu.memory_space<vmem_shared>>
        tpu.enqueue_dma source(%arg15 : memref<128x16xf32, #tpu.memory_space<vmem>>) target(%dma_start3A_1074 : memref<128x16xf32, #tpu.memory_space<vmem_shared>>) target_semaphore(%run_scoped3A : memref<!tpu.dma_semaphore, #tpu.memory_space<semaphore_mem>>)
        %dma_wait3A = arith.constant 0 : i32
        %dma_wait3A_1075 = tpu.memref_slice %arg17[%add3A, %dma_wait3A] : memref<26624x16xf32, #tpu.memory_space<vmem_shared>> -> memref<128x16xf32, #tpu.memory_space<vmem_shared>>
        %dma_wait3A_1076 = arith.constant 0 : i32
        %dma_wait3A_1077 = tpu.memref_slice %arg17[%add3A, %dma_wait3A_1076] : memref<26624x16xf32, #tpu.memory_space<vmem_shared>> -> memref<128x16xf32, #tpu.memory_space<vmem_shared>>
        tpu.wait_dma2 semaphore(%run_scoped3A : memref<!tpu.dma_semaphore, #tpu.memory_space<semaphore_mem>>) src(%arg15 : memref<128x16xf32, #tpu.memory_space<vmem>>) dst(%dma_wait3A_1077 : memref<128x16xf32, #tpu.memory_space<vmem_shared>>)
        tpu.yield
      }) : () -> ()
    }
    %scan3A_1027 = arith.constant 13 : i32
    %scan3A_1028 = arith.constant 0 : i32
    %scan3A_1029 = arith.constant 0 : i32
    %scan3A_1030 = arith.constant 200 : i32
    %scan3A_1031 = arith.addi %scan3A_1029, %scan3A_1030 : i32
    %scan3A_1032 = arith.constant 1 : i32
    scf.for %scan3A_1067 = %scan3A_1029 to %scan3A_1031 step %scan3A_1032  : i32 {
      %broadcast_in_dim3A_1068 = arith.constant 0.000000e+00 : f32
      %broadcast_in_dim3A_1069 = vector.broadcast %broadcast_in_dim3A_1068 : f32 to vector<16xf32>
      %mul3A_1070 = arith.constant 16 : i32
      %mul3A_1071 = arith.muli %scan3A_1067, %mul3A_1070 : i32
      %swap3A_1072 = arith.index_cast %mul3A_1071 : i32 to index
      %swap3A_1073 = tpu.vector_load %arg16[%swap3A_1072] {strides = array<i32>} : memref<3200xf32, #tpu.memory_space<vmem>>, vector<16xf32>,
      %swap3A_1074 = vector.shape_cast %swap3A_1073 : vector<16xf32> to vector<16xf32>
      %swap3A_1075 = vector.shape_cast %broadcast_in_dim3A_1069 : vector<16xf32> to vector<16xf32>
      tpu.vector_store %arg16[%swap3A_1072], %swap3A_1075 {strides = array<i32>} : memref<3200xf32, #tpu.memory_space<vmem>>, vector<16xf32>,
    }
    %scan3A_1033 = arith.constant 200 : i32
    %mul3A_1034 = arith.constant 3200 : i32
    %mul3A_1035 = arith.muli %arg1, %mul3A_1034 : i32
    "tpu.region"() ({
      %run_scoped3A = tpu.sem_alloc : memref<!tpu.dma_semaphore, #tpu.memory_space<semaphore_mem>>
      %dma_start3A = tpu.memref_slice %arg18[%mul3A_1035] : memref<51200xf32, #tpu.memory_space<vmem_shared>> -> memref<3200xf32, #tpu.memory_space<vmem_shared>>
      %dma_start3A_1067 = tpu.memref_slice %arg18[%mul3A_1035] : memref<51200xf32, #tpu.memory_space<vmem_shared>> -> memref<3200xf32, #tpu.memory_space<vmem_shared>>
      tpu.enqueue_dma source(%arg16 : memref<3200xf32, #tpu.memory_space<vmem>>) target(%dma_start3A_1067 : memref<3200xf32, #tpu.memory_space<vmem_shared>>) target_semaphore(%run_scoped3A : memref<!tpu.dma_semaphore, #tpu.memory_space<semaphore_mem>>)
      %dma_wait3A = tpu.memref_slice %arg18[%mul3A_1035] : memref<51200xf32, #tpu.memory_space<vmem_shared>> -> memref<3200xf32, #tpu.memory_space<vmem_shared>>
      %dma_wait3A_1068 = tpu.memref_slice %arg18[%mul3A_1035] : memref<51200xf32, #tpu.memory_space<vmem_shared>> -> memref<3200xf32, #tpu.memory_space<vmem_shared>>
      tpu.wait_dma2 semaphore(%run_scoped3A : memref<!tpu.dma_semaphore, #tpu.memory_space<semaphore_mem>>) src(%arg16 : memref<3200xf32, #tpu.memory_space<vmem>>) dst(%dma_wait3A_1068 : memref<3200xf32, #tpu.memory_space<vmem_shared>>)
      tpu.yield
    }) : () -> ()
    %barrier3A = arith.constant 0 : index
    tpu.barrier barrier_id(%barrier3A)
    %scan3A_1036 = arith.constant 0 : i32
    %scan3A_1037 = arith.constant 0 : i32
    %scan3A_1038 = arith.constant 25 : i32
    %scan3A_1039 = arith.addi %scan3A_1037, %scan3A_1038 : i32
    %scan3A_1040 = arith.constant 1 : i32
    scf.for %scan3A_1067 = %scan3A_1037 to %scan3A_1039 step %scan3A_1040  : i32 {
      %mul3A_1068 = arith.constant 5 : i32
      %mul3A_1069 = arith.muli %scan3A_1067, %mul3A_1068 : i32
      "tpu.region"() ({
        %run_scoped3A = tpu.sem_alloc : memref<!tpu.dma_semaphore, #tpu.memory_space<semaphore_mem>>
        %dma_start3A = arith.constant 0 : i32
        %dma_start3A_1078 = tpu.memref_slice %arg3[%arg1, %mul3A_1069, %dma_start3A] : memref<16x125x400xi32, #tpu.memory_space<hbm>> -> memref<1x5x400xi32, #tpu.memory_space<hbm>>
        %dma_start3A_1079 = tpu.memref_squeeze %dma_start3A_1078 : memref<1x5x400xi32, #tpu.memory_space<hbm>> -> memref<5x400xi32, #tpu.memory_space<hbm>>
        %dma_start3A_1080 = arith.constant 0 : i32
        %dma_start3A_1081 = tpu.memref_slice %arg3[%arg1, %mul3A_1069, %dma_start3A_1080] : memref<16x125x400xi32, #tpu.memory_space<hbm>> -> memref<1x5x400xi32, #tpu.memory_space<hbm>>
        %dma_start3A_1082 = tpu.memref_squeeze %dma_start3A_1081 : memref<1x5x400xi32, #tpu.memory_space<hbm>> -> memref<5x400xi32, #tpu.memory_space<hbm>>
        tpu.enqueue_dma source(%dma_start3A_1082 : memref<5x400xi32, #tpu.memory_space<hbm>>) target(%arg9 : memref<5x400xi32, #tpu.memory_space<vmem>>) target_semaphore(%run_scoped3A : memref<!tpu.dma_semaphore, #tpu.memory_space<semaphore_mem>>)
        %dma_wait3A = arith.constant 0 : i32
        %dma_wait3A_1083 = tpu.memref_slice %arg3[%arg1, %mul3A_1069, %dma_wait3A] : memref<16x125x400xi32, #tpu.memory_space<hbm>> -> memref<1x5x400xi32, #tpu.memory_space<hbm>>
        %dma_wait3A_1084 = tpu.memref_squeeze %dma_wait3A_1083 : memref<1x5x400xi32, #tpu.memory_space<hbm>> -> memref<5x400xi32, #tpu.memory_space<hbm>>
        %dma_wait3A_1085 = arith.constant 0 : i32
        %dma_wait3A_1086 = tpu.memref_slice %arg3[%arg1, %mul3A_1069, %dma_wait3A_1085] : memref<16x125x400xi32, #tpu.memory_space<hbm>> -> memref<1x5x400xi32, #tpu.memory_space<hbm>>
        %dma_wait3A_1087 = tpu.memref_squeeze %dma_wait3A_1086 : memref<1x5x400xi32, #tpu.memory_space<hbm>> -> memref<5x400xi32, #tpu.memory_space<hbm>>
        tpu.wait_dma2 semaphore(%run_scoped3A : memref<!tpu.dma_semaphore, #tpu.memory_space<semaphore_mem>>) src(%dma_wait3A_1087 : memref<5x400xi32, #tpu.memory_space<hbm>>) dst(%arg9 : memref<5x400xi32, #tpu.memory_space<vmem>>)
        tpu.yield
      }) : () -> ()
      %mul3A_1070 = arith.constant 5 : i32
      %mul3A_1071 = arith.muli %scan3A_1067, %mul3A_1070 : i32
      "tpu.region"() ({
        %run_scoped3A = tpu.sem_alloc : memref<!tpu.dma_semaphore, #tpu.memory_space<semaphore_mem>>
        %dma_start3A = arith.constant 0 : i32
        %dma_start3A_1078 = tpu.memref_slice %arg4[%arg1, %mul3A_1071, %dma_start3A] : memref<16x125x400xf32, #tpu.memory_space<hbm>> -> memref<1x5x400xf32, #tpu.memory_space<hbm>>
        %dma_start3A_1079 = tpu.memref_squeeze %dma_start3A_1078 : memref<1x5x400xf32, #tpu.memory_space<hbm>> -> memref<5x400xf32, #tpu.memory_space<hbm>>
        %dma_start3A_1080 = arith.constant 0 : i32
        %dma_start3A_1081 = tpu.memref_slice %arg4[%arg1, %mul3A_1071, %dma_start3A_1080] : memref<16x125x400xf32, #tpu.memory_space<hbm>> -> memref<1x5x400xf32, #tpu.memory_space<hbm>>
        %dma_start3A_1082 = tpu.memref_squeeze %dma_start3A_1081 : memref<1x5x400xf32, #tpu.memory_space<hbm>> -> memref<5x400xf32, #tpu.memory_space<hbm>>
        tpu.enqueue_dma source(%dma_start3A_1082 : memref<5x400xf32, #tpu.memory_space<hbm>>) target(%arg10 : memref<5x400xf32, #tpu.memory_space<vmem>>) target_semaphore(%run_scoped3A : memref<!tpu.dma_semaphore, #tpu.memory_space<semaphore_mem>>)
        %dma_wait3A = arith.constant 0 : i32
        %dma_wait3A_1083 = tpu.memref_slice %arg4[%arg1, %mul3A_1071, %dma_wait3A] : memref<16x125x400xf32, #tpu.memory_space<hbm>> -> memref<1x5x400xf32, #tpu.memory_space<hbm>>
        %dma_wait3A_1084 = tpu.memref_squeeze %dma_wait3A_1083 : memref<1x5x400xf32, #tpu.memory_space<hbm>> -> memref<5x400xf32, #tpu.memory_space<hbm>>
        %dma_wait3A_1085 = arith.constant 0 : i32
        %dma_wait3A_1086 = tpu.memref_slice %arg4[%arg1, %mul3A_1071, %dma_wait3A_1085] : memref<16x125x400xf32, #tpu.memory_space<hbm>> -> memref<1x5x400xf32, #tpu.memory_space<hbm>>
        %dma_wait3A_1087 = tpu.memref_squeeze %dma_wait3A_1086 : memref<1x5x400xf32, #tpu.memory_space<hbm>> -> memref<5x400xf32, #tpu.memory_space<hbm>>
        tpu.wait_dma2 semaphore(%run_scoped3A : memref<!tpu.dma_semaphore, #tpu.memory_space<semaphore_mem>>) src(%dma_wait3A_1087 : memref<5x400xf32, #tpu.memory_space<hbm>>) dst(%arg10 : memref<5x400xf32, #tpu.memory_space<vmem>>)
        tpu.yield
      }) : () -> ()
      %scan3A_1072 = arith.constant 0 : i32
      %scan3A_1073 = arith.constant 0 : i32
      %scan3A_1074 = arith.constant 5 : i32
      %scan3A_1075 = arith.addi %scan3A_1073, %scan3A_1074 : i32
      %scan3A_1076 = arith.constant 1 : i32
      scf.for %scan3A_1078 = %scan3A_1073 to %scan3A_1075 step %scan3A_1076  : i32 {
        "tpu.region"() ({
          %run_scoped3A = tpu.sem_alloc : memref<!tpu.dma_semaphore, #tpu.memory_space<semaphore_mem>>
          %dma_start3A = arith.constant 0 : i32
          %dma_start3A_1079 = tpu.memref_slice %arg10[%scan3A_1078, %dma_start3A] : memref<5x400xf32, #tpu.memory_space<vmem>> -> memref<1x400xf32, #tpu.memory_space<vmem>>
          %dma_start3A_1080 = tpu.memref_squeeze %dma_start3A_1079 : memref<1x400xf32, #tpu.memory_space<vmem>> -> memref<400xf32, #tpu.memory_space<vmem>>
          %dma_start3A_1081 = arith.constant 0 : i32
          %dma_start3A_1082 = tpu.memref_slice %arg9[%scan3A_1078, %dma_start3A_1081] : memref<5x400xi32, #tpu.memory_space<vmem>> -> memref<1x400xi32, #tpu.memory_space<vmem>>
          %dma_start3A_1083 = tpu.memref_squeeze %dma_start3A_1082 : memref<1x400xi32, #tpu.memory_space<vmem>> -> memref<400xi32, #tpu.memory_space<vmem>>
          %dma_start3A_1084 = arith.constant 0 : i32
          %dma_start3A_1085 = tpu.memref_slice %arg18[%dma_start3A_1084] : memref<51200xf32, #tpu.memory_space<vmem_shared>> -> memref<51200xf32, #tpu.memory_space<vmem_shared>>
          tpu.enqueue_indirect_dma source(%dma_start3A_1080 : memref<400xf32, #tpu.memory_space<vmem>>) target(%dma_start3A_1085 : memref<51200xf32, #tpu.memory_space<vmem_shared>>) offsets(%dma_start3A_1083 : memref<400xi32, #tpu.memory_space<vmem>>) semaphore(%run_scoped3A : memref<!tpu.dma_semaphore, #tpu.memory_space<semaphore_mem>>) {add = true}
          %dma_wait3A = arith.constant 0 : i32
          %dma_wait3A_1086 = tpu.memref_slice %arg10[%scan3A_1078, %dma_wait3A] : memref<5x400xf32, #tpu.memory_space<vmem>> -> memref<1x400xf32, #tpu.memory_space<vmem>>
          %dma_wait3A_1087 = tpu.memref_squeeze %dma_wait3A_1086 : memref<1x400xf32, #tpu.memory_space<vmem>> -> memref<400xf32, #tpu.memory_space<vmem>>
          %dma_wait3A_1088 = arith.constant 0 : i32
          %dma_wait3A_1089 = tpu.memref_slice %arg9[%scan3A_1078, %dma_wait3A_1088] : memref<5x400xi32, #tpu.memory_space<vmem>> -> memref<1x400xi32, #tpu.memory_space<vmem>>
          %dma_wait3A_1090 = tpu.memref_squeeze %dma_wait3A_1089 : memref<1x400xi32, #tpu.memory_space<vmem>> -> memref<400xi32, #tpu.memory_space<vmem>>
          %dma_wait3A_1091 = arith.constant 0 : i32
          %dma_wait3A_1092 = tpu.memref_slice %arg18[%dma_wait3A_1091] : memref<51200xf32, #tpu.memory_space<vmem_shared>> -> memref<51200xf32, #tpu.memory_space<vmem_shared>>
          tpu.wait_indirect_dma semaphore(%run_scoped3A : memref<!tpu.dma_semaphore, #tpu.memory_space<semaphore_mem>>) src(%dma_wait3A_1087 : memref<400xf32, #tpu.memory_space<vmem>>) dst(%dma_wait3A_1092 : memref<51200xf32, #tpu.memory_space<vmem_shared>>)
          tpu.yield
        }) : () -> ()
      }
      %scan3A_1077 = arith.constant 5 : i32
    }
    %scan3A_1041 = arith.constant 25 : i32
    %barrier3A_1042 = arith.constant 0 : index
    tpu.barrier barrier_id(%barrier3A_1042)
    %mul3A_1043 = arith.constant 3200 : i32
    %mul3A_1044 = arith.muli %arg1, %mul3A_1043 : i32
    "tpu.region"() ({
      %run_scoped3A = tpu.sem_alloc : memref<!tpu.dma_semaphore, #tpu.memory_space<semaphore_mem>>
      %dma_start3A = tpu.memref_slice %arg18[%mul3A_1044] : memref<51200xf32, #tpu.memory_space<vmem_shared>> -> memref<3200xf32, #tpu.memory_space<vmem_shared>>
      %dma_start3A_1067 = tpu.memref_slice %arg18[%mul3A_1044] : memref<51200xf32, #tpu.memory_space<vmem_shared>> -> memref<3200xf32, #tpu.memory_space<vmem_shared>>
      tpu.enqueue_dma source(%dma_start3A_1067 : memref<3200xf32, #tpu.memory_space<vmem_shared>>) target(%arg16 : memref<3200xf32, #tpu.memory_space<vmem>>) target_semaphore(%run_scoped3A : memref<!tpu.dma_semaphore, #tpu.memory_space<semaphore_mem>>)
      %dma_wait3A = tpu.memref_slice %arg18[%mul3A_1044] : memref<51200xf32, #tpu.memory_space<vmem_shared>> -> memref<3200xf32, #tpu.memory_space<vmem_shared>>
      %dma_wait3A_1068 = tpu.memref_slice %arg18[%mul3A_1044] : memref<51200xf32, #tpu.memory_space<vmem_shared>> -> memref<3200xf32, #tpu.memory_space<vmem_shared>>
      tpu.wait_dma2 semaphore(%run_scoped3A : memref<!tpu.dma_semaphore, #tpu.memory_space<semaphore_mem>>) src(%dma_wait3A_1068 : memref<3200xf32, #tpu.memory_space<vmem_shared>>) dst(%arg16 : memref<3200xf32, #tpu.memory_space<vmem>>)
      tpu.yield
    }) : () -> ()
    %scan3A_1045 = arith.constant 0 : i32
    %scan3A_1046 = arith.constant 0 : i32
    %scan3A_1047 = arith.constant 200 : i32
    %scan3A_1048 = arith.addi %scan3A_1046, %scan3A_1047 : i32
    %scan3A_1049 = arith.constant 1 : i32
    scf.for %scan3A_1067 = %scan3A_1046 to %scan3A_1048 step %scan3A_1049  : i32 {
      %mul3A_1068 = arith.constant 16 : i32
      %mul3A_1069 = arith.muli %scan3A_1067, %mul3A_1068 : i32
      %get3A = arith.index_cast %mul3A_1069 : i32 to index
      %get3A_1070 = tpu.vector_load %arg16[%get3A] {strides = array<i32>} : memref<3200xf32, #tpu.memory_space<vmem>>, vector<16xf32>,
      %get3A_1071 = vector.shape_cast %get3A_1070 : vector<16xf32> to vector<16xf32>
      %add3A = arith.constant 1.000000e+00 : f32
      %add3A_1072 = vector.broadcast %add3A : f32 to vector<16xf32>
      %add3A_1073 = arith.addf %get3A_1071, %add3A_1072 : vector<16xf32>
      %bitcast_convert_type3A = tpu.bitcast %add3A_1073 : vector<16xf32> -> vector<16xi32>
      %shift_right_logical3A = arith.constant 1 : i32
      %shift_right_logical3A_1074 = vector.broadcast %shift_right_logical3A : i32 to vector<16xi32>
      %shift_right_logical3A_1075 = arith.shrui %bitcast_convert_type3A, %shift_right_logical3A_1074 : vector<16xi32>
      %sub3A = arith.constant 1597463007 : i32
      %sub3A_1076 = vector.broadcast %sub3A : i32 to vector<16xi32>
      %sub3A_1077 = arith.subi %sub3A_1076, %shift_right_logical3A_1075 : vector<16xi32>
      %bitcast_convert_type3A_1078 = tpu.bitcast %sub3A_1077 : vector<16xi32> -> vector<16xf32>
      %mul3A_1079 = arith.constant 5.000000e-01 : f32
      %mul3A_1080 = vector.broadcast %mul3A_1079 : f32 to vector<16xf32>
      %mul3A_1081 = arith.mulf %mul3A_1080, %add3A_1073 : vector<16xf32>
      %mul3A_1082 = arith.mulf %mul3A_1081, %bitcast_convert_type3A_1078 : vector<16xf32>
      %mul3A_1083 = arith.mulf %mul3A_1082, %bitcast_convert_type3A_1078 : vector<16xf32>
      %sub3A_1084 = arith.constant 1.500000e+00 : f32
      %sub3A_1085 = vector.broadcast %sub3A_1084 : f32 to vector<16xf32>
      %sub3A_1086 = arith.subf %sub3A_1085, %mul3A_1083 : vector<16xf32>
      %mul3A_1087 = arith.mulf %bitcast_convert_type3A_1078, %sub3A_1086 : vector<16xf32>
      %mul3A_1088 = arith.constant 5.000000e-01 : f32
      %mul3A_1089 = vector.broadcast %mul3A_1088 : f32 to vector<16xf32>
      %mul3A_1090 = arith.mulf %mul3A_1089, %add3A_1073 : vector<16xf32>
      %mul3A_1091 = arith.mulf %mul3A_1090, %mul3A_1087 : vector<16xf32>
      %mul3A_1092 = arith.mulf %mul3A_1091, %mul3A_1087 : vector<16xf32>
      %sub3A_1093 = arith.constant 1.500000e+00 : f32
      %sub3A_1094 = vector.broadcast %sub3A_1093 : f32 to vector<16xf32>
      %sub3A_1095 = arith.subf %sub3A_1094, %mul3A_1092 : vector<16xf32>
      %mul3A_1096 = arith.mulf %mul3A_1087, %sub3A_1095 : vector<16xf32>
      %mul3A_1097 = arith.constant 5.000000e-01 : f32
      %mul3A_1098 = vector.broadcast %mul3A_1097 : f32 to vector<16xf32>
      %mul3A_1099 = arith.mulf %mul3A_1098, %add3A_1073 : vector<16xf32>
      %mul3A_1100 = arith.mulf %mul3A_1099, %mul3A_1096 : vector<16xf32>
      %mul3A_1101 = arith.mulf %mul3A_1100, %mul3A_1096 : vector<16xf32>
      %sub3A_1102 = arith.constant 1.500000e+00 : f32
      %sub3A_1103 = vector.broadcast %sub3A_1102 : f32 to vector<16xf32>
      %sub3A_1104 = arith.subf %sub3A_1103, %mul3A_1101 : vector<16xf32>
      %mul3A_1105 = arith.mulf %mul3A_1096, %sub3A_1104 : vector<16xf32>
      %mul3A_1106 = arith.constant 16 : i32
      %mul3A_1107 = arith.muli %scan3A_1067, %mul3A_1106 : i32
      %swap3A_1108 = arith.index_cast %mul3A_1107 : i32 to index
      %swap3A_1109 = tpu.vector_load %arg16[%swap3A_1108] {strides = array<i32>} : memref<3200xf32, #tpu.memory_space<vmem>>, vector<16xf32>,
      %swap3A_1110 = vector.shape_cast %swap3A_1109 : vector<16xf32> to vector<16xf32>
      %swap3A_1111 = vector.shape_cast %mul3A_1105 : vector<16xf32> to vector<16xf32>
      tpu.vector_store %arg16[%swap3A_1108], %swap3A_1111 {strides = array<i32>} : memref<3200xf32, #tpu.memory_space<vmem>>, vector<16xf32>,
    }
    %scan3A_1050 = arith.constant 200 : i32
    %mul3A_1051 = arith.constant 3200 : i32
    %mul3A_1052 = arith.muli %arg1, %mul3A_1051 : i32
    "tpu.region"() ({
      %run_scoped3A = tpu.sem_alloc : memref<!tpu.dma_semaphore, #tpu.memory_space<semaphore_mem>>
      %dma_start3A = tpu.memref_slice %arg18[%mul3A_1052] : memref<51200xf32, #tpu.memory_space<vmem_shared>> -> memref<3200xf32, #tpu.memory_space<vmem_shared>>
      %dma_start3A_1067 = tpu.memref_slice %arg18[%mul3A_1052] : memref<51200xf32, #tpu.memory_space<vmem_shared>> -> memref<3200xf32, #tpu.memory_space<vmem_shared>>
      tpu.enqueue_dma source(%arg16 : memref<3200xf32, #tpu.memory_space<vmem>>) target(%dma_start3A_1067 : memref<3200xf32, #tpu.memory_space<vmem_shared>>) target_semaphore(%run_scoped3A : memref<!tpu.dma_semaphore, #tpu.memory_space<semaphore_mem>>)
      %dma_wait3A = tpu.memref_slice %arg18[%mul3A_1052] : memref<51200xf32, #tpu.memory_space<vmem_shared>> -> memref<3200xf32, #tpu.memory_space<vmem_shared>>
      %dma_wait3A_1068 = tpu.memref_slice %arg18[%mul3A_1052] : memref<51200xf32, #tpu.memory_space<vmem_shared>> -> memref<3200xf32, #tpu.memory_space<vmem_shared>>
      tpu.wait_dma2 semaphore(%run_scoped3A : memref<!tpu.dma_semaphore, #tpu.memory_space<semaphore_mem>>) src(%arg16 : memref<3200xf32, #tpu.memory_space<vmem>>) dst(%dma_wait3A_1068 : memref<3200xf32, #tpu.memory_space<vmem_shared>>)
      tpu.yield
    }) : () -> ()
    %mul3A_1053 = arith.constant 3200 : i32
    %mul3A_1054 = arith.muli %arg1, %mul3A_1053 : i32
    "tpu.region"() ({
      %run_scoped3A = tpu.sem_alloc : memref<!tpu.dma_semaphore, #tpu.memory_space<semaphore_mem>>
      %dma_start3A = tpu.memref_slice %arg7[%mul3A_1054] : memref<51200xf32, #tpu.memory_space<hbm>> -> memref<3200xf32, #tpu.memory_space<hbm>>
      %dma_start3A_1067 = tpu.memref_slice %arg7[%mul3A_1054] : memref<51200xf32, #tpu.memory_space<hbm>> -> memref<3200xf32, #tpu.memory_space<hbm>>
      tpu.enqueue_dma source(%arg16 : memref<3200xf32, #tpu.memory_space<vmem>>) target(%dma_start3A_1067 : memref<3200xf32, #tpu.memory_space<hbm>>) target_semaphore(%run_scoped3A : memref<!tpu.dma_semaphore, #tpu.memory_space<semaphore_mem>>)
      %dma_wait3A = tpu.memref_slice %arg7[%mul3A_1054] : memref<51200xf32, #tpu.memory_space<hbm>> -> memref<3200xf32, #tpu.memory_space<hbm>>
      %dma_wait3A_1068 = tpu.memref_slice %arg7[%mul3A_1054] : memref<51200xf32, #tpu.memory_space<hbm>> -> memref<3200xf32, #tpu.memory_space<hbm>>
      tpu.wait_dma2 semaphore(%run_scoped3A : memref<!tpu.dma_semaphore, #tpu.memory_space<semaphore_mem>>) src(%arg16 : memref<3200xf32, #tpu.memory_space<vmem>>) dst(%dma_wait3A_1068 : memref<3200xf32, #tpu.memory_space<hbm>>)
      tpu.yield
    }) : () -> ()
    %barrier3A_1055 = arith.constant 0 : index
    tpu.barrier barrier_id(%barrier3A_1055)
    %scan3A_1056 = arith.constant 0 : i32
    %scan3A_1057 = arith.constant 0 : i32
    %scan3A_1058 = arith.constant 25 : i32
    %scan3A_1059 = arith.addi %scan3A_1057, %scan3A_1058 : i32
    %scan3A_1060 = arith.constant 1 : i32
    scf.for %scan3A_1067 = %scan3A_1057 to %scan3A_1059 step %scan3A_1060  : i32 {
      %mul3A_1068 = arith.constant 5 : i32
      %mul3A_1069 = arith.muli %scan3A_1067, %mul3A_1068 : i32
      "tpu.region"() ({
        %run_scoped3A_1116 = tpu.sem_alloc : memref<!tpu.dma_semaphore, #tpu.memory_space<semaphore_mem>>
        %dma_start3A_1117 = arith.constant 0 : i32
        %dma_start3A_1118 = tpu.memref_slice %arg2[%arg1, %mul3A_1069, %dma_start3A_1117] : memref<16x125x400xi32, #tpu.memory_space<hbm>> -> memref<1x5x400xi32, #tpu.memory_space<hbm>>
        %dma_start3A_1119 = tpu.memref_squeeze %dma_start3A_1118 : memref<1x5x400xi32, #tpu.memory_space<hbm>> -> memref<5x400xi32, #tpu.memory_space<hbm>>
        %dma_start3A_1120 = arith.constant 0 : i32
        %dma_start3A_1121 = tpu.memref_slice %arg2[%arg1, %mul3A_1069, %dma_start3A_1120] : memref<16x125x400xi32, #tpu.memory_space<hbm>> -> memref<1x5x400xi32, #tpu.memory_space<hbm>>
        %dma_start3A_1122 = tpu.memref_squeeze %dma_start3A_1121 : memref<1x5x400xi32, #tpu.memory_space<hbm>> -> memref<5x400xi32, #tpu.memory_space<hbm>>
        tpu.enqueue_dma source(%dma_start3A_1122 : memref<5x400xi32, #tpu.memory_space<hbm>>) target(%arg8 : memref<5x400xi32, #tpu.memory_space<vmem>>) target_semaphore(%run_scoped3A_1116 : memref<!tpu.dma_semaphore, #tpu.memory_space<semaphore_mem>>)
        %dma_wait3A_1123 = arith.constant 0 : i32
        %dma_wait3A_1124 = tpu.memref_slice %arg2[%arg1, %mul3A_1069, %dma_wait3A_1123] : memref<16x125x400xi32, #tpu.memory_space<hbm>> -> memref<1x5x400xi32, #tpu.memory_space<hbm>>
        %dma_wait3A_1125 = tpu.memref_squeeze %dma_wait3A_1124 : memref<1x5x400xi32, #tpu.memory_space<hbm>> -> memref<5x400xi32, #tpu.memory_space<hbm>>
        %dma_wait3A_1126 = arith.constant 0 : i32
        %dma_wait3A_1127 = tpu.memref_slice %arg2[%arg1, %mul3A_1069, %dma_wait3A_1126] : memref<16x125x400xi32, #tpu.memory_space<hbm>> -> memref<1x5x400xi32, #tpu.memory_space<hbm>>
        %dma_wait3A_1128 = tpu.memref_squeeze %dma_wait3A_1127 : memref<1x5x400xi32, #tpu.memory_space<hbm>> -> memref<5x400xi32, #tpu.memory_space<hbm>>
        tpu.wait_dma2 semaphore(%run_scoped3A_1116 : memref<!tpu.dma_semaphore, #tpu.memory_space<semaphore_mem>>) src(%dma_wait3A_1128 : memref<5x400xi32, #tpu.memory_space<hbm>>) dst(%arg8 : memref<5x400xi32, #tpu.memory_space<vmem>>)
        tpu.yield
      }) : () -> ()
      %mul3A_1070 = arith.constant 5 : i32
      %mul3A_1071 = arith.muli %scan3A_1067, %mul3A_1070 : i32
      "tpu.region"() ({
        %run_scoped3A_1116 = tpu.sem_alloc : memref<!tpu.dma_semaphore, #tpu.memory_space<semaphore_mem>>
        %dma_start3A_1117 = arith.constant 0 : i32
        %dma_start3A_1118 = tpu.memref_slice %arg3[%arg1, %mul3A_1071, %dma_start3A_1117] : memref<16x125x400xi32, #tpu.memory_space<hbm>> -> memref<1x5x400xi32, #tpu.memory_space<hbm>>
        %dma_start3A_1119 = tpu.memref_squeeze %dma_start3A_1118 : memref<1x5x400xi32, #tpu.memory_space<hbm>> -> memref<5x400xi32, #tpu.memory_space<hbm>>
        %dma_start3A_1120 = arith.constant 0 : i32
        %dma_start3A_1121 = tpu.memref_slice %arg3[%arg1, %mul3A_1071, %dma_start3A_1120] : memref<16x125x400xi32, #tpu.memory_space<hbm>> -> memref<1x5x400xi32, #tpu.memory_space<hbm>>
        %dma_start3A_1122 = tpu.memref_squeeze %dma_start3A_1121 : memref<1x5x400xi32, #tpu.memory_space<hbm>> -> memref<5x400xi32, #tpu.memory_space<hbm>>
        tpu.enqueue_dma source(%dma_start3A_1122 : memref<5x400xi32, #tpu.memory_space<hbm>>) target(%arg9 : memref<5x400xi32, #tpu.memory_space<vmem>>) target_semaphore(%run_scoped3A_1116 : memref<!tpu.dma_semaphore, #tpu.memory_space<semaphore_mem>>)
        %dma_wait3A_1123 = arith.constant 0 : i32
        %dma_wait3A_1124 = tpu.memref_slice %arg3[%arg1, %mul3A_1071, %dma_wait3A_1123] : memref<16x125x400xi32, #tpu.memory_space<hbm>> -> memref<1x5x400xi32, #tpu.memory_space<hbm>>
        %dma_wait3A_1125 = tpu.memref_squeeze %dma_wait3A_1124 : memref<1x5x400xi32, #tpu.memory_space<hbm>> -> memref<5x400xi32, #tpu.memory_space<hbm>>
        %dma_wait3A_1126 = arith.constant 0 : i32
        %dma_wait3A_1127 = tpu.memref_slice %arg3[%arg1, %mul3A_1071, %dma_wait3A_1126] : memref<16x125x400xi32, #tpu.memory_space<hbm>> -> memref<1x5x400xi32, #tpu.memory_space<hbm>>
        %dma_wait3A_1128 = tpu.memref_squeeze %dma_wait3A_1127 : memref<1x5x400xi32, #tpu.memory_space<hbm>> -> memref<5x400xi32, #tpu.memory_space<hbm>>
        tpu.wait_dma2 semaphore(%run_scoped3A_1116 : memref<!tpu.dma_semaphore, #tpu.memory_space<semaphore_mem>>) src(%dma_wait3A_1128 : memref<5x400xi32, #tpu.memory_space<hbm>>) dst(%arg9 : memref<5x400xi32, #tpu.memory_space<vmem>>)
        tpu.yield
      }) : () -> ()
      %mul3A_1072 = arith.constant 5 : i32
      %mul3A_1073 = arith.muli %scan3A_1067, %mul3A_1072 : i32
      "tpu.region"() ({
        %run_scoped3A_1116 = tpu.sem_alloc : memref<!tpu.dma_semaphore, #tpu.memory_space<semaphore_mem>>
        %dma_start3A_1117 = arith.constant 0 : i32
        %dma_start3A_1118 = tpu.memref_slice %arg4[%arg1, %mul3A_1073, %dma_start3A_1117] : memref<16x125x400xf32, #tpu.memory_space<hbm>> -> memref<1x5x400xf32, #tpu.memory_space<hbm>>
        %dma_start3A_1119 = tpu.memref_squeeze %dma_start3A_1118 : memref<1x5x400xf32, #tpu.memory_space<hbm>> -> memref<5x400xf32, #tpu.memory_space<hbm>>
        %dma_start3A_1120 = arith.constant 0 : i32
        %dma_start3A_1121 = tpu.memref_slice %arg4[%arg1, %mul3A_1073, %dma_start3A_1120] : memref<16x125x400xf32, #tpu.memory_space<hbm>> -> memref<1x5x400xf32, #tpu.memory_space<hbm>>
        %dma_start3A_1122 = tpu.memref_squeeze %dma_start3A_1121 : memref<1x5x400xf32, #tpu.memory_space<hbm>> -> memref<5x400xf32, #tpu.memory_space<hbm>>
        tpu.enqueue_dma source(%dma_start3A_1122 : memref<5x400xf32, #tpu.memory_space<hbm>>) target(%arg10 : memref<5x400xf32, #tpu.memory_space<vmem>>) target_semaphore(%run_scoped3A_1116 : memref<!tpu.dma_semaphore, #tpu.memory_space<semaphore_mem>>)
        %dma_wait3A_1123 = arith.constant 0 : i32
        %dma_wait3A_1124 = tpu.memref_slice %arg4[%arg1, %mul3A_1073, %dma_wait3A_1123] : memref<16x125x400xf32, #tpu.memory_space<hbm>> -> memref<1x5x400xf32, #tpu.memory_space<hbm>>
        %dma_wait3A_1125 = tpu.memref_squeeze %dma_wait3A_1124 : memref<1x5x400xf32, #tpu.memory_space<hbm>> -> memref<5x400xf32, #tpu.memory_space<hbm>>
        %dma_wait3A_1126 = arith.constant 0 : i32
        %dma_wait3A_1127 = tpu.memref_slice %arg4[%arg1, %mul3A_1073, %dma_wait3A_1126] : memref<16x125x400xf32, #tpu.memory_space<hbm>> -> memref<1x5x400xf32, #tpu.memory_space<hbm>>
        %dma_wait3A_1128 = tpu.memref_squeeze %dma_wait3A_1127 : memref<1x5x400xf32, #tpu.memory_space<hbm>> -> memref<5x400xf32, #tpu.memory_space<hbm>>
        tpu.wait_dma2 semaphore(%run_scoped3A_1116 : memref<!tpu.dma_semaphore, #tpu.memory_space<semaphore_mem>>) src(%dma_wait3A_1128 : memref<5x400xf32, #tpu.memory_space<hbm>>) dst(%arg10 : memref<5x400xf32, #tpu.memory_space<vmem>>)
        tpu.yield
      }) : () -> ()
      %scan3A_1074 = arith.constant 0 : i32
      %scan3A_1075 = arith.constant 0 : i32
      %scan3A_1076 = arith.constant 125 : i32
      %scan3A_1077 = arith.addi %scan3A_1075, %scan3A_1076 : i32
      %scan3A_1078 = arith.constant 1 : i32
      scf.for %scan3A_1116 = %scan3A_1075 to %scan3A_1077 step %scan3A_1078  : i32 {
        %jit3A = arith.constant 25 : i32
        %div3A = arith.divsi %scan3A_1116, %jit3A : i32
        %sign3A = arith.constant 0 : i32
        %sign3A_1117 = arith.cmpi sgt, %scan3A_1116, %sign3A : i32
        %sign3A_1118 = arith.extui %sign3A_1117 : i1 to i32
        %sign3A_1119 = arith.constant 0 : i32
        %sign3A_1120 = arith.cmpi slt, %scan3A_1116, %sign3A_1119 : i32
        %sign3A_1121 = arith.extui %sign3A_1120 : i1 to i32
        %sign3A_1122 = arith.subi %sign3A_1118, %sign3A_1121 : i32
        %sign3A_1123 = arith.constant 0 : i32
        %sign3A_1124 = arith.cmpi sgt, %jit3A, %sign3A_1123 : i32
        %sign3A_1125 = arith.extui %sign3A_1124 : i1 to i32
        %sign3A_1126 = arith.constant 0 : i32
        %sign3A_1127 = arith.cmpi slt, %jit3A, %sign3A_1126 : i32
        %sign3A_1128 = arith.extui %sign3A_1127 : i1 to i32
        %sign3A_1129 = arith.subi %sign3A_1125, %sign3A_1128 : i32
        %ne3A = arith.cmpi ne, %sign3A_1122, %sign3A_1129 : i32
        %rem3A = arith.remsi %scan3A_1116, %jit3A : i32
        %ne3A_1130 = arith.constant 0 : i32
        %ne3A_1131 = arith.cmpi ne, %rem3A, %ne3A_1130 : i32
        %and3A = arith.andi %ne3A, %ne3A_1131 : i1
        %sub3A = arith.constant 1 : i32
        %sub3A_1132 = arith.subi %div3A, %sub3A : i32
        %select_n3A = arith.select %and3A, %sub3A_1132, %div3A : i32
        %jit3A_1133 = arith.constant 25 : i32
        %eq3A = arith.constant 0 : i32
        %eq3A_1134 = arith.cmpi eq, %jit3A_1133, %eq3A : i32
        %jit3A_1135 = arith.constant 1 : i32
        %select_n3A_1136 = arith.select %eq3A_1134, %jit3A_1135, %jit3A_1133 : i32
        %rem3A_1137 = arith.remsi %scan3A_1116, %select_n3A_1136 : i32
        %ne3A_1138 = arith.constant 0 : i32
        %ne3A_1139 = arith.cmpi ne, %rem3A_1137, %ne3A_1138 : i32
        %lt3A = arith.constant 0 : i32
        %lt3A_1140 = arith.cmpi slt, %rem3A_1137, %lt3A : i32
        %lt3A_1141 = arith.constant 0 : i32
        %lt3A_1142 = arith.cmpi slt, %select_n3A_1136, %lt3A_1141 : i32
        %ne3A_1143 = arith.xori %lt3A_1140, %lt3A_1142 : i1
        %and3A_1144 = arith.andi %ne3A_1143, %ne3A_1139 : i1
        %add3A = arith.addi %rem3A_1137, %select_n3A_1136 : i32
        %select_n3A_1145 = arith.select %and3A_1144, %add3A, %rem3A_1137 : i32
        %mul3A_1146 = arith.constant 16 : i32
        %mul3A_1147 = arith.muli %select_n3A_1145, %mul3A_1146 : i32
        %get3A = arith.index_cast %select_n3A : i32 to index
        %get3A_1148 = arith.index_cast %mul3A_1147 : i32 to index
        %get3A_1149 = tpu.vector_load %arg9[%get3A, %get3A_1148] {strides = array<i32>} : memref<5x400xi32, #tpu.memory_space<vmem>>, vector<1x16xi32>,
        %get3A_1150 = vector.shape_cast %get3A_1149 : vector<1x16xi32> to vector<16xi32>
        %sub3A_1151 = vector.broadcast %mul3A_0 : i32 to vector<16xi32>
        %sub3A_1152 = arith.subi %get3A_1150, %sub3A_1151 : vector<16xi32>
        %ge3A = arith.constant 0 : i32
        %ge3A_1153 = vector.broadcast %ge3A : i32 to vector<16xi32>
        %ge3A_1154 = arith.cmpi sge, %sub3A_1152, %ge3A_1153 : vector<16xi32>
        %lt3A_1155 = arith.constant 25600 : i32
        %lt3A_1156 = vector.broadcast %lt3A_1155 : i32 to vector<16xi32>
        %lt3A_1157 = arith.cmpi slt, %sub3A_1152, %lt3A_1156 : vector<16xi32>
        %and3A_1158 = arith.andi %ge3A_1154, %lt3A_1157 : vector<16xi1>
        %jit3A_1159 = arith.constant 25600 : i32
        %broadcast_in_dim3A_1160 = vector.broadcast %jit3A_1159 : i32 to vector<16xi32>
        %select_n3A_1161 = arith.select %and3A_1158, %sub3A_1152, %broadcast_in_dim3A_1160 : vector<16xi1>, vector<16xi32>
        %swap3A_1162 = arith.index_cast %select_n3A : i32 to index
        %swap3A_1163 = arith.index_cast %mul3A_1147 : i32 to index
        %swap3A_1164 = tpu.vector_load %arg9[%swap3A_1162, %swap3A_1163] {strides = array<i32>} : memref<5x400xi32, #tpu.memory_space<vmem>>, vector<1x16xi32>,
        %swap3A_1165 = vector.shape_cast %swap3A_1164 : vector<1x16xi32> to vector<16xi32>
        %swap3A_1166 = vector.shape_cast %select_n3A_1161 : vector<16xi32> to vector<1x16xi32>
        tpu.vector_store %arg9[%swap3A_1162, %swap3A_1163], %swap3A_1166 {strides = array<i32>} : memref<5x400xi32, #tpu.memory_space<vmem>>, vector<1x16xi32>,
      }
      %scan3A_1079 = arith.constant 125 : i32
      %dma_start3A = arith.constant 0 : i32
      %dma_start3A_1080 = arith.constant 0 : i32
      %dma_start3A_1081 = tpu.memref_slice %arg8[%dma_start3A, %dma_start3A_1080] : memref<5x400xi32, #tpu.memory_space<vmem>> -> memref<1x400xi32, #tpu.memory_space<vmem>>
      %dma_start3A_1082 = tpu.memref_squeeze %dma_start3A_1081 : memref<1x400xi32, #tpu.memory_space<vmem>> -> memref<400xi32, #tpu.memory_space<vmem>>
      %dma_start3A_1083 = arith.constant 0 : i32
      %dma_start3A_1084 = arith.constant 0 : i32
      %dma_start3A_1085 = tpu.memref_slice %arg5[%dma_start3A_1083, %dma_start3A_1084] : memref<51200x16xf32, #tpu.memory_space<hbm>> -> memref<51200x16xf32, #tpu.memory_space<hbm>>
      tpu.enqueue_indirect_dma source(%dma_start3A_1085 : memref<51200x16xf32, #tpu.memory_space<hbm>>) target(%arg11 : memref<400x16xf32, #tpu.memory_space<vmem>>) offsets(%dma_start3A_1082 : memref<400xi32, #tpu.memory_space<vmem>>) semaphore(%arg19 : memref<!tpu.dma_semaphore, #tpu.memory_space<semaphore_mem>>)
      %dma_start3A_1086 = arith.constant 0 : i32
      %dma_start3A_1087 = arith.constant 0 : i32
      %dma_start3A_1088 = tpu.memref_slice %arg8[%dma_start3A_1086, %dma_start3A_1087] : memref<5x400xi32, #tpu.memory_space<vmem>> -> memref<1x400xi32, #tpu.memory_space<vmem>>
      %dma_start3A_1089 = tpu.memref_squeeze %dma_start3A_1088 : memref<1x400xi32, #tpu.memory_space<vmem>> -> memref<400xi32, #tpu.memory_space<vmem>>
      %dma_start3A_1090 = arith.constant 0 : i32
      %dma_start3A_1091 = tpu.memref_slice %arg7[%dma_start3A_1090] : memref<51200xf32, #tpu.memory_space<hbm>> -> memref<51200xf32, #tpu.memory_space<hbm>>
      tpu.enqueue_indirect_dma source(%dma_start3A_1091 : memref<51200xf32, #tpu.memory_space<hbm>>) target(%arg13 : memref<400xf32, #tpu.memory_space<vmem>>) offsets(%dma_start3A_1089 : memref<400xi32, #tpu.memory_space<vmem>>) semaphore(%arg19 : memref<!tpu.dma_semaphore, #tpu.memory_space<semaphore_mem>>)
      %scan3A_1092 = arith.constant 0 : i32
      %scan3A_1093 = arith.constant 0 : i32
      %scan3A_1094 = arith.constant 2 : i32
      %scan3A_1095 = arith.addi %scan3A_1093, %scan3A_1094 : i32
      %scan3A_1096 = arith.constant 1 : i32
      scf.for %scan3A_1116 = %scan3A_1093 to %scan3A_1095 step %scan3A_1096  : i32 {
        %mul3A_1117 = arith.constant 2 : i32
        %mul3A_1118 = arith.muli %scan3A_1116, %mul3A_1117 : i32
        %add3A = arith.constant 1 : i32
        %add3A_1119 = arith.addi %mul3A_1118, %add3A : i32
        %dma_start3A_1120 = arith.constant 0 : i32
        %dma_start3A_1121 = tpu.memref_slice %arg8[%add3A_1119, %dma_start3A_1120] : memref<5x400xi32, #tpu.memory_space<vmem>> -> memref<1x400xi32, #tpu.memory_space<vmem>>
        %dma_start3A_1122 = tpu.memref_squeeze %dma_start3A_1121 : memref<1x400xi32, #tpu.memory_space<vmem>> -> memref<400xi32, #tpu.memory_space<vmem>>
        %dma_start3A_1123 = arith.constant 0 : i32
        %dma_start3A_1124 = arith.constant 0 : i32
        %dma_start3A_1125 = tpu.memref_slice %arg5[%dma_start3A_1123, %dma_start3A_1124] : memref<51200x16xf32, #tpu.memory_space<hbm>> -> memref<51200x16xf32, #tpu.memory_space<hbm>>
        tpu.enqueue_indirect_dma source(%dma_start3A_1125 : memref<51200x16xf32, #tpu.memory_space<hbm>>) target(%arg12 : memref<400x16xf32, #tpu.memory_space<vmem>>) offsets(%dma_start3A_1122 : memref<400xi32, #tpu.memory_space<vmem>>) semaphore(%arg20 : memref<!tpu.dma_semaphore, #tpu.memory_space<semaphore_mem>>)
        %dma_start3A_1126 = arith.constant 0 : i32
        %dma_start3A_1127 = tpu.memref_slice %arg8[%add3A_1119, %dma_start3A_1126] : memref<5x400xi32, #tpu.memory_space<vmem>> -> memref<1x400xi32, #tpu.memory_space<vmem>>
        %dma_start3A_1128 = tpu.memref_squeeze %dma_start3A_1127 : memref<1x400xi32, #tpu.memory_space<vmem>> -> memref<400xi32, #tpu.memory_space<vmem>>
        %dma_start3A_1129 = arith.constant 0 : i32
        %dma_start3A_1130 = tpu.memref_slice %arg7[%dma_start3A_1129] : memref<51200xf32, #tpu.memory_space<hbm>> -> memref<51200xf32, #tpu.memory_space<hbm>>
        tpu.enqueue_indirect_dma source(%dma_start3A_1130 : memref<51200xf32, #tpu.memory_space<hbm>>) target(%arg14 : memref<400xf32, #tpu.memory_space<vmem>>) offsets(%dma_start3A_1128 : memref<400xi32, #tpu.memory_space<vmem>>) semaphore(%arg20 : memref<!tpu.dma_semaphore, #tpu.memory_space<semaphore_mem>>)
        %dma_wait3A_1131 = arith.constant 0 : i32
        %dma_wait3A_1132 = tpu.memref_slice %arg8[%mul3A_1118, %dma_wait3A_1131] : memref<5x400xi32, #tpu.memory_space<vmem>> -> memref<1x400xi32, #tpu.memory_space<vmem>>
        %dma_wait3A_1133 = tpu.memref_squeeze %dma_wait3A_1132 : memref<1x400xi32, #tpu.memory_space<vmem>> -> memref<400xi32, #tpu.memory_space<vmem>>
        %dma_wait3A_1134 = arith.constant 0 : i32
        %dma_wait3A_1135 = arith.constant 0 : i32
        %dma_wait3A_1136 = tpu.memref_slice %arg5[%dma_wait3A_1134, %dma_wait3A_1135] : memref<51200x16xf32, #tpu.memory_space<hbm>> -> memref<51200x16xf32, #tpu.memory_space<hbm>>
        tpu.wait_indirect_dma semaphore(%arg19 : memref<!tpu.dma_semaphore, #tpu.memory_space<semaphore_mem>>) src(%dma_wait3A_1136 : memref<51200x16xf32, #tpu.memory_space<hbm>>) dst(%arg11 : memref<400x16xf32, #tpu.memory_space<vmem>>)
        %dma_wait3A_1137 = arith.constant 0 : i32
        %dma_wait3A_1138 = tpu.memref_slice %arg8[%mul3A_1118, %dma_wait3A_1137] : memref<5x400xi32, #tpu.memory_space<vmem>> -> memref<1x400xi32, #tpu.memory_space<vmem>>
        %dma_wait3A_1139 = tpu.memref_squeeze %dma_wait3A_1138 : memref<1x400xi32, #tpu.memory_space<vmem>> -> memref<400xi32, #tpu.memory_space<vmem>>
        %dma_wait3A_1140 = arith.constant 0 : i32
        %dma_wait3A_1141 = tpu.memref_slice %arg7[%dma_wait3A_1140] : memref<51200xf32, #tpu.memory_space<hbm>> -> memref<51200xf32, #tpu.memory_space<hbm>>
        tpu.wait_indirect_dma semaphore(%arg19 : memref<!tpu.dma_semaphore, #tpu.memory_space<semaphore_mem>>) src(%dma_wait3A_1141 : memref<51200xf32, #tpu.memory_space<hbm>>) dst(%arg13 : memref<400xf32, #tpu.memory_space<vmem>>)
        %scan3A_1142 = arith.constant 0 : i32
        %scan3A_1143 = arith.constant 0 : i32
        %scan3A_1144 = arith.constant 25 : i32
        %scan3A_1145 = arith.addi %scan3A_1143, %scan3A_1144 : i32
        %scan3A_1146 = arith.constant 1 : i32
        scf.for %scan3A_1182 = %scan3A_1143 to %scan3A_1145 step %scan3A_1146  : i32 {
          %mul3A_1183 = arith.constant 16 : i32
          %mul3A_1184 = arith.muli %scan3A_1182, %mul3A_1183 : i32
          %get3A = arith.index_cast %mul3A_1118 : i32 to index
          %get3A_1185 = arith.index_cast %mul3A_1184 : i32 to index
          %get3A_1186 = tpu.vector_load %arg10[%get3A, %get3A_1185] {strides = array<i32>} : memref<5x400xf32, #tpu.memory_space<vmem>>, vector<1x16xf32>,
          %get3A_1187 = vector.shape_cast %get3A_1186 : vector<1x16xf32> to vector<16xf32>
          %mul3A_1188 = arith.constant 16 : i32
          %mul3A_1189 = arith.muli %scan3A_1182, %mul3A_1188 : i32
          %get3A_1190 = arith.index_cast %mul3A_1189 : i32 to index
          %get3A_1191 = tpu.vector_load %arg13[%get3A_1190] {strides = array<i32>} : memref<400xf32, #tpu.memory_space<vmem>>, vector<16xf32>,
          %get3A_1192 = vector.shape_cast %get3A_1191 : vector<16xf32> to vector<16xf32>
          %mul3A_1193 = arith.mulf %get3A_1187, %get3A_1192 : vector<16xf32>
          %mul3A_1194 = arith.constant 16 : i32
          %mul3A_1195 = arith.muli %scan3A_1182, %mul3A_1194 : i32
          %add3A_1196 = arith.constant 0 : i32
          %add3A_1197 = arith.addi %mul3A_1195, %add3A_1196 : i32
          %get3A_1198 = arith.index_cast %add3A_1197 : i32 to index
          %get3A_1199 = arith.constant 0 : index
          %get3A_1200 = tpu.vector_load %arg11[%get3A_1198, %get3A_1199] {strides = array<i32>} : memref<400x16xf32, #tpu.memory_space<vmem>>, vector<1x16xf32>,
          %get3A_1201 = vector.shape_cast %get3A_1200 : vector<1x16xf32> to vector<16xf32>
          %slice3A = vector.extract_strided_slice %mul3A_1193 {offsets = [0], sizes = [1], strides = [1]} : vector<16xf32> to vector<1xf32>
          %squeeze3A = vector.extract %slice3A[0] : f32 from vector<1xf32>
          %mul3A_1202 = vector.broadcast %squeeze3A : f32 to vector<16xf32>
          %mul3A_1203 = arith.mulf %get3A_1201, %mul3A_1202 : vector<16xf32>
          %mul3A_1204 = arith.constant 16 : i32
          %mul3A_1205 = arith.muli %scan3A_1182, %mul3A_1204 : i32
          %add3A_1206 = arith.constant 0 : i32
          %add3A_1207 = arith.addi %mul3A_1205, %add3A_1206 : i32
          %swap3A_1208 = arith.index_cast %add3A_1207 : i32 to index
          %swap3A_1209 = arith.constant 0 : index
          %swap3A_1210 = tpu.vector_load %arg11[%swap3A_1208, %swap3A_1209] {strides = array<i32>} : memref<400x16xf32, #tpu.memory_space<vmem>>, vector<1x16xf32>,
          %swap3A_1211 = vector.shape_cast %swap3A_1210 : vector<1x16xf32> to vector<16xf32>
          %swap3A_1212 = vector.shape_cast %mul3A_1203 : vector<16xf32> to vector<1x16xf32>
          tpu.vector_store %arg11[%swap3A_1208, %swap3A_1209], %swap3A_1212 {strides = array<i32>} : memref<400x16xf32, #tpu.memory_space<vmem>>, vector<1x16xf32>,
          %mul3A_1213 = arith.constant 16 : i32
          %mul3A_1214 = arith.muli %scan3A_1182, %mul3A_1213 : i32
          %add3A_1215 = arith.constant 1 : i32
          %add3A_1216 = arith.addi %mul3A_1214, %add3A_1215 : i32
          %get3A_1217 = arith.index_cast %add3A_1216 : i32 to index
          %get3A_1218 = arith.constant 0 : index
          %get3A_1219 = tpu.vector_load %arg11[%get3A_1217, %get3A_1218] {strides = array<i32>} : memref<400x16xf32, #tpu.memory_space<vmem>>, vector<1x16xf32>,
          %get3A_1220 = vector.shape_cast %get3A_1219 : vector<1x16xf32> to vector<16xf32>
          %slice3A_1221 = vector.extract_strided_slice %mul3A_1193 {offsets = [1], sizes = [1], strides = [1]} : vector<16xf32> to vector<1xf32>
          %squeeze3A_1222 = vector.extract %slice3A_1221[0] : f32 from vector<1xf32>
          %mul3A_1223 = vector.broadcast %squeeze3A_1222 : f32 to vector<16xf32>
          %mul3A_1224 = arith.mulf %get3A_1220, %mul3A_1223 : vector<16xf32>
          %mul3A_1225 = arith.constant 16 : i32
          %mul3A_1226 = arith.muli %scan3A_1182, %mul3A_1225 : i32
          %add3A_1227 = arith.constant 1 : i32
          %add3A_1228 = arith.addi %mul3A_1226, %add3A_1227 : i32
          %swap3A_1229 = arith.index_cast %add3A_1228 : i32 to index
          %swap3A_1230 = arith.constant 0 : index
          %swap3A_1231 = tpu.vector_load %arg11[%swap3A_1229, %swap3A_1230] {strides = array<i32>} : memref<400x16xf32, #tpu.memory_space<vmem>>, vector<1x16xf32>,
          %swap3A_1232 = vector.shape_cast %swap3A_1231 : vector<1x16xf32> to vector<16xf32>
          %swap3A_1233 = vector.shape_cast %mul3A_1224 : vector<16xf32> to vector<1x16xf32>
          tpu.vector_store %arg11[%swap3A_1229, %swap3A_1230], %swap3A_1233 {strides = array<i32>} : memref<400x16xf32, #tpu.memory_space<vmem>>, vector<1x16xf32>,
          %mul3A_1234 = arith.constant 16 : i32
          %mul3A_1235 = arith.muli %scan3A_1182, %mul3A_1234 : i32
          %add3A_1236 = arith.constant 2 : i32
          %add3A_1237 = arith.addi %mul3A_1235, %add3A_1236 : i32
          %get3A_1238 = arith.index_cast %add3A_1237 : i32 to index
          %get3A_1239 = arith.constant 0 : index
          %get3A_1240 = tpu.vector_load %arg11[%get3A_1238, %get3A_1239] {strides = array<i32>} : memref<400x16xf32, #tpu.memory_space<vmem>>, vector<1x16xf32>,
          %get3A_1241 = vector.shape_cast %get3A_1240 : vector<1x16xf32> to vector<16xf32>
          %slice3A_1242 = vector.extract_strided_slice %mul3A_1193 {offsets = [2], sizes = [1], strides = [1]} : vector<16xf32> to vector<1xf32>
          %squeeze3A_1243 = vector.extract %slice3A_1242[0] : f32 from vector<1xf32>
          %mul3A_1244 = vector.broadcast %squeeze3A_1243 : f32 to vector<16xf32>
          %mul3A_1245 = arith.mulf %get3A_1241, %mul3A_1244 : vector<16xf32>
          %mul3A_1246 = arith.constant 16 : i32
          %mul3A_1247 = arith.muli %scan3A_1182, %mul3A_1246 : i32
          %add3A_1248 = arith.constant 2 : i32
          %add3A_1249 = arith.addi %mul3A_1247, %add3A_1248 : i32
          %swap3A_1250 = arith.index_cast %add3A_1249 : i32 to index
          %swap3A_1251 = arith.constant 0 : index
          %swap3A_1252 = tpu.vector_load %arg11[%swap3A_1250, %swap3A_1251] {strides = array<i32>} : memref<400x16xf32, #tpu.memory_space<vmem>>, vector<1x16xf32>,
          %swap3A_1253 = vector.shape_cast %swap3A_1252 : vector<1x16xf32> to vector<16xf32>
          %swap3A_1254 = vector.shape_cast %mul3A_1245 : vector<16xf32> to vector<1x16xf32>
          tpu.vector_store %arg11[%swap3A_1250, %swap3A_1251], %swap3A_1254 {strides = array<i32>} : memref<400x16xf32, #tpu.memory_space<vmem>>, vector<1x16xf32>,
          %mul3A_1255 = arith.constant 16 : i32
          %mul3A_1256 = arith.muli %scan3A_1182, %mul3A_1255 : i32
          %add3A_1257 = arith.constant 3 : i32
          %add3A_1258 = arith.addi %mul3A_1256, %add3A_1257 : i32
          %get3A_1259 = arith.index_cast %add3A_1258 : i32 to index
          %get3A_1260 = arith.constant 0 : index
          %get3A_1261 = tpu.vector_load %arg11[%get3A_1259, %get3A_1260] {strides = array<i32>} : memref<400x16xf32, #tpu.memory_space<vmem>>, vector<1x16xf32>,
          %get3A_1262 = vector.shape_cast %get3A_1261 : vector<1x16xf32> to vector<16xf32>
          %slice3A_1263 = vector.extract_strided_slice %mul3A_1193 {offsets = [3], sizes = [1], strides = [1]} : vector<16xf32> to vector<1xf32>
          %squeeze3A_1264 = vector.extract %slice3A_1263[0] : f32 from vector<1xf32>
          %mul3A_1265 = vector.broadcast %squeeze3A_1264 : f32 to vector<16xf32>
          %mul3A_1266 = arith.mulf %get3A_1262, %mul3A_1265 : vector<16xf32>
          %mul3A_1267 = arith.constant 16 : i32
          %mul3A_1268 = arith.muli %scan3A_1182, %mul3A_1267 : i32
          %add3A_1269 = arith.constant 3 : i32
          %add3A_1270 = arith.addi %mul3A_1268, %add3A_1269 : i32
          %swap3A_1271 = arith.index_cast %add3A_1270 : i32 to index
          %swap3A_1272 = arith.constant 0 : index
          %swap3A_1273 = tpu.vector_load %arg11[%swap3A_1271, %swap3A_1272] {strides = array<i32>} : memref<400x16xf32, #tpu.memory_space<vmem>>, vector<1x16xf32>,
          %swap3A_1274 = vector.shape_cast %swap3A_1273 : vector<1x16xf32> to vector<16xf32>
          %swap3A_1275 = vector.shape_cast %mul3A_1266 : vector<16xf32> to vector<1x16xf32>
          tpu.vector_store %arg11[%swap3A_1271, %swap3A_1272], %swap3A_1275 {strides = array<i32>} : memref<400x16xf32, #tpu.memory_space<vmem>>, vector<1x16xf32>,
          %mul3A_1276 = arith.constant 16 : i32
          %mul3A_1277 = arith.muli %scan3A_1182, %mul3A_1276 : i32
          %add3A_1278 = arith.constant 4 : i32
          %add3A_1279 = arith.addi %mul3A_1277, %add3A_1278 : i32
          %get3A_1280 = arith.index_cast %add3A_1279 : i32 to index
          %get3A_1281 = arith.constant 0 : index
          %get3A_1282 = tpu.vector_load %arg11[%get3A_1280, %get3A_1281] {strides = array<i32>} : memref<400x16xf32, #tpu.memory_space<vmem>>, vector<1x16xf32>,
          %get3A_1283 = vector.shape_cast %get3A_1282 : vector<1x16xf32> to vector<16xf32>
          %slice3A_1284 = vector.extract_strided_slice %mul3A_1193 {offsets = [4], sizes = [1], strides = [1]} : vector<16xf32> to vector<1xf32>
          %squeeze3A_1285 = vector.extract %slice3A_1284[0] : f32 from vector<1xf32>
          %mul3A_1286 = vector.broadcast %squeeze3A_1285 : f32 to vector<16xf32>
          %mul3A_1287 = arith.mulf %get3A_1283, %mul3A_1286 : vector<16xf32>
          %mul3A_1288 = arith.constant 16 : i32
          %mul3A_1289 = arith.muli %scan3A_1182, %mul3A_1288 : i32
          %add3A_1290 = arith.constant 4 : i32
          %add3A_1291 = arith.addi %mul3A_1289, %add3A_1290 : i32
          %swap3A_1292 = arith.index_cast %add3A_1291 : i32 to index
          %swap3A_1293 = arith.constant 0 : index
          %swap3A_1294 = tpu.vector_load %arg11[%swap3A_1292, %swap3A_1293] {strides = array<i32>} : memref<400x16xf32, #tpu.memory_space<vmem>>, vector<1x16xf32>,
          %swap3A_1295 = vector.shape_cast %swap3A_1294 : vector<1x16xf32> to vector<16xf32>
          %swap3A_1296 = vector.shape_cast %mul3A_1287 : vector<16xf32> to vector<1x16xf32>
          tpu.vector_store %arg11[%swap3A_1292, %swap3A_1293], %swap3A_1296 {strides = array<i32>} : memref<400x16xf32, #tpu.memory_space<vmem>>, vector<1x16xf32>,
          %mul3A_1297 = arith.constant 16 : i32
          %mul3A_1298 = arith.muli %scan3A_1182, %mul3A_1297 : i32
          %add3A_1299 = arith.constant 5 : i32
          %add3A_1300 = arith.addi %mul3A_1298, %add3A_1299 : i32
          %get3A_1301 = arith.index_cast %add3A_1300 : i32 to index
          %get3A_1302 = arith.constant 0 : index
          %get3A_1303 = tpu.vector_load %arg11[%get3A_1301, %get3A_1302] {strides = array<i32>} : memref<400x16xf32, #tpu.memory_space<vmem>>, vector<1x16xf32>,
          %get3A_1304 = vector.shape_cast %get3A_1303 : vector<1x16xf32> to vector<16xf32>
          %slice3A_1305 = vector.extract_strided_slice %mul3A_1193 {offsets = [5], sizes = [1], strides = [1]} : vector<16xf32> to vector<1xf32>
          %squeeze3A_1306 = vector.extract %slice3A_1305[0] : f32 from vector<1xf32>
          %mul3A_1307 = vector.broadcast %squeeze3A_1306 : f32 to vector<16xf32>
          %mul3A_1308 = arith.mulf %get3A_1304, %mul3A_1307 : vector<16xf32>
          %mul3A_1309 = arith.constant 16 : i32
          %mul3A_1310 = arith.muli %scan3A_1182, %mul3A_1309 : i32
          %add3A_1311 = arith.constant 5 : i32
          %add3A_1312 = arith.addi %mul3A_1310, %add3A_1311 : i32
          %swap3A_1313 = arith.index_cast %add3A_1312 : i32 to index
          %swap3A_1314 = arith.constant 0 : index
          %swap3A_1315 = tpu.vector_load %arg11[%swap3A_1313, %swap3A_1314] {strides = array<i32>} : memref<400x16xf32, #tpu.memory_space<vmem>>, vector<1x16xf32>,
          %swap3A_1316 = vector.shape_cast %swap3A_1315 : vector<1x16xf32> to vector<16xf32>
          %swap3A_1317 = vector.shape_cast %mul3A_1308 : vector<16xf32> to vector<1x16xf32>
          tpu.vector_store %arg11[%swap3A_1313, %swap3A_1314], %swap3A_1317 {strides = array<i32>} : memref<400x16xf32, #tpu.memory_space<vmem>>, vector<1x16xf32>,
          %mul3A_1318 = arith.constant 16 : i32
          %mul3A_1319 = arith.muli %scan3A_1182, %mul3A_1318 : i32
          %add3A_1320 = arith.constant 6 : i32
          %add3A_1321 = arith.addi %mul3A_1319, %add3A_1320 : i32
          %get3A_1322 = arith.index_cast %add3A_1321 : i32 to index
          %get3A_1323 = arith.constant 0 : index
          %get3A_1324 = tpu.vector_load %arg11[%get3A_1322, %get3A_1323] {strides = array<i32>} : memref<400x16xf32, #tpu.memory_space<vmem>>, vector<1x16xf32>,
          %get3A_1325 = vector.shape_cast %get3A_1324 : vector<1x16xf32> to vector<16xf32>
          %slice3A_1326 = vector.extract_strided_slice %mul3A_1193 {offsets = [6], sizes = [1], strides = [1]} : vector<16xf32> to vector<1xf32>
          %squeeze3A_1327 = vector.extract %slice3A_1326[0] : f32 from vector<1xf32>
          %mul3A_1328 = vector.broadcast %squeeze3A_1327 : f32 to vector<16xf32>
          %mul3A_1329 = arith.mulf %get3A_1325, %mul3A_1328 : vector<16xf32>
          %mul3A_1330 = arith.constant 16 : i32
          %mul3A_1331 = arith.muli %scan3A_1182, %mul3A_1330 : i32
          %add3A_1332 = arith.constant 6 : i32
          %add3A_1333 = arith.addi %mul3A_1331, %add3A_1332 : i32
          %swap3A_1334 = arith.index_cast %add3A_1333 : i32 to index
          %swap3A_1335 = arith.constant 0 : index
          %swap3A_1336 = tpu.vector_load %arg11[%swap3A_1334, %swap3A_1335] {strides = array<i32>} : memref<400x16xf32, #tpu.memory_space<vmem>>, vector<1x16xf32>,
          %swap3A_1337 = vector.shape_cast %swap3A_1336 : vector<1x16xf32> to vector<16xf32>
          %swap3A_1338 = vector.shape_cast %mul3A_1329 : vector<16xf32> to vector<1x16xf32>
          tpu.vector_store %arg11[%swap3A_1334, %swap3A_1335], %swap3A_1338 {strides = array<i32>} : memref<400x16xf32, #tpu.memory_space<vmem>>, vector<1x16xf32>,
          %mul3A_1339 = arith.constant 16 : i32
          %mul3A_1340 = arith.muli %scan3A_1182, %mul3A_1339 : i32
          %add3A_1341 = arith.constant 7 : i32
          %add3A_1342 = arith.addi %mul3A_1340, %add3A_1341 : i32
          %get3A_1343 = arith.index_cast %add3A_1342 : i32 to index
          %get3A_1344 = arith.constant 0 : index
          %get3A_1345 = tpu.vector_load %arg11[%get3A_1343, %get3A_1344] {strides = array<i32>} : memref<400x16xf32, #tpu.memory_space<vmem>>, vector<1x16xf32>,
          %get3A_1346 = vector.shape_cast %get3A_1345 : vector<1x16xf32> to vector<16xf32>
          %slice3A_1347 = vector.extract_strided_slice %mul3A_1193 {offsets = [7], sizes = [1], strides = [1]} : vector<16xf32> to vector<1xf32>
          %squeeze3A_1348 = vector.extract %slice3A_1347[0] : f32 from vector<1xf32>
          %mul3A_1349 = vector.broadcast %squeeze3A_1348 : f32 to vector<16xf32>
          %mul3A_1350 = arith.mulf %get3A_1346, %mul3A_1349 : vector<16xf32>
          %mul3A_1351 = arith.constant 16 : i32
          %mul3A_1352 = arith.muli %scan3A_1182, %mul3A_1351 : i32
          %add3A_1353 = arith.constant 7 : i32
          %add3A_1354 = arith.addi %mul3A_1352, %add3A_1353 : i32
          %swap3A_1355 = arith.index_cast %add3A_1354 : i32 to index
          %swap3A_1356 = arith.constant 0 : index
          %swap3A_1357 = tpu.vector_load %arg11[%swap3A_1355, %swap3A_1356] {strides = array<i32>} : memref<400x16xf32, #tpu.memory_space<vmem>>, vector<1x16xf32>,
          %swap3A_1358 = vector.shape_cast %swap3A_1357 : vector<1x16xf32> to vector<16xf32>
          %swap3A_1359 = vector.shape_cast %mul3A_1350 : vector<16xf32> to vector<1x16xf32>
          tpu.vector_store %arg11[%swap3A_1355, %swap3A_1356], %swap3A_1359 {strides = array<i32>} : memref<400x16xf32, #tpu.memory_space<vmem>>, vector<1x16xf32>,
          %mul3A_1360 = arith.constant 16 : i32
          %mul3A_1361 = arith.muli %scan3A_1182, %mul3A_1360 : i32
          %add3A_1362 = arith.constant 8 : i32
          %add3A_1363 = arith.addi %mul3A_1361, %add3A_1362 : i32
          %get3A_1364 = arith.index_cast %add3A_1363 : i32 to index
          %get3A_1365 = arith.constant 0 : index
          %get3A_1366 = tpu.vector_load %arg11[%get3A_1364, %get3A_1365] {strides = array<i32>} : memref<400x16xf32, #tpu.memory_space<vmem>>, vector<1x16xf32>,
          %get3A_1367 = vector.shape_cast %get3A_1366 : vector<1x16xf32> to vector<16xf32>
          %slice3A_1368 = vector.extract_strided_slice %mul3A_1193 {offsets = [8], sizes = [1], strides = [1]} : vector<16xf32> to vector<1xf32>
          %squeeze3A_1369 = vector.extract %slice3A_1368[0] : f32 from vector<1xf32>
          %mul3A_1370 = vector.broadcast %squeeze3A_1369 : f32 to vector<16xf32>
          %mul3A_1371 = arith.mulf %get3A_1367, %mul3A_1370 : vector<16xf32>
          %mul3A_1372 = arith.constant 16 : i32
          %mul3A_1373 = arith.muli %scan3A_1182, %mul3A_1372 : i32
          %add3A_1374 = arith.constant 8 : i32
          %add3A_1375 = arith.addi %mul3A_1373, %add3A_1374 : i32
          %swap3A_1376 = arith.index_cast %add3A_1375 : i32 to index
          %swap3A_1377 = arith.constant 0 : index
          %swap3A_1378 = tpu.vector_load %arg11[%swap3A_1376, %swap3A_1377] {strides = array<i32>} : memref<400x16xf32, #tpu.memory_space<vmem>>, vector<1x16xf32>,
          %swap3A_1379 = vector.shape_cast %swap3A_1378 : vector<1x16xf32> to vector<16xf32>
          %swap3A_1380 = vector.shape_cast %mul3A_1371 : vector<16xf32> to vector<1x16xf32>
          tpu.vector_store %arg11[%swap3A_1376, %swap3A_1377], %swap3A_1380 {strides = array<i32>} : memref<400x16xf32, #tpu.memory_space<vmem>>, vector<1x16xf32>,
          %mul3A_1381 = arith.constant 16 : i32
          %mul3A_1382 = arith.muli %scan3A_1182, %mul3A_1381 : i32
          %add3A_1383 = arith.constant 9 : i32
          %add3A_1384 = arith.addi %mul3A_1382, %add3A_1383 : i32
          %get3A_1385 = arith.index_cast %add3A_1384 : i32 to index
          %get3A_1386 = arith.constant 0 : index
          %get3A_1387 = tpu.vector_load %arg11[%get3A_1385, %get3A_1386] {strides = array<i32>} : memref<400x16xf32, #tpu.memory_space<vmem>>, vector<1x16xf32>,
          %get3A_1388 = vector.shape_cast %get3A_1387 : vector<1x16xf32> to vector<16xf32>
          %slice3A_1389 = vector.extract_strided_slice %mul3A_1193 {offsets = [9], sizes = [1], strides = [1]} : vector<16xf32> to vector<1xf32>
          %squeeze3A_1390 = vector.extract %slice3A_1389[0] : f32 from vector<1xf32>
          %mul3A_1391 = vector.broadcast %squeeze3A_1390 : f32 to vector<16xf32>
          %mul3A_1392 = arith.mulf %get3A_1388, %mul3A_1391 : vector<16xf32>
          %mul3A_1393 = arith.constant 16 : i32
          %mul3A_1394 = arith.muli %scan3A_1182, %mul3A_1393 : i32
          %add3A_1395 = arith.constant 9 : i32
          %add3A_1396 = arith.addi %mul3A_1394, %add3A_1395 : i32
          %swap3A_1397 = arith.index_cast %add3A_1396 : i32 to index
          %swap3A_1398 = arith.constant 0 : index
          %swap3A_1399 = tpu.vector_load %arg11[%swap3A_1397, %swap3A_1398] {strides = array<i32>} : memref<400x16xf32, #tpu.memory_space<vmem>>, vector<1x16xf32>,
          %swap3A_1400 = vector.shape_cast %swap3A_1399 : vector<1x16xf32> to vector<16xf32>
          %swap3A_1401 = vector.shape_cast %mul3A_1392 : vector<16xf32> to vector<1x16xf32>
          tpu.vector_store %arg11[%swap3A_1397, %swap3A_1398], %swap3A_1401 {strides = array<i32>} : memref<400x16xf32, #tpu.memory_space<vmem>>, vector<1x16xf32>,
          %mul3A_1402 = arith.constant 16 : i32
          %mul3A_1403 = arith.muli %scan3A_1182, %mul3A_1402 : i32
          %add3A_1404 = arith.constant 10 : i32
          %add3A_1405 = arith.addi %mul3A_1403, %add3A_1404 : i32
          %get3A_1406 = arith.index_cast %add3A_1405 : i32 to index
          %get3A_1407 = arith.constant 0 : index
          %get3A_1408 = tpu.vector_load %arg11[%get3A_1406, %get3A_1407] {strides = array<i32>} : memref<400x16xf32, #tpu.memory_space<vmem>>, vector<1x16xf32>,
          %get3A_1409 = vector.shape_cast %get3A_1408 : vector<1x16xf32> to vector<16xf32>
          %slice3A_1410 = vector.extract_strided_slice %mul3A_1193 {offsets = [10], sizes = [1], strides = [1]} : vector<16xf32> to vector<1xf32>
          %squeeze3A_1411 = vector.extract %slice3A_1410[0] : f32 from vector<1xf32>
          %mul3A_1412 = vector.broadcast %squeeze3A_1411 : f32 to vector<16xf32>
          %mul3A_1413 = arith.mulf %get3A_1409, %mul3A_1412 : vector<16xf32>
          %mul3A_1414 = arith.constant 16 : i32
          %mul3A_1415 = arith.muli %scan3A_1182, %mul3A_1414 : i32
          %add3A_1416 = arith.constant 10 : i32
          %add3A_1417 = arith.addi %mul3A_1415, %add3A_1416 : i32
          %swap3A_1418 = arith.index_cast %add3A_1417 : i32 to index
          %swap3A_1419 = arith.constant 0 : index
          %swap3A_1420 = tpu.vector_load %arg11[%swap3A_1418, %swap3A_1419] {strides = array<i32>} : memref<400x16xf32, #tpu.memory_space<vmem>>, vector<1x16xf32>,
          %swap3A_1421 = vector.shape_cast %swap3A_1420 : vector<1x16xf32> to vector<16xf32>
          %swap3A_1422 = vector.shape_cast %mul3A_1413 : vector<16xf32> to vector<1x16xf32>
          tpu.vector_store %arg11[%swap3A_1418, %swap3A_1419], %swap3A_1422 {strides = array<i32>} : memref<400x16xf32, #tpu.memory_space<vmem>>, vector<1x16xf32>,
          %mul3A_1423 = arith.constant 16 : i32
          %mul3A_1424 = arith.muli %scan3A_1182, %mul3A_1423 : i32
          %add3A_1425 = arith.constant 11 : i32
          %add3A_1426 = arith.addi %mul3A_1424, %add3A_1425 : i32
          %get3A_1427 = arith.index_cast %add3A_1426 : i32 to index
          %get3A_1428 = arith.constant 0 : index
          %get3A_1429 = tpu.vector_load %arg11[%get3A_1427, %get3A_1428] {strides = array<i32>} : memref<400x16xf32, #tpu.memory_space<vmem>>, vector<1x16xf32>,
          %get3A_1430 = vector.shape_cast %get3A_1429 : vector<1x16xf32> to vector<16xf32>
          %slice3A_1431 = vector.extract_strided_slice %mul3A_1193 {offsets = [11], sizes = [1], strides = [1]} : vector<16xf32> to vector<1xf32>
          %squeeze3A_1432 = vector.extract %slice3A_1431[0] : f32 from vector<1xf32>
          %mul3A_1433 = vector.broadcast %squeeze3A_1432 : f32 to vector<16xf32>
          %mul3A_1434 = arith.mulf %get3A_1430, %mul3A_1433 : vector<16xf32>
          %mul3A_1435 = arith.constant 16 : i32
          %mul3A_1436 = arith.muli %scan3A_1182, %mul3A_1435 : i32
          %add3A_1437 = arith.constant 11 : i32
          %add3A_1438 = arith.addi %mul3A_1436, %add3A_1437 : i32
          %swap3A_1439 = arith.index_cast %add3A_1438 : i32 to index
          %swap3A_1440 = arith.constant 0 : index
          %swap3A_1441 = tpu.vector_load %arg11[%swap3A_1439, %swap3A_1440] {strides = array<i32>} : memref<400x16xf32, #tpu.memory_space<vmem>>, vector<1x16xf32>,
          %swap3A_1442 = vector.shape_cast %swap3A_1441 : vector<1x16xf32> to vector<16xf32>
          %swap3A_1443 = vector.shape_cast %mul3A_1434 : vector<16xf32> to vector<1x16xf32>
          tpu.vector_store %arg11[%swap3A_1439, %swap3A_1440], %swap3A_1443 {strides = array<i32>} : memref<400x16xf32, #tpu.memory_space<vmem>>, vector<1x16xf32>,
          %mul3A_1444 = arith.constant 16 : i32
          %mul3A_1445 = arith.muli %scan3A_1182, %mul3A_1444 : i32
          %add3A_1446 = arith.constant 12 : i32
          %add3A_1447 = arith.addi %mul3A_1445, %add3A_1446 : i32
          %get3A_1448 = arith.index_cast %add3A_1447 : i32 to index
          %get3A_1449 = arith.constant 0 : index
          %get3A_1450 = tpu.vector_load %arg11[%get3A_1448, %get3A_1449] {strides = array<i32>} : memref<400x16xf32, #tpu.memory_space<vmem>>, vector<1x16xf32>,
          %get3A_1451 = vector.shape_cast %get3A_1450 : vector<1x16xf32> to vector<16xf32>
          %slice3A_1452 = vector.extract_strided_slice %mul3A_1193 {offsets = [12], sizes = [1], strides = [1]} : vector<16xf32> to vector<1xf32>
          %squeeze3A_1453 = vector.extract %slice3A_1452[0] : f32 from vector<1xf32>
          %mul3A_1454 = vector.broadcast %squeeze3A_1453 : f32 to vector<16xf32>
          %mul3A_1455 = arith.mulf %get3A_1451, %mul3A_1454 : vector<16xf32>
          %mul3A_1456 = arith.constant 16 : i32
          %mul3A_1457 = arith.muli %scan3A_1182, %mul3A_1456 : i32
          %add3A_1458 = arith.constant 12 : i32
          %add3A_1459 = arith.addi %mul3A_1457, %add3A_1458 : i32
          %swap3A_1460 = arith.index_cast %add3A_1459 : i32 to index
          %swap3A_1461 = arith.constant 0 : index
          %swap3A_1462 = tpu.vector_load %arg11[%swap3A_1460, %swap3A_1461] {strides = array<i32>} : memref<400x16xf32, #tpu.memory_space<vmem>>, vector<1x16xf32>,
          %swap3A_1463 = vector.shape_cast %swap3A_1462 : vector<1x16xf32> to vector<16xf32>
          %swap3A_1464 = vector.shape_cast %mul3A_1455 : vector<16xf32> to vector<1x16xf32>
          tpu.vector_store %arg11[%swap3A_1460, %swap3A_1461], %swap3A_1464 {strides = array<i32>} : memref<400x16xf32, #tpu.memory_space<vmem>>, vector<1x16xf32>,
          %mul3A_1465 = arith.constant 16 : i32
          %mul3A_1466 = arith.muli %scan3A_1182, %mul3A_1465 : i32
          %add3A_1467 = arith.constant 13 : i32
          %add3A_1468 = arith.addi %mul3A_1466, %add3A_1467 : i32
          %get3A_1469 = arith.index_cast %add3A_1468 : i32 to index
          %get3A_1470 = arith.constant 0 : index
          %get3A_1471 = tpu.vector_load %arg11[%get3A_1469, %get3A_1470] {strides = array<i32>} : memref<400x16xf32, #tpu.memory_space<vmem>>, vector<1x16xf32>,
          %get3A_1472 = vector.shape_cast %get3A_1471 : vector<1x16xf32> to vector<16xf32>
          %slice3A_1473 = vector.extract_strided_slice %mul3A_1193 {offsets = [13], sizes = [1], strides = [1]} : vector<16xf32> to vector<1xf32>
          %squeeze3A_1474 = vector.extract %slice3A_1473[0] : f32 from vector<1xf32>
          %mul3A_1475 = vector.broadcast %squeeze3A_1474 : f32 to vector<16xf32>
          %mul3A_1476 = arith.mulf %get3A_1472, %mul3A_1475 : vector<16xf32>
          %mul3A_1477 = arith.constant 16 : i32
          %mul3A_1478 = arith.muli %scan3A_1182, %mul3A_1477 : i32
          %add3A_1479 = arith.constant 13 : i32
          %add3A_1480 = arith.addi %mul3A_1478, %add3A_1479 : i32
          %swap3A_1481 = arith.index_cast %add3A_1480 : i32 to index
          %swap3A_1482 = arith.constant 0 : index
          %swap3A_1483 = tpu.vector_load %arg11[%swap3A_1481, %swap3A_1482] {strides = array<i32>} : memref<400x16xf32, #tpu.memory_space<vmem>>, vector<1x16xf32>,
          %swap3A_1484 = vector.shape_cast %swap3A_1483 : vector<1x16xf32> to vector<16xf32>
          %swap3A_1485 = vector.shape_cast %mul3A_1476 : vector<16xf32> to vector<1x16xf32>
          tpu.vector_store %arg11[%swap3A_1481, %swap3A_1482], %swap3A_1485 {strides = array<i32>} : memref<400x16xf32, #tpu.memory_space<vmem>>, vector<1x16xf32>,
          %mul3A_1486 = arith.constant 16 : i32
          %mul3A_1487 = arith.muli %scan3A_1182, %mul3A_1486 : i32
          %add3A_1488 = arith.constant 14 : i32
          %add3A_1489 = arith.addi %mul3A_1487, %add3A_1488 : i32
          %get3A_1490 = arith.index_cast %add3A_1489 : i32 to index
          %get3A_1491 = arith.constant 0 : index
          %get3A_1492 = tpu.vector_load %arg11[%get3A_1490, %get3A_1491] {strides = array<i32>} : memref<400x16xf32, #tpu.memory_space<vmem>>, vector<1x16xf32>,
          %get3A_1493 = vector.shape_cast %get3A_1492 : vector<1x16xf32> to vector<16xf32>
          %slice3A_1494 = vector.extract_strided_slice %mul3A_1193 {offsets = [14], sizes = [1], strides = [1]} : vector<16xf32> to vector<1xf32>
          %squeeze3A_1495 = vector.extract %slice3A_1494[0] : f32 from vector<1xf32>
          %mul3A_1496 = vector.broadcast %squeeze3A_1495 : f32 to vector<16xf32>
          %mul3A_1497 = arith.mulf %get3A_1493, %mul3A_1496 : vector<16xf32>
          %mul3A_1498 = arith.constant 16 : i32
          %mul3A_1499 = arith.muli %scan3A_1182, %mul3A_1498 : i32
          %add3A_1500 = arith.constant 14 : i32
          %add3A_1501 = arith.addi %mul3A_1499, %add3A_1500 : i32
          %swap3A_1502 = arith.index_cast %add3A_1501 : i32 to index
          %swap3A_1503 = arith.constant 0 : index
          %swap3A_1504 = tpu.vector_load %arg11[%swap3A_1502, %swap3A_1503] {strides = array<i32>} : memref<400x16xf32, #tpu.memory_space<vmem>>, vector<1x16xf32>,
          %swap3A_1505 = vector.shape_cast %swap3A_1504 : vector<1x16xf32> to vector<16xf32>
          %swap3A_1506 = vector.shape_cast %mul3A_1497 : vector<16xf32> to vector<1x16xf32>
          tpu.vector_store %arg11[%swap3A_1502, %swap3A_1503], %swap3A_1506 {strides = array<i32>} : memref<400x16xf32, #tpu.memory_space<vmem>>, vector<1x16xf32>,
          %mul3A_1507 = arith.constant 16 : i32
          %mul3A_1508 = arith.muli %scan3A_1182, %mul3A_1507 : i32
          %add3A_1509 = arith.constant 15 : i32
          %add3A_1510 = arith.addi %mul3A_1508, %add3A_1509 : i32
          %get3A_1511 = arith.index_cast %add3A_1510 : i32 to index
          %get3A_1512 = arith.constant 0 : index
          %get3A_1513 = tpu.vector_load %arg11[%get3A_1511, %get3A_1512] {strides = array<i32>} : memref<400x16xf32, #tpu.memory_space<vmem>>, vector<1x16xf32>,
          %get3A_1514 = vector.shape_cast %get3A_1513 : vector<1x16xf32> to vector<16xf32>
          %slice3A_1515 = vector.extract_strided_slice %mul3A_1193 {offsets = [15], sizes = [1], strides = [1]} : vector<16xf32> to vector<1xf32>
          %squeeze3A_1516 = vector.extract %slice3A_1515[0] : f32 from vector<1xf32>
          %mul3A_1517 = vector.broadcast %squeeze3A_1516 : f32 to vector<16xf32>
          %mul3A_1518 = arith.mulf %get3A_1514, %mul3A_1517 : vector<16xf32>
          %mul3A_1519 = arith.constant 16 : i32
          %mul3A_1520 = arith.muli %scan3A_1182, %mul3A_1519 : i32
          %add3A_1521 = arith.constant 15 : i32
          %add3A_1522 = arith.addi %mul3A_1520, %add3A_1521 : i32
          %swap3A_1523 = arith.index_cast %add3A_1522 : i32 to index
          %swap3A_1524 = arith.constant 0 : index
          %swap3A_1525 = tpu.vector_load %arg11[%swap3A_1523, %swap3A_1524] {strides = array<i32>} : memref<400x16xf32, #tpu.memory_space<vmem>>, vector<1x16xf32>,
          %swap3A_1526 = vector.shape_cast %swap3A_1525 : vector<1x16xf32> to vector<16xf32>
          %swap3A_1527 = vector.shape_cast %mul3A_1518 : vector<16xf32> to vector<1x16xf32>
          tpu.vector_store %arg11[%swap3A_1523, %swap3A_1524], %swap3A_1527 {strides = array<i32>} : memref<400x16xf32, #tpu.memory_space<vmem>>, vector<1x16xf32>,
        }
        %scan3A_1147 = arith.constant 25 : i32
        "tpu.region"() ({
          %run_scoped3A_1182 = tpu.sem_alloc : memref<!tpu.dma_semaphore, #tpu.memory_space<semaphore_mem>>
          %dma_start3A_1183 = arith.constant 0 : i32
          %dma_start3A_1184 = tpu.memref_slice %arg9[%mul3A_1118, %dma_start3A_1183] : memref<5x400xi32, #tpu.memory_space<vmem>> -> memref<1x400xi32, #tpu.memory_space<vmem>>
          %dma_start3A_1185 = tpu.memref_squeeze %dma_start3A_1184 : memref<1x400xi32, #tpu.memory_space<vmem>> -> memref<400xi32, #tpu.memory_space<vmem>>
          %dma_start3A_1186 = arith.constant 0 : i32
          %dma_start3A_1187 = arith.constant 0 : i32
          %dma_start3A_1188 = tpu.memref_slice %arg17[%dma_start3A_1186, %dma_start3A_1187] : memref<26624x16xf32, #tpu.memory_space<vmem_shared>> -> memref<26624x16xf32, #tpu.memory_space<vmem_shared>>
          tpu.enqueue_indirect_dma source(%arg11 : memref<400x16xf32, #tpu.memory_space<vmem>>) target(%dma_start3A_1188 : memref<26624x16xf32, #tpu.memory_space<vmem_shared>>) offsets(%dma_start3A_1185 : memref<400xi32, #tpu.memory_space<vmem>>) semaphore(%run_scoped3A_1182 : memref<!tpu.dma_semaphore, #tpu.memory_space<semaphore_mem>>) {add = true}
          %dma_wait3A_1189 = arith.constant 0 : i32
          %dma_wait3A_1190 = tpu.memref_slice %arg9[%mul3A_1118, %dma_wait3A_1189] : memref<5x400xi32, #tpu.memory_space<vmem>> -> memref<1x400xi32, #tpu.memory_space<vmem>>
          %dma_wait3A_1191 = tpu.memref_squeeze %dma_wait3A_1190 : memref<1x400xi32, #tpu.memory_space<vmem>> -> memref<400xi32, #tpu.memory_space<vmem>>
          %dma_wait3A_1192 = arith.constant 0 : i32
          %dma_wait3A_1193 = arith.constant 0 : i32
          %dma_wait3A_1194 = tpu.memref_slice %arg17[%dma_wait3A_1192, %dma_wait3A_1193] : memref<26624x16xf32, #tpu.memory_space<vmem_shared>> -> memref<26624x16xf32, #tpu.memory_space<vmem_shared>>
          tpu.wait_indirect_dma semaphore(%run_scoped3A_1182 : memref<!tpu.dma_semaphore, #tpu.memory_space<semaphore_mem>>) src(%arg11 : memref<400x16xf32, #tpu.memory_space<vmem>>) dst(%dma_wait3A_1194 : memref<26624x16xf32, #tpu.memory_space<vmem_shared>>)
          tpu.yield
        }) : () -> ()
        %add3A_1148 = arith.constant 2 : i32
        %add3A_1149 = arith.addi %mul3A_1118, %add3A_1148 : i32
        %dma_start3A_1150 = arith.constant 0 : i32
        %dma_start3A_1151 = tpu.memref_slice %arg8[%add3A_1149, %dma_start3A_1150] : memref<5x400xi32, #tpu.memory_space<vmem>> -> memref<1x400xi32, #tpu.memory_space<vmem>>
        %dma_start3A_1152 = tpu.memref_squeeze %dma_start3A_1151 : memref<1x400xi32, #tpu.memory_space<vmem>> -> memref<400xi32, #tpu.memory_space<vmem>>
        %dma_start3A_1153 = arith.constant 0 : i32
        %dma_start3A_1154 = arith.constant 0 : i32
        %dma_start3A_1155 = tpu.memref_slice %arg5[%dma_start3A_1153, %dma_start3A_1154] : memref<51200x16xf32, #tpu.memory_space<hbm>> -> memref<51200x16xf32, #tpu.memory_space<hbm>>
        tpu.enqueue_indirect_dma source(%dma_start3A_1155 : memref<51200x16xf32, #tpu.memory_space<hbm>>) target(%arg11 : memref<400x16xf32, #tpu.memory_space<vmem>>) offsets(%dma_start3A_1152 : memref<400xi32, #tpu.memory_space<vmem>>) semaphore(%arg19 : memref<!tpu.dma_semaphore, #tpu.memory_space<semaphore_mem>>)
        %dma_start3A_1156 = arith.constant 0 : i32
        %dma_start3A_1157 = tpu.memref_slice %arg8[%add3A_1149, %dma_start3A_1156] : memref<5x400xi32, #tpu.memory_space<vmem>> -> memref<1x400xi32, #tpu.memory_space<vmem>>
        %dma_start3A_1158 = tpu.memref_squeeze %dma_start3A_1157 : memref<1x400xi32, #tpu.memory_space<vmem>> -> memref<400xi32, #tpu.memory_space<vmem>>
        %dma_start3A_1159 = arith.constant 0 : i32
        %dma_start3A_1160 = tpu.memref_slice %arg7[%dma_start3A_1159] : memref<51200xf32, #tpu.memory_space<hbm>> -> memref<51200xf32, #tpu.memory_space<hbm>>
        tpu.enqueue_indirect_dma source(%dma_start3A_1160 : memref<51200xf32, #tpu.memory_space<hbm>>) target(%arg13 : memref<400xf32, #tpu.memory_space<vmem>>) offsets(%dma_start3A_1158 : memref<400xi32, #tpu.memory_space<vmem>>) semaphore(%arg19 : memref<!tpu.dma_semaphore, #tpu.memory_space<semaphore_mem>>)
        %add3A_1161 = arith.constant 1 : i32
        %add3A_1162 = arith.addi %mul3A_1118, %add3A_1161 : i32
        %dma_wait3A_1163 = arith.constant 0 : i32
        %dma_wait3A_1164 = tpu.memref_slice %arg8[%add3A_1162, %dma_wait3A_1163] : memref<5x400xi32, #tpu.memory_space<vmem>> -> memref<1x400xi32, #tpu.memory_space<vmem>>
        %dma_wait3A_1165 = tpu.memref_squeeze %dma_wait3A_1164 : memref<1x400xi32, #tpu.memory_space<vmem>> -> memref<400xi32, #tpu.memory_space<vmem>>
        %dma_wait3A_1166 = arith.constant 0 : i32
        %dma_wait3A_1167 = arith.constant 0 : i32
        %dma_wait3A_1168 = tpu.memref_slice %arg5[%dma_wait3A_1166, %dma_wait3A_1167] : memref<51200x16xf32, #tpu.memory_space<hbm>> -> memref<51200x16xf32, #tpu.memory_space<hbm>>
        tpu.wait_indirect_dma semaphore(%arg20 : memref<!tpu.dma_semaphore, #tpu.memory_space<semaphore_mem>>) src(%dma_wait3A_1168 : memref<51200x16xf32, #tpu.memory_space<hbm>>) dst(%arg12 : memref<400x16xf32, #tpu.memory_space<vmem>>)
        %dma_wait3A_1169 = arith.constant 0 : i32
        %dma_wait3A_1170 = tpu.memref_slice %arg8[%add3A_1162, %dma_wait3A_1169] : memref<5x400xi32, #tpu.memory_space<vmem>> -> memref<1x400xi32, #tpu.memory_space<vmem>>
        %dma_wait3A_1171 = tpu.memref_squeeze %dma_wait3A_1170 : memref<1x400xi32, #tpu.memory_space<vmem>> -> memref<400xi32, #tpu.memory_space<vmem>>
        %dma_wait3A_1172 = arith.constant 0 : i32
        %dma_wait3A_1173 = tpu.memref_slice %arg7[%dma_wait3A_1172] : memref<51200xf32, #tpu.memory_space<hbm>> -> memref<51200xf32, #tpu.memory_space<hbm>>
        tpu.wait_indirect_dma semaphore(%arg20 : memref<!tpu.dma_semaphore, #tpu.memory_space<semaphore_mem>>) src(%dma_wait3A_1173 : memref<51200xf32, #tpu.memory_space<hbm>>) dst(%arg14 : memref<400xf32, #tpu.memory_space<vmem>>)
        %add3A_1174 = arith.constant 1 : i32
        %add3A_1175 = arith.addi %mul3A_1118, %add3A_1174 : i32
        %scan3A_1176 = arith.constant 0 : i32
        %scan3A_1177 = arith.constant 0 : i32
        %scan3A_1178 = arith.constant 25 : i32
        %scan3A_1179 = arith.addi %scan3A_1177, %scan3A_1178 : i32
        %scan3A_1180 = arith.constant 1 : i32
        scf.for %scan3A_1182 = %scan3A_1177 to %scan3A_1179 step %scan3A_1180  : i32 {
          %mul3A_1183 = arith.constant 16 : i32
          %mul3A_1184 = arith.muli %scan3A_1182, %mul3A_1183 : i32
          %get3A = arith.index_cast %add3A_1175 : i32 to index
          %get3A_1185 = arith.index_cast %mul3A_1184 : i32 to index
          %get3A_1186 = tpu.vector_load %arg10[%get3A, %get3A_1185] {strides = array<i32>} : memref<5x400xf32, #tpu.memory_space<vmem>>, vector<1x16xf32>,
          %get3A_1187 = vector.shape_cast %get3A_1186 : vector<1x16xf32> to vector<16xf32>
          %mul3A_1188 = arith.constant 16 : i32
          %mul3A_1189 = arith.muli %scan3A_1182, %mul3A_1188 : i32
          %get3A_1190 = arith.index_cast %mul3A_1189 : i32 to index
          %get3A_1191 = tpu.vector_load %arg14[%get3A_1190] {strides = array<i32>} : memref<400xf32, #tpu.memory_space<vmem>>, vector<16xf32>,
          %get3A_1192 = vector.shape_cast %get3A_1191 : vector<16xf32> to vector<16xf32>
          %mul3A_1193 = arith.mulf %get3A_1187, %get3A_1192 : vector<16xf32>
          %mul3A_1194 = arith.constant 16 : i32
          %mul3A_1195 = arith.muli %scan3A_1182, %mul3A_1194 : i32
          %add3A_1196 = arith.constant 0 : i32
          %add3A_1197 = arith.addi %mul3A_1195, %add3A_1196 : i32
          %get3A_1198 = arith.index_cast %add3A_1197 : i32 to index
          %get3A_1199 = arith.constant 0 : index
          %get3A_1200 = tpu.vector_load %arg12[%get3A_1198, %get3A_1199] {strides = array<i32>} : memref<400x16xf32, #tpu.memory_space<vmem>>, vector<1x16xf32>,
          %get3A_1201 = vector.shape_cast %get3A_1200 : vector<1x16xf32> to vector<16xf32>
          %slice3A = vector.extract_strided_slice %mul3A_1193 {offsets = [0], sizes = [1], strides = [1]} : vector<16xf32> to vector<1xf32>
          %squeeze3A = vector.extract %slice3A[0] : f32 from vector<1xf32>
          %mul3A_1202 = vector.broadcast %squeeze3A : f32 to vector<16xf32>
          %mul3A_1203 = arith.mulf %get3A_1201, %mul3A_1202 : vector<16xf32>
          %mul3A_1204 = arith.constant 16 : i32
          %mul3A_1205 = arith.muli %scan3A_1182, %mul3A_1204 : i32
          %add3A_1206 = arith.constant 0 : i32
          %add3A_1207 = arith.addi %mul3A_1205, %add3A_1206 : i32
          %swap3A_1208 = arith.index_cast %add3A_1207 : i32 to index
          %swap3A_1209 = arith.constant 0 : index
          %swap3A_1210 = tpu.vector_load %arg12[%swap3A_1208, %swap3A_1209] {strides = array<i32>} : memref<400x16xf32, #tpu.memory_space<vmem>>, vector<1x16xf32>,
          %swap3A_1211 = vector.shape_cast %swap3A_1210 : vector<1x16xf32> to vector<16xf32>
          %swap3A_1212 = vector.shape_cast %mul3A_1203 : vector<16xf32> to vector<1x16xf32>
          tpu.vector_store %arg12[%swap3A_1208, %swap3A_1209], %swap3A_1212 {strides = array<i32>} : memref<400x16xf32, #tpu.memory_space<vmem>>, vector<1x16xf32>,
          %mul3A_1213 = arith.constant 16 : i32
          %mul3A_1214 = arith.muli %scan3A_1182, %mul3A_1213 : i32
          %add3A_1215 = arith.constant 1 : i32
          %add3A_1216 = arith.addi %mul3A_1214, %add3A_1215 : i32
          %get3A_1217 = arith.index_cast %add3A_1216 : i32 to index
          %get3A_1218 = arith.constant 0 : index
          %get3A_1219 = tpu.vector_load %arg12[%get3A_1217, %get3A_1218] {strides = array<i32>} : memref<400x16xf32, #tpu.memory_space<vmem>>, vector<1x16xf32>,
          %get3A_1220 = vector.shape_cast %get3A_1219 : vector<1x16xf32> to vector<16xf32>
          %slice3A_1221 = vector.extract_strided_slice %mul3A_1193 {offsets = [1], sizes = [1], strides = [1]} : vector<16xf32> to vector<1xf32>
          %squeeze3A_1222 = vector.extract %slice3A_1221[0] : f32 from vector<1xf32>
          %mul3A_1223 = vector.broadcast %squeeze3A_1222 : f32 to vector<16xf32>
          %mul3A_1224 = arith.mulf %get3A_1220, %mul3A_1223 : vector<16xf32>
          %mul3A_1225 = arith.constant 16 : i32
          %mul3A_1226 = arith.muli %scan3A_1182, %mul3A_1225 : i32
          %add3A_1227 = arith.constant 1 : i32
          %add3A_1228 = arith.addi %mul3A_1226, %add3A_1227 : i32
          %swap3A_1229 = arith.index_cast %add3A_1228 : i32 to index
          %swap3A_1230 = arith.constant 0 : index
          %swap3A_1231 = tpu.vector_load %arg12[%swap3A_1229, %swap3A_1230] {strides = array<i32>} : memref<400x16xf32, #tpu.memory_space<vmem>>, vector<1x16xf32>,
          %swap3A_1232 = vector.shape_cast %swap3A_1231 : vector<1x16xf32> to vector<16xf32>
          %swap3A_1233 = vector.shape_cast %mul3A_1224 : vector<16xf32> to vector<1x16xf32>
          tpu.vector_store %arg12[%swap3A_1229, %swap3A_1230], %swap3A_1233 {strides = array<i32>} : memref<400x16xf32, #tpu.memory_space<vmem>>, vector<1x16xf32>,
          %mul3A_1234 = arith.constant 16 : i32
          %mul3A_1235 = arith.muli %scan3A_1182, %mul3A_1234 : i32
          %add3A_1236 = arith.constant 2 : i32
          %add3A_1237 = arith.addi %mul3A_1235, %add3A_1236 : i32
          %get3A_1238 = arith.index_cast %add3A_1237 : i32 to index
          %get3A_1239 = arith.constant 0 : index
          %get3A_1240 = tpu.vector_load %arg12[%get3A_1238, %get3A_1239] {strides = array<i32>} : memref<400x16xf32, #tpu.memory_space<vmem>>, vector<1x16xf32>,
          %get3A_1241 = vector.shape_cast %get3A_1240 : vector<1x16xf32> to vector<16xf32>
          %slice3A_1242 = vector.extract_strided_slice %mul3A_1193 {offsets = [2], sizes = [1], strides = [1]} : vector<16xf32> to vector<1xf32>
          %squeeze3A_1243 = vector.extract %slice3A_1242[0] : f32 from vector<1xf32>
          %mul3A_1244 = vector.broadcast %squeeze3A_1243 : f32 to vector<16xf32>
          %mul3A_1245 = arith.mulf %get3A_1241, %mul3A_1244 : vector<16xf32>
          %mul3A_1246 = arith.constant 16 : i32
          %mul3A_1247 = arith.muli %scan3A_1182, %mul3A_1246 : i32
          %add3A_1248 = arith.constant 2 : i32
          %add3A_1249 = arith.addi %mul3A_1247, %add3A_1248 : i32
          %swap3A_1250 = arith.index_cast %add3A_1249 : i32 to index
          %swap3A_1251 = arith.constant 0 : index
          %swap3A_1252 = tpu.vector_load %arg12[%swap3A_1250, %swap3A_1251] {strides = array<i32>} : memref<400x16xf32, #tpu.memory_space<vmem>>, vector<1x16xf32>,
          %swap3A_1253 = vector.shape_cast %swap3A_1252 : vector<1x16xf32> to vector<16xf32>
          %swap3A_1254 = vector.shape_cast %mul3A_1245 : vector<16xf32> to vector<1x16xf32>
          tpu.vector_store %arg12[%swap3A_1250, %swap3A_1251], %swap3A_1254 {strides = array<i32>} : memref<400x16xf32, #tpu.memory_space<vmem>>, vector<1x16xf32>,
          %mul3A_1255 = arith.constant 16 : i32
          %mul3A_1256 = arith.muli %scan3A_1182, %mul3A_1255 : i32
          %add3A_1257 = arith.constant 3 : i32
          %add3A_1258 = arith.addi %mul3A_1256, %add3A_1257 : i32
          %get3A_1259 = arith.index_cast %add3A_1258 : i32 to index
          %get3A_1260 = arith.constant 0 : index
          %get3A_1261 = tpu.vector_load %arg12[%get3A_1259, %get3A_1260] {strides = array<i32>} : memref<400x16xf32, #tpu.memory_space<vmem>>, vector<1x16xf32>,
          %get3A_1262 = vector.shape_cast %get3A_1261 : vector<1x16xf32> to vector<16xf32>
          %slice3A_1263 = vector.extract_strided_slice %mul3A_1193 {offsets = [3], sizes = [1], strides = [1]} : vector<16xf32> to vector<1xf32>
          %squeeze3A_1264 = vector.extract %slice3A_1263[0] : f32 from vector<1xf32>
          %mul3A_1265 = vector.broadcast %squeeze3A_1264 : f32 to vector<16xf32>
          %mul3A_1266 = arith.mulf %get3A_1262, %mul3A_1265 : vector<16xf32>
          %mul3A_1267 = arith.constant 16 : i32
          %mul3A_1268 = arith.muli %scan3A_1182, %mul3A_1267 : i32
          %add3A_1269 = arith.constant 3 : i32
          %add3A_1270 = arith.addi %mul3A_1268, %add3A_1269 : i32
          %swap3A_1271 = arith.index_cast %add3A_1270 : i32 to index
          %swap3A_1272 = arith.constant 0 : index
          %swap3A_1273 = tpu.vector_load %arg12[%swap3A_1271, %swap3A_1272] {strides = array<i32>} : memref<400x16xf32, #tpu.memory_space<vmem>>, vector<1x16xf32>,
          %swap3A_1274 = vector.shape_cast %swap3A_1273 : vector<1x16xf32> to vector<16xf32>
          %swap3A_1275 = vector.shape_cast %mul3A_1266 : vector<16xf32> to vector<1x16xf32>
          tpu.vector_store %arg12[%swap3A_1271, %swap3A_1272], %swap3A_1275 {strides = array<i32>} : memref<400x16xf32, #tpu.memory_space<vmem>>, vector<1x16xf32>,
          %mul3A_1276 = arith.constant 16 : i32
          %mul3A_1277 = arith.muli %scan3A_1182, %mul3A_1276 : i32
          %add3A_1278 = arith.constant 4 : i32
          %add3A_1279 = arith.addi %mul3A_1277, %add3A_1278 : i32
          %get3A_1280 = arith.index_cast %add3A_1279 : i32 to index
          %get3A_1281 = arith.constant 0 : index
          %get3A_1282 = tpu.vector_load %arg12[%get3A_1280, %get3A_1281] {strides = array<i32>} : memref<400x16xf32, #tpu.memory_space<vmem>>, vector<1x16xf32>,
          %get3A_1283 = vector.shape_cast %get3A_1282 : vector<1x16xf32> to vector<16xf32>
          %slice3A_1284 = vector.extract_strided_slice %mul3A_1193 {offsets = [4], sizes = [1], strides = [1]} : vector<16xf32> to vector<1xf32>
          %squeeze3A_1285 = vector.extract %slice3A_1284[0] : f32 from vector<1xf32>
          %mul3A_1286 = vector.broadcast %squeeze3A_1285 : f32 to vector<16xf32>
          %mul3A_1287 = arith.mulf %get3A_1283, %mul3A_1286 : vector<16xf32>
          %mul3A_1288 = arith.constant 16 : i32
          %mul3A_1289 = arith.muli %scan3A_1182, %mul3A_1288 : i32
          %add3A_1290 = arith.constant 4 : i32
          %add3A_1291 = arith.addi %mul3A_1289, %add3A_1290 : i32
          %swap3A_1292 = arith.index_cast %add3A_1291 : i32 to index
          %swap3A_1293 = arith.constant 0 : index
          %swap3A_1294 = tpu.vector_load %arg12[%swap3A_1292, %swap3A_1293] {strides = array<i32>} : memref<400x16xf32, #tpu.memory_space<vmem>>, vector<1x16xf32>,
          %swap3A_1295 = vector.shape_cast %swap3A_1294 : vector<1x16xf32> to vector<16xf32>
          %swap3A_1296 = vector.shape_cast %mul3A_1287 : vector<16xf32> to vector<1x16xf32>
          tpu.vector_store %arg12[%swap3A_1292, %swap3A_1293], %swap3A_1296 {strides = array<i32>} : memref<400x16xf32, #tpu.memory_space<vmem>>, vector<1x16xf32>,
          %mul3A_1297 = arith.constant 16 : i32
          %mul3A_1298 = arith.muli %scan3A_1182, %mul3A_1297 : i32
          %add3A_1299 = arith.constant 5 : i32
          %add3A_1300 = arith.addi %mul3A_1298, %add3A_1299 : i32
          %get3A_1301 = arith.index_cast %add3A_1300 : i32 to index
          %get3A_1302 = arith.constant 0 : index
          %get3A_1303 = tpu.vector_load %arg12[%get3A_1301, %get3A_1302] {strides = array<i32>} : memref<400x16xf32, #tpu.memory_space<vmem>>, vector<1x16xf32>,
          %get3A_1304 = vector.shape_cast %get3A_1303 : vector<1x16xf32> to vector<16xf32>
          %slice3A_1305 = vector.extract_strided_slice %mul3A_1193 {offsets = [5], sizes = [1], strides = [1]} : vector<16xf32> to vector<1xf32>
          %squeeze3A_1306 = vector.extract %slice3A_1305[0] : f32 from vector<1xf32>
          %mul3A_1307 = vector.broadcast %squeeze3A_1306 : f32 to vector<16xf32>
          %mul3A_1308 = arith.mulf %get3A_1304, %mul3A_1307 : vector<16xf32>
          %mul3A_1309 = arith.constant 16 : i32
          %mul3A_1310 = arith.muli %scan3A_1182, %mul3A_1309 : i32
          %add3A_1311 = arith.constant 5 : i32
          %add3A_1312 = arith.addi %mul3A_1310, %add3A_1311 : i32
          %swap3A_1313 = arith.index_cast %add3A_1312 : i32 to index
          %swap3A_1314 = arith.constant 0 : index
          %swap3A_1315 = tpu.vector_load %arg12[%swap3A_1313, %swap3A_1314] {strides = array<i32>} : memref<400x16xf32, #tpu.memory_space<vmem>>, vector<1x16xf32>,
          %swap3A_1316 = vector.shape_cast %swap3A_1315 : vector<1x16xf32> to vector<16xf32>
          %swap3A_1317 = vector.shape_cast %mul3A_1308 : vector<16xf32> to vector<1x16xf32>
          tpu.vector_store %arg12[%swap3A_1313, %swap3A_1314], %swap3A_1317 {strides = array<i32>} : memref<400x16xf32, #tpu.memory_space<vmem>>, vector<1x16xf32>,
          %mul3A_1318 = arith.constant 16 : i32
          %mul3A_1319 = arith.muli %scan3A_1182, %mul3A_1318 : i32
          %add3A_1320 = arith.constant 6 : i32
          %add3A_1321 = arith.addi %mul3A_1319, %add3A_1320 : i32
          %get3A_1322 = arith.index_cast %add3A_1321 : i32 to index
          %get3A_1323 = arith.constant 0 : index
          %get3A_1324 = tpu.vector_load %arg12[%get3A_1322, %get3A_1323] {strides = array<i32>} : memref<400x16xf32, #tpu.memory_space<vmem>>, vector<1x16xf32>,
          %get3A_1325 = vector.shape_cast %get3A_1324 : vector<1x16xf32> to vector<16xf32>
          %slice3A_1326 = vector.extract_strided_slice %mul3A_1193 {offsets = [6], sizes = [1], strides = [1]} : vector<16xf32> to vector<1xf32>
          %squeeze3A_1327 = vector.extract %slice3A_1326[0] : f32 from vector<1xf32>
          %mul3A_1328 = vector.broadcast %squeeze3A_1327 : f32 to vector<16xf32>
          %mul3A_1329 = arith.mulf %get3A_1325, %mul3A_1328 : vector<16xf32>
          %mul3A_1330 = arith.constant 16 : i32
          %mul3A_1331 = arith.muli %scan3A_1182, %mul3A_1330 : i32
          %add3A_1332 = arith.constant 6 : i32
          %add3A_1333 = arith.addi %mul3A_1331, %add3A_1332 : i32
          %swap3A_1334 = arith.index_cast %add3A_1333 : i32 to index
          %swap3A_1335 = arith.constant 0 : index
          %swap3A_1336 = tpu.vector_load %arg12[%swap3A_1334, %swap3A_1335] {strides = array<i32>} : memref<400x16xf32, #tpu.memory_space<vmem>>, vector<1x16xf32>,
          %swap3A_1337 = vector.shape_cast %swap3A_1336 : vector<1x16xf32> to vector<16xf32>
          %swap3A_1338 = vector.shape_cast %mul3A_1329 : vector<16xf32> to vector<1x16xf32>
          tpu.vector_store %arg12[%swap3A_1334, %swap3A_1335], %swap3A_1338 {strides = array<i32>} : memref<400x16xf32, #tpu.memory_space<vmem>>, vector<1x16xf32>,
          %mul3A_1339 = arith.constant 16 : i32
          %mul3A_1340 = arith.muli %scan3A_1182, %mul3A_1339 : i32
          %add3A_1341 = arith.constant 7 : i32
          %add3A_1342 = arith.addi %mul3A_1340, %add3A_1341 : i32
          %get3A_1343 = arith.index_cast %add3A_1342 : i32 to index
          %get3A_1344 = arith.constant 0 : index
          %get3A_1345 = tpu.vector_load %arg12[%get3A_1343, %get3A_1344] {strides = array<i32>} : memref<400x16xf32, #tpu.memory_space<vmem>>, vector<1x16xf32>,
          %get3A_1346 = vector.shape_cast %get3A_1345 : vector<1x16xf32> to vector<16xf32>
          %slice3A_1347 = vector.extract_strided_slice %mul3A_1193 {offsets = [7], sizes = [1], strides = [1]} : vector<16xf32> to vector<1xf32>
          %squeeze3A_1348 = vector.extract %slice3A_1347[0] : f32 from vector<1xf32>
          %mul3A_1349 = vector.broadcast %squeeze3A_1348 : f32 to vector<16xf32>
          %mul3A_1350 = arith.mulf %get3A_1346, %mul3A_1349 : vector<16xf32>
          %mul3A_1351 = arith.constant 16 : i32
          %mul3A_1352 = arith.muli %scan3A_1182, %mul3A_1351 : i32
          %add3A_1353 = arith.constant 7 : i32
          %add3A_1354 = arith.addi %mul3A_1352, %add3A_1353 : i32
          %swap3A_1355 = arith.index_cast %add3A_1354 : i32 to index
          %swap3A_1356 = arith.constant 0 : index
          %swap3A_1357 = tpu.vector_load %arg12[%swap3A_1355, %swap3A_1356] {strides = array<i32>} : memref<400x16xf32, #tpu.memory_space<vmem>>, vector<1x16xf32>,
          %swap3A_1358 = vector.shape_cast %swap3A_1357 : vector<1x16xf32> to vector<16xf32>
          %swap3A_1359 = vector.shape_cast %mul3A_1350 : vector<16xf32> to vector<1x16xf32>
          tpu.vector_store %arg12[%swap3A_1355, %swap3A_1356], %swap3A_1359 {strides = array<i32>} : memref<400x16xf32, #tpu.memory_space<vmem>>, vector<1x16xf32>,
          %mul3A_1360 = arith.constant 16 : i32
          %mul3A_1361 = arith.muli %scan3A_1182, %mul3A_1360 : i32
          %add3A_1362 = arith.constant 8 : i32
          %add3A_1363 = arith.addi %mul3A_1361, %add3A_1362 : i32
          %get3A_1364 = arith.index_cast %add3A_1363 : i32 to index
          %get3A_1365 = arith.constant 0 : index
          %get3A_1366 = tpu.vector_load %arg12[%get3A_1364, %get3A_1365] {strides = array<i32>} : memref<400x16xf32, #tpu.memory_space<vmem>>, vector<1x16xf32>,
          %get3A_1367 = vector.shape_cast %get3A_1366 : vector<1x16xf32> to vector<16xf32>
          %slice3A_1368 = vector.extract_strided_slice %mul3A_1193 {offsets = [8], sizes = [1], strides = [1]} : vector<16xf32> to vector<1xf32>
          %squeeze3A_1369 = vector.extract %slice3A_1368[0] : f32 from vector<1xf32>
          %mul3A_1370 = vector.broadcast %squeeze3A_1369 : f32 to vector<16xf32>
          %mul3A_1371 = arith.mulf %get3A_1367, %mul3A_1370 : vector<16xf32>
          %mul3A_1372 = arith.constant 16 : i32
          %mul3A_1373 = arith.muli %scan3A_1182, %mul3A_1372 : i32
          %add3A_1374 = arith.constant 8 : i32
          %add3A_1375 = arith.addi %mul3A_1373, %add3A_1374 : i32
          %swap3A_1376 = arith.index_cast %add3A_1375 : i32 to index
          %swap3A_1377 = arith.constant 0 : index
          %swap3A_1378 = tpu.vector_load %arg12[%swap3A_1376, %swap3A_1377] {strides = array<i32>} : memref<400x16xf32, #tpu.memory_space<vmem>>, vector<1x16xf32>,
          %swap3A_1379 = vector.shape_cast %swap3A_1378 : vector<1x16xf32> to vector<16xf32>
          %swap3A_1380 = vector.shape_cast %mul3A_1371 : vector<16xf32> to vector<1x16xf32>
          tpu.vector_store %arg12[%swap3A_1376, %swap3A_1377], %swap3A_1380 {strides = array<i32>} : memref<400x16xf32, #tpu.memory_space<vmem>>, vector<1x16xf32>,
          %mul3A_1381 = arith.constant 16 : i32
          %mul3A_1382 = arith.muli %scan3A_1182, %mul3A_1381 : i32
          %add3A_1383 = arith.constant 9 : i32
          %add3A_1384 = arith.addi %mul3A_1382, %add3A_1383 : i32
          %get3A_1385 = arith.index_cast %add3A_1384 : i32 to index
          %get3A_1386 = arith.constant 0 : index
          %get3A_1387 = tpu.vector_load %arg12[%get3A_1385, %get3A_1386] {strides = array<i32>} : memref<400x16xf32, #tpu.memory_space<vmem>>, vector<1x16xf32>,
          %get3A_1388 = vector.shape_cast %get3A_1387 : vector<1x16xf32> to vector<16xf32>
          %slice3A_1389 = vector.extract_strided_slice %mul3A_1193 {offsets = [9], sizes = [1], strides = [1]} : vector<16xf32> to vector<1xf32>
          %squeeze3A_1390 = vector.extract %slice3A_1389[0] : f32 from vector<1xf32>
          %mul3A_1391 = vector.broadcast %squeeze3A_1390 : f32 to vector<16xf32>
          %mul3A_1392 = arith.mulf %get3A_1388, %mul3A_1391 : vector<16xf32>
          %mul3A_1393 = arith.constant 16 : i32
          %mul3A_1394 = arith.muli %scan3A_1182, %mul3A_1393 : i32
          %add3A_1395 = arith.constant 9 : i32
          %add3A_1396 = arith.addi %mul3A_1394, %add3A_1395 : i32
          %swap3A_1397 = arith.index_cast %add3A_1396 : i32 to index
          %swap3A_1398 = arith.constant 0 : index
          %swap3A_1399 = tpu.vector_load %arg12[%swap3A_1397, %swap3A_1398] {strides = array<i32>} : memref<400x16xf32, #tpu.memory_space<vmem>>, vector<1x16xf32>,
          %swap3A_1400 = vector.shape_cast %swap3A_1399 : vector<1x16xf32> to vector<16xf32>
          %swap3A_1401 = vector.shape_cast %mul3A_1392 : vector<16xf32> to vector<1x16xf32>
          tpu.vector_store %arg12[%swap3A_1397, %swap3A_1398], %swap3A_1401 {strides = array<i32>} : memref<400x16xf32, #tpu.memory_space<vmem>>, vector<1x16xf32>,
          %mul3A_1402 = arith.constant 16 : i32
          %mul3A_1403 = arith.muli %scan3A_1182, %mul3A_1402 : i32
          %add3A_1404 = arith.constant 10 : i32
          %add3A_1405 = arith.addi %mul3A_1403, %add3A_1404 : i32
          %get3A_1406 = arith.index_cast %add3A_1405 : i32 to index
          %get3A_1407 = arith.constant 0 : index
          %get3A_1408 = tpu.vector_load %arg12[%get3A_1406, %get3A_1407] {strides = array<i32>} : memref<400x16xf32, #tpu.memory_space<vmem>>, vector<1x16xf32>,
          %get3A_1409 = vector.shape_cast %get3A_1408 : vector<1x16xf32> to vector<16xf32>
          %slice3A_1410 = vector.extract_strided_slice %mul3A_1193 {offsets = [10], sizes = [1], strides = [1]} : vector<16xf32> to vector<1xf32>
          %squeeze3A_1411 = vector.extract %slice3A_1410[0] : f32 from vector<1xf32>
          %mul3A_1412 = vector.broadcast %squeeze3A_1411 : f32 to vector<16xf32>
          %mul3A_1413 = arith.mulf %get3A_1409, %mul3A_1412 : vector<16xf32>
          %mul3A_1414 = arith.constant 16 : i32
          %mul3A_1415 = arith.muli %scan3A_1182, %mul3A_1414 : i32
          %add3A_1416 = arith.constant 10 : i32
          %add3A_1417 = arith.addi %mul3A_1415, %add3A_1416 : i32
          %swap3A_1418 = arith.index_cast %add3A_1417 : i32 to index
          %swap3A_1419 = arith.constant 0 : index
          %swap3A_1420 = tpu.vector_load %arg12[%swap3A_1418, %swap3A_1419] {strides = array<i32>} : memref<400x16xf32, #tpu.memory_space<vmem>>, vector<1x16xf32>,
          %swap3A_1421 = vector.shape_cast %swap3A_1420 : vector<1x16xf32> to vector<16xf32>
          %swap3A_1422 = vector.shape_cast %mul3A_1413 : vector<16xf32> to vector<1x16xf32>
          tpu.vector_store %arg12[%swap3A_1418, %swap3A_1419], %swap3A_1422 {strides = array<i32>} : memref<400x16xf32, #tpu.memory_space<vmem>>, vector<1x16xf32>,
          %mul3A_1423 = arith.constant 16 : i32
          %mul3A_1424 = arith.muli %scan3A_1182, %mul3A_1423 : i32
          %add3A_1425 = arith.constant 11 : i32
          %add3A_1426 = arith.addi %mul3A_1424, %add3A_1425 : i32
          %get3A_1427 = arith.index_cast %add3A_1426 : i32 to index
          %get3A_1428 = arith.constant 0 : index
          %get3A_1429 = tpu.vector_load %arg12[%get3A_1427, %get3A_1428] {strides = array<i32>} : memref<400x16xf32, #tpu.memory_space<vmem>>, vector<1x16xf32>,
          %get3A_1430 = vector.shape_cast %get3A_1429 : vector<1x16xf32> to vector<16xf32>
          %slice3A_1431 = vector.extract_strided_slice %mul3A_1193 {offsets = [11], sizes = [1], strides = [1]} : vector<16xf32> to vector<1xf32>
          %squeeze3A_1432 = vector.extract %slice3A_1431[0] : f32 from vector<1xf32>
          %mul3A_1433 = vector.broadcast %squeeze3A_1432 : f32 to vector<16xf32>
          %mul3A_1434 = arith.mulf %get3A_1430, %mul3A_1433 : vector<16xf32>
          %mul3A_1435 = arith.constant 16 : i32
          %mul3A_1436 = arith.muli %scan3A_1182, %mul3A_1435 : i32
          %add3A_1437 = arith.constant 11 : i32
          %add3A_1438 = arith.addi %mul3A_1436, %add3A_1437 : i32
          %swap3A_1439 = arith.index_cast %add3A_1438 : i32 to index
          %swap3A_1440 = arith.constant 0 : index
          %swap3A_1441 = tpu.vector_load %arg12[%swap3A_1439, %swap3A_1440] {strides = array<i32>} : memref<400x16xf32, #tpu.memory_space<vmem>>, vector<1x16xf32>,
          %swap3A_1442 = vector.shape_cast %swap3A_1441 : vector<1x16xf32> to vector<16xf32>
          %swap3A_1443 = vector.shape_cast %mul3A_1434 : vector<16xf32> to vector<1x16xf32>
          tpu.vector_store %arg12[%swap3A_1439, %swap3A_1440], %swap3A_1443 {strides = array<i32>} : memref<400x16xf32, #tpu.memory_space<vmem>>, vector<1x16xf32>,
          %mul3A_1444 = arith.constant 16 : i32
          %mul3A_1445 = arith.muli %scan3A_1182, %mul3A_1444 : i32
          %add3A_1446 = arith.constant 12 : i32
          %add3A_1447 = arith.addi %mul3A_1445, %add3A_1446 : i32
          %get3A_1448 = arith.index_cast %add3A_1447 : i32 to index
          %get3A_1449 = arith.constant 0 : index
          %get3A_1450 = tpu.vector_load %arg12[%get3A_1448, %get3A_1449] {strides = array<i32>} : memref<400x16xf32, #tpu.memory_space<vmem>>, vector<1x16xf32>,
          %get3A_1451 = vector.shape_cast %get3A_1450 : vector<1x16xf32> to vector<16xf32>
          %slice3A_1452 = vector.extract_strided_slice %mul3A_1193 {offsets = [12], sizes = [1], strides = [1]} : vector<16xf32> to vector<1xf32>
          %squeeze3A_1453 = vector.extract %slice3A_1452[0] : f32 from vector<1xf32>
          %mul3A_1454 = vector.broadcast %squeeze3A_1453 : f32 to vector<16xf32>
          %mul3A_1455 = arith.mulf %get3A_1451, %mul3A_1454 : vector<16xf32>
          %mul3A_1456 = arith.constant 16 : i32
          %mul3A_1457 = arith.muli %scan3A_1182, %mul3A_1456 : i32
          %add3A_1458 = arith.constant 12 : i32
          %add3A_1459 = arith.addi %mul3A_1457, %add3A_1458 : i32
          %swap3A_1460 = arith.index_cast %add3A_1459 : i32 to index
          %swap3A_1461 = arith.constant 0 : index
          %swap3A_1462 = tpu.vector_load %arg12[%swap3A_1460, %swap3A_1461] {strides = array<i32>} : memref<400x16xf32, #tpu.memory_space<vmem>>, vector<1x16xf32>,
          %swap3A_1463 = vector.shape_cast %swap3A_1462 : vector<1x16xf32> to vector<16xf32>
          %swap3A_1464 = vector.shape_cast %mul3A_1455 : vector<16xf32> to vector<1x16xf32>
          tpu.vector_store %arg12[%swap3A_1460, %swap3A_1461], %swap3A_1464 {strides = array<i32>} : memref<400x16xf32, #tpu.memory_space<vmem>>, vector<1x16xf32>,
          %mul3A_1465 = arith.constant 16 : i32
          %mul3A_1466 = arith.muli %scan3A_1182, %mul3A_1465 : i32
          %add3A_1467 = arith.constant 13 : i32
          %add3A_1468 = arith.addi %mul3A_1466, %add3A_1467 : i32
          %get3A_1469 = arith.index_cast %add3A_1468 : i32 to index
          %get3A_1470 = arith.constant 0 : index
          %get3A_1471 = tpu.vector_load %arg12[%get3A_1469, %get3A_1470] {strides = array<i32>} : memref<400x16xf32, #tpu.memory_space<vmem>>, vector<1x16xf32>,
          %get3A_1472 = vector.shape_cast %get3A_1471 : vector<1x16xf32> to vector<16xf32>
          %slice3A_1473 = vector.extract_strided_slice %mul3A_1193 {offsets = [13], sizes = [1], strides = [1]} : vector<16xf32> to vector<1xf32>
          %squeeze3A_1474 = vector.extract %slice3A_1473[0] : f32 from vector<1xf32>
          %mul3A_1475 = vector.broadcast %squeeze3A_1474 : f32 to vector<16xf32>
          %mul3A_1476 = arith.mulf %get3A_1472, %mul3A_1475 : vector<16xf32>
          %mul3A_1477 = arith.constant 16 : i32
          %mul3A_1478 = arith.muli %scan3A_1182, %mul3A_1477 : i32
          %add3A_1479 = arith.constant 13 : i32
          %add3A_1480 = arith.addi %mul3A_1478, %add3A_1479 : i32
          %swap3A_1481 = arith.index_cast %add3A_1480 : i32 to index
          %swap3A_1482 = arith.constant 0 : index
          %swap3A_1483 = tpu.vector_load %arg12[%swap3A_1481, %swap3A_1482] {strides = array<i32>} : memref<400x16xf32, #tpu.memory_space<vmem>>, vector<1x16xf32>,
          %swap3A_1484 = vector.shape_cast %swap3A_1483 : vector<1x16xf32> to vector<16xf32>
          %swap3A_1485 = vector.shape_cast %mul3A_1476 : vector<16xf32> to vector<1x16xf32>
          tpu.vector_store %arg12[%swap3A_1481, %swap3A_1482], %swap3A_1485 {strides = array<i32>} : memref<400x16xf32, #tpu.memory_space<vmem>>, vector<1x16xf32>,
          %mul3A_1486 = arith.constant 16 : i32
          %mul3A_1487 = arith.muli %scan3A_1182, %mul3A_1486 : i32
          %add3A_1488 = arith.constant 14 : i32
          %add3A_1489 = arith.addi %mul3A_1487, %add3A_1488 : i32
          %get3A_1490 = arith.index_cast %add3A_1489 : i32 to index
          %get3A_1491 = arith.constant 0 : index
          %get3A_1492 = tpu.vector_load %arg12[%get3A_1490, %get3A_1491] {strides = array<i32>} : memref<400x16xf32, #tpu.memory_space<vmem>>, vector<1x16xf32>,
          %get3A_1493 = vector.shape_cast %get3A_1492 : vector<1x16xf32> to vector<16xf32>
          %slice3A_1494 = vector.extract_strided_slice %mul3A_1193 {offsets = [14], sizes = [1], strides = [1]} : vector<16xf32> to vector<1xf32>
          %squeeze3A_1495 = vector.extract %slice3A_1494[0] : f32 from vector<1xf32>
          %mul3A_1496 = vector.broadcast %squeeze3A_1495 : f32 to vector<16xf32>
          %mul3A_1497 = arith.mulf %get3A_1493, %mul3A_1496 : vector<16xf32>
          %mul3A_1498 = arith.constant 16 : i32
          %mul3A_1499 = arith.muli %scan3A_1182, %mul3A_1498 : i32
          %add3A_1500 = arith.constant 14 : i32
          %add3A_1501 = arith.addi %mul3A_1499, %add3A_1500 : i32
          %swap3A_1502 = arith.index_cast %add3A_1501 : i32 to index
          %swap3A_1503 = arith.constant 0 : index
          %swap3A_1504 = tpu.vector_load %arg12[%swap3A_1502, %swap3A_1503] {strides = array<i32>} : memref<400x16xf32, #tpu.memory_space<vmem>>, vector<1x16xf32>,
          %swap3A_1505 = vector.shape_cast %swap3A_1504 : vector<1x16xf32> to vector<16xf32>
          %swap3A_1506 = vector.shape_cast %mul3A_1497 : vector<16xf32> to vector<1x16xf32>
          tpu.vector_store %arg12[%swap3A_1502, %swap3A_1503], %swap3A_1506 {strides = array<i32>} : memref<400x16xf32, #tpu.memory_space<vmem>>, vector<1x16xf32>,
          %mul3A_1507 = arith.constant 16 : i32
          %mul3A_1508 = arith.muli %scan3A_1182, %mul3A_1507 : i32
          %add3A_1509 = arith.constant 15 : i32
          %add3A_1510 = arith.addi %mul3A_1508, %add3A_1509 : i32
          %get3A_1511 = arith.index_cast %add3A_1510 : i32 to index
          %get3A_1512 = arith.constant 0 : index
          %get3A_1513 = tpu.vector_load %arg12[%get3A_1511, %get3A_1512] {strides = array<i32>} : memref<400x16xf32, #tpu.memory_space<vmem>>, vector<1x16xf32>,
          %get3A_1514 = vector.shape_cast %get3A_1513 : vector<1x16xf32> to vector<16xf32>
          %slice3A_1515 = vector.extract_strided_slice %mul3A_1193 {offsets = [15], sizes = [1], strides = [1]} : vector<16xf32> to vector<1xf32>
          %squeeze3A_1516 = vector.extract %slice3A_1515[0] : f32 from vector<1xf32>
          %mul3A_1517 = vector.broadcast %squeeze3A_1516 : f32 to vector<16xf32>
          %mul3A_1518 = arith.mulf %get3A_1514, %mul3A_1517 : vector<16xf32>
          %mul3A_1519 = arith.constant 16 : i32
          %mul3A_1520 = arith.muli %scan3A_1182, %mul3A_1519 : i32
          %add3A_1521 = arith.constant 15 : i32
          %add3A_1522 = arith.addi %mul3A_1520, %add3A_1521 : i32
          %swap3A_1523 = arith.index_cast %add3A_1522 : i32 to index
          %swap3A_1524 = arith.constant 0 : index
          %swap3A_1525 = tpu.vector_load %arg12[%swap3A_1523, %swap3A_1524] {strides = array<i32>} : memref<400x16xf32, #tpu.memory_space<vmem>>, vector<1x16xf32>,
          %swap3A_1526 = vector.shape_cast %swap3A_1525 : vector<1x16xf32> to vector<16xf32>
          %swap3A_1527 = vector.shape_cast %mul3A_1518 : vector<16xf32> to vector<1x16xf32>
          tpu.vector_store %arg12[%swap3A_1523, %swap3A_1524], %swap3A_1527 {strides = array<i32>} : memref<400x16xf32, #tpu.memory_space<vmem>>, vector<1x16xf32>,
        }
        %scan3A_1181 = arith.constant 25 : i32
        "tpu.region"() ({
          %run_scoped3A_1182 = tpu.sem_alloc : memref<!tpu.dma_semaphore, #tpu.memory_space<semaphore_mem>>
          %dma_start3A_1183 = arith.constant 0 : i32
          %dma_start3A_1184 = tpu.memref_slice %arg9[%add3A_1175, %dma_start3A_1183] : memref<5x400xi32, #tpu.memory_space<vmem>> -> memref<1x400xi32, #tpu.memory_space<vmem>>
          %dma_start3A_1185 = tpu.memref_squeeze %dma_start3A_1184 : memref<1x400xi32, #tpu.memory_space<vmem>> -> memref<400xi32, #tpu.memory_space<vmem>>
          %dma_start3A_1186 = arith.constant 0 : i32
          %dma_start3A_1187 = arith.constant 0 : i32
          %dma_start3A_1188 = tpu.memref_slice %arg17[%dma_start3A_1186, %dma_start3A_1187] : memref<26624x16xf32, #tpu.memory_space<vmem_shared>> -> memref<26624x16xf32, #tpu.memory_space<vmem_shared>>
          tpu.enqueue_indirect_dma source(%arg12 : memref<400x16xf32, #tpu.memory_space<vmem>>) target(%dma_start3A_1188 : memref<26624x16xf32, #tpu.memory_space<vmem_shared>>) offsets(%dma_start3A_1185 : memref<400xi32, #tpu.memory_space<vmem>>) semaphore(%run_scoped3A_1182 : memref<!tpu.dma_semaphore, #tpu.memory_space<semaphore_mem>>) {add = true}
          %dma_wait3A_1189 = arith.constant 0 : i32
          %dma_wait3A_1190 = tpu.memref_slice %arg9[%add3A_1175, %dma_wait3A_1189] : memref<5x400xi32, #tpu.memory_space<vmem>> -> memref<1x400xi32, #tpu.memory_space<vmem>>
          %dma_wait3A_1191 = tpu.memref_squeeze %dma_wait3A_1190 : memref<1x400xi32, #tpu.memory_space<vmem>> -> memref<400xi32, #tpu.memory_space<vmem>>
          %dma_wait3A_1192 = arith.constant 0 : i32
          %dma_wait3A_1193 = arith.constant 0 : i32
          %dma_wait3A_1194 = tpu.memref_slice %arg17[%dma_wait3A_1192, %dma_wait3A_1193] : memref<26624x16xf32, #tpu.memory_space<vmem_shared>> -> memref<26624x16xf32, #tpu.memory_space<vmem_shared>>
          tpu.wait_indirect_dma semaphore(%run_scoped3A_1182 : memref<!tpu.dma_semaphore, #tpu.memory_space<semaphore_mem>>) src(%arg12 : memref<400x16xf32, #tpu.memory_space<vmem>>) dst(%dma_wait3A_1194 : memref<26624x16xf32, #tpu.memory_space<vmem_shared>>)
          tpu.yield
        }) : () -> ()
      }
      %scan3A_1097 = arith.constant 2 : i32
      %dma_wait3A = arith.constant 4 : i32
      %dma_wait3A_1098 = arith.constant 0 : i32
      %dma_wait3A_1099 = tpu.memref_slice %arg8[%dma_wait3A, %dma_wait3A_1098] : memref<5x400xi32, #tpu.memory_space<vmem>> -> memref<1x400xi32, #tpu.memory_space<vmem>>
      %dma_wait3A_1100 = tpu.memref_squeeze %dma_wait3A_1099 : memref<1x400xi32, #tpu.memory_space<vmem>> -> memref<400xi32, #tpu.memory_space<vmem>>
      %dma_wait3A_1101 = arith.constant 0 : i32
      %dma_wait3A_1102 = arith.constant 0 : i32
      %dma_wait3A_1103 = tpu.memref_slice %arg5[%dma_wait3A_1101, %dma_wait3A_1102] : memref<51200x16xf32, #tpu.memory_space<hbm>> -> memref<51200x16xf32, #tpu.memory_space<hbm>>
      tpu.wait_indirect_dma semaphore(%arg19 : memref<!tpu.dma_semaphore, #tpu.memory_space<semaphore_mem>>) src(%dma_wait3A_1103 : memref<51200x16xf32, #tpu.memory_space<hbm>>) dst(%arg11 : memref<400x16xf32, #tpu.memory_space<vmem>>)
      %dma_wait3A_1104 = arith.constant 4 : i32
      %dma_wait3A_1105 = arith.constant 0 : i32
      %dma_wait3A_1106 = tpu.memref_slice %arg8[%dma_wait3A_1104, %dma_wait3A_1105] : memref<5x400xi32, #tpu.memory_space<vmem>> -> memref<1x400xi32, #tpu.memory_space<vmem>>
      %dma_wait3A_1107 = tpu.memref_squeeze %dma_wait3A_1106 : memref<1x400xi32, #tpu.memory_space<vmem>> -> memref<400xi32, #tpu.memory_space<vmem>>
      %dma_wait3A_1108 = arith.constant 0 : i32
      %dma_wait3A_1109 = tpu.memref_slice %arg7[%dma_wait3A_1108] : memref<51200xf32, #tpu.memory_space<hbm>> -> memref<51200xf32, #tpu.memory_space<hbm>>
      tpu.wait_indirect_dma semaphore(%arg19 : memref<!tpu.dma_semaphore, #tpu.memory_space<semaphore_mem>>) src(%dma_wait3A_1109 : memref<51200xf32, #tpu.memory_space<hbm>>) dst(%arg13 : memref<400xf32, #tpu.memory_space<vmem>>)
      %scan3A_1110 = arith.constant 0 : i32
      %scan3A_1111 = arith.constant 0 : i32
      %scan3A_1112 = arith.constant 25 : i32
      %scan3A_1113 = arith.addi %scan3A_1111, %scan3A_1112 : i32
      %scan3A_1114 = arith.constant 1 : i32
      scf.for %scan3A_1116 = %scan3A_1111 to %scan3A_1113 step %scan3A_1114  : i32 {
        %mul3A_1117 = arith.constant 16 : i32
        %mul3A_1118 = arith.muli %scan3A_1116, %mul3A_1117 : i32
        %get3A = arith.constant 4 : i32
        %get3A_1119 = arith.index_cast %get3A : i32 to index
        %get3A_1120 = arith.index_cast %mul3A_1118 : i32 to index
        %get3A_1121 = tpu.vector_load %arg10[%get3A_1119, %get3A_1120] {strides = array<i32>} : memref<5x400xf32, #tpu.memory_space<vmem>>, vector<1x16xf32>,
        %get3A_1122 = vector.shape_cast %get3A_1121 : vector<1x16xf32> to vector<16xf32>
        %mul3A_1123 = arith.constant 16 : i32
        %mul3A_1124 = arith.muli %scan3A_1116, %mul3A_1123 : i32
        %get3A_1125 = arith.index_cast %mul3A_1124 : i32 to index
        %get3A_1126 = tpu.vector_load %arg13[%get3A_1125] {strides = array<i32>} : memref<400xf32, #tpu.memory_space<vmem>>, vector<16xf32>,
        %get3A_1127 = vector.shape_cast %get3A_1126 : vector<16xf32> to vector<16xf32>
        %mul3A_1128 = arith.mulf %get3A_1122, %get3A_1127 : vector<16xf32>
        %mul3A_1129 = arith.constant 16 : i32
        %mul3A_1130 = arith.muli %scan3A_1116, %mul3A_1129 : i32
        %add3A = arith.constant 0 : i32
        %add3A_1131 = arith.addi %mul3A_1130, %add3A : i32
        %get3A_1132 = arith.index_cast %add3A_1131 : i32 to index
        %get3A_1133 = arith.constant 0 : index
        %get3A_1134 = tpu.vector_load %arg11[%get3A_1132, %get3A_1133] {strides = array<i32>} : memref<400x16xf32, #tpu.memory_space<vmem>>, vector<1x16xf32>,
        %get3A_1135 = vector.shape_cast %get3A_1134 : vector<1x16xf32> to vector<16xf32>
        %slice3A = vector.extract_strided_slice %mul3A_1128 {offsets = [0], sizes = [1], strides = [1]} : vector<16xf32> to vector<1xf32>
        %squeeze3A = vector.extract %slice3A[0] : f32 from vector<1xf32>
        %mul3A_1136 = vector.broadcast %squeeze3A : f32 to vector<16xf32>
        %mul3A_1137 = arith.mulf %get3A_1135, %mul3A_1136 : vector<16xf32>
        %mul3A_1138 = arith.constant 16 : i32
        %mul3A_1139 = arith.muli %scan3A_1116, %mul3A_1138 : i32
        %add3A_1140 = arith.constant 0 : i32
        %add3A_1141 = arith.addi %mul3A_1139, %add3A_1140 : i32
        %swap3A_1142 = arith.index_cast %add3A_1141 : i32 to index
        %swap3A_1143 = arith.constant 0 : index
        %swap3A_1144 = tpu.vector_load %arg11[%swap3A_1142, %swap3A_1143] {strides = array<i32>} : memref<400x16xf32, #tpu.memory_space<vmem>>, vector<1x16xf32>,
        %swap3A_1145 = vector.shape_cast %swap3A_1144 : vector<1x16xf32> to vector<16xf32>
        %swap3A_1146 = vector.shape_cast %mul3A_1137 : vector<16xf32> to vector<1x16xf32>
        tpu.vector_store %arg11[%swap3A_1142, %swap3A_1143], %swap3A_1146 {strides = array<i32>} : memref<400x16xf32, #tpu.memory_space<vmem>>, vector<1x16xf32>,
        %mul3A_1147 = arith.constant 16 : i32
        %mul3A_1148 = arith.muli %scan3A_1116, %mul3A_1147 : i32
        %add3A_1149 = arith.constant 1 : i32
        %add3A_1150 = arith.addi %mul3A_1148, %add3A_1149 : i32
        %get3A_1151 = arith.index_cast %add3A_1150 : i32 to index
        %get3A_1152 = arith.constant 0 : index
        %get3A_1153 = tpu.vector_load %arg11[%get3A_1151, %get3A_1152] {strides = array<i32>} : memref<400x16xf32, #tpu.memory_space<vmem>>, vector<1x16xf32>,
        %get3A_1154 = vector.shape_cast %get3A_1153 : vector<1x16xf32> to vector<16xf32>
        %slice3A_1155 = vector.extract_strided_slice %mul3A_1128 {offsets = [1], sizes = [1], strides = [1]} : vector<16xf32> to vector<1xf32>
        %squeeze3A_1156 = vector.extract %slice3A_1155[0] : f32 from vector<1xf32>
        %mul3A_1157 = vector.broadcast %squeeze3A_1156 : f32 to vector<16xf32>
        %mul3A_1158 = arith.mulf %get3A_1154, %mul3A_1157 : vector<16xf32>
        %mul3A_1159 = arith.constant 16 : i32
        %mul3A_1160 = arith.muli %scan3A_1116, %mul3A_1159 : i32
        %add3A_1161 = arith.constant 1 : i32
        %add3A_1162 = arith.addi %mul3A_1160, %add3A_1161 : i32
        %swap3A_1163 = arith.index_cast %add3A_1162 : i32 to index
        %swap3A_1164 = arith.constant 0 : index
        %swap3A_1165 = tpu.vector_load %arg11[%swap3A_1163, %swap3A_1164] {strides = array<i32>} : memref<400x16xf32, #tpu.memory_space<vmem>>, vector<1x16xf32>,
        %swap3A_1166 = vector.shape_cast %swap3A_1165 : vector<1x16xf32> to vector<16xf32>
        %swap3A_1167 = vector.shape_cast %mul3A_1158 : vector<16xf32> to vector<1x16xf32>
        tpu.vector_store %arg11[%swap3A_1163, %swap3A_1164], %swap3A_1167 {strides = array<i32>} : memref<400x16xf32, #tpu.memory_space<vmem>>, vector<1x16xf32>,
        %mul3A_1168 = arith.constant 16 : i32
        %mul3A_1169 = arith.muli %scan3A_1116, %mul3A_1168 : i32
        %add3A_1170 = arith.constant 2 : i32
        %add3A_1171 = arith.addi %mul3A_1169, %add3A_1170 : i32
        %get3A_1172 = arith.index_cast %add3A_1171 : i32 to index
        %get3A_1173 = arith.constant 0 : index
        %get3A_1174 = tpu.vector_load %arg11[%get3A_1172, %get3A_1173] {strides = array<i32>} : memref<400x16xf32, #tpu.memory_space<vmem>>, vector<1x16xf32>,
        %get3A_1175 = vector.shape_cast %get3A_1174 : vector<1x16xf32> to vector<16xf32>
        %slice3A_1176 = vector.extract_strided_slice %mul3A_1128 {offsets = [2], sizes = [1], strides = [1]} : vector<16xf32> to vector<1xf32>
        %squeeze3A_1177 = vector.extract %slice3A_1176[0] : f32 from vector<1xf32>
        %mul3A_1178 = vector.broadcast %squeeze3A_1177 : f32 to vector<16xf32>
        %mul3A_1179 = arith.mulf %get3A_1175, %mul3A_1178 : vector<16xf32>
        %mul3A_1180 = arith.constant 16 : i32
        %mul3A_1181 = arith.muli %scan3A_1116, %mul3A_1180 : i32
        %add3A_1182 = arith.constant 2 : i32
        %add3A_1183 = arith.addi %mul3A_1181, %add3A_1182 : i32
        %swap3A_1184 = arith.index_cast %add3A_1183 : i32 to index
        %swap3A_1185 = arith.constant 0 : index
        %swap3A_1186 = tpu.vector_load %arg11[%swap3A_1184, %swap3A_1185] {strides = array<i32>} : memref<400x16xf32, #tpu.memory_space<vmem>>, vector<1x16xf32>,
        %swap3A_1187 = vector.shape_cast %swap3A_1186 : vector<1x16xf32> to vector<16xf32>
        %swap3A_1188 = vector.shape_cast %mul3A_1179 : vector<16xf32> to vector<1x16xf32>
        tpu.vector_store %arg11[%swap3A_1184, %swap3A_1185], %swap3A_1188 {strides = array<i32>} : memref<400x16xf32, #tpu.memory_space<vmem>>, vector<1x16xf32>,
        %mul3A_1189 = arith.constant 16 : i32
        %mul3A_1190 = arith.muli %scan3A_1116, %mul3A_1189 : i32
        %add3A_1191 = arith.constant 3 : i32
        %add3A_1192 = arith.addi %mul3A_1190, %add3A_1191 : i32
        %get3A_1193 = arith.index_cast %add3A_1192 : i32 to index
        %get3A_1194 = arith.constant 0 : index
        %get3A_1195 = tpu.vector_load %arg11[%get3A_1193, %get3A_1194] {strides = array<i32>} : memref<400x16xf32, #tpu.memory_space<vmem>>, vector<1x16xf32>,
        %get3A_1196 = vector.shape_cast %get3A_1195 : vector<1x16xf32> to vector<16xf32>
        %slice3A_1197 = vector.extract_strided_slice %mul3A_1128 {offsets = [3], sizes = [1], strides = [1]} : vector<16xf32> to vector<1xf32>
        %squeeze3A_1198 = vector.extract %slice3A_1197[0] : f32 from vector<1xf32>
        %mul3A_1199 = vector.broadcast %squeeze3A_1198 : f32 to vector<16xf32>
        %mul3A_1200 = arith.mulf %get3A_1196, %mul3A_1199 : vector<16xf32>
        %mul3A_1201 = arith.constant 16 : i32
        %mul3A_1202 = arith.muli %scan3A_1116, %mul3A_1201 : i32
        %add3A_1203 = arith.constant 3 : i32
        %add3A_1204 = arith.addi %mul3A_1202, %add3A_1203 : i32
        %swap3A_1205 = arith.index_cast %add3A_1204 : i32 to index
        %swap3A_1206 = arith.constant 0 : index
        %swap3A_1207 = tpu.vector_load %arg11[%swap3A_1205, %swap3A_1206] {strides = array<i32>} : memref<400x16xf32, #tpu.memory_space<vmem>>, vector<1x16xf32>,
        %swap3A_1208 = vector.shape_cast %swap3A_1207 : vector<1x16xf32> to vector<16xf32>
        %swap3A_1209 = vector.shape_cast %mul3A_1200 : vector<16xf32> to vector<1x16xf32>
        tpu.vector_store %arg11[%swap3A_1205, %swap3A_1206], %swap3A_1209 {strides = array<i32>} : memref<400x16xf32, #tpu.memory_space<vmem>>, vector<1x16xf32>,
        %mul3A_1210 = arith.constant 16 : i32
        %mul3A_1211 = arith.muli %scan3A_1116, %mul3A_1210 : i32
        %add3A_1212 = arith.constant 4 : i32
        %add3A_1213 = arith.addi %mul3A_1211, %add3A_1212 : i32
        %get3A_1214 = arith.index_cast %add3A_1213 : i32 to index
        %get3A_1215 = arith.constant 0 : index
        %get3A_1216 = tpu.vector_load %arg11[%get3A_1214, %get3A_1215] {strides = array<i32>} : memref<400x16xf32, #tpu.memory_space<vmem>>, vector<1x16xf32>,
        %get3A_1217 = vector.shape_cast %get3A_1216 : vector<1x16xf32> to vector<16xf32>
        %slice3A_1218 = vector.extract_strided_slice %mul3A_1128 {offsets = [4], sizes = [1], strides = [1]} : vector<16xf32> to vector<1xf32>
        %squeeze3A_1219 = vector.extract %slice3A_1218[0] : f32 from vector<1xf32>
        %mul3A_1220 = vector.broadcast %squeeze3A_1219 : f32 to vector<16xf32>
        %mul3A_1221 = arith.mulf %get3A_1217, %mul3A_1220 : vector<16xf32>
        %mul3A_1222 = arith.constant 16 : i32
        %mul3A_1223 = arith.muli %scan3A_1116, %mul3A_1222 : i32
        %add3A_1224 = arith.constant 4 : i32
        %add3A_1225 = arith.addi %mul3A_1223, %add3A_1224 : i32
        %swap3A_1226 = arith.index_cast %add3A_1225 : i32 to index
        %swap3A_1227 = arith.constant 0 : index
        %swap3A_1228 = tpu.vector_load %arg11[%swap3A_1226, %swap3A_1227] {strides = array<i32>} : memref<400x16xf32, #tpu.memory_space<vmem>>, vector<1x16xf32>,
        %swap3A_1229 = vector.shape_cast %swap3A_1228 : vector<1x16xf32> to vector<16xf32>
        %swap3A_1230 = vector.shape_cast %mul3A_1221 : vector<16xf32> to vector<1x16xf32>
        tpu.vector_store %arg11[%swap3A_1226, %swap3A_1227], %swap3A_1230 {strides = array<i32>} : memref<400x16xf32, #tpu.memory_space<vmem>>, vector<1x16xf32>,
        %mul3A_1231 = arith.constant 16 : i32
        %mul3A_1232 = arith.muli %scan3A_1116, %mul3A_1231 : i32
        %add3A_1233 = arith.constant 5 : i32
        %add3A_1234 = arith.addi %mul3A_1232, %add3A_1233 : i32
        %get3A_1235 = arith.index_cast %add3A_1234 : i32 to index
        %get3A_1236 = arith.constant 0 : index
        %get3A_1237 = tpu.vector_load %arg11[%get3A_1235, %get3A_1236] {strides = array<i32>} : memref<400x16xf32, #tpu.memory_space<vmem>>, vector<1x16xf32>,
        %get3A_1238 = vector.shape_cast %get3A_1237 : vector<1x16xf32> to vector<16xf32>
        %slice3A_1239 = vector.extract_strided_slice %mul3A_1128 {offsets = [5], sizes = [1], strides = [1]} : vector<16xf32> to vector<1xf32>
        %squeeze3A_1240 = vector.extract %slice3A_1239[0] : f32 from vector<1xf32>
        %mul3A_1241 = vector.broadcast %squeeze3A_1240 : f32 to vector<16xf32>
        %mul3A_1242 = arith.mulf %get3A_1238, %mul3A_1241 : vector<16xf32>
        %mul3A_1243 = arith.constant 16 : i32
        %mul3A_1244 = arith.muli %scan3A_1116, %mul3A_1243 : i32
        %add3A_1245 = arith.constant 5 : i32
        %add3A_1246 = arith.addi %mul3A_1244, %add3A_1245 : i32
        %swap3A_1247 = arith.index_cast %add3A_1246 : i32 to index
        %swap3A_1248 = arith.constant 0 : index
        %swap3A_1249 = tpu.vector_load %arg11[%swap3A_1247, %swap3A_1248] {strides = array<i32>} : memref<400x16xf32, #tpu.memory_space<vmem>>, vector<1x16xf32>,
        %swap3A_1250 = vector.shape_cast %swap3A_1249 : vector<1x16xf32> to vector<16xf32>
        %swap3A_1251 = vector.shape_cast %mul3A_1242 : vector<16xf32> to vector<1x16xf32>
        tpu.vector_store %arg11[%swap3A_1247, %swap3A_1248], %swap3A_1251 {strides = array<i32>} : memref<400x16xf32, #tpu.memory_space<vmem>>, vector<1x16xf32>,
        %mul3A_1252 = arith.constant 16 : i32
        %mul3A_1253 = arith.muli %scan3A_1116, %mul3A_1252 : i32
        %add3A_1254 = arith.constant 6 : i32
        %add3A_1255 = arith.addi %mul3A_1253, %add3A_1254 : i32
        %get3A_1256 = arith.index_cast %add3A_1255 : i32 to index
        %get3A_1257 = arith.constant 0 : index
        %get3A_1258 = tpu.vector_load %arg11[%get3A_1256, %get3A_1257] {strides = array<i32>} : memref<400x16xf32, #tpu.memory_space<vmem>>, vector<1x16xf32>,
        %get3A_1259 = vector.shape_cast %get3A_1258 : vector<1x16xf32> to vector<16xf32>
        %slice3A_1260 = vector.extract_strided_slice %mul3A_1128 {offsets = [6], sizes = [1], strides = [1]} : vector<16xf32> to vector<1xf32>
        %squeeze3A_1261 = vector.extract %slice3A_1260[0] : f32 from vector<1xf32>
        %mul3A_1262 = vector.broadcast %squeeze3A_1261 : f32 to vector<16xf32>
        %mul3A_1263 = arith.mulf %get3A_1259, %mul3A_1262 : vector<16xf32>
        %mul3A_1264 = arith.constant 16 : i32
        %mul3A_1265 = arith.muli %scan3A_1116, %mul3A_1264 : i32
        %add3A_1266 = arith.constant 6 : i32
        %add3A_1267 = arith.addi %mul3A_1265, %add3A_1266 : i32
        %swap3A_1268 = arith.index_cast %add3A_1267 : i32 to index
        %swap3A_1269 = arith.constant 0 : index
        %swap3A_1270 = tpu.vector_load %arg11[%swap3A_1268, %swap3A_1269] {strides = array<i32>} : memref<400x16xf32, #tpu.memory_space<vmem>>, vector<1x16xf32>,
        %swap3A_1271 = vector.shape_cast %swap3A_1270 : vector<1x16xf32> to vector<16xf32>
        %swap3A_1272 = vector.shape_cast %mul3A_1263 : vector<16xf32> to vector<1x16xf32>
        tpu.vector_store %arg11[%swap3A_1268, %swap3A_1269], %swap3A_1272 {strides = array<i32>} : memref<400x16xf32, #tpu.memory_space<vmem>>, vector<1x16xf32>,
        %mul3A_1273 = arith.constant 16 : i32
        %mul3A_1274 = arith.muli %scan3A_1116, %mul3A_1273 : i32
        %add3A_1275 = arith.constant 7 : i32
        %add3A_1276 = arith.addi %mul3A_1274, %add3A_1275 : i32
        %get3A_1277 = arith.index_cast %add3A_1276 : i32 to index
        %get3A_1278 = arith.constant 0 : index
        %get3A_1279 = tpu.vector_load %arg11[%get3A_1277, %get3A_1278] {strides = array<i32>} : memref<400x16xf32, #tpu.memory_space<vmem>>, vector<1x16xf32>,
        %get3A_1280 = vector.shape_cast %get3A_1279 : vector<1x16xf32> to vector<16xf32>
        %slice3A_1281 = vector.extract_strided_slice %mul3A_1128 {offsets = [7], sizes = [1], strides = [1]} : vector<16xf32> to vector<1xf32>
        %squeeze3A_1282 = vector.extract %slice3A_1281[0] : f32 from vector<1xf32>
        %mul3A_1283 = vector.broadcast %squeeze3A_1282 : f32 to vector<16xf32>
        %mul3A_1284 = arith.mulf %get3A_1280, %mul3A_1283 : vector<16xf32>
        %mul3A_1285 = arith.constant 16 : i32
        %mul3A_1286 = arith.muli %scan3A_1116, %mul3A_1285 : i32
        %add3A_1287 = arith.constant 7 : i32
        %add3A_1288 = arith.addi %mul3A_1286, %add3A_1287 : i32
        %swap3A_1289 = arith.index_cast %add3A_1288 : i32 to index
        %swap3A_1290 = arith.constant 0 : index
        %swap3A_1291 = tpu.vector_load %arg11[%swap3A_1289, %swap3A_1290] {strides = array<i32>} : memref<400x16xf32, #tpu.memory_space<vmem>>, vector<1x16xf32>,
        %swap3A_1292 = vector.shape_cast %swap3A_1291 : vector<1x16xf32> to vector<16xf32>
        %swap3A_1293 = vector.shape_cast %mul3A_1284 : vector<16xf32> to vector<1x16xf32>
        tpu.vector_store %arg11[%swap3A_1289, %swap3A_1290], %swap3A_1293 {strides = array<i32>} : memref<400x16xf32, #tpu.memory_space<vmem>>, vector<1x16xf32>,
        %mul3A_1294 = arith.constant 16 : i32
        %mul3A_1295 = arith.muli %scan3A_1116, %mul3A_1294 : i32
        %add3A_1296 = arith.constant 8 : i32
        %add3A_1297 = arith.addi %mul3A_1295, %add3A_1296 : i32
        %get3A_1298 = arith.index_cast %add3A_1297 : i32 to index
        %get3A_1299 = arith.constant 0 : index
        %get3A_1300 = tpu.vector_load %arg11[%get3A_1298, %get3A_1299] {strides = array<i32>} : memref<400x16xf32, #tpu.memory_space<vmem>>, vector<1x16xf32>,
        %get3A_1301 = vector.shape_cast %get3A_1300 : vector<1x16xf32> to vector<16xf32>
        %slice3A_1302 = vector.extract_strided_slice %mul3A_1128 {offsets = [8], sizes = [1], strides = [1]} : vector<16xf32> to vector<1xf32>
        %squeeze3A_1303 = vector.extract %slice3A_1302[0] : f32 from vector<1xf32>
        %mul3A_1304 = vector.broadcast %squeeze3A_1303 : f32 to vector<16xf32>
        %mul3A_1305 = arith.mulf %get3A_1301, %mul3A_1304 : vector<16xf32>
        %mul3A_1306 = arith.constant 16 : i32
        %mul3A_1307 = arith.muli %scan3A_1116, %mul3A_1306 : i32
        %add3A_1308 = arith.constant 8 : i32
        %add3A_1309 = arith.addi %mul3A_1307, %add3A_1308 : i32
        %swap3A_1310 = arith.index_cast %add3A_1309 : i32 to index
        %swap3A_1311 = arith.constant 0 : index
        %swap3A_1312 = tpu.vector_load %arg11[%swap3A_1310, %swap3A_1311] {strides = array<i32>} : memref<400x16xf32, #tpu.memory_space<vmem>>, vector<1x16xf32>,
        %swap3A_1313 = vector.shape_cast %swap3A_1312 : vector<1x16xf32> to vector<16xf32>
        %swap3A_1314 = vector.shape_cast %mul3A_1305 : vector<16xf32> to vector<1x16xf32>
        tpu.vector_store %arg11[%swap3A_1310, %swap3A_1311], %swap3A_1314 {strides = array<i32>} : memref<400x16xf32, #tpu.memory_space<vmem>>, vector<1x16xf32>,
        %mul3A_1315 = arith.constant 16 : i32
        %mul3A_1316 = arith.muli %scan3A_1116, %mul3A_1315 : i32
        %add3A_1317 = arith.constant 9 : i32
        %add3A_1318 = arith.addi %mul3A_1316, %add3A_1317 : i32
        %get3A_1319 = arith.index_cast %add3A_1318 : i32 to index
        %get3A_1320 = arith.constant 0 : index
        %get3A_1321 = tpu.vector_load %arg11[%get3A_1319, %get3A_1320] {strides = array<i32>} : memref<400x16xf32, #tpu.memory_space<vmem>>, vector<1x16xf32>,
        %get3A_1322 = vector.shape_cast %get3A_1321 : vector<1x16xf32> to vector<16xf32>
        %slice3A_1323 = vector.extract_strided_slice %mul3A_1128 {offsets = [9], sizes = [1], strides = [1]} : vector<16xf32> to vector<1xf32>
        %squeeze3A_1324 = vector.extract %slice3A_1323[0] : f32 from vector<1xf32>
        %mul3A_1325 = vector.broadcast %squeeze3A_1324 : f32 to vector<16xf32>
        %mul3A_1326 = arith.mulf %get3A_1322, %mul3A_1325 : vector<16xf32>
        %mul3A_1327 = arith.constant 16 : i32
        %mul3A_1328 = arith.muli %scan3A_1116, %mul3A_1327 : i32
        %add3A_1329 = arith.constant 9 : i32
        %add3A_1330 = arith.addi %mul3A_1328, %add3A_1329 : i32
        %swap3A_1331 = arith.index_cast %add3A_1330 : i32 to index
        %swap3A_1332 = arith.constant 0 : index
        %swap3A_1333 = tpu.vector_load %arg11[%swap3A_1331, %swap3A_1332] {strides = array<i32>} : memref<400x16xf32, #tpu.memory_space<vmem>>, vector<1x16xf32>,
        %swap3A_1334 = vector.shape_cast %swap3A_1333 : vector<1x16xf32> to vector<16xf32>
        %swap3A_1335 = vector.shape_cast %mul3A_1326 : vector<16xf32> to vector<1x16xf32>
        tpu.vector_store %arg11[%swap3A_1331, %swap3A_1332], %swap3A_1335 {strides = array<i32>} : memref<400x16xf32, #tpu.memory_space<vmem>>, vector<1x16xf32>,
        %mul3A_1336 = arith.constant 16 : i32
        %mul3A_1337 = arith.muli %scan3A_1116, %mul3A_1336 : i32
        %add3A_1338 = arith.constant 10 : i32
        %add3A_1339 = arith.addi %mul3A_1337, %add3A_1338 : i32
        %get3A_1340 = arith.index_cast %add3A_1339 : i32 to index
        %get3A_1341 = arith.constant 0 : index
        %get3A_1342 = tpu.vector_load %arg11[%get3A_1340, %get3A_1341] {strides = array<i32>} : memref<400x16xf32, #tpu.memory_space<vmem>>, vector<1x16xf32>,
        %get3A_1343 = vector.shape_cast %get3A_1342 : vector<1x16xf32> to vector<16xf32>
        %slice3A_1344 = vector.extract_strided_slice %mul3A_1128 {offsets = [10], sizes = [1], strides = [1]} : vector<16xf32> to vector<1xf32>
        %squeeze3A_1345 = vector.extract %slice3A_1344[0] : f32 from vector<1xf32>
        %mul3A_1346 = vector.broadcast %squeeze3A_1345 : f32 to vector<16xf32>
        %mul3A_1347 = arith.mulf %get3A_1343, %mul3A_1346 : vector<16xf32>
        %mul3A_1348 = arith.constant 16 : i32
        %mul3A_1349 = arith.muli %scan3A_1116, %mul3A_1348 : i32
        %add3A_1350 = arith.constant 10 : i32
        %add3A_1351 = arith.addi %mul3A_1349, %add3A_1350 : i32
        %swap3A_1352 = arith.index_cast %add3A_1351 : i32 to index
        %swap3A_1353 = arith.constant 0 : index
        %swap3A_1354 = tpu.vector_load %arg11[%swap3A_1352, %swap3A_1353] {strides = array<i32>} : memref<400x16xf32, #tpu.memory_space<vmem>>, vector<1x16xf32>,
        %swap3A_1355 = vector.shape_cast %swap3A_1354 : vector<1x16xf32> to vector<16xf32>
        %swap3A_1356 = vector.shape_cast %mul3A_1347 : vector<16xf32> to vector<1x16xf32>
        tpu.vector_store %arg11[%swap3A_1352, %swap3A_1353], %swap3A_1356 {strides = array<i32>} : memref<400x16xf32, #tpu.memory_space<vmem>>, vector<1x16xf32>,
        %mul3A_1357 = arith.constant 16 : i32
        %mul3A_1358 = arith.muli %scan3A_1116, %mul3A_1357 : i32
        %add3A_1359 = arith.constant 11 : i32
        %add3A_1360 = arith.addi %mul3A_1358, %add3A_1359 : i32
        %get3A_1361 = arith.index_cast %add3A_1360 : i32 to index
        %get3A_1362 = arith.constant 0 : index
        %get3A_1363 = tpu.vector_load %arg11[%get3A_1361, %get3A_1362] {strides = array<i32>} : memref<400x16xf32, #tpu.memory_space<vmem>>, vector<1x16xf32>,
        %get3A_1364 = vector.shape_cast %get3A_1363 : vector<1x16xf32> to vector<16xf32>
        %slice3A_1365 = vector.extract_strided_slice %mul3A_1128 {offsets = [11], sizes = [1], strides = [1]} : vector<16xf32> to vector<1xf32>
        %squeeze3A_1366 = vector.extract %slice3A_1365[0] : f32 from vector<1xf32>
        %mul3A_1367 = vector.broadcast %squeeze3A_1366 : f32 to vector<16xf32>
        %mul3A_1368 = arith.mulf %get3A_1364, %mul3A_1367 : vector<16xf32>
        %mul3A_1369 = arith.constant 16 : i32
        %mul3A_1370 = arith.muli %scan3A_1116, %mul3A_1369 : i32
        %add3A_1371 = arith.constant 11 : i32
        %add3A_1372 = arith.addi %mul3A_1370, %add3A_1371 : i32
        %swap3A_1373 = arith.index_cast %add3A_1372 : i32 to index
        %swap3A_1374 = arith.constant 0 : index
        %swap3A_1375 = tpu.vector_load %arg11[%swap3A_1373, %swap3A_1374] {strides = array<i32>} : memref<400x16xf32, #tpu.memory_space<vmem>>, vector<1x16xf32>,
        %swap3A_1376 = vector.shape_cast %swap3A_1375 : vector<1x16xf32> to vector<16xf32>
        %swap3A_1377 = vector.shape_cast %mul3A_1368 : vector<16xf32> to vector<1x16xf32>
        tpu.vector_store %arg11[%swap3A_1373, %swap3A_1374], %swap3A_1377 {strides = array<i32>} : memref<400x16xf32, #tpu.memory_space<vmem>>, vector<1x16xf32>,
        %mul3A_1378 = arith.constant 16 : i32
        %mul3A_1379 = arith.muli %scan3A_1116, %mul3A_1378 : i32
        %add3A_1380 = arith.constant 12 : i32
        %add3A_1381 = arith.addi %mul3A_1379, %add3A_1380 : i32
        %get3A_1382 = arith.index_cast %add3A_1381 : i32 to index
        %get3A_1383 = arith.constant 0 : index
        %get3A_1384 = tpu.vector_load %arg11[%get3A_1382, %get3A_1383] {strides = array<i32>} : memref<400x16xf32, #tpu.memory_space<vmem>>, vector<1x16xf32>,
        %get3A_1385 = vector.shape_cast %get3A_1384 : vector<1x16xf32> to vector<16xf32>
        %slice3A_1386 = vector.extract_strided_slice %mul3A_1128 {offsets = [12], sizes = [1], strides = [1]} : vector<16xf32> to vector<1xf32>
        %squeeze3A_1387 = vector.extract %slice3A_1386[0] : f32 from vector<1xf32>
        %mul3A_1388 = vector.broadcast %squeeze3A_1387 : f32 to vector<16xf32>
        %mul3A_1389 = arith.mulf %get3A_1385, %mul3A_1388 : vector<16xf32>
        %mul3A_1390 = arith.constant 16 : i32
        %mul3A_1391 = arith.muli %scan3A_1116, %mul3A_1390 : i32
        %add3A_1392 = arith.constant 12 : i32
        %add3A_1393 = arith.addi %mul3A_1391, %add3A_1392 : i32
        %swap3A_1394 = arith.index_cast %add3A_1393 : i32 to index
        %swap3A_1395 = arith.constant 0 : index
        %swap3A_1396 = tpu.vector_load %arg11[%swap3A_1394, %swap3A_1395] {strides = array<i32>} : memref<400x16xf32, #tpu.memory_space<vmem>>, vector<1x16xf32>,
        %swap3A_1397 = vector.shape_cast %swap3A_1396 : vector<1x16xf32> to vector<16xf32>
        %swap3A_1398 = vector.shape_cast %mul3A_1389 : vector<16xf32> to vector<1x16xf32>
        tpu.vector_store %arg11[%swap3A_1394, %swap3A_1395], %swap3A_1398 {strides = array<i32>} : memref<400x16xf32, #tpu.memory_space<vmem>>, vector<1x16xf32>,
        %mul3A_1399 = arith.constant 16 : i32
        %mul3A_1400 = arith.muli %scan3A_1116, %mul3A_1399 : i32
        %add3A_1401 = arith.constant 13 : i32
        %add3A_1402 = arith.addi %mul3A_1400, %add3A_1401 : i32
        %get3A_1403 = arith.index_cast %add3A_1402 : i32 to index
        %get3A_1404 = arith.constant 0 : index
        %get3A_1405 = tpu.vector_load %arg11[%get3A_1403, %get3A_1404] {strides = array<i32>} : memref<400x16xf32, #tpu.memory_space<vmem>>, vector<1x16xf32>,
        %get3A_1406 = vector.shape_cast %get3A_1405 : vector<1x16xf32> to vector<16xf32>
        %slice3A_1407 = vector.extract_strided_slice %mul3A_1128 {offsets = [13], sizes = [1], strides = [1]} : vector<16xf32> to vector<1xf32>
        %squeeze3A_1408 = vector.extract %slice3A_1407[0] : f32 from vector<1xf32>
        %mul3A_1409 = vector.broadcast %squeeze3A_1408 : f32 to vector<16xf32>
        %mul3A_1410 = arith.mulf %get3A_1406, %mul3A_1409 : vector<16xf32>
        %mul3A_1411 = arith.constant 16 : i32
        %mul3A_1412 = arith.muli %scan3A_1116, %mul3A_1411 : i32
        %add3A_1413 = arith.constant 13 : i32
        %add3A_1414 = arith.addi %mul3A_1412, %add3A_1413 : i32
        %swap3A_1415 = arith.index_cast %add3A_1414 : i32 to index
        %swap3A_1416 = arith.constant 0 : index
        %swap3A_1417 = tpu.vector_load %arg11[%swap3A_1415, %swap3A_1416] {strides = array<i32>} : memref<400x16xf32, #tpu.memory_space<vmem>>, vector<1x16xf32>,
        %swap3A_1418 = vector.shape_cast %swap3A_1417 : vector<1x16xf32> to vector<16xf32>
        %swap3A_1419 = vector.shape_cast %mul3A_1410 : vector<16xf32> to vector<1x16xf32>
        tpu.vector_store %arg11[%swap3A_1415, %swap3A_1416], %swap3A_1419 {strides = array<i32>} : memref<400x16xf32, #tpu.memory_space<vmem>>, vector<1x16xf32>,
        %mul3A_1420 = arith.constant 16 : i32
        %mul3A_1421 = arith.muli %scan3A_1116, %mul3A_1420 : i32
        %add3A_1422 = arith.constant 14 : i32
        %add3A_1423 = arith.addi %mul3A_1421, %add3A_1422 : i32
        %get3A_1424 = arith.index_cast %add3A_1423 : i32 to index
        %get3A_1425 = arith.constant 0 : index
        %get3A_1426 = tpu.vector_load %arg11[%get3A_1424, %get3A_1425] {strides = array<i32>} : memref<400x16xf32, #tpu.memory_space<vmem>>, vector<1x16xf32>,
        %get3A_1427 = vector.shape_cast %get3A_1426 : vector<1x16xf32> to vector<16xf32>
        %slice3A_1428 = vector.extract_strided_slice %mul3A_1128 {offsets = [14], sizes = [1], strides = [1]} : vector<16xf32> to vector<1xf32>
        %squeeze3A_1429 = vector.extract %slice3A_1428[0] : f32 from vector<1xf32>
        %mul3A_1430 = vector.broadcast %squeeze3A_1429 : f32 to vector<16xf32>
        %mul3A_1431 = arith.mulf %get3A_1427, %mul3A_1430 : vector<16xf32>
        %mul3A_1432 = arith.constant 16 : i32
        %mul3A_1433 = arith.muli %scan3A_1116, %mul3A_1432 : i32
        %add3A_1434 = arith.constant 14 : i32
        %add3A_1435 = arith.addi %mul3A_1433, %add3A_1434 : i32
        %swap3A_1436 = arith.index_cast %add3A_1435 : i32 to index
        %swap3A_1437 = arith.constant 0 : index
        %swap3A_1438 = tpu.vector_load %arg11[%swap3A_1436, %swap3A_1437] {strides = array<i32>} : memref<400x16xf32, #tpu.memory_space<vmem>>, vector<1x16xf32>,
        %swap3A_1439 = vector.shape_cast %swap3A_1438 : vector<1x16xf32> to vector<16xf32>
        %swap3A_1440 = vector.shape_cast %mul3A_1431 : vector<16xf32> to vector<1x16xf32>
        tpu.vector_store %arg11[%swap3A_1436, %swap3A_1437], %swap3A_1440 {strides = array<i32>} : memref<400x16xf32, #tpu.memory_space<vmem>>, vector<1x16xf32>,
        %mul3A_1441 = arith.constant 16 : i32
        %mul3A_1442 = arith.muli %scan3A_1116, %mul3A_1441 : i32
        %add3A_1443 = arith.constant 15 : i32
        %add3A_1444 = arith.addi %mul3A_1442, %add3A_1443 : i32
        %get3A_1445 = arith.index_cast %add3A_1444 : i32 to index
        %get3A_1446 = arith.constant 0 : index
        %get3A_1447 = tpu.vector_load %arg11[%get3A_1445, %get3A_1446] {strides = array<i32>} : memref<400x16xf32, #tpu.memory_space<vmem>>, vector<1x16xf32>,
        %get3A_1448 = vector.shape_cast %get3A_1447 : vector<1x16xf32> to vector<16xf32>
        %slice3A_1449 = vector.extract_strided_slice %mul3A_1128 {offsets = [15], sizes = [1], strides = [1]} : vector<16xf32> to vector<1xf32>
        %squeeze3A_1450 = vector.extract %slice3A_1449[0] : f32 from vector<1xf32>
        %mul3A_1451 = vector.broadcast %squeeze3A_1450 : f32 to vector<16xf32>
        %mul3A_1452 = arith.mulf %get3A_1448, %mul3A_1451 : vector<16xf32>
        %mul3A_1453 = arith.constant 16 : i32
        %mul3A_1454 = arith.muli %scan3A_1116, %mul3A_1453 : i32
        %add3A_1455 = arith.constant 15 : i32
        %add3A_1456 = arith.addi %mul3A_1454, %add3A_1455 : i32
        %swap3A_1457 = arith.index_cast %add3A_1456 : i32 to index
        %swap3A_1458 = arith.constant 0 : index
        %swap3A_1459 = tpu.vector_load %arg11[%swap3A_1457, %swap3A_1458] {strides = array<i32>} : memref<400x16xf32, #tpu.memory_space<vmem>>, vector<1x16xf32>,
        %swap3A_1460 = vector.shape_cast %swap3A_1459 : vector<1x16xf32> to vector<16xf32>
        %swap3A_1461 = vector.shape_cast %mul3A_1452 : vector<16xf32> to vector<1x16xf32>
        tpu.vector_store %arg11[%swap3A_1457, %swap3A_1458], %swap3A_1461 {strides = array<i32>} : memref<400x16xf32, #tpu.memory_space<vmem>>, vector<1x16xf32>,
      }
      %scan3A_1115 = arith.constant 25 : i32
      %run_scoped3A = arith.constant 4 : i32
      "tpu.region"() ({
        %run_scoped3A_1116 = tpu.sem_alloc : memref<!tpu.dma_semaphore, #tpu.memory_space<semaphore_mem>>
        %dma_start3A_1117 = arith.constant 0 : i32
        %dma_start3A_1118 = tpu.memref_slice %arg9[%run_scoped3A, %dma_start3A_1117] : memref<5x400xi32, #tpu.memory_space<vmem>> -> memref<1x400xi32, #tpu.memory_space<vmem>>
        %dma_start3A_1119 = tpu.memref_squeeze %dma_start3A_1118 : memref<1x400xi32, #tpu.memory_space<vmem>> -> memref<400xi32, #tpu.memory_space<vmem>>
        %dma_start3A_1120 = arith.constant 0 : i32
        %dma_start3A_1121 = arith.constant 0 : i32
        %dma_start3A_1122 = tpu.memref_slice %arg17[%dma_start3A_1120, %dma_start3A_1121] : memref<26624x16xf32, #tpu.memory_space<vmem_shared>> -> memref<26624x16xf32, #tpu.memory_space<vmem_shared>>
        tpu.enqueue_indirect_dma source(%arg11 : memref<400x16xf32, #tpu.memory_space<vmem>>) target(%dma_start3A_1122 : memref<26624x16xf32, #tpu.memory_space<vmem_shared>>) offsets(%dma_start3A_1119 : memref<400xi32, #tpu.memory_space<vmem>>) semaphore(%run_scoped3A_1116 : memref<!tpu.dma_semaphore, #tpu.memory_space<semaphore_mem>>) {add = true}
        %dma_wait3A_1123 = arith.constant 0 : i32
        %dma_wait3A_1124 = tpu.memref_slice %arg9[%run_scoped3A, %dma_wait3A_1123] : memref<5x400xi32, #tpu.memory_space<vmem>> -> memref<1x400xi32, #tpu.memory_space<vmem>>
        %dma_wait3A_1125 = tpu.memref_squeeze %dma_wait3A_1124 : memref<1x400xi32, #tpu.memory_space<vmem>> -> memref<400xi32, #tpu.memory_space<vmem>>
        %dma_wait3A_1126 = arith.constant 0 : i32
        %dma_wait3A_1127 = arith.constant 0 : i32
        %dma_wait3A_1128 = tpu.memref_slice %arg17[%dma_wait3A_1126, %dma_wait3A_1127] : memref<26624x16xf32, #tpu.memory_space<vmem_shared>> -> memref<26624x16xf32, #tpu.memory_space<vmem_shared>>
        tpu.wait_indirect_dma semaphore(%run_scoped3A_1116 : memref<!tpu.dma_semaphore, #tpu.memory_space<semaphore_mem>>) src(%arg11 : memref<400x16xf32, #tpu.memory_space<vmem>>) dst(%dma_wait3A_1128 : memref<26624x16xf32, #tpu.memory_space<vmem_shared>>)
        tpu.yield
      }) : () -> ()
    }
    %scan3A_1061 = arith.constant 25 : i32
    %barrier3A_1062 = arith.constant 0 : index
    tpu.barrier barrier_id(%barrier3A_1062)
    %mul3A_1063 = arith.constant 1600 : i32
    %mul3A_1064 = arith.muli %arg1, %mul3A_1063 : i32
    %mul3A_1065 = arith.constant 1600 : i32
    %mul3A_1066 = arith.muli %arg1, %mul3A_1065 : i32
    "tpu.region"() ({
      %run_scoped3A = tpu.sem_alloc : memref<!tpu.dma_semaphore, #tpu.memory_space<semaphore_mem>>
      %dma_start3A = arith.constant 0 : i32
      %dma_start3A_1067 = tpu.memref_slice %arg6[%arg0, %mul3A_1066, %dma_start3A] : memref<2x25600x16xf32, #tpu.memory_space<hbm>> -> memref<1x1600x16xf32, #tpu.memory_space<hbm>>
      %dma_start3A_1068 = tpu.memref_squeeze %dma_start3A_1067 : memref<1x1600x16xf32, #tpu.memory_space<hbm>> -> memref<1600x16xf32, #tpu.memory_space<hbm>>
      %dma_start3A_1069 = arith.constant 0 : i32
      %dma_start3A_1070 = tpu.memref_slice %arg17[%mul3A_1064, %dma_start3A_1069] : memref<26624x16xf32, #tpu.memory_space<vmem_shared>> -> memref<1600x16xf32, #tpu.memory_space<vmem_shared>>
      tpu.enqueue_dma source(%dma_start3A_1070 : memref<1600x16xf32, #tpu.memory_space<vmem_shared>>) target(%dma_start3A_1068 : memref<1600x16xf32, #tpu.memory_space<hbm>>) target_semaphore(%run_scoped3A : memref<!tpu.dma_semaphore, #tpu.memory_space<semaphore_mem>>)
      %dma_wait3A = arith.constant 0 : i32
      %dma_wait3A_1071 = tpu.memref_slice %arg6[%arg0, %mul3A_1066, %dma_wait3A] : memref<2x25600x16xf32, #tpu.memory_space<hbm>> -> memref<1x1600x16xf32, #tpu.memory_space<hbm>>
      %dma_wait3A_1072 = tpu.memref_squeeze %dma_wait3A_1071 : memref<1x1600x16xf32, #tpu.memory_space<hbm>> -> memref<1600x16xf32, #tpu.memory_space<hbm>>
      %dma_wait3A_1073 = arith.constant 0 : i32
      %dma_wait3A_1074 = tpu.memref_slice %arg17[%mul3A_1064, %dma_wait3A_1073] : memref<26624x16xf32, #tpu.memory_space<vmem_shared>> -> memref<1600x16xf32, #tpu.memory_space<vmem_shared>>
      tpu.wait_dma2 semaphore(%run_scoped3A : memref<!tpu.dma_semaphore, #tpu.memory_space<semaphore_mem>>) src(%dma_wait3A_1074 : memref<1600x16xf32, #tpu.memory_space<vmem_shared>>) dst(%dma_wait3A_1072 : memref<1600x16xf32, #tpu.memory_space<hbm>>)
      tpu.yield
    }) : () -> ()
    return
  }
}

module attributes {stable_mosaic.version = 14 : i64} {
  func.func @_dense_body(%arg0: i32, %arg1: memref<1x3200x16xf32, #tpu.memory_space<vmem>>, %arg2: memref<3200x12xf32, #tpu.memory_space<vmem>>, %arg3: memref<3200x1xf32, #tpu.memory_space<vmem>>, %arg4: memref<12x64xf32, #tpu.memory_space<vmem>>, %arg5: memref<128x64xf32, #tpu.memory_space<vmem>>, %arg6: memref<1x64xf32, #tpu.memory_space<vmem>>, %arg7: memref<1x64xf32, #tpu.memory_space<vmem>>, %arg8: memref<12x64xf32, #tpu.memory_space<vmem>>, %arg9: memref<128x64xf32, #tpu.memory_space<vmem>>, %arg10: memref<1x64xf32, #tpu.memory_space<vmem>>, %arg11: memref<1x64xf32, #tpu.memory_space<vmem>>, %arg12: memref<64x12xf32, #tpu.memory_space<vmem>>, %arg13: memref<1x12xf32, #tpu.memory_space<vmem>>, %arg14: memref<3200x12xf32, #tpu.memory_space<vmem>>, %arg15: memref<3200x64xf32, #tpu.memory_space<vmem>>) attributes {dimension_semantics = [#tpu.dimension_semantics<arbitrary>], iteration_bounds = array<i64: 16>, scalar_prefetch = 0 : i64, scratch_operands = 0 : i64, tpu.core_type = #tpu.core_type<tc>, window_params = [{transform_indices = @transform_0, window_bounds = array<i64: 1, 3200, 16>}, {transform_indices = @transform_1, window_bounds = array<i64: 3200, 12>}, {transform_indices = @transform_2, window_bounds = array<i64: 3200, 1>}, {pipeline_mode = #tpu.pipeline_mode<synchronous>, transform_indices = @transform_3, window_bounds = array<i64: 12, 64>}, {pipeline_mode = #tpu.pipeline_mode<synchronous>, transform_indices = @transform_4, window_bounds = array<i64: 128, 64>}, {pipeline_mode = #tpu.pipeline_mode<synchronous>, transform_indices = @transform_5, window_bounds = array<i64: 1, 64>}, {pipeline_mode = #tpu.pipeline_mode<synchronous>, transform_indices = @transform_6, window_bounds = array<i64: 1, 64>}, {pipeline_mode = #tpu.pipeline_mode<synchronous>, transform_indices = @transform_7, window_bounds = array<i64: 12, 64>}, {pipeline_mode = #tpu.pipeline_mode<synchronous>, transform_indices = @transform_8, window_bounds = array<i64: 128, 64>}, {pipeline_mode = #tpu.pipeline_mode<synchronous>, transform_indices = @transform_9, window_bounds = array<i64: 1, 64>}, {pipeline_mode = #tpu.pipeline_mode<synchronous>, transform_indices = @transform_10, window_bounds = array<i64: 1, 64>}, {pipeline_mode = #tpu.pipeline_mode<synchronous>, transform_indices = @transform_11, window_bounds = array<i64: 64, 12>}, {pipeline_mode = #tpu.pipeline_mode<synchronous>, transform_indices = @transform_12, window_bounds = array<i64: 1, 12>}, {transform_indices = @transform_13, window_bounds = array<i64: 3200, 12>}, {transform_indices = @transform_14, window_bounds = array<i64: 3200, 64>}]} {
    %get3A = arith.constant 0 : index
    %get3A_0 = arith.constant 0 : index
    %get3A_1 = vector.load %arg4[%get3A, %get3A_0] : memref<12x64xf32, #tpu.memory_space<vmem>>, vector<12x64xf32>
    %get3A_2 = arith.constant 0 : index
    %get3A_3 = arith.constant 0 : index
    %get3A_4 = vector.load %arg5[%get3A_2, %get3A_3] : memref<128x64xf32, #tpu.memory_space<vmem>>, vector<64x64xf32>
    %dot_general3A = arith.constant dense<0.000000e+00> : vector<12x64xf32>
    %dot_general3A_5 = tpu.matmul %get3A_1, %get3A_4, %dot_general3A {dimension_numbers = #tpu.dot_dimension_numbers<[1], [0], [0], [1], [0, 0, 1, 1], [], []>, precision = #tpu.contract_precision<fp32>, transpose_lhs_hint = false} : vector<12x64xf32>, vector<64x64xf32>, vector<12x64xf32> -> vector<12x64xf32>
    %get3A_6 = arith.constant 0 : index
    %get3A_7 = arith.constant 0 : index
    %get3A_8 = vector.load %arg8[%get3A_6, %get3A_7] : memref<12x64xf32, #tpu.memory_space<vmem>>, vector<12x64xf32>
    %get3A_9 = arith.constant 0 : index
    %get3A_10 = arith.constant 0 : index
    %get3A_11 = vector.load %arg9[%get3A_9, %get3A_10] : memref<128x64xf32, #tpu.memory_space<vmem>>, vector<64x64xf32>
    %dot_general3A_12 = arith.constant dense<0.000000e+00> : vector<12x64xf32>
    %dot_general3A_13 = tpu.matmul %get3A_8, %get3A_11, %dot_general3A_12 {dimension_numbers = #tpu.dot_dimension_numbers<[1], [0], [0], [1], [0, 0, 1, 1], [], []>, precision = #tpu.contract_precision<fp32>, transpose_lhs_hint = false} : vector<12x64xf32>, vector<64x64xf32>, vector<12x64xf32> -> vector<12x64xf32>
    %get3A_14 = arith.constant 0 : index
    %get3A_15 = arith.constant 0 : index
    %get3A_16 = vector.load %arg6[%get3A_14, %get3A_15] : memref<1x64xf32, #tpu.memory_space<vmem>>, vector<1x64xf32>
    %get3A_17 = arith.constant 0 : index
    %get3A_18 = arith.constant 0 : index
    %get3A_19 = vector.load %arg5[%get3A_17, %get3A_18] : memref<128x64xf32, #tpu.memory_space<vmem>>, vector<64x64xf32>
    %dot_general3A_20 = arith.constant dense<0.000000e+00> : vector<1x64xf32>
    %dot_general3A_21 = tpu.matmul %get3A_16, %get3A_19, %dot_general3A_20 {dimension_numbers = #tpu.dot_dimension_numbers<[1], [0], [0], [1], [0, 0, 1, 1], [], []>, precision = #tpu.contract_precision<fp32>, transpose_lhs_hint = false} : vector<1x64xf32>, vector<64x64xf32>, vector<1x64xf32> -> vector<1x64xf32>
    %get3A_22 = arith.constant 0 : index
    %get3A_23 = arith.constant 0 : index
    %get3A_24 = vector.load %arg7[%get3A_22, %get3A_23] : memref<1x64xf32, #tpu.memory_space<vmem>>, vector<1x64xf32>
    %add3A = arith.addf %dot_general3A_21, %get3A_24 : vector<1x64xf32>
    %get3A_25 = arith.constant 0 : index
    %get3A_26 = arith.constant 0 : index
    %get3A_27 = vector.load %arg10[%get3A_25, %get3A_26] : memref<1x64xf32, #tpu.memory_space<vmem>>, vector<1x64xf32>
    %get3A_28 = arith.constant 0 : index
    %get3A_29 = arith.constant 0 : index
    %get3A_30 = vector.load %arg9[%get3A_28, %get3A_29] : memref<128x64xf32, #tpu.memory_space<vmem>>, vector<64x64xf32>
    %dot_general3A_31 = arith.constant dense<0.000000e+00> : vector<1x64xf32>
    %dot_general3A_32 = tpu.matmul %get3A_27, %get3A_30, %dot_general3A_31 {dimension_numbers = #tpu.dot_dimension_numbers<[1], [0], [0], [1], [0, 0, 1, 1], [], []>, precision = #tpu.contract_precision<fp32>, transpose_lhs_hint = false} : vector<1x64xf32>, vector<64x64xf32>, vector<1x64xf32> -> vector<1x64xf32>
    %get3A_33 = arith.constant 0 : index
    %get3A_34 = arith.constant 0 : index
    %get3A_35 = vector.load %arg11[%get3A_33, %get3A_34] : memref<1x64xf32, #tpu.memory_space<vmem>>, vector<1x64xf32>
    %add3A_36 = arith.addf %dot_general3A_32, %get3A_35 : vector<1x64xf32>
    %get3A_37 = arith.constant 0 : index
    %get3A_38 = arith.constant 0 : index
    %get3A_39 = vector.load %arg3[%get3A_37, %get3A_38] : memref<3200x1xf32, #tpu.memory_space<vmem>>, vector<3200x1xf32>
    %get3A_40 = arith.constant 0 : index
    %get3A_41 = arith.constant 0 : index
    %get3A_42 = arith.constant 0 : index
    %get3A_43 = vector.load %arg1[%get3A_40, %get3A_41, %get3A_42] : memref<1x3200x16xf32, #tpu.memory_space<vmem>>, vector<1x3200x12xf32>
    %get3A_44 = vector.shape_cast %get3A_43 : vector<1x3200x12xf32> to vector<3200x12xf32>
    %mul3A = vector.broadcast %get3A_39 : vector<3200x1xf32> to vector<3200x12xf32>
    %mul3A_45 = arith.mulf %mul3A, %get3A_44 : vector<3200x12xf32>
    %mul3A_46 = arith.mulf %get3A_39, %get3A_39 : vector<3200x1xf32>
    %get3A_47 = arith.constant 0 : index
    %get3A_48 = arith.constant 0 : index
    %get3A_49 = vector.load %arg2[%get3A_47, %get3A_48] : memref<3200x12xf32, #tpu.memory_space<vmem>>, vector<3200x12xf32>
    %mul3A_50 = vector.broadcast %mul3A_46 : vector<3200x1xf32> to vector<3200x12xf32>
    %mul3A_51 = arith.mulf %mul3A_50, %get3A_49 : vector<3200x12xf32>
    %add3A_52 = arith.addf %mul3A_45, %mul3A_51 : vector<3200x12xf32>
    %dot_general3A_53 = arith.constant dense<0.000000e+00> : vector<3200x64xf32>
    %dot_general3A_54 = tpu.matmul %add3A_52, %dot_general3A_5, %dot_general3A_53 {dimension_numbers = #tpu.dot_dimension_numbers<[1], [0], [0], [1], [0, 0, 1, 1], [], []>, precision = #tpu.contract_precision<fp32>, transpose_lhs_hint = false} : vector<3200x12xf32>, vector<12x64xf32>, vector<3200x64xf32> -> vector<3200x64xf32>
    %add3A_55 = vector.broadcast %add3A : vector<1x64xf32> to vector<3200x64xf32>
    %add3A_56 = arith.addf %dot_general3A_54, %add3A_55 : vector<3200x64xf32>
    %logistic3A = arith.negf %add3A_56 : vector<3200x64xf32>
    %logistic3A_57 = math.exp %logistic3A : vector<3200x64xf32>
    %logistic3A_58 = arith.constant 1.000000e+00 : f32
    %logistic3A_59 = vector.broadcast %logistic3A_58 : f32 to vector<3200x64xf32>
    %logistic3A_60 = arith.addf %logistic3A_59, %logistic3A_57 : vector<3200x64xf32>
    %logistic3A_61 = arith.divf %logistic3A_59, %logistic3A_60 : vector<3200x64xf32>
    %dot_general3A_62 = arith.constant dense<0.000000e+00> : vector<3200x64xf32>
    %dot_general3A_63 = tpu.matmul %add3A_52, %dot_general3A_13, %dot_general3A_62 {dimension_numbers = #tpu.dot_dimension_numbers<[1], [0], [0], [1], [0, 0, 1, 1], [], []>, precision = #tpu.contract_precision<fp32>, transpose_lhs_hint = false} : vector<3200x12xf32>, vector<12x64xf32>, vector<3200x64xf32> -> vector<3200x64xf32>
    %add3A_64 = vector.broadcast %add3A_36 : vector<1x64xf32> to vector<3200x64xf32>
    %add3A_65 = arith.addf %dot_general3A_63, %add3A_64 : vector<3200x64xf32>
    %tanh3A = math.tanh %add3A_65 : vector<3200x64xf32>
    %sub3A = arith.constant 1.000000e+00 : f32
    %sub3A_66 = vector.broadcast %sub3A : f32 to vector<3200x64xf32>
    %sub3A_67 = arith.subf %sub3A_66, %logistic3A_61 : vector<3200x64xf32>
    %mul3A_68 = arith.mulf %sub3A_67, %tanh3A : vector<3200x64xf32>
    %swap3A = arith.constant 0 : index
    %swap3A_69 = arith.constant 0 : index
    %swap3A_70 = vector.load %arg15[%swap3A, %swap3A_69] : memref<3200x64xf32, #tpu.memory_space<vmem>>, vector<3200x64xf32>
    tpu.vector_store %arg15[%swap3A, %swap3A_69], %mul3A_68 {strides = array<i32>} : memref<3200x64xf32, #tpu.memory_space<vmem>>, vector<3200x64xf32>,
    %max3A = arith.constant 0.000000e+00 : f32
    %max3A_71 = vector.broadcast %max3A : f32 to vector<3200x64xf32>
    %max3A_72 = arith.maximumf %mul3A_68, %max3A_71 : vector<3200x64xf32>
    %get3A_73 = arith.constant 0 : index
    %get3A_74 = arith.constant 0 : index
    %get3A_75 = vector.load %arg12[%get3A_73, %get3A_74] : memref<64x12xf32, #tpu.memory_space<vmem>>, vector<64x12xf32>
    %dot_general3A_76 = arith.constant dense<0.000000e+00> : vector<3200x12xf32>
    %dot_general3A_77 = tpu.matmul %max3A_72, %get3A_75, %dot_general3A_76 {dimension_numbers = #tpu.dot_dimension_numbers<[1], [0], [0], [1], [0, 0, 1, 1], [], []>, precision = #tpu.contract_precision<fp32>, transpose_lhs_hint = false} : vector<3200x64xf32>, vector<64x12xf32>, vector<3200x12xf32> -> vector<3200x12xf32>
    %get3A_78 = arith.constant 0 : index
    %get3A_79 = arith.constant 0 : index
    %get3A_80 = vector.load %arg13[%get3A_78, %get3A_79] : memref<1x12xf32, #tpu.memory_space<vmem>>, vector<1x12xf32>
    %add3A_81 = vector.broadcast %get3A_80 : vector<1x12xf32> to vector<3200x12xf32>
    %add3A_82 = arith.addf %dot_general3A_77, %add3A_81 : vector<3200x12xf32>
    %swap3A_83 = arith.constant 0 : index
    %swap3A_84 = arith.constant 0 : index
    %swap3A_85 = vector.load %arg14[%swap3A_83, %swap3A_84] : memref<3200x12xf32, #tpu.memory_space<vmem>>, vector<3200x12xf32>
    tpu.vector_store %arg14[%swap3A_83, %swap3A_84], %add3A_82 {strides = array<i32>} : memref<3200x12xf32, #tpu.memory_space<vmem>>, vector<3200x12xf32>,
    return
  }
  func.func @transform_0(%arg0: i32) -> (i32, i32, i32) {
    %jit3A = arith.constant 8 : i32
    %div3A = arith.divsi %arg0, %jit3A : i32
    %sign3A = arith.constant 0 : i32
    %sign3A_0 = arith.cmpi sgt, %arg0, %sign3A : i32
    %sign3A_1 = arith.extui %sign3A_0 : i1 to i32
    %sign3A_2 = arith.constant 0 : i32
    %sign3A_3 = arith.cmpi slt, %arg0, %sign3A_2 : i32
    %sign3A_4 = arith.extui %sign3A_3 : i1 to i32
    %sign3A_5 = arith.subi %sign3A_1, %sign3A_4 : i32
    %sign3A_6 = arith.constant 0 : i32
    %sign3A_7 = arith.cmpi sgt, %jit3A, %sign3A_6 : i32
    %sign3A_8 = arith.extui %sign3A_7 : i1 to i32
    %sign3A_9 = arith.constant 0 : i32
    %sign3A_10 = arith.cmpi slt, %jit3A, %sign3A_9 : i32
    %sign3A_11 = arith.extui %sign3A_10 : i1 to i32
    %sign3A_12 = arith.subi %sign3A_8, %sign3A_11 : i32
    %ne3A = arith.cmpi ne, %sign3A_5, %sign3A_12 : i32
    %rem3A = arith.remsi %arg0, %jit3A : i32
    %ne3A_13 = arith.constant 0 : i32
    %ne3A_14 = arith.cmpi ne, %rem3A, %ne3A_13 : i32
    %and3A = arith.andi %ne3A, %ne3A_14 : i1
    %sub3A = arith.constant 1 : i32
    %sub3A_15 = arith.subi %div3A, %sub3A : i32
    %select_n3A = arith.select %and3A, %sub3A_15, %div3A : i32
    %jit3A_16 = arith.constant 8 : i32
    %eq3A = arith.constant 0 : i32
    %eq3A_17 = arith.cmpi eq, %jit3A_16, %eq3A : i32
    %jit3A_18 = arith.constant 1 : i32
    %select_n3A_19 = arith.select %eq3A_17, %jit3A_18, %jit3A_16 : i32
    %rem3A_20 = arith.remsi %arg0, %select_n3A_19 : i32
    %ne3A_21 = arith.constant 0 : i32
    %ne3A_22 = arith.cmpi ne, %rem3A_20, %ne3A_21 : i32
    %lt3A = arith.constant 0 : i32
    %lt3A_23 = arith.cmpi slt, %rem3A_20, %lt3A : i32
    %lt3A_24 = arith.constant 0 : i32
    %lt3A_25 = arith.cmpi slt, %select_n3A_19, %lt3A_24 : i32
    %ne3A_26 = arith.xori %lt3A_23, %lt3A_25 : i1
    %and3A_27 = arith.andi %ne3A_26, %ne3A_22 : i1
    %add3A = arith.addi %rem3A_20, %select_n3A_19 : i32
    %select_n3A_28 = arith.select %and3A_27, %add3A, %rem3A_20 : i32
    %c0_i32 = arith.constant 0 : i32
    %c0_i32_29 = arith.constant 0 : i32
    return %select_n3A, %select_n3A_28, %c0_i32 : i32, i32, i32
  }
  func.func @transform_1(%arg0: i32) -> (i32, i32) {
    %c0_i32 = arith.constant 0 : i32
    %c0_i32_0 = arith.constant 0 : i32
    return %arg0, %c0_i32 : i32, i32
  }
  func.func @transform_2(%arg0: i32) -> (i32, i32) {
    %c0_i32 = arith.constant 0 : i32
    %c0_i32_0 = arith.constant 0 : i32
    return %arg0, %c0_i32 : i32, i32
  }
  func.func @transform_3(%arg0: i32) -> (i32, i32) {
    %c0_i32 = arith.constant 0 : i32
    %c0_i32_0 = arith.constant 0 : i32
    %c0_i32_1 = arith.constant 0 : i32
    return %c0_i32, %c0_i32_0 : i32, i32
  }
  func.func @transform_4(%arg0: i32) -> (i32, i32) {
    %c0_i32 = arith.constant 0 : i32
    %c0_i32_0 = arith.constant 0 : i32
    %c0_i32_1 = arith.constant 0 : i32
    return %c0_i32, %c0_i32_0 : i32, i32
  }
  func.func @transform_5(%arg0: i32) -> (i32, i32) {
    %c0_i32 = arith.constant 0 : i32
    %c0_i32_0 = arith.constant 0 : i32
    %c0_i32_1 = arith.constant 0 : i32
    return %c0_i32, %c0_i32_0 : i32, i32
  }
  func.func @transform_6(%arg0: i32) -> (i32, i32) {
    %c0_i32 = arith.constant 0 : i32
    %c0_i32_0 = arith.constant 0 : i32
    %c0_i32_1 = arith.constant 0 : i32
    return %c0_i32, %c0_i32_0 : i32, i32
  }
  func.func @transform_7(%arg0: i32) -> (i32, i32) {
    %c0_i32 = arith.constant 0 : i32
    %c0_i32_0 = arith.constant 0 : i32
    %c0_i32_1 = arith.constant 0 : i32
    return %c0_i32, %c0_i32_0 : i32, i32
  }
  func.func @transform_8(%arg0: i32) -> (i32, i32) {
    %c0_i32 = arith.constant 0 : i32
    %c0_i32_0 = arith.constant 0 : i32
    %c0_i32_1 = arith.constant 0 : i32
    return %c0_i32, %c0_i32_0 : i32, i32
  }
  func.func @transform_9(%arg0: i32) -> (i32, i32) {
    %c0_i32 = arith.constant 0 : i32
    %c0_i32_0 = arith.constant 0 : i32
    %c0_i32_1 = arith.constant 0 : i32
    return %c0_i32, %c0_i32_0 : i32, i32
  }
  func.func @transform_10(%arg0: i32) -> (i32, i32) {
    %c0_i32 = arith.constant 0 : i32
    %c0_i32_0 = arith.constant 0 : i32
    %c0_i32_1 = arith.constant 0 : i32
    return %c0_i32, %c0_i32_0 : i32, i32
  }
  func.func @transform_11(%arg0: i32) -> (i32, i32) {
    %c0_i32 = arith.constant 0 : i32
    %c0_i32_0 = arith.constant 0 : i32
    %c0_i32_1 = arith.constant 0 : i32
    return %c0_i32, %c0_i32_0 : i32, i32
  }
  func.func @transform_12(%arg0: i32) -> (i32, i32) {
    %c0_i32 = arith.constant 0 : i32
    %c0_i32_0 = arith.constant 0 : i32
    %c0_i32_1 = arith.constant 0 : i32
    return %c0_i32, %c0_i32_0 : i32, i32
  }
  func.func @transform_13(%arg0: i32) -> (i32, i32) {
    %c0_i32 = arith.constant 0 : i32
    %c0_i32_0 = arith.constant 0 : i32
    return %arg0, %c0_i32 : i32, i32
  }
  func.func @transform_14(%arg0: i32) -> (i32, i32) {
    %c0_i32 = arith.constant 0 : i32
    %c0_i32_0 = arith.constant 0 : i32
    return %arg0, %c0_i32 : i32, i32
  }
}

</mosaic_0001>

<sc_bundles>
// kernel: kernel.4.cloned.1.call-start
scs
__scs_entry_jumppad:
0x0: {  	(pc) =	sbr.rel $0x88, $3  }
0x1: {  	(tag) =	ssettag $0x0;
	lr =	simm.s32 $0x1  }
0x2: {  	[smem:$0x3F94] =	sst lr;
	_ =	strace $0xD0000000  }
0x3: {  	_ = 	snop  }
0x4: {  	_ = 	snop  }
0x5: {  	_ = 	snop  }
0x6: {  	_ = 	snop  }
0x7: {  	_ = 	snop  }
__scs_overlays_trampoline_lowered:
0x8: {  	[smem:$0x3FA3] =	sst s0  }
0x9: {  	[smem:$0x3FA4] =	sst s1  }
0xa: {  	[smem:$0x3FA5] =	sst s2  }
0xb: {  	[smem:$0x3FA6] =	sst s3  }
0xc: {  	[smem:$0x3FA7] =	sst s4  }
0xd: {  	[smem:$0x3FA8] =	sst s5  }
0xe: {  	[smem:$0x3FA9] =	sst s6  }
0xf: {  	[smem:$0x3FAA] =	sst s7  }
0x10: {  	[smem:$0x3FAB] =	sst s8  }
0x11: {  	[smem:$0x3FAC] =	sst s9;
	s0 =	simm.s32 @!p0 $0x0  }
0x12: {  	s1 =	sld [smem:$0x3F92];
	s0 =	simm.s32 @p0 $0x1  }
0x13: {  	[smem:$0x3FAD] =	sst s0;
	s0 =	simm.s32 @!p1 $0x0  }
0x14: {  	s2 =	sld [smem:$0x3F91];
	s0 =	simm.s32 @p1 $0x1  }
0x15: {  	[smem:$0x3FAE] =	sst s0;
	s0 =	simm.s32 @!p2 $0x0  }
0x16: {  	s3 =	sld [smem:$0x3FDB];
	s0 =	simm.s32 @p2 $0x1  }
0x17: {  	s4 =	simm.s32 $0x1BF5;
	[smem:$0x3FB0] =	sst s0  }
0x18: {  	s0 =	sld [smem:$0x3F93];
	_ =	swait.ge [sflag:s4], $0x0  }
0x19: {  	s7 =	sld [smem:$0x3F94]  }
0x1a: {  	s8 =	sadd.s32 $0xFFFFE003, lr  }
0x1b: {  	s9 =	sadd.s32 $0xFFFFFEF7, lr;
	s5 =	simm.s32 $0xFFFFFFFF;
	p2 =	slt.u32 s8, $0xFFFFF086  }
0x1c: {  	p1 =	slt.u32 s9, $0xF7A;
	s5 =	simm.s32 @!p2 $0x0  }
0x1d: {  	s5 =	simm.s32 @p1 $0x1;
	p0 =	seq.s32 s7, s2  }
0x1e: {  	s7 =	smul.u32 @!p0 $0xF7A, s2;
	p2 =	seq.s32 @!p0 s5, $0x0  }
0x1f: {  	s9 =	smul.u32 $0xF7A, s1;
	s8 =	simm.s32 @!p0 $0x1BF5;
	p2 =	por !p2, p0  }
0x20: {  	[sflag:s8] =	ssyncset.s32 @!p0 $0xFFFFF086;
	s6 =	sadd.s32 @!p0 s3, s7;
	s7 =	simm.s32 @!p0 $0x108  }
0x21: {  	s3 =	sadd.s32 s3, s9;
	s6 =	sadd.s32 @!p0 $0x88, s6;
	s7 =	simm.s32 @p2 $0x1082  }
0x22: {  	[simem:s7], [sflag:s8] =	dma.local @!p0 [hbm:s6], $0xF7A  }
0x23: {  	s9 =	sor.u32 $0xD0000000, s2;
	s6 =	simm.s32 $0x108;
	_ =	swait.ge @!p0 [sflag:s8], $0x0  }
0x24: {  	s3 =	sadd.s32 $0x88, s3;
	s6 =	simm.s32 @!p1 $0x1082;
	[sflag:s4] =	ssyncset.s32 $0xFFFFF086  }
0x25: {  	[simem:s6], [sflag:s4] =	dma.local [hbm:s3], $0xF7A  }
0x26: {  	[smem:$0x3F94] =	sst s1;
	(tag) =	ssettag s2;
	_ =	strace s9  }
0x27: {  	s1 =	sld [smem:$0x3FA4]  }
0x28: {  	s2 =	sld [smem:$0x3FA5]  }
0x29: {  	s4 =	sld [smem:$0x3FA7]  }
0x2a: {  	p0 =	seq.s32 s5, $0x0;
	s5 =	sld [smem:$0x3FA8]  }
0x2b: {  	s6 =	sld [smem:$0x3FA9]  }
0x2c: {  	s7 =	sld [smem:$0x3FAA]  }
0x2d: {  	s3 =	simm.s32 $0x108;
	s8 =	sld [smem:$0x3FAB]  }
0x2e: {  	s3 =	simm.s32 @!p0 $0x1082;
	s9 =	sld [smem:$0x3FAC]  }
0x2f: {  	lr =	sadd.s32 s0, s3;
	s0 =	sld [smem:$0x3FA3]  }
0x30: {  	s3 =	sld [smem:$0x3FA6]  }
0x31: {  	[smem:$0x3FAF] =	sst s10  }
0x32: {  	s10 =	sld [smem:$0x3FAD];
	_ =	sdelay $0x3  }
0x33: {  	p0 =	seq.s32 s10, $0x1;
	s10 =	sld [smem:$0x3FAF];
	_ =	sdelay $0x3  }
0x34: {  	[smem:$0x3FAF] =	sst s10  }
0x35: {  	s10 =	sld [smem:$0x3FAE];
	_ =	sdelay $0x3  }
0x36: {  	p1 =	seq.s32 s10, $0x1;
	s10 =	sld [smem:$0x3FAF];
	_ =	sdelay $0x3  }
0x37: {  	[smem:$0x3FAF] =	sst s10  }
0x38: {  	s10 =	sld [smem:$0x3FB0]  }
0x39: {  	_ = 	snop;
	(pc) =	sbr.ind lr, $3  }
0x3a: {  	_ = 	snop  }
0x3b: {  	_ = 	snop  }
0x3c: {  	p2 =	seq.s32 s10, $0x1;
	s10 =	sld [smem:$0x3FAF]  }
0x3d: {  	_ =	shalt  }
0x3e: {  	_ =	shalt  }
0x3f: {  	_ =	shalt  }
0x40: {  	_ =	shalt  }
0x41: {  	_ =	shalt  }
0x42: {  	_ =	shalt  }
0x43: {  	_ =	shalt  }
0x44: {  	_ =	shalt  }
0x45: {  	_ =	shalt  }
0x46: {  	_ =	shalt  }
0x47: {  	_ =	shalt  }
0x48: {  	_ =	shalt  }
0x49: {  	_ =	shalt  }
0x4a: {  	_ =	shalt  }
0x4b: {  	_ =	shalt  }
0x4c: {  	_ =	shalt  }
0x4d: {  	_ =	shalt  }
0x4e: {  	_ =	shalt  }
0x4f: {  	_ =	shalt  }
0x50: {  	_ =	shalt  }
0x51: {  	_ =	shalt  }
0x52: {  	_ =	shalt  }
0x53: {  	_ =	shalt  }
0x54: {  	_ =	shalt  }
0x55: {  	_ =	shalt  }
0x56: {  	_ =	shalt  }
0x57: {  	_ =	shalt  }
0x58: {  	_ =	shalt  }
0x59: {  	_ =	shalt  }
0x5a: {  	_ =	shalt  }
0x5b: {  	_ =	shalt  }
0x5c: {  	_ =	shalt  }
0x5d: {  	_ =	shalt  }
0x5e: {  	_ =	shalt  }
0x5f: {  	_ =	shalt  }
0x60: {  	_ =	shalt  }
0x61: {  	_ =	shalt  }
0x62: {  	_ =	shalt  }
0x63: {  	_ =	shalt  }
0x64: {  	_ =	shalt  }
0x65: {  	_ =	shalt  }
0x66: {  	_ =	shalt  }
0x67: {  	_ =	shalt  }
0x68: {  	_ =	shalt  }
0x69: {  	_ =	shalt  }
0x6a: {  	_ =	shalt  }
0x6b: {  	_ =	shalt  }
0x6c: {  	_ =	shalt  }
0x6d: {  	_ =	shalt  }
0x6e: {  	_ =	shalt  }
0x6f: {  	_ =	shalt  }
0x70: {  	_ =	shalt  }
0x71: {  	_ =	shalt  }
0x72: {  	_ =	shalt  }
0x73: {  	_ =	shalt  }
0x74: {  	_ =	shalt  }
0x75: {  	_ =	shalt  }
0x76: {  	_ =	shalt  }
0x77: {  	_ =	shalt  }
0x78: {  	_ =	shalt  }
0x79: {  	_ =	shalt  }
0x7a: {  	_ =	shalt  }
0x7b: {  	_ =	shalt  }
0x7c: {  	_ =	shalt  }
0x7d: {  	_ =	shalt  }
0x7e: {  	_ =	shalt  }
0x7f: {  	_ =	shalt  }
0x80: {  	_ =	shalt  }
0x81: {  	_ =	shalt  }
0x82: {  	_ =	shalt  }
0x83: {  	_ =	shalt  }
0x84: {  	_ =	shalt  }
0x85: {  	_ =	shalt  }
0x86: {  	_ =	shalt  }
0x87: {  	_ =	shalt  }
.Lfunc_end0:
.L_simem_size_0:
called_computation_lowered:
.L_overlay_start_0:
0x88: {  	s2 =	sld [smem:$0x3FD9]  }
0x89: {  	s3 =	sld [smem:$0x3FFE];
	_ =	sdelay $0x1  }
0x8a: {  	s1 =	srdreg.scid  }
0x8b: {  	s0 =	sand.u32 $0x1, s1  }
0x8c: {  	s14 =	sshll.u32 s0, $0xA;
	s2 =	sadd.s32 s3, s2  }
0x8d: {  	s2 =	sadd.s32 s2, s14  }
0x8e: {  	[smem:$0x3FBB] =	sst s2  }
0x8f: {  	_ = 	snop  }
0x90: {  	s2 =	sld [smem:$0x3FD0];
	_ =	sdelay $0x2  }
0x91: {  	s4 =	simm.s32 $0xA;
	s5 =	simm.s32 $0x10;
	s15 =	sld [smem:$0x3FC7]  }
0x92: {  	[smem:s5], [sflag:s4] =	dma.local [hbm:s2], $0x1  }
0x93: {  	_ =	swait.eq [sflag:s4], $0x1  }
0x94: {  	[sflag:s4] =	ssyncset.done $0x0  }
0x95: {  	s16 =	sld [smem:$0x10];
	[sflag:s4] =	ssyncadd.s32 $0xFFFFFFFF  }
0x96: {  	s17 =	sld [smem:$0x11];
	(tm) =	ssettm $0x1  }
0x97: {  	s18 =	sld [smem:$0x3FFB];
	_ =	sdelay $0x3  }
0x98: {  	_ =	strace s18  }
0x99: {  	s5 =	sld [smem:$0x3FFC];
	_ =	sdelay $0x3  }
0x9a: {  	_ =	strace s5  }
0x9b: {  	s5 =	sld [smem:$0x3FFD];
	_ =	sdelay $0x3  }
0x9c: {  	_ =	strace s5  }
0x9d: {  	_ =	strace $0x8FFFFFFF  }
0x9e: {  	s19 =	sld [smem:$0x3FDB];
	_ =	sdelay $0x1  }
0x9f: {  	s6 =	simm.s32 $_scs_section_size  }
0xa0: {  	s7 =	simm.s32 $_size__tile_overlayer_lowered;
	s8 =	simm.s32 $_tile_overlayer_lowered  }
0xa1: {  	s22 =	simm.s32 $0x1BFF;
	s21 =	sshll.u32 s8, $0x1;
	s5 =	sadd.s32 s6, s19  }
0xa2: {  	s9 =	simm.s32 $0x0;
	s20 =	sshll.u32 s7, $0x1;
	s7 =	sadd.s32 s21, s5  }
0xa3: {  	[timem:s9], [sflag:s22] =	dma.local [hbm:s7], s20  }
0xa4: {  	_ =	swait.ge [sflag:s22], s20  }
0xa5: {  	s6 =	ssub.s32 $0x0, s20;
	[sflag:s22] =	ssyncset.done $0x0  }
0xa6: {  	[sflag:s22] =	ssyncadd.s32 s6;
	_ =	sdelay $0x1  }
0xa7: {  	s23 =	simm.s32 $0x1B8B  }
0xa8: {  	_ =	swait.ge [sflag:s23], $0x1  }
0xa9: {  	[sflag:s23] =	ssyncset.done $0x0  }
0xaa: {  	s25 =	simm.s32 $0x1B8E;
	s24 =	sld [smem:$0x3FFE];
	[sflag:s23] =	ssyncadd.s32 $0xFFFFFFFF  }
0xab: {  	s26 =	simm.s32 $execute0_lowered;
	[smem:$0x3FD2] =	sst s25  }
0xac: {  	s7 =	sshll.u32 s26, $0x1;
	_ =	strace $0x80000046;
	[dreg:$0x1] =	wrdreg $0xFFFFFFFF  }
0xad: {  	s28 =	simm.s32 $_size_execute0_lowered;
	s5 =	sadd.s32 s5, s7;
	[dreg:$0x0] =	wrdreg $0x0  }
0xae: {  	s7 =	sshll.u32 s28, $0x1;
	[dreg:$0x2] =	wrdreg s5  }
0xaf: {  	[dreg:$0x3] =	wrdreg s7  }
0xb0: {  	[dreg:$0x4] =	wrdreg $0xC0  }
0xb1: {  	_ =	task [dreg:s9], $0x5FFFF  }
0xb2: {  	[dreg:$0x1] =	wrdreg $0xFFFFFFFF  }
0xb3: {  	[dreg:$0x0] =	wrdreg $0x60  }
0xb4: {  	[dreg:$0x2] =	wrdreg s24  }
0xb5: {  	[dreg:$0x3] =	wrdreg s16  }
0xb6: {  	[dreg:$0x4] =	wrdreg s15  }
0xb7: {  	[dreg:$0x5] =	wrdreg s17  }
0xb8: {  	[dreg:$0x6] =	wrdreg $0x61100  }
0xb9: {  	[dreg:$0x7] =	wrdreg $0xC9100  }
0xba: {  	[dreg:$0x8] =	wrdreg $0x9  }
0xbb: {  	_ =	task.clear_ibuf [dreg:s9], $0x9FFFF;
	_ =	strace $0x90000046  }
0xbc: {  	s29 =	simm.s32 $0x9;
	_ =	strace $0x80000048  }
0xbd: {  	_ =	swait.ge [sflag:s29], $0x1  }
0xbe: {  	[sflag:s29] =	ssyncadd.s32 $0xFFFFFFFF  }
0xbf: {  	_ =	strace $0x90000048  }
0xc0: {  	_ =	sfence  }
0xc1: {  	s30 =	sld [smem:$0x0];
	_ =	sdelay $0x2  }
0xc2: {  	s31 =	sshll.u32 s1, $0xD;
	s1 =	sshrl.u32 s1, $0x2  }
0xc3: {  	s3 =	sand.u32 $0x4000, s31;
	s1 =	sadd.s32 s1, s30  }
0xc4: {  	s0 =	sor.u32 s3, s0;
	s1 =	sshll.u32 s1, $0x11  }
0xc5: {  	s0 =	sor.u32 s1, s0  }
0xc6: {  	s0 =	sadd.s32 $0x8F2B, s0  }
0xc7: {  	[sflag:s0] =	ssyncadd.remote.s32 $0x1  }
0xc8: {  	_ =	sfence.sel $0xFFFF  }
0xc9: {  	[dreg:$0x0] =	wrdreg $0xFFFFFFFF;
	(pc) =	sbr.abs _section_cstart, $3  }
0xca: {  	[dreg:$0x1] =	wrdreg $0xFFFFFFFF  }
0xcb: {  	_ =	task.clear_ibuf [dreg:s9], $0x2FFFF;
	_ =	strace $0x9FFFFFFF  }
0xcc: {  	(tm) =	ssettm $0x7FFFFFFF  }
0xcd: {  	_ =	shalt  }
tec
execute0_lowered:
.L_overlay_start_1:
0x0: {  	(tag) =	ssettag $0x1  }
0x1: {  	s0 =	rddreg [dreg:$0x0]  }
0x2: {  	s12 =	rddreg [dreg:$0x1]  }
0x3: {  	s13 =	rddreg [dreg:$0x2]  }
0x4: {  	s3 =	rddreg [dreg:$0x3]  }
0x5: {  	s1 =	srdreg.scid;
	s14 =	stileid.u32  }
0x6: {  	s5 =	rddreg [dreg:$0x4];
	s4 =	smul.u32 $0x6400, s14  }
0x7: {  	s6 =	rddreg [dreg:$0x5];
	s7 =	simm.s32 $0x0;
	s10 =	smul.u32 $0x1A000, s14  }
0x8: {  	s28 =	simm.s32 $0x1770;
	s29 =	simm.s32 $0x4970;
	s11 =	smul.u32 $0xC80, s14  }
0x9: {  	s30 =	simm.s32 $0x3070;
	s31 =	simm.s32 $0x4B00;
	s25 =	smul.u32 $0xC350, s14  }
0xa: {  	s1 =	sand.u32 $0x1, s1;
	[smem:$0x7FF] =	sst s7;
	s14 =	smul.u32 $0x186A, s14  }
0xb: {  	s8 =	sadd.s32 $0x1E00, s0;
	s9 =	sadd.s32 $0xF6C00, s0;
	s2 =	smul.u32 $0x64000, s1  }
0xc: {  	_ =	strace $0x80000047;
	[dreg:$0x7] =	wrdreg s8;
	s20 =	ssub.s32 $0x2, s1  }
0xd: {  	s1 =	smul.u32 $0xFFFF9C00, s1;
	s21 =	sshrl.u32 s20, $0x1;
	s22 =	sshrl.u32 s10, $0x2  }
0xe: {  	s23 =	sadd.s32 s11, s6;
	s24 =	sshrl.u32 s11, $0x3;
	[dreg:$0xa] =	wrdreg s25  }
0xf: {  	s26 =	sadd.s32 s4, s5;
	[dreg:$0x9] =	wrdreg s23;
	s8 =	sadd.s32 s9, s24  }
0x10: {  	s2 =	sadd.s32 s4, s2;
	s18 =	sshrl.u32 s26, $0x3;
	[dreg:$0xb] =	wrdreg s8  }
0x11: {  	s10 =	sadd.s32 s22, s5;
	s22 =	sadd.s32 s14, s13;
	[dreg:$0x14] =	wrdreg s18  }
0x12: {  	s23 =	sadd.s32 s14, s12;
	s4 =	sadd.s32 $0x800, s10;
	[dreg:$0x8] =	wrdreg s10  }
0x13: {  	s14 =	simm.s32 $0x7D0;
	s8 =	sadd.s32 $0x1000, s10;
	[dreg:$0xe] =	wrdreg s4  }
0x14: {  	s13 =	simm.s32 $0x2;
	s11 =	sadd.s32 $0x1800, s10;
	[dreg:$0xf] =	wrdreg s8  }
0x15: {  	v0 =	vmov s1;
	s1 =	simm.s32 $0x0;
	s15 =	sadd.s32 $0x2000, s10;
	[dreg:$0x10] =	wrdreg s11  }
0x16: {  	s2 =	sshrl.u32 s2, $0x3;
	s16 =	sadd.s32 $0x2800, s10;
	[dreg:$0x11] =	wrdreg s15  }
0x17: {  	s17 =	sadd.s32 $0x3000, s10;
	s19 =	sadd.s32 $0x3800, s10;
	[dreg:$0x12] =	wrdreg s16  }
0x18: {  	s24 =	sadd.s32 $0x5000, s10;
	s25 =	sadd.s32 $0x5800, s10;
	[dreg:$0x13] =	wrdreg s17  }
0x19: {  	s26 =	sadd.s32 $0x6000, s10;
	s18 =	simm.s32 $0x1130;
	[dreg:$0x15] =	wrdreg s19  }
0x1a: {  	s2 =	sadd.s32 s2, s0;
	s0 =	ssub.s32 s20, s21;
	[dreg:$0x18] =	wrdreg s24  }
0x1b: {  	s20 =	sadd.s32 $0x4000, s10;
	s21 =	sadd.s32 $0x4800, s10;
	[dreg:$0x19] =	wrdreg s25  }
0x1c: {  	[dreg:$0x1a] =	wrdreg s26;
	s15 =	simm.s32 $0xFA0;
	s16 =	simm.s32 $0x190  }
0x1d: {  	s17 =	simm.s32 $0x960;
	s19 =	simm.s32 $0xAF0;
	s24 =	simm.s32 $0x1450  }
0x1e: {  	s25 =	simm.s32 $0xE10;
	s26 =	simm.s32 $0x15E0;
	[dreg:$0x16] =	wrdreg s20  }
0x1f: {  	s10 =	simm.s32 $0x1;
	s2 =	sadd.s32 $0xDDC00, s2;
	[dreg:$0x17] =	wrdreg s21  }
0x20: {  	s0 =	smax.u32 s0, $0x1;
	s20 =	simm.s32 $0x12C0;
	[dreg:$0xc] =	wrdreg s2  }
0x21: {  	v1 =	vimm.f32 $0.0e+00;
	s21 =	simm.s32 $0xC80;
	[dreg:$0xd] =	wrdreg s0;
	s2 =	simm.s32 $0x3  }
.LBB2_1:
0x22: {  	[tilespmem:$0x4C90] =	vst v1  }
0x23: {  	[tilespmem:$0x4CA0] =	vst v1  }
0x24: {  	[tilespmem:$0x4CB0] =	vst v1  }
0x25: {  	[tilespmem:$0x4CC0] =	vst v1  }
0x26: {  	[tilespmem:$0x4CD0] =	vst v1  }
0x27: {  	[tilespmem:$0x4CE0] =	vst v1  }
0x28: {  	[tilespmem:$0x4CF0] =	vst v1  }
0x29: {  	[tilespmem:$0x4D00] =	vst v1  }
0x2a: {  	[tilespmem:$0x4D10] =	vst v1  }
0x2b: {  	[tilespmem:$0x4D20] =	vst v1  }
0x2c: {  	[tilespmem:$0x4D30] =	vst v1  }
0x2d: {  	[tilespmem:$0x4D40] =	vst v1  }
0x2e: {  	[tilespmem:$0x4D50] =	vst v1  }
0x2f: {  	[tilespmem:$0x4D60] =	vst v1  }
0x30: {  	[tilespmem:$0x4D70] =	vst v1  }
0x31: {  	[tilespmem:$0x4D80] =	vst v1  }
0x32: {  	[tilespmem:$0x4D90] =	vst v1  }
0x33: {  	[tilespmem:$0x4DA0] =	vst v1  }
0x34: {  	[tilespmem:$0x4DB0] =	vst v1  }
0x35: {  	[tilespmem:$0x4DC0] =	vst v1  }
0x36: {  	[tilespmem:$0x4DD0] =	vst v1  }
0x37: {  	[tilespmem:$0x4DE0] =	vst v1  }
0x38: {  	[tilespmem:$0x4DF0] =	vst v1  }
0x39: {  	[tilespmem:$0x4E00] =	vst v1  }
0x3a: {  	[tilespmem:$0x4E10] =	vst v1  }
0x3b: {  	[tilespmem:$0x4E20] =	vst v1  }
0x3c: {  	[tilespmem:$0x4E30] =	vst v1  }
0x3d: {  	[tilespmem:$0x4E40] =	vst v1  }
0x3e: {  	[tilespmem:$0x4E50] =	vst v1  }
0x3f: {  	[tilespmem:$0x4E60] =	vst v1  }
0x40: {  	[tilespmem:$0x4E70] =	vst v1  }
0x41: {  	[tilespmem:$0x4E80] =	vst v1  }
0x42: {  	[tilespmem:$0x4E90] =	vst v1  }
0x43: {  	[tilespmem:$0x4EA0] =	vst v1  }
0x44: {  	[tilespmem:$0x4EB0] =	vst v1  }
0x45: {  	[tilespmem:$0x4EC0] =	vst v1  }
0x46: {  	[tilespmem:$0x4ED0] =	vst v1  }
0x47: {  	[tilespmem:$0x4EE0] =	vst v1  }
0x48: {  	[tilespmem:$0x4EF0] =	vst v1  }
0x49: {  	[tilespmem:$0x4F00] =	vst v1  }
0x4a: {  	[tilespmem:$0x4F10] =	vst v1  }
0x4b: {  	[tilespmem:$0x4F20] =	vst v1  }
0x4c: {  	[tilespmem:$0x4F30] =	vst v1  }
0x4d: {  	[tilespmem:$0x4F40] =	vst v1  }
0x4e: {  	[tilespmem:$0x4F50] =	vst v1  }
0x4f: {  	[tilespmem:$0x4F60] =	vst v1  }
0x50: {  	[tilespmem:$0x4F70] =	vst v1  }
0x51: {  	[tilespmem:$0x4F80] =	vst v1  }
0x52: {  	[tilespmem:$0x4F90] =	vst v1  }
0x53: {  	[tilespmem:$0x4FA0] =	vst v1  }
0x54: {  	[tilespmem:$0x4FB0] =	vst v1  }
0x55: {  	[tilespmem:$0x4FC0] =	vst v1  }
0x56: {  	[tilespmem:$0x4FD0] =	vst v1  }
0x57: {  	[tilespmem:$0x4FE0] =	vst v1  }
0x58: {  	[tilespmem:$0x4FF0] =	vst v1  }
0x59: {  	[tilespmem:$0x5000] =	vst v1  }
0x5a: {  	[tilespmem:$0x5010] =	vst v1  }
0x5b: {  	[tilespmem:$0x5020] =	vst v1  }
0x5c: {  	[tilespmem:$0x5030] =	vst v1  }
0x5d: {  	[tilespmem:$0x5040] =	vst v1  }
0x5e: {  	[tilespmem:$0x5050] =	vst v1  }
0x5f: {  	[tilespmem:$0x5060] =	vst v1  }
0x60: {  	[tilespmem:$0x5070] =	vst v1  }
0x61: {  	[tilespmem:$0x5080] =	vst v1  }
0x62: {  	[tilespmem:$0x5090] =	vst v1  }
0x63: {  	[tilespmem:$0x50A0] =	vst v1  }
0x64: {  	[tilespmem:$0x50B0] =	vst v1  }
0x65: {  	[tilespmem:$0x50C0] =	vst v1  }
0x66: {  	[tilespmem:$0x50D0] =	vst v1  }
0x67: {  	[tilespmem:$0x50E0] =	vst v1  }
0x68: {  	[tilespmem:$0x50F0] =	vst v1  }
0x69: {  	[tilespmem:$0x5100] =	vst v1  }
0x6a: {  	[tilespmem:$0x5110] =	vst v1  }
0x6b: {  	[tilespmem:$0x5120] =	vst v1  }
0x6c: {  	[tilespmem:$0x5130] =	vst v1  }
0x6d: {  	[tilespmem:$0x5140] =	vst v1  }
0x6e: {  	[tilespmem:$0x5150] =	vst v1  }
0x6f: {  	[tilespmem:$0x5160] =	vst v1  }
0x70: {  	[tilespmem:$0x5170] =	vst v1  }
0x71: {  	[tilespmem:$0x5180] =	vst v1  }
0x72: {  	[tilespmem:$0x5190] =	vst v1  }
0x73: {  	[tilespmem:$0x51A0] =	vst v1  }
0x74: {  	[tilespmem:$0x51B0] =	vst v1  }
0x75: {  	[tilespmem:$0x51C0] =	vst v1  }
0x76: {  	[tilespmem:$0x51D0] =	vst v1  }
0x77: {  	[tilespmem:$0x51E0] =	vst v1  }
0x78: {  	[tilespmem:$0x51F0] =	vst v1  }
0x79: {  	[tilespmem:$0x5200] =	vst v1  }
0x7a: {  	[tilespmem:$0x5210] =	vst v1  }
0x7b: {  	[tilespmem:$0x5220] =	vst v1  }
0x7c: {  	[tilespmem:$0x5230] =	vst v1  }
0x7d: {  	[tilespmem:$0x5240] =	vst v1  }
0x7e: {  	[tilespmem:$0x5250] =	vst v1  }
0x7f: {  	[tilespmem:$0x5260] =	vst v1  }
0x80: {  	[tilespmem:$0x5270] =	vst v1  }
0x81: {  	[tilespmem:$0x5280] =	vst v1  }
0x82: {  	[tilespmem:$0x5290] =	vst v1  }
0x83: {  	[tilespmem:$0x52A0] =	vst v1  }
0x84: {  	[tilespmem:$0x52B0] =	vst v1  }
0x85: {  	[tilespmem:$0x52C0] =	vst v1  }
0x86: {  	[tilespmem:$0x52D0] =	vst v1  }
0x87: {  	[tilespmem:$0x52E0] =	vst v1  }
0x88: {  	[tilespmem:$0x52F0] =	vst v1  }
0x89: {  	[tilespmem:$0x5300] =	vst v1  }
0x8a: {  	[tilespmem:$0x5310] =	vst v1  }
0x8b: {  	[tilespmem:$0x5320] =	vst v1  }
0x8c: {  	[tilespmem:$0x5330] =	vst v1  }
0x8d: {  	[tilespmem:$0x5340] =	vst v1  }
0x8e: {  	[tilespmem:$0x5350] =	vst v1  }
0x8f: {  	[tilespmem:$0x5360] =	vst v1  }
0x90: {  	[tilespmem:$0x5370] =	vst v1  }
0x91: {  	[tilespmem:$0x5380] =	vst v1  }
0x92: {  	[tilespmem:$0x5390] =	vst v1  }
0x93: {  	[tilespmem:$0x53A0] =	vst v1  }
0x94: {  	[tilespmem:$0x53B0] =	vst v1  }
0x95: {  	[tilespmem:$0x53C0] =	vst v1  }
0x96: {  	[tilespmem:$0x53D0] =	vst v1  }
0x97: {  	[tilespmem:$0x53E0] =	vst v1  }
0x98: {  	[tilespmem:$0x53F0] =	vst v1  }
0x99: {  	[tilespmem:$0x5400] =	vst v1  }
0x9a: {  	[tilespmem:$0x5410] =	vst v1  }
0x9b: {  	[tilespmem:$0x5420] =	vst v1  }
0x9c: {  	[tilespmem:$0x5430] =	vst v1  }
0x9d: {  	[tilespmem:$0x5440] =	vst v1  }
0x9e: {  	[tilespmem:$0x5450] =	vst v1  }
0x9f: {  	[tilespmem:$0x5460] =	vst v1  }
0xa0: {  	[dreg:$0x1b] =	wrdreg s1;
	[tilespmem:$0x5470] =	vst v1  }
0xa1: {  	[tilespmem:$0x5480] =	vst v1;
	s0 =	rddreg [dreg:$0x8];
	s1 =	simm.s32 $0x4C90  }
0xa2: {  	[spmem:s0] =	stream.linear.scatter [tilespmem:s1], [sflag:$0x3], $0x800, $0x38;
	[tilespmem:$0xD590] =	vst v63  }
0xa3: {  	_ =	swait.ge [sflag:s2], $0x800  }
0xa4: {  	[sflag:s2] =	ssyncset.done $0x0  }
0xa5: {  	s4 =	rddreg [dreg:$0xe];
	[sflag:s2] =	ssyncadd.s32 $0xFFFFF800  }
0xa6: {  	[spmem:s4] =	stream.linear.scatter [tilespmem:s1], [sflag:$0x3], $0x800, $0x38;
	[tilespmem:$0xD590] =	vst v63  }
0xa7: {  	_ =	swait.ge [sflag:s2], $0x800  }
0xa8: {  	[sflag:s2] =	ssyncset.done $0x0  }
0xa9: {  	s8 =	rddreg [dreg:$0xf];
	[sflag:s2] =	ssyncadd.s32 $0xFFFFF800  }
0xaa: {  	[spmem:s8] =	stream.linear.scatter [tilespmem:s1], [sflag:$0x3], $0x800, $0x38;
	[tilespmem:$0xD590] =	vst v63  }
0xab: {  	_ =	swait.ge [sflag:s2], $0x800  }
0xac: {  	[sflag:s2] =	ssyncset.done $0x0  }
0xad: {  	s11 =	rddreg [dreg:$0x10];
	[sflag:s2] =	ssyncadd.s32 $0xFFFFF800  }
0xae: {  	[spmem:s11] =	stream.linear.scatter [tilespmem:s1], [sflag:$0x3], $0x800, $0x38;
	[tilespmem:$0xD590] =	vst v63  }
0xaf: {  	_ =	swait.ge [sflag:s2], $0x800  }
0xb0: {  	[sflag:s2] =	ssyncset.done $0x0  }
0xb1: {  	s12 =	rddreg [dreg:$0x11];
	[sflag:s2] =	ssyncadd.s32 $0xFFFFF800  }
0xb2: {  	[spmem:s12] =	stream.linear.scatter [tilespmem:s1], [sflag:$0x3], $0x800, $0x38;
	[tilespmem:$0xD590] =	vst v63  }
0xb3: {  	_ =	swait.ge [sflag:s2], $0x800  }
0xb4: {  	[sflag:s2] =	ssyncset.done $0x0  }
0xb5: {  	s4 =	rddreg [dreg:$0x12];
	[sflag:s2] =	ssyncadd.s32 $0xFFFFF800  }
0xb6: {  	[spmem:s4] =	stream.linear.scatter [tilespmem:s1], [sflag:$0x3], $0x800, $0x38;
	[tilespmem:$0xD590] =	vst v63  }
0xb7: {  	_ =	swait.ge [sflag:s2], $0x800  }
0xb8: {  	[sflag:s2] =	ssyncset.done $0x0  }
0xb9: {  	s8 =	rddreg [dreg:$0x13];
	[sflag:s2] =	ssyncadd.s32 $0xFFFFF800  }
0xba: {  	[spmem:s8] =	stream.linear.scatter [tilespmem:s1], [sflag:$0x3], $0x800, $0x38;
	[tilespmem:$0xD590] =	vst v63  }
0xbb: {  	_ =	swait.ge [sflag:s2], $0x800  }
0xbc: {  	[sflag:s2] =	ssyncset.done $0x0  }
0xbd: {  	s11 =	rddreg [dreg:$0x15];
	[sflag:s2] =	ssyncadd.s32 $0xFFFFF800  }
0xbe: {  	[spmem:s11] =	stream.linear.scatter [tilespmem:s1], [sflag:$0x3], $0x800, $0x38;
	[tilespmem:$0xD590] =	vst v63  }
0xbf: {  	_ =	swait.ge [sflag:s2], $0x800  }
0xc0: {  	[sflag:s2] =	ssyncset.done $0x0  }
0xc1: {  	s12 =	rddreg [dreg:$0x16];
	[sflag:s2] =	ssyncadd.s32 $0xFFFFF800  }
0xc2: {  	[spmem:s12] =	stream.linear.scatter [tilespmem:s1], [sflag:$0x3], $0x800, $0x38;
	[tilespmem:$0xD590] =	vst v63  }
0xc3: {  	_ =	swait.ge [sflag:s2], $0x800  }
0xc4: {  	[sflag:s2] =	ssyncset.done $0x0  }
0xc5: {  	s4 =	rddreg [dreg:$0x17];
	[sflag:s2] =	ssyncadd.s32 $0xFFFFF800  }
0xc6: {  	[spmem:s4] =	stream.linear.scatter [tilespmem:s1], [sflag:$0x3], $0x800, $0x38;
	[tilespmem:$0xD590] =	vst v63  }
0xc7: {  	_ =	swait.ge [sflag:s2], $0x800  }
0xc8: {  	[sflag:s2] =	ssyncset.done $0x0  }
0xc9: {  	s8 =	rddreg [dreg:$0x18];
	[sflag:s2] =	ssyncadd.s32 $0xFFFFF800  }
0xca: {  	[spmem:s8] =	stream.linear.scatter [tilespmem:s1], [sflag:$0x3], $0x800, $0x38;
	[tilespmem:$0xD590] =	vst v63  }
0xcb: {  	_ =	swait.ge [sflag:s2], $0x800  }
0xcc: {  	[sflag:s2] =	ssyncset.done $0x0  }
0xcd: {  	s11 =	rddreg [dreg:$0x19];
	[sflag:s2] =	ssyncadd.s32 $0xFFFFF800  }
0xce: {  	[spmem:s11] =	stream.linear.scatter [tilespmem:s1], [sflag:$0x3], $0x800, $0x38;
	[tilespmem:$0xD590] =	vst v63  }
0xcf: {  	_ =	swait.ge [sflag:s2], $0x800  }
0xd0: {  	[sflag:s2] =	ssyncset.done $0x0  }
0xd1: {  	s12 =	rddreg [dreg:$0x1a];
	[sflag:s2] =	ssyncadd.s32 $0xFFFFF800  }
0xd2: {  	[spmem:s12] =	stream.linear.scatter [tilespmem:s1], [sflag:$0x3], $0x800, $0x38;
	[tilespmem:$0xD590] =	vst v63  }
0xd3: {  	_ =	swait.ge [sflag:s2], $0x800  }
0xd4: {  	[sflag:s2] =	ssyncset.done $0x0  }
0xd5: {  	s0 =	simm.s32 $0x40;
	s1 =	simm.s32 $0x0;
	[sflag:s2] =	ssyncadd.s32 $0xFFFFF800  }
.LBB2_2:
0xd6: {  	p0 =	sne.s32 s0, $0x31C0;
	[tilespmem:s1+$0x5490] =	vst v1;
	s1 =	smov.u32 s0;
	s0 =	sadd.s32 $0x40, s0  }
.Ltmp0:
0xd7: {  	(pc) =	sbr.rel @p0 .LBB2_2-.Ltmp0, $2  }
0xd8: {  	_ =	sdelay $0x2  }
0xd9: {  	s1 =	sshra.s32 s1, $0x2  }
0xda: {  	[tilespmem:s1+$0x5490] =	vst v1;
	s12 =	rddreg [dreg:$0x9];
	s0 =	simm.s32 $0x5490  }
0xdb: {  	[spmem:s12] =	stream.linear.scatter [tilespmem:s0], [sflag:$0x3], $0xC80, $0x38;
	[tilespmem:$0xD590] =	vst v63  }
0xdc: {  	_ =	swait.ge [sflag:s2], $0xC80  }
0xdd: {  	[sflag:s2] =	ssyncset.done $0x0  }
0xde: {  	[sflag:s2] =	ssyncadd.s32 $0xFFFFF380  }
0xdf: {  	s8 =	sadd.s32 $0x0, s23;
	[bflag:$0x0] =	sbarrier.arrive $0xFFFF  }
0xe0: {  	[tilespmem:s14], [sflag:$0x3] =	stream.linear.gather [hbm4b:s8+s7], $0x7D0, $0x38;
	[tilespmem:$0xD590] =	vst v63  }
0xe1: {  	_ =	swait.ge [sflag:s2], $0x7D0  }
0xe2: {  	[sflag:s2] =	ssyncset.done $0x0  }
0xe3: {  	s11 =	sadd.s32 $0x0, s22;
	[sflag:s2] =	ssyncadd.s32 $0xFFFFF830  }
0xe4: {  	[tilespmem:s15], [sflag:$0x3] =	stream.linear.gather [hbm4b:s11+s7], $0x7D0, $0x38;
	[tilespmem:$0xD590] =	vst v63  }
0xe5: {  	_ =	swait.ge [sflag:s2], $0x7D0  }
0xe6: {  	[sflag:s2] =	ssyncset.done $0x0  }
0xe7: {  	[sflag:s2] =	ssyncadd.s32 $0xFFFFF830  }
0xe8: {  	[spmem:s6] =	stream.indirect.scatter.add.f32 [tilespmem:s15], [sflag:$0x3], $0x1, s14, s16, $0xb8;
	[tilespmem:$0xD590] =	vst v63  }
0xe9: {  	_ =	swait.ge [sflag:s2], $0x190  }
0xea: {  	[sflag:s2] =	ssyncset.done $0x0  }
0xeb: {  	[sflag:s2] =	ssyncadd.s32 $0xFFFFFE70  }
0xec: {  	[spmem:s6] =	stream.indirect.scatter.add.f32 [tilespmem:s18], [sflag:$0x3], $0x1, s17, s16, $0xb8;
	[tilespmem:$0xD590] =	vst v63  }
0xed: {  	_ =	swait.ge [sflag:s2], $0x190  }
0xee: {  	[sflag:s2] =	ssyncset.done $0x0  }
0xef: {  	[sflag:s2] =	ssyncadd.s32 $0xFFFFFE70  }
0xf0: {  	[spmem:s6] =	stream.indirect.scatter.add.f32 [tilespmem:s20], [sflag:$0x3], $0x1, s19, s16, $0xb8;
	[tilespmem:$0xD590] =	vst v63  }
0xf1: {  	_ =	swait.ge [sflag:s2], $0x190  }
0xf2: {  	[sflag:s2] =	ssyncset.done $0x0  }
0xf3: {  	[sflag:s2] =	ssyncadd.s32 $0xFFFFFE70  }
0xf4: {  	[spmem:s6] =	stream.indirect.scatter.add.f32 [tilespmem:s24], [sflag:$0x3], $0x1, s21, s16, $0xb8;
	[tilespmem:$0xD590] =	vst v63  }
0xf5: {  	_ =	swait.ge [sflag:s2], $0x190  }
0xf6: {  	[sflag:s2] =	ssyncset.done $0x0  }
0xf7: {  	[sflag:s2] =	ssyncadd.s32 $0xFFFFFE70  }
0xf8: {  	[spmem:s6] =	stream.indirect.scatter.add.f32 [tilespmem:s26], [sflag:$0x3], $0x1, s25, s16, $0xb8;
	[tilespmem:$0xD590] =	vst v63  }
0xf9: {  	_ =	swait.ge [sflag:s2], $0x190  }
0xfa: {  	s1 =	simm.s32 $0x1F4;
	s0 =	simm.s32 $0xFA;
	[sflag:s2] =	ssyncset.done $0x0  }
.LBB2_4:
0xfb: {  	s4 =	sadd.s32 s0, s23  }
0xfc: {  	[sflag:s2] =	ssyncadd.s32 $0xFFFFFE70;
	s8 =	smov.u32 s1;
	s11 =	sadd.s32 $0xFA, s1  }
0xfd: {  	[tilespmem:s14], [sflag:$0x3] =	stream.linear.gather [hbm4b:s4+s7], $0x7D0, $0x38;
	[tilespmem:$0xD590] =	vst v63  }
0xfe: {  	p0 =	sne.s32 s1, $0x1770;
	_ =	swait.ge [sflag:s2], $0x7D0  }
0xff: {  	[sflag:s2] =	ssyncset.done $0x0  }
0x100: {  	s1 =	sadd.s32 s0, s22;
	s0 =	smov.u32 s8;
	[sflag:s2] =	ssyncadd.s32 $0xFFFFF830  }
0x101: {  	[tilespmem:s15], [sflag:$0x3] =	stream.linear.gather [hbm4b:s1+s7], $0x7D0, $0x38;
	[tilespmem:$0xD590] =	vst v63  }
0x102: {  	_ =	swait.ge [sflag:s2], $0x7D0  }
0x103: {  	[sflag:s2] =	ssyncset.done $0x0  }
0x104: {  	[sflag:s2] =	ssyncadd.s32 $0xFFFFF830  }
0x105: {  	[spmem:s6] =	stream.indirect.scatter.add.f32 [tilespmem:s15], [sflag:$0x3], $0x1, s14, s16, $0xb8;
	[tilespmem:$0xD590] =	vst v63  }
0x106: {  	_ =	swait.ge [sflag:s2], $0x190  }
0x107: {  	[sflag:s2] =	ssyncset.done $0x0  }
0x108: {  	[sflag:s2] =	ssyncadd.s32 $0xFFFFFE70  }
0x109: {  	[spmem:s6] =	stream.indirect.scatter.add.f32 [tilespmem:s18], [sflag:$0x3], $0x1, s17, s16, $0xb8;
	[tilespmem:$0xD590] =	vst v63  }
0x10a: {  	_ =	swait.ge [sflag:s2], $0x190  }
0x10b: {  	[sflag:s2] =	ssyncset.done $0x0  }
0x10c: {  	[sflag:s2] =	ssyncadd.s32 $0xFFFFFE70  }
0x10d: {  	[spmem:s6] =	stream.indirect.scatter.add.f32 [tilespmem:s20], [sflag:$0x3], $0x1, s19, s16, $0xb8;
	[tilespmem:$0xD590] =	vst v63  }
0x10e: {  	_ =	swait.ge [sflag:s2], $0x190  }
0x10f: {  	[sflag:s2] =	ssyncset.done $0x0  }
0x110: {  	[sflag:s2] =	ssyncadd.s32 $0xFFFFFE70  }
0x111: {  	[spmem:s6] =	stream.indirect.scatter.add.f32 [tilespmem:s24], [sflag:$0x3], $0x1, s21, s16, $0xb8;
	[tilespmem:$0xD590] =	vst v63  }
0x112: {  	_ =	swait.ge [sflag:s2], $0x190  }
.Ltmp1:
0x113: {  	[sflag:s2] =	ssyncset.done $0x0;
	(pc) =	sbr.rel @p0 .LBB2_4-.Ltmp1, $4  }
0x114: {  	[sflag:s2] =	ssyncadd.s32 $0xFFFFFE70  }
0x115: {  	[spmem:s6] =	stream.indirect.scatter.add.f32 [tilespmem:s26], [sflag:$0x3], $0x1, s25, s16, $0xb8;
	[tilespmem:$0xD590] =	vst v63  }
0x116: {  	_ =	swait.ge [sflag:s2], $0x190  }
0x117: {  	s1 =	smov.u32 s11;
	[sflag:s2] =	ssyncset.done $0x0  }
0x118: {  	s1 =	sadd.s32 s0, s23;
	[sflag:s2] =	ssyncadd.s32 $0xFFFFFE70  }
0x119: {  	[tilespmem:s14], [sflag:$0x3] =	stream.linear.gather [hbm4b:s1+s7], $0x7D0, $0x38;
	[tilespmem:$0xD590] =	vst v63  }
0x11a: {  	_ =	swait.ge [sflag:s2], $0x7D0  }
0x11b: {  	[sflag:s2] =	ssyncset.done $0x0  }
0x11c: {  	s8 =	sadd.s32 s0, s22;
	[sflag:s2] =	ssyncadd.s32 $0xFFFFF830  }
0x11d: {  	[tilespmem:s15], [sflag:$0x3] =	stream.linear.gather [hbm4b:s8+s7], $0x7D0, $0x38;
	[tilespmem:$0xD590] =	vst v63  }
0x11e: {  	_ =	swait.ge [sflag:s2], $0x7D0  }
0x11f: {  	[sflag:s2] =	ssyncset.done $0x0  }
0x120: {  	[sflag:s2] =	ssyncadd.s32 $0xFFFFF830  }
0x121: {  	[spmem:s6] =	stream.indirect.scatter.add.f32 [tilespmem:s15], [sflag:$0x3], $0x1, s14, s16, $0xb8;
	[tilespmem:$0xD590] =	vst v63  }
0x122: {  	_ =	swait.ge [sflag:s2], $0x190  }
0x123: {  	[sflag:s2] =	ssyncset.done $0x0  }
0x124: {  	[sflag:s2] =	ssyncadd.s32 $0xFFFFFE70  }
0x125: {  	[spmem:s6] =	stream.indirect.scatter.add.f32 [tilespmem:s18], [sflag:$0x3], $0x1, s17, s16, $0xb8;
	[tilespmem:$0xD590] =	vst v63  }
0x126: {  	_ =	swait.ge [sflag:s2], $0x190  }
0x127: {  	[sflag:s2] =	ssyncset.done $0x0  }
0x128: {  	[sflag:s2] =	ssyncadd.s32 $0xFFFFFE70  }
0x129: {  	[spmem:s6] =	stream.indirect.scatter.add.f32 [tilespmem:s20], [sflag:$0x3], $0x1, s19, s16, $0xb8;
	[tilespmem:$0xD590] =	vst v63  }
0x12a: {  	_ =	swait.ge [sflag:s2], $0x190  }
0x12b: {  	[sflag:s2] =	ssyncset.done $0x0  }
0x12c: {  	[sflag:s2] =	ssyncadd.s32 $0xFFFFFE70  }
0x12d: {  	[spmem:s6] =	stream.indirect.scatter.add.f32 [tilespmem:s24], [sflag:$0x3], $0x1, s21, s16, $0xb8;
	[tilespmem:$0xD590] =	vst v63  }
0x12e: {  	_ =	swait.ge [sflag:s2], $0x190  }
0x12f: {  	[sflag:s2] =	ssyncset.done $0x0  }
0x130: {  	[sflag:s2] =	ssyncadd.s32 $0xFFFFFE70  }
0x131: {  	[spmem:s6] =	stream.indirect.scatter.add.f32 [tilespmem:s26], [sflag:$0x3], $0x1, s25, s16, $0xb8;
	[tilespmem:$0xD590] =	vst v63  }
0x132: {  	_ =	swait.ge [sflag:s2], $0x190  }
0x133: {  	[sflag:s2] =	ssyncset.done $0x0  }
0x134: {  	[sflag:s2] =	ssyncadd.s32 $0xFFFFFE70  }
0x135: {  	s11 =	simm.s32 $0x5490;
	[bflag:$0x0] =	sbarrier.arrive $0xFFFF  }
0x136: {  	[tilespmem:s11], [sflag:$0x3] =	stream.linear.gather [spmem:s12], $0xC80, $0x38;
	[tilespmem:$0xD590] =	vst v63  }
0x137: {  	_ =	swait.ge [sflag:s2], $0xC80  }
0x138: {  	[sflag:s2] =	ssyncset.done $0x0  }
0x139: {  	s0 =	simm.s32 $0x0;
	s1 =	simm.s32 $0x40;
	[sflag:s2] =	ssyncadd.s32 $0xFFFFF380  }
.LBB2_6:
0x13a: {  	p0 =	sne.s32 s1, $0x31C0;
	v2 =	vld [tilespmem:s0+$0x5490];
	_ =	sdelay $0x4  }
0x13b: {  	v2 =	vadd.f32 $1.000000000e+00, v2;
	_ =	sdelay $0x1  }
0x13c: {  	v3 =	vshrl.u32 v2, $0x1;
	v2 =	vmul.f32 $5.000000000e-01, v2  }
0x13d: {  	v3 =	vsub.s32 $0x5F3759DF, v3  }
0x13e: {  	v4 =	vmul.f32 v3, v2;
	_ =	sdelay $0x1  }
0x13f: {  	v4 =	vmul.f32 v3, v4;
	_ =	sdelay $0x1  }
0x140: {  	v4 =	vsub.f32 $1.500000000e+00, v4;
	_ =	sdelay $0x1  }
0x141: {  	v3 =	vmul.f32 v3, v4;
	_ =	sdelay $0x1  }
0x142: {  	v4 =	vmul.f32 v3, v2;
	_ =	sdelay $0x1  }
0x143: {  	v4 =	vmul.f32 v4, v3;
	_ =	sdelay $0x1  }
0x144: {  	v4 =	vsub.f32 $1.500000000e+00, v4;
	_ =	sdelay $0x1  }
0x145: {  	v3 =	vmul.f32 v4, v3;
	_ =	sdelay $0x1  }
0x146: {  	v2 =	vmul.f32 v3, v2;
	_ =	sdelay $0x1  }
0x147: {  	v2 =	vmul.f32 v2, v3;
	_ =	sdelay $0x1  }
.Ltmp2:
0x148: {  	v2 =	vsub.f32 $1.500000000e+00, v2;
	(pc) =	sbr.rel @p0 .LBB2_6-.Ltmp2, $3  }
0x149: {  	_ = 	snop  }
0x14a: {  	v2 =	vmul.f32 v2, v3;
	_ =	sdelay $0x1  }
0x14b: {  	[tilespmem:s0+$0x5490] =	vst v2;
	s0 =	sshra.s32 s1, $0x2;
	s1 =	sadd.s32 $0x40, s1  }
0x14c: {  	v2 =	vld [tilespmem:s0+$0x5490];
	_ =	sdelay $0x4  }
0x14d: {  	v2 =	vadd.f32 $1.000000000e+00, v2;
	_ =	sdelay $0x1  }
0x14e: {  	v3 =	vshrl.u32 v2, $0x1;
	v2 =	vmul.f32 $5.000000000e-01, v2  }
0x14f: {  	v3 =	vsub.s32 $0x5F3759DF, v3  }
0x150: {  	v4 =	vmul.f32 v3, v2;
	_ =	sdelay $0x1  }
0x151: {  	v4 =	vmul.f32 v3, v4;
	_ =	sdelay $0x1  }
0x152: {  	v4 =	vsub.f32 $1.500000000e+00, v4;
	_ =	sdelay $0x1  }
0x153: {  	v3 =	vmul.f32 v3, v4;
	_ =	sdelay $0x1  }
0x154: {  	v4 =	vmul.f32 v3, v2;
	_ =	sdelay $0x1  }
0x155: {  	v4 =	vmul.f32 v4, v3;
	_ =	sdelay $0x1  }
0x156: {  	v4 =	vsub.f32 $1.500000000e+00, v4;
	_ =	sdelay $0x1  }
0x157: {  	v3 =	vmul.f32 v4, v3;
	_ =	sdelay $0x1  }
0x158: {  	v2 =	vmul.f32 v3, v2;
	_ =	sdelay $0x1  }
0x159: {  	v2 =	vmul.f32 v2, v3;
	_ =	sdelay $0x1  }
0x15a: {  	v2 =	vsub.f32 $1.500000000e+00, v2;
	_ =	sdelay $0x1  }
0x15b: {  	v2 =	vmul.f32 v2, v3;
	_ =	sdelay $0x1  }
0x15c: {  	s1 =	simm.s32 $0x5490;
	[tilespmem:s0+$0x5490] =	vst v2  }
0x15d: {  	[spmem:s12] =	stream.linear.scatter [tilespmem:s1], [sflag:$0x3], $0xC80, $0x38;
	[tilespmem:$0xD590] =	vst v63  }
0x15e: {  	_ =	swait.ge [sflag:s2], $0xC80  }
0x15f: {  	[sflag:s2] =	ssyncset.done $0x0  }
0x160: {  	s4 =	simm.s32 $0x0;
	s12 =	rddreg [dreg:$0xb];
	[sflag:s2] =	ssyncadd.s32 $0xFFFFF380  }
0x161: {  	[hbm4b:s12+s4] =	stream.linear.scatter [tilespmem:s1], [sflag:$0x3], $0xC80, $0x38;
	[tilespmem:$0xD590] =	vst v63  }
0x162: {  	_ =	swait.ge [sflag:s2], $0xC80  }
0x163: {  	[sflag:s2] =	ssyncset.done $0x0  }
0x164: {  	[sflag:s2] =	ssyncadd.s32 $0xFFFFF380  }
0x165: {  	s0 =	simm.s32 $0x0;
	[bflag:$0x0] =	sbarrier.arrive $0xFFFF  }
.LBB2_8:
0x166: {  	s8 =	smul.u32 $0x7D0, s0  }
0x167: {  	s1 =	rddreg [dreg:$0xa]  }
0x168: {  	[dreg:$0x1c] =	wrdreg s0;
	s0 =	sadd.s32 s1, s8  }
0x169: {  	s11 =	rddreg [dreg:$0x7];
	s0 =	sshrl.u32 s0, $0x3  }
0x16a: {  	s8 =	simm.s32 $0x0;
	s1 =	sadd.s32 s11, s0  }
0x16b: {  	[tilespmem:s8], [sflag:$0x3] =	stream.linear.gather [hbm4b:s1+s8], $0x7D0, $0x38;
	[tilespmem:$0xD590] =	vst v63  }
0x16c: {  	_ =	swait.ge [sflag:s2], $0x7D0  }
0x16d: {  	[sflag:s2] =	ssyncset.done $0x0  }
0x16e: {  	s4 =	smul.u32 $0x29, s8;
	[sflag:s2] =	ssyncadd.s32 $0xFFFFF830  }
0x16f: {  	s12 =	rddreg [dreg:$0x1]  }
0x170: {  	s4 =	sshrl.u32 s4, $0xA;
	s1 =	sadd.s32 s12, s0  }
0x171: {  	[tilespmem:s14], [sflag:$0x3] =	stream.linear.gather [hbm4b:s1+s8], $0x7D0, $0x38;
	[tilespmem:$0xD590] =	vst v63  }
0x172: {  	s1 =	sand.u32 $0x3F, s4;
	_ =	swait.ge [sflag:s2], $0x7D0  }
0x173: {  	s12 =	smul.u32 $0x19, s1;
	[sflag:s2] =	ssyncset.done $0x0  }
0x174: {  	s1 =	smul.u32 $0x640, s1;
	[sflag:s2] =	ssyncadd.s32 $0xFFFFF830  }
0x175: {  	s11 =	rddreg [dreg:$0x2]  }
0x176: {  	s4 =	ssub.s32 $0x0, s12;
	s1 =	sshrl.u32 s1, $0x2;
	s0 =	sadd.s32 s11, s0  }
0x177: {  	[tilespmem:s15], [sflag:$0x3] =	stream.linear.gather [hbm4b:s0+s8], $0x7D0, $0x38;
	[tilespmem:$0xD590] =	vst v63  }
0x178: {  	s8 =	simm.s32 $0x1;
	s0 =	sand.u32 $0xFF, s4;
	_ =	swait.ge [sflag:s2], $0x7D0  }
0x179: {  	s4 =	smul.u32 $0x29, s8;
	s0 =	sshll.u32 s0, $0x4;
	[sflag:s2] =	ssyncset.done $0x0  }
0x17a: {  	s0 =	sadd.s32 s0, s1;
	[sflag:s2] =	ssyncadd.s32 $0xFFFFF830  }
0x17b: {  	s11 =	sshrl.u32 s4, $0xA;
	v2 =	vld [tilespmem:s0+$0x7D0]  }
0x17c: {  	s4 =	sand.u32 $0x3F, s11  }
0x17d: {  	s12 =	smul.u32 $0x19, s4;
	_ =	sdelay $0x1  }
0x17e: {  	s1 =	simm.s32 $0x2;
	s4 =	smul.u32 $0x640, s4;
	s8 =	ssub.s32 $0x1, s12  }
0x17f: {  	s12 =	smul.u32 $0x29, s1;
	s11 =	sand.u32 $0xFF, s8;
	v2 =	vadd.s32 v0, v2  }
0x180: {  	s4 =	sshrl.u32 s4, $0x2;
	s8 =	simm.s32 $0x3;
	s11 =	sshll.u32 s11, $0x4;
	v2 =	vmin.u32 v2, $0x6400  }
.LBB2_9:
0x181: {  	p0 =	sne.s32 s8, $0x7C;
	[tilespmem:s0+$0x7D0] =	vst v2;
	s0 =	sadd.s32 s11, s4;
	s4 =	sshrl.u32 s12, $0xA  }
0x182: {  	v2 =	vld [tilespmem:s0+$0x7D0];
	s4 =	sand.u32 $0x3F, s4  }
0x183: {  	s11 =	smul.u32 $0x19, s4  }
.Ltmp3:
0x184: {  	(pc) =	sbr.rel @p0 .LBB2_9-.Ltmp3, $4  }
0x185: {  	_ = 	snop  }
0x186: {  	s4 =	smul.u32 $0x640, s4;
	s11 =	ssub.s32 s1, s11;
	s1 =	smov.u32 s8  }
0x187: {  	s12 =	smul.u32 $0x29, s8;
	s11 =	sand.u32 $0xFF, s11;
	v2 =	vadd.s32 v0, v2  }
0x188: {  	s8 =	sadd.s32 $0x1, s8;
	s4 =	sshrl.u32 s4, $0x2;
	s11 =	sshll.u32 s11, $0x4;
	v2 =	vmin.u32 v2, $0x6400  }
0x189: {  	s4 =	sadd.s32 s11, s4;
	[tilespmem:s0+$0x7D0] =	vst v2  }
0x18a: {  	s12 =	sshrl.u32 s12, $0xA;
	v2 =	vld [tilespmem:s4+$0x7D0]  }
0x18b: {  	s0 =	sand.u32 $0x3F, s12  }
0x18c: {  	s8 =	smul.u32 $0x19, s0;
	_ =	sdelay $0x1  }
0x18d: {  	s0 =	smul.u32 $0x640, s0;
	s1 =	ssub.s32 s1, s8  }
0x18e: {  	s1 =	sand.u32 $0xFF, s1;
	v2 =	vadd.s32 v0, v2  }
0x18f: {  	s0 =	sshrl.u32 s0, $0x2;
	s1 =	sshll.u32 s1, $0x4;
	v2 =	vmin.u32 v2, $0x6400  }
0x190: {  	s0 =	sadd.s32 s1, s0;
	[tilespmem:s4+$0x7D0] =	vst v2  }
0x191: {  	v2 =	vld [tilespmem:s0+$0x7D0];
	_ =	sdelay $0x4  }
0x192: {  	v2 =	vadd.s32 v0, v2  }
0x193: {  	v2 =	vmin.u32 v2, $0x6400  }
0x194: {  	s1 =	simm.s32 $0x0;
	[tilespmem:s0+$0x7D0] =	vst v2  }
0x195: {  	[tilespmem:s28], [sflag:$0x1] =	stream.indirect.gather [hbm4b:s3+s16], $0x10, s1, s16, $0xb8;
	[tilespmem:$0xD590] =	vst v63  }
0x196: {  	p1 =	por $0x1, $0x1  }
0x197: {  	[tilespmem:s29], [sflag:$0x1] =	stream.indirect.gather [hbm4b:s9+s16], $0x1, s1, s16, $0xb8;
	[tilespmem:$0xD590] =	vst v63  }
.LBB2_11:
0x198: {  	s0 =	smul.u32 $0x320, s1;
	_ =	sdelay $0x1  }
0x199: {  	s11 =	smul.u32 $0xC80, s1;
	s0 =	sadd.s32 $0x190, s0  }
0x19a: {  	[tilespmem:s30], [sflag:$0x2] =	stream.indirect.gather [hbm4b:s3+s16], $0x10, s0, s16, $0xb8;
	[tilespmem:$0xD590] =	vst v63  }
0x19b: {  	s1 =	sshra.s32 s11, $0x2  }
0x19c: {  	[tilespmem:s31], [sflag:$0x2] =	stream.indirect.gather [hbm4b:s9+s16], $0x1, s0, s16, $0xb8;
	[tilespmem:$0xD590] =	vst v63  }
0x19d: {  	s4 =	sadd.s32 $0xFA0, s1;
	_ =	swait.ge [sflag:s10], $0x1900  }
0x19e: {  	v2 =	vmov s4;
	[sflag:s10] =	ssyncset.done $0x0  }
0x19f: {  	[sflag:s10] =	ssyncadd.s32 $0xFFFFE700  }
0x1a0: {  	_ =	swait.ge [sflag:s10], $0x190  }
0x1a1: {  	[sflag:s10] =	ssyncset.done $0x0  }
0x1a2: {  	s12 =	simm.s32 $0x0;
	[sflag:s10] =	ssyncadd.s32 $0xFFFFFE70  }
0x1a3: {  	v3 =	vld.idx.msk [tilespmem:v2+s12+$0x0 ss:$0x1], $0xffff  }
0x1a4: {  	v4 =	vld [tilespmem:s12+$0x4970];
	_ =	sdelay $0x4  }
0x1a5: {  	s8 =	simm.s32 $0x17F0;
	v3 =	vmul.f32 v4, v3  }
0x1a6: {  	v5 =	vld [tilespmem:s8+$0xFFFFFF80]  }
0x1a7: {  	v6 =	vld [tilespmem:s8+$0xFFFFFF90];
	v8 =	vbroadcast v3, $0x0  }
0x1a8: {  	v40 =	vld [tilespmem:s8+$0xFFFFFFA0];
	v9 =	vbroadcast v3, $0x1;
	v12 =	vbroadcast v3, $0x2  }
0x1a9: {  	v7 =	vld [tilespmem:s8+$0xFFFFFFB0];
	v41 =	vbroadcast v3, $0x3;
	v43 =	vbroadcast v3, $0x4  }
0x1aa: {  	v10 =	vld [tilespmem:s8+$0xFFFFFFC0];
	v44 =	vbroadcast v3, $0x5;
	v14 =	vbroadcast v3, $0x6  }
0x1ab: {  	v11 =	vld [tilespmem:s8+$0xFFFFFFD0];
	v48 =	vbroadcast v3, $0x7;
	v5 =	vmul.f32 v8, v5  }
0x1ac: {  	v42 =	vld [tilespmem:s8+$0xFFFFFFE0];
	v51 =	vbroadcast v3, $0x8;
	v6 =	vmul.f32 v6, v9  }
0x1ad: {  	v46 =	vld [tilespmem:s8+$0x10];
	v52 =	vbroadcast v3, $0x9;
	v4 =	vmul.f32 v40, v12;
	[tilespmem:s8+$0xFFFFFF80] =	vst v5  }
0x1ae: {  	v49 =	vld [tilespmem:s8+$0x20];
	v55 =	vbroadcast v3, $0xA;
	v7 =	vmul.f32 v7, v41;
	[tilespmem:s8+$0xFFFFFF90] =	vst v6  }
0x1af: {  	v58 =	vld [tilespmem:s8+$0x60];
	v56 =	vbroadcast v3, $0xB;
	v47 =	vmul.f32 v10, v43;
	[tilespmem:s8+$0xFFFFFFA0] =	vst v4  }
0x1b0: {  	v59 =	vld [tilespmem:s8+$0x70];
	v60 =	vbroadcast v3, $0xC;
	v8 =	vmul.f32 v11, v44;
	[tilespmem:s8+$0xFFFFFFB0] =	vst v7  }
0x1b1: {  	v13 =	vld [tilespmem:s8+$0xFFFFFFF0];
	v61 =	vbroadcast v3, $0xD;
	v9 =	vmul.f32 v42, v14;
	[tilespmem:s8+$0xFFFFFFC0] =	vst v47  }
0x1b2: {  	v45 =	vld [tilespmem:s8+$0x0];
	v62 =	vbroadcast v3, $0xE;
	v57 =	vmul.f32 v46, v52;
	[tilespmem:s8+$0xFFFFFFD0] =	vst v8  }
0x1b3: {  	v50 =	vld [tilespmem:s8+$0x30];
	v3 =	vbroadcast v3, $0xF;
	v10 =	vmul.f32 v49, v55;
	[tilespmem:s8+$0xFFFFFFE0] =	vst v9  }
0x1b4: {  	v54 =	vld [tilespmem:s8+$0x50];
	v63 =	vmul.f32 v58, v62;
	[tilespmem:s8+$0x10] =	vst v57  }
0x1b5: {  	v53 =	vld [tilespmem:s8+$0x40];
	v3 =	vmul.f32 v59, v3;
	[tilespmem:s8+$0x20] =	vst v10  }
0x1b6: {  	v5 =	vmul.f32 v13, v48;
	[tilespmem:s8+$0x60] =	vst v63  }
0x1b7: {  	v4 =	vmul.f32 v45, v51;
	[tilespmem:s8+$0x70] =	vst v3  }
0x1b8: {  	v6 =	vmul.f32 v50, v56;
	[tilespmem:s8+$0xFFFFFFF0] =	vst v5  }
0x1b9: {  	v7 =	vmul.f32 v54, v61;
	[tilespmem:s8+$0x0] =	vst v4  }
0x1ba: {  	v4 =	vmul.f32 v53, v60;
	[tilespmem:s8+$0x30] =	vst v6  }
0x1bb: {  	[tilespmem:s8+$0x50] =	vst v7  }
0x1bc: {  	p0 =	por p1, p1;
	s4 =	simm.s32 $0x10;
	s12 =	simm.s32 $0x80;
	[tilespmem:s8+$0x40] =	vst v4  }
.LBB2_12:
0x1bd: {  	p1 =	sne.s32 s12, $0x600;
	v3 =	vld.idx.msk [tilespmem:v2+s4+$0x0 ss:$0x1], $0xffff  }
0x1be: {  	v4 =	vld [tilespmem:s4+$0x4970]  }
0x1bf: {  	s8 =	sadd.s32 $0x100, s8  }
0x1c0: {  	v5 =	vld [tilespmem:s8+$0xFFFFFF80]  }
0x1c1: {  	v6 =	vld [tilespmem:s8+$0xFFFFFFB0]  }
0x1c2: {  	v7 =	vld [tilespmem:s8+$0xFFFFFF90]  }
0x1c3: {  	v3 =	vmul.f32 v4, v3;
	v4 =	vld [tilespmem:s8+$0xFFFFFFA0]  }
0x1c4: {  	v8 =	vld [tilespmem:s8+$0xFFFFFFF0]  }
0x1c5: {  	v9 =	vbroadcast v3, $0x0;
	v10 =	vbroadcast v3, $0x1;
	v11 =	vld [tilespmem:s8+$0xFFFFFFD0]  }
0x1c6: {  	v12 =	vbroadcast v3, $0x2;
	v13 =	vbroadcast v3, $0x3;
	v14 =	vld [tilespmem:s8+$0xFFFFFFC0]  }
0x1c7: {  	v5 =	vmul.f32 v9, v5;
	v7 =	vmul.f32 v7, v10;
	v9 =	vld [tilespmem:s8+$0xFFFFFFE0]  }
0x1c8: {  	v6 =	vmul.f32 v6, v13;
	v4 =	vmul.f32 v4, v12;
	v10 =	vld [tilespmem:s8+$0x30]  }
0x1c9: {  	v12 =	vbroadcast v3, $0x5;
	[tilespmem:s8+$0xFFFFFF80] =	vst v5;
	v5 =	vbroadcast v3, $0x4;
	v13 =	vld [tilespmem:s8+$0x10]  }
0x1ca: {  	v15 =	vbroadcast v3, $0x7;
	[tilespmem:s8+$0xFFFFFF90] =	vst v7;
	v7 =	vbroadcast v3, $0x6;
	v16 =	vld [tilespmem:s8+$0x0]  }
0x1cb: {  	[tilespmem:s8+$0xFFFFFFA0] =	vst v4;
	v4 =	vmul.f32 v14, v5;
	v5 =	vmul.f32 v11, v12;
	v11 =	vld [tilespmem:s8+$0x20]  }
0x1cc: {  	[tilespmem:s8+$0xFFFFFFB0] =	vst v6;
	v6 =	vmul.f32 v9, v7;
	v7 =	vmul.f32 v8, v15;
	v8 =	vld [tilespmem:s8+$0x70]  }
0x1cd: {  	v9 =	vbroadcast v3, $0x9;
	[tilespmem:s8+$0xFFFFFFC0] =	vst v4;
	v4 =	vbroadcast v3, $0x8;
	v12 =	vld [tilespmem:s8+$0x50]  }
0x1ce: {  	v14 =	vbroadcast v3, $0xB;
	[tilespmem:s8+$0xFFFFFFD0] =	vst v5;
	v5 =	vbroadcast v3, $0xA;
	v15 =	vld [tilespmem:s8+$0x40]  }
0x1cf: {  	[tilespmem:s8+$0xFFFFFFE0] =	vst v6;
	v4 =	vmul.f32 v16, v4;
	v6 =	vmul.f32 v13, v9;
	v9 =	vld [tilespmem:s8+$0x60]  }
0x1d0: {  	[tilespmem:s8+$0xFFFFFFF0] =	vst v7;
	v5 =	vmul.f32 v11, v5;
	v7 =	vmul.f32 v10, v14  }
0x1d1: {  	v10 =	vbroadcast v3, $0xD;
	[tilespmem:s8+$0x0] =	vst v4;
	v4 =	vbroadcast v3, $0xC  }
0x1d2: {  	[tilespmem:s8+$0x10] =	vst v6;
	v6 =	vbroadcast v3, $0xE;
	v3 =	vbroadcast v3, $0xF  }
0x1d3: {  	[tilespmem:s8+$0x20] =	vst v5;
	v4 =	vmul.f32 v15, v4;
	v5 =	vmul.f32 v12, v10  }
.Ltmp4:
0x1d4: {  	[tilespmem:s8+$0x30] =	vst v7;
	v6 =	vmul.f32 v9, v6;
	v3 =	vmul.f32 v8, v3;
	(pc) =	sbr.rel @p1 .LBB2_12-.Ltmp4, $4  }
0x1d5: {  	[tilespmem:s8+$0x40] =	vst v4  }
0x1d6: {  	[tilespmem:s8+$0x50] =	vst v5  }
0x1d7: {  	[tilespmem:s8+$0x60] =	vst v6  }
0x1d8: {  	s4 =	sshra.s32 s12, $0x2;
	s12 =	sadd.s32 $0x40, s12;
	[tilespmem:s8+$0x70] =	vst v3  }
0x1d9: {  	_ =	sdelay $0x3  }
0x1da: {  	v2 =	vld.idx.msk [tilespmem:v2+s4+$0x0 ss:$0x1], $0xffff  }
0x1db: {  	v3 =	vld [tilespmem:s4+$0x4970];
	_ =	sdelay $0x2  }
0x1dc: {  	s8 =	sadd.s32 $0x100, s8  }
0x1dd: {  	v4 =	vld [tilespmem:s8+$0xFFFFFF80]  }
0x1de: {  	v5 =	vld [tilespmem:s8+$0xFFFFFF90];
	v2 =	vmul.f32 v3, v2  }
0x1df: {  	v6 =	vld [tilespmem:s8+$0xFFFFFFB0]  }
0x1e0: {  	v10 =	vld [tilespmem:s8+$0xFFFFFFD0];
	v7 =	vbroadcast v2, $0x0  }
0x1e1: {  	v3 =	vld [tilespmem:s8+$0xFFFFFFA0];
	v8 =	vbroadcast v2, $0x1  }
0x1e2: {  	v59 =	vld [tilespmem:s8+$0xFFFFFFE0];
	v58 =	vbroadcast v2, $0x3;
	v4 =	vmul.f32 v7, v4  }
0x1e3: {  	v9 =	vld [tilespmem:s8+$0xFFFFFFC0];
	v61 =	vbroadcast v2, $0x5;
	v5 =	vmul.f32 v5, v8  }
0x1e4: {  	v63 =	vld [tilespmem:s8+$0x10];
	v11 =	vbroadcast v2, $0x2;
	v6 =	vmul.f32 v6, v58;
	[tilespmem:s8+$0xFFFFFF80] =	vst v4  }
0x1e5: {  	v25 =	vld [tilespmem:s8+$0x60];
	v13 =	vbroadcast v2, $0x6;
	v7 =	vmul.f32 v10, v61;
	[tilespmem:s8+$0xFFFFFF90] =	vst v5  }
0x1e6: {  	v12 =	vld [tilespmem:s8+$0xFFFFFFF0];
	v60 =	vbroadcast v2, $0x4;
	v3 =	vmul.f32 v3, v11;
	[tilespmem:s8+$0xFFFFFFB0] =	vst v6  }
0x1e7: {  	v62 =	vld [tilespmem:s8+$0x0];
	v19 =	vbroadcast v2, $0x9;
	v8 =	vmul.f32 v59, v13;
	[tilespmem:s8+$0xFFFFFFD0] =	vst v7  }
0x1e8: {  	v18 =	vld [tilespmem:s8+$0x30];
	v28 =	vbroadcast v2, $0xE;
	[tilespmem:s8+$0xFFFFFFA0] =	vst v3;
	v3 =	vmul.f32 v9, v60  }
0x1e9: {  	v21 =	vld [tilespmem:s8+$0x50];
	v16 =	vbroadcast v2, $0x7;
	v24 =	vmul.f32 v63, v19;
	[tilespmem:s8+$0xFFFFFFE0] =	vst v8  }
0x1ea: {  	v17 =	vld [tilespmem:s8+$0x20];
	v29 =	vmul.f32 v25, v28;
	[tilespmem:s8+$0xFFFFFFC0] =	vst v3;
	v3 =	vbroadcast v2, $0x8  }
0x1eb: {  	v20 =	vld [tilespmem:s8+$0x40];
	v23 =	vbroadcast v2, $0xB;
	v4 =	vmul.f32 v12, v16;
	[tilespmem:s8+$0x10] =	vst v24  }
0x1ec: {  	v26 =	vld [tilespmem:s8+$0x70];
	v27 =	vbroadcast v2, $0xD;
	[tilespmem:s8+$0x60] =	vst v29;
	v3 =	vmul.f32 v62, v3  }
0x1ed: {  	v22 =	vbroadcast v2, $0xA;
	v5 =	vmul.f32 v18, v23;
	[tilespmem:s8+$0xFFFFFFF0] =	vst v4  }
0x1ee: {  	v6 =	vmul.f32 v21, v27;
	[tilespmem:s8+$0x0] =	vst v3;
	v3 =	vbroadcast v2, $0xC  }
0x1ef: {  	v9 =	vmul.f32 v17, v22;
	[tilespmem:s8+$0x30] =	vst v5;
	v2 =	vbroadcast v2, $0xF  }
0x1f0: {  	[tilespmem:s8+$0x50] =	vst v6;
	v3 =	vmul.f32 v20, v3  }
0x1f1: {  	[tilespmem:s8+$0x20] =	vst v9;
	v2 =	vmul.f32 v26, v2  }
0x1f2: {  	[tilespmem:s8+$0x40] =	vst v3  }
0x1f3: {  	s12 =	sadd.s32 $0x7D0, s1;
	[tilespmem:s8+$0x70] =	vst v2  }
0x1f4: {  	[spmem:s5] =	stream.indirect.scatter.add.f32 [tilespmem:s28], [sflag:$0x3], $0x10, s12, s16, $0xb8;
	[tilespmem:$0xD590] =	vst v63  }
0x1f5: {  	_ =	swait.ge [sflag:s2], $0x1900  }
0x1f6: {  	[sflag:s2] =	ssyncset.done $0x0  }
0x1f7: {  	s8 =	sadd.s32 $0x320, s1;
	[sflag:s2] =	ssyncadd.s32 $0xFFFFE700  }
0x1f8: {  	[tilespmem:s28], [sflag:$0x1] =	stream.indirect.gather [hbm4b:s3+s16], $0x10, s8, s16, $0xb8;
	[tilespmem:$0xD590] =	vst v63  }
0x1f9: {  	_ = 	snop  }
0x1fa: {  	[tilespmem:s29], [sflag:$0x1] =	stream.indirect.gather [hbm4b:s9+s16], $0x1, s8, s16, $0xb8;
	[tilespmem:$0xD590] =	vst v63  }
0x1fb: {  	s11 =	sadd.s32 $0xFA0, s0;
	_ =	swait.ge [sflag:s13], $0x1900  }
0x1fc: {  	v2 =	vmov s11;
	[sflag:s13] =	ssyncset.done $0x0  }
0x1fd: {  	[sflag:s13] =	ssyncadd.s32 $0xFFFFE700  }
0x1fe: {  	_ =	swait.ge [sflag:s13], $0x190  }
0x1ff: {  	[sflag:s13] =	ssyncset.done $0x0  }
0x200: {  	s12 =	simm.s32 $0x0;
	[sflag:s13] =	ssyncadd.s32 $0xFFFFFE70  }
0x201: {  	v3 =	vld.idx.msk [tilespmem:v2+s12+$0x0 ss:$0x1], $0xffff  }
0x202: {  	v30 =	vld [tilespmem:s12+$0x4B00];
	_ =	sdelay $0x4  }
0x203: {  	s1 =	simm.s32 $0x30F0;
	v3 =	vmul.f32 v30, v3  }
0x204: {  	v31 =	vld [tilespmem:s1+$0xFFFFFF80]  }
0x205: {  	v32 =	vld [tilespmem:s1+$0xFFFFFF90];
	v35 =	vbroadcast v3, $0x0  }
0x206: {  	v33 =	vld [tilespmem:s1+$0xFFFFFFA0];
	v36 =	vbroadcast v3, $0x1;
	v39 =	vbroadcast v3, $0x2  }
0x207: {  	v34 =	vld [tilespmem:s1+$0xFFFFFFB0];
	v40 =	vbroadcast v3, $0x3;
	v43 =	vbroadcast v3, $0x4  }
0x208: {  	v37 =	vld [tilespmem:s1+$0xFFFFFFC0];
	v44 =	vbroadcast v3, $0x5;
	v14 =	vbroadcast v3, $0x6  }
0x209: {  	v38 =	vld [tilespmem:s1+$0xFFFFFFD0];
	v48 =	vbroadcast v3, $0x7;
	v5 =	vmul.f32 v35, v31  }
0x20a: {  	v41 =	vld [tilespmem:s1+$0xFFFFFFE0];
	v51 =	vbroadcast v3, $0x8;
	v6 =	vmul.f32 v32, v36  }
0x20b: {  	v46 =	vld [tilespmem:s1+$0x10];
	v52 =	vbroadcast v3, $0x9;
	v4 =	vmul.f32 v33, v39;
	[tilespmem:s1+$0xFFFFFF80] =	vst v5  }
0x20c: {  	v49 =	vld [tilespmem:s1+$0x20];
	v55 =	vbroadcast v3, $0xA;
	v7 =	vmul.f32 v34, v40;
	[tilespmem:s1+$0xFFFFFF90] =	vst v6  }
0x20d: {  	v58 =	vld [tilespmem:s1+$0x60];
	v56 =	vbroadcast v3, $0xB;
	v47 =	vmul.f32 v37, v43;
	[tilespmem:s1+$0xFFFFFFA0] =	vst v4  }
0x20e: {  	v59 =	vld [tilespmem:s1+$0x70];
	v60 =	vbroadcast v3, $0xC;
	v8 =	vmul.f32 v38, v44;
	[tilespmem:s1+$0xFFFFFFB0] =	vst v7  }
0x20f: {  	v42 =	vld [tilespmem:s1+$0xFFFFFFF0];
	v61 =	vbroadcast v3, $0xD;
	v9 =	vmul.f32 v41, v14;
	[tilespmem:s1+$0xFFFFFFC0] =	vst v47  }
0x210: {  	v45 =	vld [tilespmem:s1+$0x0];
	v62 =	vbroadcast v3, $0xE;
	v57 =	vmul.f32 v46, v52;
	[tilespmem:s1+$0xFFFFFFD0] =	vst v8  }
0x211: {  	v50 =	vld [tilespmem:s1+$0x30];
	v3 =	vbroadcast v3, $0xF;
	v10 =	vmul.f32 v49, v55;
	[tilespmem:s1+$0xFFFFFFE0] =	vst v9  }
0x212: {  	v54 =	vld [tilespmem:s1+$0x50];
	v63 =	vmul.f32 v58, v62;
	[tilespmem:s1+$0x10] =	vst v57  }
0x213: {  	v53 =	vld [tilespmem:s1+$0x40];
	v3 =	vmul.f32 v59, v3;
	[tilespmem:s1+$0x20] =	vst v10  }
0x214: {  	v5 =	vmul.f32 v42, v48;
	[tilespmem:s1+$0x60] =	vst v63  }
0x215: {  	v4 =	vmul.f32 v45, v51;
	[tilespmem:s1+$0x70] =	vst v3  }
0x216: {  	v6 =	vmul.f32 v50, v56;
	[tilespmem:s1+$0xFFFFFFF0] =	vst v5  }
0x217: {  	v7 =	vmul.f32 v54, v61;
	[tilespmem:s1+$0x0] =	vst v4  }
0x218: {  	v4 =	vmul.f32 v53, v60;
	[tilespmem:s1+$0x30] =	vst v6  }
0x219: {  	[tilespmem:s1+$0x50] =	vst v7  }
0x21a: {  	s4 =	simm.s32 $0x10;
	s8 =	simm.s32 $0x80;
	[tilespmem:s1+$0x40] =	vst v4  }
.LBB2_14:
0x21b: {  	p1 =	sne.s32 s8, $0x600;
	v3 =	vld.idx.msk [tilespmem:v2+s4+$0x0 ss:$0x1], $0xffff  }
0x21c: {  	v4 =	vld [tilespmem:s4+$0x4B00]  }
0x21d: {  	s1 =	sadd.s32 $0x100, s1  }
0x21e: {  	v5 =	vld [tilespmem:s1+$0xFFFFFF80]  }
0x21f: {  	v6 =	vld [tilespmem:s1+$0xFFFFFFB0]  }
0x220: {  	v7 =	vld [tilespmem:s1+$0xFFFFFF90]  }
0x221: {  	v3 =	vmul.f32 v4, v3;
	v4 =	vld [tilespmem:s1+$0xFFFFFFA0]  }
0x222: {  	v8 =	vld [tilespmem:s1+$0xFFFFFFF0]  }
0x223: {  	v9 =	vbroadcast v3, $0x0;
	v10 =	vbroadcast v3, $0x1;
	v11 =	vld [tilespmem:s1+$0xFFFFFFD0]  }
0x224: {  	v12 =	vbroadcast v3, $0x2;
	v13 =	vbroadcast v3, $0x3;
	v14 =	vld [tilespmem:s1+$0xFFFFFFC0]  }
0x225: {  	v5 =	vmul.f32 v9, v5;
	v7 =	vmul.f32 v7, v10;
	v9 =	vld [tilespmem:s1+$0xFFFFFFE0]  }
0x226: {  	v6 =	vmul.f32 v6, v13;
	v4 =	vmul.f32 v4, v12;
	v10 =	vld [tilespmem:s1+$0x30]  }
0x227: {  	v12 =	vbroadcast v3, $0x5;
	[tilespmem:s1+$0xFFFFFF80] =	vst v5;
	v5 =	vbroadcast v3, $0x4;
	v13 =	vld [tilespmem:s1+$0x10]  }
0x228: {  	v15 =	vbroadcast v3, $0x7;
	[tilespmem:s1+$0xFFFFFF90] =	vst v7;
	v7 =	vbroadcast v3, $0x6;
	v16 =	vld [tilespmem:s1+$0x0]  }
0x229: {  	[tilespmem:s1+$0xFFFFFFA0] =	vst v4;
	v4 =	vmul.f32 v14, v5;
	v5 =	vmul.f32 v11, v12;
	v11 =	vld [tilespmem:s1+$0x20]  }
0x22a: {  	[tilespmem:s1+$0xFFFFFFB0] =	vst v6;
	v6 =	vmul.f32 v9, v7;
	v7 =	vmul.f32 v8, v15;
	v8 =	vld [tilespmem:s1+$0x70]  }
0x22b: {  	v9 =	vbroadcast v3, $0x9;
	[tilespmem:s1+$0xFFFFFFC0] =	vst v4;
	v4 =	vbroadcast v3, $0x8;
	v12 =	vld [tilespmem:s1+$0x50]  }
0x22c: {  	v14 =	vbroadcast v3, $0xB;
	[tilespmem:s1+$0xFFFFFFD0] =	vst v5;
	v5 =	vbroadcast v3, $0xA;
	v15 =	vld [tilespmem:s1+$0x40]  }
0x22d: {  	[tilespmem:s1+$0xFFFFFFE0] =	vst v6;
	v4 =	vmul.f32 v16, v4;
	v6 =	vmul.f32 v13, v9;
	v9 =	vld [tilespmem:s1+$0x60]  }
0x22e: {  	[tilespmem:s1+$0xFFFFFFF0] =	vst v7;
	v5 =	vmul.f32 v11, v5;
	v7 =	vmul.f32 v10, v14  }
0x22f: {  	v10 =	vbroadcast v3, $0xD;
	[tilespmem:s1+$0x0] =	vst v4;
	v4 =	vbroadcast v3, $0xC  }
0x230: {  	[tilespmem:s1+$0x10] =	vst v6;
	v6 =	vbroadcast v3, $0xE;
	v3 =	vbroadcast v3, $0xF  }
0x231: {  	[tilespmem:s1+$0x20] =	vst v5;
	v4 =	vmul.f32 v15, v4;
	v5 =	vmul.f32 v12, v10  }
.Ltmp5:
0x232: {  	[tilespmem:s1+$0x30] =	vst v7;
	v6 =	vmul.f32 v9, v6;
	v3 =	vmul.f32 v8, v3;
	(pc) =	sbr.rel @p1 .LBB2_14-.Ltmp5, $4  }
0x233: {  	[tilespmem:s1+$0x40] =	vst v4  }
0x234: {  	[tilespmem:s1+$0x50] =	vst v5  }
0x235: {  	[tilespmem:s1+$0x60] =	vst v6  }
0x236: {  	s4 =	sshra.s32 s8, $0x2;
	s8 =	sadd.s32 $0x40, s8;
	[tilespmem:s1+$0x70] =	vst v3  }
0x237: {  	_ =	sdelay $0x3  }
0x238: {  	v2 =	vld.idx.msk [tilespmem:v2+s4+$0x0 ss:$0x1], $0xffff  }
0x239: {  	v3 =	vld [tilespmem:s4+$0x4B00];
	_ =	sdelay $0x2  }
0x23a: {  	s1 =	sadd.s32 $0x100, s1  }
0x23b: {  	v4 =	vld [tilespmem:s1+$0xFFFFFF80]  }
0x23c: {  	v5 =	vld [tilespmem:s1+$0xFFFFFF90];
	v2 =	vmul.f32 v3, v2  }
0x23d: {  	v6 =	vld [tilespmem:s1+$0xFFFFFFB0]  }
0x23e: {  	v10 =	vld [tilespmem:s1+$0xFFFFFFD0];
	v7 =	vbroadcast v2, $0x0  }
0x23f: {  	v3 =	vld [tilespmem:s1+$0xFFFFFFA0];
	v8 =	vbroadcast v2, $0x1  }
0x240: {  	v45 =	vld [tilespmem:s1+$0xFFFFFFE0];
	v44 =	vbroadcast v2, $0x3;
	v4 =	vmul.f32 v7, v4  }
0x241: {  	v9 =	vld [tilespmem:s1+$0xFFFFFFC0];
	v47 =	vbroadcast v2, $0x5;
	v5 =	vmul.f32 v5, v8  }
0x242: {  	v49 =	vld [tilespmem:s1+$0x10];
	v11 =	vbroadcast v2, $0x2;
	v6 =	vmul.f32 v6, v44;
	[tilespmem:s1+$0xFFFFFF80] =	vst v4  }
0x243: {  	v59 =	vld [tilespmem:s1+$0x60];
	v13 =	vbroadcast v2, $0x6;
	v7 =	vmul.f32 v10, v47;
	[tilespmem:s1+$0xFFFFFF90] =	vst v5  }
0x244: {  	v12 =	vld [tilespmem:s1+$0xFFFFFFF0];
	v46 =	vbroadcast v2, $0x4;
	v3 =	vmul.f32 v3, v11;
	[tilespmem:s1+$0xFFFFFFB0] =	vst v6  }
0x245: {  	v48 =	vld [tilespmem:s1+$0x0];
	v53 =	vbroadcast v2, $0x9;
	v8 =	vmul.f32 v45, v13;
	[tilespmem:s1+$0xFFFFFFD0] =	vst v7  }
0x246: {  	v52 =	vld [tilespmem:s1+$0x30];
	v62 =	vbroadcast v2, $0xE;
	[tilespmem:s1+$0xFFFFFFA0] =	vst v3;
	v3 =	vmul.f32 v9, v46  }
0x247: {  	v55 =	vld [tilespmem:s1+$0x50];
	v50 =	vbroadcast v2, $0x7;
	v58 =	vmul.f32 v49, v53;
	[tilespmem:s1+$0xFFFFFFE0] =	vst v8  }
0x248: {  	v51 =	vld [tilespmem:s1+$0x20];
	v63 =	vmul.f32 v59, v62;
	[tilespmem:s1+$0xFFFFFFC0] =	vst v3;
	v3 =	vbroadcast v2, $0x8  }
0x249: {  	v54 =	vld [tilespmem:s1+$0x40];
	v57 =	vbroadcast v2, $0xB;
	v4 =	vmul.f32 v12, v50;
	[tilespmem:s1+$0x10] =	vst v58  }
0x24a: {  	v60 =	vld [tilespmem:s1+$0x70];
	v61 =	vbroadcast v2, $0xD;
	[tilespmem:s1+$0x60] =	vst v63;
	v3 =	vmul.f32 v48, v3  }
0x24b: {  	v56 =	vbroadcast v2, $0xA;
	v5 =	vmul.f32 v52, v57;
	[tilespmem:s1+$0xFFFFFFF0] =	vst v4  }
0x24c: {  	v6 =	vmul.f32 v55, v61;
	[tilespmem:s1+$0x0] =	vst v3;
	v3 =	vbroadcast v2, $0xC  }
0x24d: {  	v9 =	vmul.f32 v51, v56;
	[tilespmem:s1+$0x30] =	vst v5;
	v2 =	vbroadcast v2, $0xF  }
0x24e: {  	[tilespmem:s1+$0x50] =	vst v6;
	v3 =	vmul.f32 v54, v3  }
0x24f: {  	[tilespmem:s1+$0x20] =	vst v9;
	v2 =	vmul.f32 v60, v2  }
0x250: {  	[tilespmem:s1+$0x40] =	vst v3  }
.Ltmp6:
0x251: {  	s0 =	sadd.s32 $0x7D0, s0;
	[tilespmem:s1+$0x70] =	vst v2;
	(pc) =	sbr.rel @p0 .LBB2_11-.Ltmp6, $4  }
0x252: {  	[spmem:s5] =	stream.indirect.scatter.add.f32 [tilespmem:s30], [sflag:$0x3], $0x10, s0, s16, $0xb8;
	[tilespmem:$0xD590] =	vst v63  }
0x253: {  	_ =	swait.ge [sflag:s2], $0x1900  }
0x254: {  	[sflag:s2] =	ssyncset.done $0x0  }
0x255: {  	p1 =	por $0x0, $0x0;
	s1 =	simm.s32 $0x1;
	[sflag:s2] =	ssyncadd.s32 $0xFFFFE700  }
0x256: {  	_ =	swait.ge [sflag:s10], $0x1900  }
0x257: {  	[sflag:s10] =	ssyncset.done $0x0  }
0x258: {  	[sflag:s10] =	ssyncadd.s32 $0xFFFFE700  }
0x259: {  	_ =	swait.ge [sflag:s10], $0x190  }
0x25a: {  	[sflag:s10] =	ssyncset.done $0x0  }
0x25b: {  	s0 =	simm.s32 $0x0;
	[sflag:s10] =	ssyncadd.s32 $0xFFFFFE70  }
0x25c: {  	v2 =	vld [tilespmem:s0+$0x4970]  }
0x25d: {  	v3 =	vld [tilespmem:s0+$0x15E0];
	_ =	sdelay $0x2  }
0x25e: {  	s0 =	simm.s32 $0x17F0  }
0x25f: {  	v4 =	vld [tilespmem:s0+$0xFFFFFF80]  }
0x260: {  	v5 =	vld [tilespmem:s0+$0xFFFFFF90];
	v2 =	vmul.f32 v2, v3  }
0x261: {  	v6 =	vld [tilespmem:s0+$0xFFFFFFB0]  }
0x262: {  	v10 =	vld [tilespmem:s0+$0xFFFFFFD0];
	v7 =	vbroadcast v2, $0x0  }
0x263: {  	v3 =	vld [tilespmem:s0+$0xFFFFFFA0];
	v8 =	vbroadcast v2, $0x1  }
0x264: {  	v45 =	vld [tilespmem:s0+$0xFFFFFFE0];
	v44 =	vbroadcast v2, $0x3;
	v4 =	vmul.f32 v7, v4  }
0x265: {  	v9 =	vld [tilespmem:s0+$0xFFFFFFC0];
	v47 =	vbroadcast v2, $0x5;
	v5 =	vmul.f32 v5, v8  }
0x266: {  	v49 =	vld [tilespmem:s0+$0x10];
	v11 =	vbroadcast v2, $0x2;
	v6 =	vmul.f32 v6, v44;
	[tilespmem:s0+$0xFFFFFF80] =	vst v4  }
0x267: {  	v59 =	vld [tilespmem:s0+$0x60];
	v13 =	vbroadcast v2, $0x6;
	v7 =	vmul.f32 v10, v47;
	[tilespmem:s0+$0xFFFFFF90] =	vst v5  }
0x268: {  	v12 =	vld [tilespmem:s0+$0xFFFFFFF0];
	v46 =	vbroadcast v2, $0x4;
	v3 =	vmul.f32 v3, v11;
	[tilespmem:s0+$0xFFFFFFB0] =	vst v6  }
0x269: {  	v48 =	vld [tilespmem:s0+$0x0];
	v53 =	vbroadcast v2, $0x9;
	v8 =	vmul.f32 v45, v13;
	[tilespmem:s0+$0xFFFFFFD0] =	vst v7  }
0x26a: {  	v52 =	vld [tilespmem:s0+$0x30];
	v62 =	vbroadcast v2, $0xE;
	[tilespmem:s0+$0xFFFFFFA0] =	vst v3;
	v3 =	vmul.f32 v9, v46  }
0x26b: {  	v55 =	vld [tilespmem:s0+$0x50];
	v50 =	vbroadcast v2, $0x7;
	v58 =	vmul.f32 v49, v53;
	[tilespmem:s0+$0xFFFFFFE0] =	vst v8  }
0x26c: {  	v51 =	vld [tilespmem:s0+$0x20];
	v63 =	vmul.f32 v59, v62;
	[tilespmem:s0+$0xFFFFFFC0] =	vst v3;
	v3 =	vbroadcast v2, $0x8  }
0x26d: {  	v54 =	vld [tilespmem:s0+$0x40];
	v57 =	vbroadcast v2, $0xB;
	v4 =	vmul.f32 v12, v50;
	[tilespmem:s0+$0x10] =	vst v58  }
0x26e: {  	v60 =	vld [tilespmem:s0+$0x70];
	v61 =	vbroadcast v2, $0xD;
	[tilespmem:s0+$0x60] =	vst v63;
	v3 =	vmul.f32 v48, v3  }
0x26f: {  	v56 =	vbroadcast v2, $0xA;
	v5 =	vmul.f32 v52, v57;
	[tilespmem:s0+$0xFFFFFFF0] =	vst v4  }
0x270: {  	v6 =	vmul.f32 v55, v61;
	[tilespmem:s0+$0x0] =	vst v3;
	v3 =	vbroadcast v2, $0xC  }
0x271: {  	v9 =	vmul.f32 v51, v56;
	[tilespmem:s0+$0x30] =	vst v5;
	v2 =	vbroadcast v2, $0xF  }
0x272: {  	[tilespmem:s0+$0x50] =	vst v6;
	v3 =	vmul.f32 v54, v3  }
0x273: {  	[tilespmem:s0+$0x20] =	vst v9;
	v2 =	vmul.f32 v60, v2  }
0x274: {  	[tilespmem:s0+$0x40] =	vst v3  }
0x275: {  	s4 =	simm.s32 $0x10;
	[tilespmem:s0+$0x70] =	vst v2  }
0x276: {  	s1 =	simm.s32 $0x80;
	v2 =	vld [tilespmem:s4+$0x4970]  }
.LBB2_17:
0x277: {  	p0 =	sne.s32 s1, $0x600;
	v3 =	vld [tilespmem:s4+$0x15E0]  }
0x278: {  	s0 =	sadd.s32 $0x100, s0  }
0x279: {  	v4 =	vld [tilespmem:s0+$0xFFFFFF80]  }
0x27a: {  	v5 =	vld [tilespmem:s0+$0xFFFFFFB0]  }
0x27b: {  	v6 =	vld [tilespmem:s0+$0xFFFFFF90]  }
0x27c: {  	v2 =	vmul.f32 v2, v3;
	v3 =	vld [tilespmem:s0+$0xFFFFFFA0]  }
0x27d: {  	v7 =	vld [tilespmem:s0+$0xFFFFFFF0]  }
0x27e: {  	v8 =	vbroadcast v2, $0x0;
	v9 =	vbroadcast v2, $0x1;
	v10 =	vld [tilespmem:s0+$0xFFFFFFD0]  }
0x27f: {  	v11 =	vbroadcast v2, $0x2;
	v12 =	vbroadcast v2, $0x3;
	v13 =	vld [tilespmem:s0+$0xFFFFFFC0]  }
0x280: {  	v4 =	vmul.f32 v8, v4;
	v6 =	vmul.f32 v6, v9;
	v8 =	vld [tilespmem:s0+$0xFFFFFFE0]  }
0x281: {  	v5 =	vmul.f32 v5, v12;
	v3 =	vmul.f32 v3, v11;
	v9 =	vld [tilespmem:s0+$0x30]  }
0x282: {  	v11 =	vbroadcast v2, $0x5;
	[tilespmem:s0+$0xFFFFFF80] =	vst v4;
	v4 =	vbroadcast v2, $0x4;
	v12 =	vld [tilespmem:s0+$0x10]  }
0x283: {  	v14 =	vbroadcast v2, $0x7;
	[tilespmem:s0+$0xFFFFFF90] =	vst v6;
	v6 =	vbroadcast v2, $0x6;
	v15 =	vld [tilespmem:s0+$0x0]  }
0x284: {  	[tilespmem:s0+$0xFFFFFFA0] =	vst v3;
	v3 =	vmul.f32 v13, v4;
	v4 =	vmul.f32 v10, v11;
	v10 =	vld [tilespmem:s0+$0x20]  }
0x285: {  	[tilespmem:s0+$0xFFFFFFB0] =	vst v5;
	v5 =	vmul.f32 v8, v6;
	v6 =	vmul.f32 v7, v14;
	v7 =	vld [tilespmem:s0+$0x70]  }
0x286: {  	v8 =	vbroadcast v2, $0x9;
	[tilespmem:s0+$0xFFFFFFC0] =	vst v3;
	v3 =	vbroadcast v2, $0x8;
	v11 =	vld [tilespmem:s0+$0x50]  }
0x287: {  	v13 =	vbroadcast v2, $0xB;
	[tilespmem:s0+$0xFFFFFFD0] =	vst v4;
	v4 =	vbroadcast v2, $0xA;
	v14 =	vld [tilespmem:s0+$0x40]  }
0x288: {  	[tilespmem:s0+$0xFFFFFFE0] =	vst v5;
	v3 =	vmul.f32 v15, v3;
	v5 =	vmul.f32 v12, v8;
	v8 =	vld [tilespmem:s0+$0x60]  }
0x289: {  	[tilespmem:s0+$0xFFFFFFF0] =	vst v6;
	v4 =	vmul.f32 v10, v4;
	v6 =	vmul.f32 v9, v13  }
0x28a: {  	v9 =	vbroadcast v2, $0xD;
	[tilespmem:s0+$0x0] =	vst v3;
	v3 =	vbroadcast v2, $0xC  }
0x28b: {  	[tilespmem:s0+$0x10] =	vst v5;
	v5 =	vbroadcast v2, $0xE;
	v2 =	vbroadcast v2, $0xF  }
0x28c: {  	[tilespmem:s0+$0x20] =	vst v4;
	v3 =	vmul.f32 v14, v3;
	v4 =	vmul.f32 v11, v9  }
0x28d: {  	[tilespmem:s0+$0x30] =	vst v6;
	v5 =	vmul.f32 v8, v5;
	v2 =	vmul.f32 v7, v2  }
.Ltmp7:
0x28e: {  	[tilespmem:s0+$0x40] =	vst v3;
	(pc) =	sbr.rel @p0 .LBB2_17-.Ltmp7, $4  }
0x28f: {  	[tilespmem:s0+$0x50] =	vst v4  }
0x290: {  	[tilespmem:s0+$0x60] =	vst v5  }
0x291: {  	s4 =	sshra.s32 s1, $0x2;
	[tilespmem:s0+$0x70] =	vst v2  }
0x292: {  	s1 =	sadd.s32 $0x40, s1;
	v2 =	vld [tilespmem:s4+$0x4970]  }
0x293: {  	v3 =	vld [tilespmem:s4+$0x15E0];
	_ =	sdelay $0x2  }
0x294: {  	s0 =	sadd.s32 $0x100, s0  }
0x295: {  	v4 =	vld [tilespmem:s0+$0xFFFFFF80]  }
0x296: {  	v5 =	vld [tilespmem:s0+$0xFFFFFF90];
	v2 =	vmul.f32 v2, v3  }
0x297: {  	v6 =	vld [tilespmem:s0+$0xFFFFFFB0]  }
0x298: {  	v10 =	vld [tilespmem:s0+$0xFFFFFFD0];
	v7 =	vbroadcast v2, $0x0  }
0x299: {  	v3 =	vld [tilespmem:s0+$0xFFFFFFA0];
	v8 =	vbroadcast v2, $0x1  }
0x29a: {  	v45 =	vld [tilespmem:s0+$0xFFFFFFE0];
	v44 =	vbroadcast v2, $0x3;
	v4 =	vmul.f32 v7, v4  }
0x29b: {  	v9 =	vld [tilespmem:s0+$0xFFFFFFC0];
	v47 =	vbroadcast v2, $0x5;
	v5 =	vmul.f32 v5, v8  }
0x29c: {  	v49 =	vld [tilespmem:s0+$0x10];
	v11 =	vbroadcast v2, $0x2;
	v6 =	vmul.f32 v6, v44;
	[tilespmem:s0+$0xFFFFFF80] =	vst v4  }
0x29d: {  	v59 =	vld [tilespmem:s0+$0x60];
	v13 =	vbroadcast v2, $0x6;
	v7 =	vmul.f32 v10, v47;
	[tilespmem:s0+$0xFFFFFF90] =	vst v5  }
0x29e: {  	v12 =	vld [tilespmem:s0+$0xFFFFFFF0];
	v46 =	vbroadcast v2, $0x4;
	v3 =	vmul.f32 v3, v11;
	[tilespmem:s0+$0xFFFFFFB0] =	vst v6  }
0x29f: {  	v48 =	vld [tilespmem:s0+$0x0];
	v53 =	vbroadcast v2, $0x9;
	v8 =	vmul.f32 v45, v13;
	[tilespmem:s0+$0xFFFFFFD0] =	vst v7  }
0x2a0: {  	v52 =	vld [tilespmem:s0+$0x30];
	v62 =	vbroadcast v2, $0xE;
	[tilespmem:s0+$0xFFFFFFA0] =	vst v3;
	v3 =	vmul.f32 v9, v46  }
0x2a1: {  	v55 =	vld [tilespmem:s0+$0x50];
	v50 =	vbroadcast v2, $0x7;
	v58 =	vmul.f32 v49, v53;
	[tilespmem:s0+$0xFFFFFFE0] =	vst v8  }
0x2a2: {  	v51 =	vld [tilespmem:s0+$0x20];
	v63 =	vmul.f32 v59, v62;
	[tilespmem:s0+$0xFFFFFFC0] =	vst v3;
	v3 =	vbroadcast v2, $0x8  }
0x2a3: {  	v54 =	vld [tilespmem:s0+$0x40];
	v57 =	vbroadcast v2, $0xB;
	v4 =	vmul.f32 v12, v50;
	[tilespmem:s0+$0x10] =	vst v58  }
0x2a4: {  	v60 =	vld [tilespmem:s0+$0x70];
	v61 =	vbroadcast v2, $0xD;
	[tilespmem:s0+$0x60] =	vst v63;
	v3 =	vmul.f32 v48, v3  }
0x2a5: {  	v56 =	vbroadcast v2, $0xA;
	v5 =	vmul.f32 v52, v57;
	[tilespmem:s0+$0xFFFFFFF0] =	vst v4  }
0x2a6: {  	v6 =	vmul.f32 v55, v61;
	[tilespmem:s0+$0x0] =	vst v3;
	v3 =	vbroadcast v2, $0xC  }
0x2a7: {  	v9 =	vmul.f32 v51, v56;
	[tilespmem:s0+$0x30] =	vst v5;
	v2 =	vbroadcast v2, $0xF  }
0x2a8: {  	[tilespmem:s0+$0x50] =	vst v6;
	v3 =	vmul.f32 v54, v3  }
0x2a9: {  	[tilespmem:s0+$0x20] =	vst v9;
	v2 =	vmul.f32 v60, v2  }
0x2aa: {  	[tilespmem:s0+$0x40] =	vst v3  }
0x2ab: {  	[tilespmem:s0+$0x70] =	vst v2  }
0x2ac: {  	[spmem:s5] =	stream.indirect.scatter.add.f32 [tilespmem:s28], [sflag:$0x3], $0x10, s25, s16, $0xb8;
	[tilespmem:$0xD590] =	vst v63  }
0x2ad: {  	_ =	swait.ge [sflag:s2], $0x1900  }
0x2ae: {  	s12 =	rddreg [dreg:$0x1c]  }
0x2af: {  	s0 =	sadd.s32 $0x1, s12  }
0x2b0: {  	p0 =	sne.s32 s0, $0x19  }
.Ltmp8:
0x2b1: {  	_ = 	snop;
	(pc) =	sbr.rel @p0 .LBB2_8-.Ltmp8, $3  }
0x2b2: {  	_ =	sdelay $0x1  }
0x2b3: {  	[sflag:s2] =	ssyncset.done $0x0  }
0x2b4: {  	[sflag:s2] =	ssyncadd.s32 $0xFFFFE700  }
0x2b5: {  	s0 =	stileid.u32;
	[bflag:$0x0] =	sbarrier.arrive $0xFFFF  }
0x2b6: {  	s0 =	sshll.u32 s0, $0x6;
	s1 =	rddreg [dreg:$0xc]  }
0x2b7: {  	s4 =	rddreg [dreg:$0x14];
	s0 =	sor.u32 $0x1C03, s0  }
0x2b8: {  	[hbm:s1], [sflag:s0] =	dma.local [spmem:s4], $0xC80  }
0x2b9: {  	_ =	swait.ge [sflag:s2], $0xC80  }
0x2ba: {  	s11 =	rddreg [dreg:$0x1b]  }
0x2bb: {  	s12 =	rddreg [dreg:$0xd];
	s1 =	sadd.s32 $0x1, s11  }
0x2bc: {  	p0 =	sne.s32 s1, s12  }
.Ltmp9:
0x2bd: {  	_ = 	snop;
	(pc) =	sbr.rel @p0 .LBB2_1-.Ltmp9, $3  }
0x2be: {  	_ =	sdelay $0x1  }
0x2bf: {  	[sflag:s2] =	ssyncset.done $0x0  }
0x2c0: {  	[sflag:s2] =	ssyncadd.s32 $0xFFFFF380  }
0x2c1: {  	_ =	sfence.sel $0x180000  }
0x2c2: {  	[bflag:$0x0] =	sbarrier.arrive $0xFFFF  }
0x2c3: {  	_ =	strace $0x90000047  }
0x2c4: {  	s0 =	stileid.u32;
	[bflag:$0x2] =	sbarrier.arrive $0xFFFF  }
0x2c5: {  	p0 =	sne.s32 s0, $0x0;
	s0 =	rddreg [dreg:$0x6]  }
0x2c6: {  	s0 =	sadd.s32 @!p0 $0x100000, s0  }
0x2c7: {  	[sflag:s0] =	ssyncadd.tile.s32 @!p0 $0x1;
	_ =	shalt  }
.Lfunc_end2:
_tile_overlayer_lowered:
.L_overlay_start_2:
0x2c8: {  	(tag) =	ssettag $0x2  }
0x2c9: {  	s0 =	rddreg [dreg:$0x0];
	s2 =	stileid.u32  }
0x2ca: {  	s1 =	rddreg [dreg:$0x1];
	p0 =	sne.s32 s2, $0x0  }
0x2cb: {  	s3 =	rddreg [dreg:$0x2];
	[bflag:$0x3] =	sbarrier.arrive $0xFFFF;
	s2 =	simm.s32 @!p0 $0x1C03  }
0x2cc: {  	[timem:s3], [sflag:s2] =	dma.local @!p0 [hbm:s0], s1  }
0x2cd: {  	s0 =	simm.s32 @!p0 $0x3  }
0x2ce: {  	_ =	swait.ge @!p0 [sflag:s0], s1  }
0x2cf: {  	s1 =	ssub.s32 @!p0 $0x0, s1;
	[sflag:s0] =	ssyncset.done @!p0 $0x0  }
0x2d0: {  	[sflag:s0] =	ssyncadd.s32 @!p0 s1  }
0x2d1: {  	[bflag:$0x3] =	sbarrier.arrive $0xFFFF  }
0x2d2: {  	_ =	shalt  }

</sc_bundles>
